<compile_context>
chip_gen: v7x
topology: tpu7x:2x2x1
jax: 0.10.2.dev20260603
libtpu: 0.0.44.dev20260713+nightly
codegen_flags: <defaults>
</compile_context>

<pallas_src>
import functools

import jax
import jax.numpy as jnp
from jax import lax
from jax.experimental import pallas as pl
from jax.experimental.pallas import tpu as pltpu
from jax.experimental.pallas import tpu_sc as plsc

BATCH = 4096
SEQ = 200
EMBED_DIM = 64
ROWS = BATCH * SEQ
NUM_CORES = 2
NUM_SUBCORES = 16
NW = NUM_CORES * NUM_SUBCORES
RPW = ROWS // NW
SPC = 2
CHUNK = SPC * SEQ
NCHUNK = RPW // CHUNK
NBUF = 4
NITER = NCHUNK // NBUF
SUB = 80
NSUB = CHUNK // SUB
LANES = 16
CPR = EMBED_DIM // LANES


def _body(g_tab, e_tab, g_pos, e_pos, g_idx, e_idx, g_out, e_out,
          pos_v,
          idx0_v, idx1_v, idx2_v, idx3_v,
          rows0_v, rows1_v, rows2_v, rows3_v,
          gsem0, gsem1, gsem2, gsem3,
          osem0, osem1, osem2, osem3,
          isem0, isem1, isem2, isem3):
    wid = lax.axis_index("s") * NUM_CORES + lax.axis_index("c")
    base = wid * RPW
    idx_vs = (idx0_v, idx1_v, idx2_v, idx3_v)
    rows_vs = (rows0_v, rows1_v, rows2_v, rows3_v)
    gsems = (gsem0, gsem1, gsem2, gsem3)
    osems = (osem0, osem1, osem2, osem3)
    isems = (isem0, isem1, isem2, isem3)

    for tab, idx, out, pos in ((g_tab, g_idx, g_out, g_pos),
                               (e_tab, e_idx, e_out, e_pos)):
        pltpu.sync_copy(pos, pos_v)

        def start_idx(c, b, idx=idx):
            pltpu.async_copy(
                idx.at[pl.ds(base + c * CHUNK, CHUNK)], idx_vs[b], isems[b])

        def wait_idx(c, b, idx=idx):
            pltpu.make_async_copy(
                idx.at[pl.ds(base + c * CHUNK, CHUNK)], idx_vs[b],
                isems[b]).wait()

        def start_gathers(b, tab=tab):
            for j in range(NSUB):
                pltpu.async_copy(
                    tab.at[idx_vs[b].at[pl.ds(j * SUB, SUB)]],
                    rows_vs[b].at[pl.ds(j * SUB, SUB)],
                    gsems[b],
                )

        def wait_gathers(c, b, out=out):
            pltpu.make_async_copy(
                out.at[pl.ds(base + c * CHUNK, CHUNK)], rows_vs[b],
                gsems[b]).wait()

        def start_out(c, b, out=out):
            pltpu.async_copy(
                rows_vs[b], out.at[pl.ds(base + c * CHUNK, CHUNK)], osems[b])

        def wait_out(c, b, out=out):
            pltpu.make_async_copy(
                rows_vs[b], out.at[pl.ds(base + c * CHUNK, CHUNK)],
                osems[b]).wait()

        def add_pos(b):
            rows_v = rows_vs[b]

            def row_body(r, _):
                for cc in range(CPR):
                    sl = pl.ds(cc * LANES, LANES)
                    p = pos_v[r, sl]
                    for s in range(SPC):
                        row = s * SEQ + r
                        rows_v[row, sl] = rows_v[row, sl] + p
                return 0

            lax.fori_loop(0, SEQ, row_body, 0)

        for b in range(NBUF):
            start_idx(b, b)
        for b in range(NBUF):
            wait_idx(b, b)
            start_gathers(b)

        def turn_body(i, _):
            for b in range(NBUF):
                c = NBUF * i + b
                wait_gathers(c, b)

                @pl.when(i < NITER - 1)
                def _(c=c, b=b):
                    start_idx(c + NBUF, b)

                add_pos(b)
                start_out(c, b)

            @pl.when(i < NITER - 1)
            def _():
                for b in range(NBUF):
                    c = NBUF * i + b
                    wait_out(c, b)
                    wait_idx(c + NBUF, b)
                    start_gathers(b)

            return 0

        lax.fori_loop(0, NITER, turn_body, 0)
        for b in range(NBUF):
            wait_out(NCHUNK - NBUF + b, b)


@jax.jit
def kernel(g_tok_table, e_tok_table, g_pos_table, e_pos_table,
           g_text_tokens, e_text_tokens):
    g_idx = g_text_tokens.reshape(ROWS).astype(jnp.int32)
    e_idx = e_text_tokens.reshape(ROWS).astype(jnp.int32)

    mesh = plsc.VectorSubcoreMesh(core_axis_name="c", subcore_axis_name="s")
    run = functools.partial(
        pl.kernel,
        mesh=mesh,
        compiler_params=pltpu.CompilerParams(use_tc_tiling_on_sc=False),
        out_type=(
            jax.ShapeDtypeStruct((ROWS, EMBED_DIM), jnp.float32),
            jax.ShapeDtypeStruct((ROWS, EMBED_DIM), jnp.float32),
        ),
        scratch_types=[
            pltpu.VMEM((SEQ, EMBED_DIM), jnp.float32),
        ] + [pltpu.VMEM((CHUNK,), jnp.int32)] * NBUF
          + [pltpu.VMEM((CHUNK, EMBED_DIM), jnp.float32)] * NBUF
          + [pltpu.SemaphoreType.DMA] * (3 * NBUF),
    )(_body)
    g_out, e_out = run(g_tok_table, e_tok_table, g_pos_table, e_pos_table,
                       g_idx, e_idx)
    return (g_out.reshape(BATCH, SEQ, EMBED_DIM),
            e_out.reshape(BATCH, SEQ, EMBED_DIM))

# --- scband reference (transcript-rebuilt; emitter-appended) ---
"""Pipeline reference for scband-text-layer-43533788512912 (READ-ONLY COPY).

The authoritative reference and input builder live on the scoring server;
editing this copy changes nothing except your own understanding.
"""

import jax, jax.numpy as jnp
import numpy as np

BATCH = 4096
SEQ = 200
VOCAB_SIZE = 100000
EMBED_DIM = 64

def setup_inputs(seed: int = 0) -> dict:
    key = jax.random.key(seed)
    k1, k2, k3, k4, k5, k6 = jax.random.split(key, 6)
    g_text_tokens = jax.random.randint(k1, (BATCH, SEQ), 0, VOCAB_SIZE, dtype=jnp.int64 if jax.config.jax_enable_x64 else jnp.int32)
    e_text_tokens = jax.random.randint(k2, (BATCH, SEQ), 0, VOCAB_SIZE, dtype=jnp.int64 if jax.config.jax_enable_x64 else jnp.int32)
    g_tok_table = jax.random.normal(k3, (VOCAB_SIZE, EMBED_DIM), dtype=jnp.float32) * 0.05
    e_tok_table = jax.random.normal(k4, (VOCAB_SIZE, EMBED_DIM), dtype=jnp.float32) * 0.05
    g_pos_table = jax.random.normal(k5, (SEQ, EMBED_DIM), dtype=jnp.float32) * 0.05
    e_pos_table = jax.random.normal(k6, (SEQ, EMBED_DIM), dtype=jnp.float32) * 0.05
    return {
        "g_tok_table": g_tok_table,
        "e_tok_table": e_tok_table,
        "g_pos_table": g_pos_table,
        "e_pos_table": e_pos_table,
        "g_text_tokens": g_text_tokens,
        "e_text_tokens": e_text_tokens,
    }

def reference(g_tok_table, e_tok_table, g_pos_table, e_pos_table, g_text_tokens, e_text_tokens):
    # TextVectorization is bypassed: inputs are pre-tokenized int ids.
    seq = g_text_tokens.shape[-1]
    pos_idx = jnp.arange(seq)
    # g branch: token embedding gather + position embedding gather, broadcast-add
    g_pos_emb = jnp.take(g_pos_table, pos_idx, axis=0)            # [SEQ, D]
    g_tok_emb = jnp.take(g_tok_table, g_text_tokens, axis=0)      # [B, SEQ, D]
    g_out = g_tok_emb + g_pos_emb[None, :, :]
    # e branch
    e_pos_emb = jnp.take(e_pos_table, pos_idx, axis=0)
    e_tok_emb = jnp.take(e_tok_table, e_text_tokens, axis=0)
    e_out = e_tok_emb + e_pos_emb[None, :, :]
    return (g_out, e_out)

if __name__ == "__main__":
    import jax
    _d = setup_inputs()
    print(jax.jit(kernel)(*tuple(_d.values())))

</pallas_src>

<mosaic_0001>
#map = affine_map<(d0, d1) -> (0, 0)>
#map1 = affine_map<(d0, d1) -> (0)>
module attributes {stable_mosaic.version = 14 : i64} {
  func.func @_body(%arg0: i32, %arg1: i32, %arg2: memref<100000x64xf32, #tpu.memory_space<hbm>>, %arg3: memref<100000x64xf32, #tpu.memory_space<hbm>>, %arg4: memref<200x64xf32, #tpu.memory_space<hbm>>, %arg5: memref<200x64xf32, #tpu.memory_space<hbm>>, %arg6: memref<819200xi32, #tpu.memory_space<hbm>>, %arg7: memref<819200xi32, #tpu.memory_space<hbm>>, %arg8: memref<819200x64xf32, #tpu.memory_space<hbm>>, %arg9: memref<819200x64xf32, #tpu.memory_space<hbm>>, %arg10: memref<200x64xf32, #tpu.memory_space<vmem>>, %arg11: memref<400xi32, #tpu.memory_space<vmem>>, %arg12: memref<400xi32, #tpu.memory_space<vmem>>, %arg13: memref<400xi32, #tpu.memory_space<vmem>>, %arg14: memref<400xi32, #tpu.memory_space<vmem>>, %arg15: memref<400x64xf32, #tpu.memory_space<vmem>>, %arg16: memref<400x64xf32, #tpu.memory_space<vmem>>, %arg17: memref<400x64xf32, #tpu.memory_space<vmem>>, %arg18: memref<400x64xf32, #tpu.memory_space<vmem>>, %arg19: memref<!tpu.dma_semaphore, #tpu.memory_space<semaphore_mem>>, %arg20: memref<!tpu.dma_semaphore, #tpu.memory_space<semaphore_mem>>, %arg21: memref<!tpu.dma_semaphore, #tpu.memory_space<semaphore_mem>>, %arg22: memref<!tpu.dma_semaphore, #tpu.memory_space<semaphore_mem>>, %arg23: memref<!tpu.dma_semaphore, #tpu.memory_space<semaphore_mem>>, %arg24: memref<!tpu.dma_semaphore, #tpu.memory_space<semaphore_mem>>, %arg25: memref<!tpu.dma_semaphore, #tpu.memory_space<semaphore_mem>>, %arg26: memref<!tpu.dma_semaphore, #tpu.memory_space<semaphore_mem>>, %arg27: memref<!tpu.dma_semaphore, #tpu.memory_space<semaphore_mem>>, %arg28: memref<!tpu.dma_semaphore, #tpu.memory_space<semaphore_mem>>, %arg29: memref<!tpu.dma_semaphore, #tpu.memory_space<semaphore_mem>>, %arg30: memref<!tpu.dma_semaphore, #tpu.memory_space<semaphore_mem>>) attributes {dimension_semantics = [#tpu.dimension_semantics<core_parallel>, #tpu.dimension_semantics<subcore_parallel>], iteration_bounds = array<i64: 2, 16>, scalar_prefetch = 0 : i64, scratch_operands = 21 : i64, tpu.core_type = #tpu.core_type<sc_vector_subcore>, window_params = [{transform_indices = #map}, {transform_indices = #map}, {transform_indices = #map}, {transform_indices = #map}, {transform_indices = #map1}, {transform_indices = #map1}, {transform_indices = #map}, {transform_indices = #map}]} {
    %mul3A = arith.constant 2 : i32
    %mul3A_0 = arith.muli %arg1, %mul3A : i32
    %add3A = arith.addi %mul3A_0, %arg0 : i32
    %mul3A_1 = arith.constant 25600 : i32
    %mul3A_2 = arith.muli %add3A, %mul3A_1 : i32
    "tpu.region"() ({
      %run_scoped3A = tpu.sem_alloc : memref<!tpu.dma_semaphore, #tpu.memory_space<semaphore_mem>>
      tpu.enqueue_dma source(%arg4 : memref<200x64xf32, #tpu.memory_space<hbm>>) target(%arg10 : memref<200x64xf32, #tpu.memory_space<vmem>>) target_semaphore(%run_scoped3A : memref<!tpu.dma_semaphore, #tpu.memory_space<semaphore_mem>>)
      tpu.wait_dma2 semaphore(%run_scoped3A : memref<!tpu.dma_semaphore, #tpu.memory_space<semaphore_mem>>) src(%arg4 : memref<200x64xf32, #tpu.memory_space<hbm>>) dst(%arg10 : memref<200x64xf32, #tpu.memory_space<vmem>>)
      tpu.yield
    }) : () -> ()
    %add3A_3 = arith.constant 0 : i32
    %add3A_4 = arith.addi %mul3A_2, %add3A_3 : i32
    %dma_start3A = tpu.memref_slice %arg6[%add3A_4] : memref<819200xi32, #tpu.memory_space<hbm>> -> memref<400xi32, #tpu.memory_space<hbm>>
    %dma_start3A_5 = tpu.memref_slice %arg6[%add3A_4] : memref<819200xi32, #tpu.memory_space<hbm>> -> memref<400xi32, #tpu.memory_space<hbm>>
    tpu.enqueue_dma source(%dma_start3A_5 : memref<400xi32, #tpu.memory_space<hbm>>) target(%arg11 : memref<400xi32, #tpu.memory_space<vmem>>) target_semaphore(%arg27 : memref<!tpu.dma_semaphore, #tpu.memory_space<semaphore_mem>>)
    %add3A_6 = arith.constant 400 : i32
    %add3A_7 = arith.addi %mul3A_2, %add3A_6 : i32
    %dma_start3A_8 = tpu.memref_slice %arg6[%add3A_7] : memref<819200xi32, #tpu.memory_space<hbm>> -> memref<400xi32, #tpu.memory_space<hbm>>
    %dma_start3A_9 = tpu.memref_slice %arg6[%add3A_7] : memref<819200xi32, #tpu.memory_space<hbm>> -> memref<400xi32, #tpu.memory_space<hbm>>
    tpu.enqueue_dma source(%dma_start3A_9 : memref<400xi32, #tpu.memory_space<hbm>>) target(%arg12 : memref<400xi32, #tpu.memory_space<vmem>>) target_semaphore(%arg28 : memref<!tpu.dma_semaphore, #tpu.memory_space<semaphore_mem>>)
    %add3A_10 = arith.constant 800 : i32
    %add3A_11 = arith.addi %mul3A_2, %add3A_10 : i32
    %dma_start3A_12 = tpu.memref_slice %arg6[%add3A_11] : memref<819200xi32, #tpu.memory_space<hbm>> -> memref<400xi32, #tpu.memory_space<hbm>>
    %dma_start3A_13 = tpu.memref_slice %arg6[%add3A_11] : memref<819200xi32, #tpu.memory_space<hbm>> -> memref<400xi32, #tpu.memory_space<hbm>>
    tpu.enqueue_dma source(%dma_start3A_13 : memref<400xi32, #tpu.memory_space<hbm>>) target(%arg13 : memref<400xi32, #tpu.memory_space<vmem>>) target_semaphore(%arg29 : memref<!tpu.dma_semaphore, #tpu.memory_space<semaphore_mem>>)
    %add3A_14 = arith.constant 1200 : i32
    %add3A_15 = arith.addi %mul3A_2, %add3A_14 : i32
    %dma_start3A_16 = tpu.memref_slice %arg6[%add3A_15] : memref<819200xi32, #tpu.memory_space<hbm>> -> memref<400xi32, #tpu.memory_space<hbm>>
    %dma_start3A_17 = tpu.memref_slice %arg6[%add3A_15] : memref<819200xi32, #tpu.memory_space<hbm>> -> memref<400xi32, #tpu.memory_space<hbm>>
    tpu.enqueue_dma source(%dma_start3A_17 : memref<400xi32, #tpu.memory_space<hbm>>) target(%arg14 : memref<400xi32, #tpu.memory_space<vmem>>) target_semaphore(%arg30 : memref<!tpu.dma_semaphore, #tpu.memory_space<semaphore_mem>>)
    %add3A_18 = arith.constant 0 : i32
    %add3A_19 = arith.addi %mul3A_2, %add3A_18 : i32
    %dma_wait3A = tpu.memref_slice %arg6[%add3A_19] : memref<819200xi32, #tpu.memory_space<hbm>> -> memref<400xi32, #tpu.memory_space<hbm>>
    %dma_wait3A_20 = tpu.memref_slice %arg6[%add3A_19] : memref<819200xi32, #tpu.memory_space<hbm>> -> memref<400xi32, #tpu.memory_space<hbm>>
    tpu.wait_dma2 semaphore(%arg27 : memref<!tpu.dma_semaphore, #tpu.memory_space<semaphore_mem>>) src(%dma_wait3A_20 : memref<400xi32, #tpu.memory_space<hbm>>) dst(%arg11 : memref<400xi32, #tpu.memory_space<vmem>>)
    %dma_start3A_21 = arith.constant 0 : i32
    %dma_start3A_22 = arith.constant 0 : i32
    %dma_start3A_23 = tpu.memref_slice %arg15[%dma_start3A_21, %dma_start3A_22] : memref<400x64xf32, #tpu.memory_space<vmem>> -> memref<80x64xf32, #tpu.memory_space<vmem>>
    %dma_start3A_24 = arith.constant 0 : i32
    %dma_start3A_25 = tpu.memref_slice %arg11[%dma_start3A_24] : memref<400xi32, #tpu.memory_space<vmem>> -> memref<80xi32, #tpu.memory_space<vmem>>
    %dma_start3A_26 = arith.constant 0 : i32
    %dma_start3A_27 = arith.constant 0 : i32
    %dma_start3A_28 = tpu.memref_slice %arg2[%dma_start3A_26, %dma_start3A_27] : memref<100000x64xf32, #tpu.memory_space<hbm>> -> memref<100000x64xf32, #tpu.memory_space<hbm>>
    tpu.enqueue_indirect_dma source(%dma_start3A_28 : memref<100000x64xf32, #tpu.memory_space<hbm>>) target(%dma_start3A_23 : memref<80x64xf32, #tpu.memory_space<vmem>>) offsets(%dma_start3A_25 : memref<80xi32, #tpu.memory_space<vmem>>) semaphore(%arg19 : memref<!tpu.dma_semaphore, #tpu.memory_space<semaphore_mem>>)
    %dma_start3A_29 = arith.constant 80 : i32
    %dma_start3A_30 = arith.constant 0 : i32
    %dma_start3A_31 = tpu.memref_slice %arg15[%dma_start3A_29, %dma_start3A_30] : memref<400x64xf32, #tpu.memory_space<vmem>> -> memref<80x64xf32, #tpu.memory_space<vmem>>
    %dma_start3A_32 = arith.constant 80 : i32
    %dma_start3A_33 = tpu.memref_slice %arg11[%dma_start3A_32] : memref<400xi32, #tpu.memory_space<vmem>> -> memref<80xi32, #tpu.memory_space<vmem>>
    %dma_start3A_34 = arith.constant 0 : i32
    %dma_start3A_35 = arith.constant 0 : i32
    %dma_start3A_36 = tpu.memref_slice %arg2[%dma_start3A_34, %dma_start3A_35] : memref<100000x64xf32, #tpu.memory_space<hbm>> -> memref<100000x64xf32, #tpu.memory_space<hbm>>
    tpu.enqueue_indirect_dma source(%dma_start3A_36 : memref<100000x64xf32, #tpu.memory_space<hbm>>) target(%dma_start3A_31 : memref<80x64xf32, #tpu.memory_space<vmem>>) offsets(%dma_start3A_33 : memref<80xi32, #tpu.memory_space<vmem>>) semaphore(%arg19 : memref<!tpu.dma_semaphore, #tpu.memory_space<semaphore_mem>>)
    %dma_start3A_37 = arith.constant 160 : i32
    %dma_start3A_38 = arith.constant 0 : i32
    %dma_start3A_39 = tpu.memref_slice %arg15[%dma_start3A_37, %dma_start3A_38] : memref<400x64xf32, #tpu.memory_space<vmem>> -> memref<80x64xf32, #tpu.memory_space<vmem>>
    %dma_start3A_40 = arith.constant 160 : i32
    %dma_start3A_41 = tpu.memref_slice %arg11[%dma_start3A_40] : memref<400xi32, #tpu.memory_space<vmem>> -> memref<80xi32, #tpu.memory_space<vmem>>
    %dma_start3A_42 = arith.constant 0 : i32
    %dma_start3A_43 = arith.constant 0 : i32
    %dma_start3A_44 = tpu.memref_slice %arg2[%dma_start3A_42, %dma_start3A_43] : memref<100000x64xf32, #tpu.memory_space<hbm>> -> memref<100000x64xf32, #tpu.memory_space<hbm>>
    tpu.enqueue_indirect_dma source(%dma_start3A_44 : memref<100000x64xf32, #tpu.memory_space<hbm>>) target(%dma_start3A_39 : memref<80x64xf32, #tpu.memory_space<vmem>>) offsets(%dma_start3A_41 : memref<80xi32, #tpu.memory_space<vmem>>) semaphore(%arg19 : memref<!tpu.dma_semaphore, #tpu.memory_space<semaphore_mem>>)
    %dma_start3A_45 = arith.constant 240 : i32
    %dma_start3A_46 = arith.constant 0 : i32
    %dma_start3A_47 = tpu.memref_slice %arg15[%dma_start3A_45, %dma_start3A_46] : memref<400x64xf32, #tpu.memory_space<vmem>> -> memref<80x64xf32, #tpu.memory_space<vmem>>
    %dma_start3A_48 = arith.constant 240 : i32
    %dma_start3A_49 = tpu.memref_slice %arg11[%dma_start3A_48] : memref<400xi32, #tpu.memory_space<vmem>> -> memref<80xi32, #tpu.memory_space<vmem>>
    %dma_start3A_50 = arith.constant 0 : i32
    %dma_start3A_51 = arith.constant 0 : i32
    %dma_start3A_52 = tpu.memref_slice %arg2[%dma_start3A_50, %dma_start3A_51] : memref<100000x64xf32, #tpu.memory_space<hbm>> -> memref<100000x64xf32, #tpu.memory_space<hbm>>
    tpu.enqueue_indirect_dma source(%dma_start3A_52 : memref<100000x64xf32, #tpu.memory_space<hbm>>) target(%dma_start3A_47 : memref<80x64xf32, #tpu.memory_space<vmem>>) offsets(%dma_start3A_49 : memref<80xi32, #tpu.memory_space<vmem>>) semaphore(%arg19 : memref<!tpu.dma_semaphore, #tpu.memory_space<semaphore_mem>>)
    %dma_start3A_53 = arith.constant 320 : i32
    %dma_start3A_54 = arith.constant 0 : i32
    %dma_start3A_55 = tpu.memref_slice %arg15[%dma_start3A_53, %dma_start3A_54] : memref<400x64xf32, #tpu.memory_space<vmem>> -> memref<80x64xf32, #tpu.memory_space<vmem>>
    %dma_start3A_56 = arith.constant 320 : i32
    %dma_start3A_57 = tpu.memref_slice %arg11[%dma_start3A_56] : memref<400xi32, #tpu.memory_space<vmem>> -> memref<80xi32, #tpu.memory_space<vmem>>
    %dma_start3A_58 = arith.constant 0 : i32
    %dma_start3A_59 = arith.constant 0 : i32
    %dma_start3A_60 = tpu.memref_slice %arg2[%dma_start3A_58, %dma_start3A_59] : memref<100000x64xf32, #tpu.memory_space<hbm>> -> memref<100000x64xf32, #tpu.memory_space<hbm>>
    tpu.enqueue_indirect_dma source(%dma_start3A_60 : memref<100000x64xf32, #tpu.memory_space<hbm>>) target(%dma_start3A_55 : memref<80x64xf32, #tpu.memory_space<vmem>>) offsets(%dma_start3A_57 : memref<80xi32, #tpu.memory_space<vmem>>) semaphore(%arg19 : memref<!tpu.dma_semaphore, #tpu.memory_space<semaphore_mem>>)
    %add3A_61 = arith.constant 400 : i32
    %add3A_62 = arith.addi %mul3A_2, %add3A_61 : i32
    %dma_wait3A_63 = tpu.memref_slice %arg6[%add3A_62] : memref<819200xi32, #tpu.memory_space<hbm>> -> memref<400xi32, #tpu.memory_space<hbm>>
    %dma_wait3A_64 = tpu.memref_slice %arg6[%add3A_62] : memref<819200xi32, #tpu.memory_space<hbm>> -> memref<400xi32, #tpu.memory_space<hbm>>
    tpu.wait_dma2 semaphore(%arg28 : memref<!tpu.dma_semaphore, #tpu.memory_space<semaphore_mem>>) src(%dma_wait3A_64 : memref<400xi32, #tpu.memory_space<hbm>>) dst(%arg12 : memref<400xi32, #tpu.memory_space<vmem>>)
    %dma_start3A_65 = arith.constant 0 : i32
    %dma_start3A_66 = arith.constant 0 : i32
    %dma_start3A_67 = tpu.memref_slice %arg16[%dma_start3A_65, %dma_start3A_66] : memref<400x64xf32, #tpu.memory_space<vmem>> -> memref<80x64xf32, #tpu.memory_space<vmem>>
    %dma_start3A_68 = arith.constant 0 : i32
    %dma_start3A_69 = tpu.memref_slice %arg12[%dma_start3A_68] : memref<400xi32, #tpu.memory_space<vmem>> -> memref<80xi32, #tpu.memory_space<vmem>>
    %dma_start3A_70 = arith.constant 0 : i32
    %dma_start3A_71 = arith.constant 0 : i32
    %dma_start3A_72 = tpu.memref_slice %arg2[%dma_start3A_70, %dma_start3A_71] : memref<100000x64xf32, #tpu.memory_space<hbm>> -> memref<100000x64xf32, #tpu.memory_space<hbm>>
    tpu.enqueue_indirect_dma source(%dma_start3A_72 : memref<100000x64xf32, #tpu.memory_space<hbm>>) target(%dma_start3A_67 : memref<80x64xf32, #tpu.memory_space<vmem>>) offsets(%dma_start3A_69 : memref<80xi32, #tpu.memory_space<vmem>>) semaphore(%arg20 : memref<!tpu.dma_semaphore, #tpu.memory_space<semaphore_mem>>)
    %dma_start3A_73 = arith.constant 80 : i32
    %dma_start3A_74 = arith.constant 0 : i32
    %dma_start3A_75 = tpu.memref_slice %arg16[%dma_start3A_73, %dma_start3A_74] : memref<400x64xf32, #tpu.memory_space<vmem>> -> memref<80x64xf32, #tpu.memory_space<vmem>>
    %dma_start3A_76 = arith.constant 80 : i32
    %dma_start3A_77 = tpu.memref_slice %arg12[%dma_start3A_76] : memref<400xi32, #tpu.memory_space<vmem>> -> memref<80xi32, #tpu.memory_space<vmem>>
    %dma_start3A_78 = arith.constant 0 : i32
    %dma_start3A_79 = arith.constant 0 : i32
    %dma_start3A_80 = tpu.memref_slice %arg2[%dma_start3A_78, %dma_start3A_79] : memref<100000x64xf32, #tpu.memory_space<hbm>> -> memref<100000x64xf32, #tpu.memory_space<hbm>>
    tpu.enqueue_indirect_dma source(%dma_start3A_80 : memref<100000x64xf32, #tpu.memory_space<hbm>>) target(%dma_start3A_75 : memref<80x64xf32, #tpu.memory_space<vmem>>) offsets(%dma_start3A_77 : memref<80xi32, #tpu.memory_space<vmem>>) semaphore(%arg20 : memref<!tpu.dma_semaphore, #tpu.memory_space<semaphore_mem>>)
    %dma_start3A_81 = arith.constant 160 : i32
    %dma_start3A_82 = arith.constant 0 : i32
    %dma_start3A_83 = tpu.memref_slice %arg16[%dma_start3A_81, %dma_start3A_82] : memref<400x64xf32, #tpu.memory_space<vmem>> -> memref<80x64xf32, #tpu.memory_space<vmem>>
    %dma_start3A_84 = arith.constant 160 : i32
    %dma_start3A_85 = tpu.memref_slice %arg12[%dma_start3A_84] : memref<400xi32, #tpu.memory_space<vmem>> -> memref<80xi32, #tpu.memory_space<vmem>>
    %dma_start3A_86 = arith.constant 0 : i32
    %dma_start3A_87 = arith.constant 0 : i32
    %dma_start3A_88 = tpu.memref_slice %arg2[%dma_start3A_86, %dma_start3A_87] : memref<100000x64xf32, #tpu.memory_space<hbm>> -> memref<100000x64xf32, #tpu.memory_space<hbm>>
    tpu.enqueue_indirect_dma source(%dma_start3A_88 : memref<100000x64xf32, #tpu.memory_space<hbm>>) target(%dma_start3A_83 : memref<80x64xf32, #tpu.memory_space<vmem>>) offsets(%dma_start3A_85 : memref<80xi32, #tpu.memory_space<vmem>>) semaphore(%arg20 : memref<!tpu.dma_semaphore, #tpu.memory_space<semaphore_mem>>)
    %dma_start3A_89 = arith.constant 240 : i32
    %dma_start3A_90 = arith.constant 0 : i32
    %dma_start3A_91 = tpu.memref_slice %arg16[%dma_start3A_89, %dma_start3A_90] : memref<400x64xf32, #tpu.memory_space<vmem>> -> memref<80x64xf32, #tpu.memory_space<vmem>>
    %dma_start3A_92 = arith.constant 240 : i32
    %dma_start3A_93 = tpu.memref_slice %arg12[%dma_start3A_92] : memref<400xi32, #tpu.memory_space<vmem>> -> memref<80xi32, #tpu.memory_space<vmem>>
    %dma_start3A_94 = arith.constant 0 : i32
    %dma_start3A_95 = arith.constant 0 : i32
    %dma_start3A_96 = tpu.memref_slice %arg2[%dma_start3A_94, %dma_start3A_95] : memref<100000x64xf32, #tpu.memory_space<hbm>> -> memref<100000x64xf32, #tpu.memory_space<hbm>>
    tpu.enqueue_indirect_dma source(%dma_start3A_96 : memref<100000x64xf32, #tpu.memory_space<hbm>>) target(%dma_start3A_91 : memref<80x64xf32, #tpu.memory_space<vmem>>) offsets(%dma_start3A_93 : memref<80xi32, #tpu.memory_space<vmem>>) semaphore(%arg20 : memref<!tpu.dma_semaphore, #tpu.memory_space<semaphore_mem>>)
    %dma_start3A_97 = arith.constant 320 : i32
    %dma_start3A_98 = arith.constant 0 : i32
    %dma_start3A_99 = tpu.memref_slice %arg16[%dma_start3A_97, %dma_start3A_98] : memref<400x64xf32, #tpu.memory_space<vmem>> -> memref<80x64xf32, #tpu.memory_space<vmem>>
    %dma_start3A_100 = arith.constant 320 : i32
    %dma_start3A_101 = tpu.memref_slice %arg12[%dma_start3A_100] : memref<400xi32, #tpu.memory_space<vmem>> -> memref<80xi32, #tpu.memory_space<vmem>>
    %dma_start3A_102 = arith.constant 0 : i32
    %dma_start3A_103 = arith.constant 0 : i32
    %dma_start3A_104 = tpu.memref_slice %arg2[%dma_start3A_102, %dma_start3A_103] : memref<100000x64xf32, #tpu.memory_space<hbm>> -> memref<100000x64xf32, #tpu.memory_space<hbm>>
    tpu.enqueue_indirect_dma source(%dma_start3A_104 : memref<100000x64xf32, #tpu.memory_space<hbm>>) target(%dma_start3A_99 : memref<80x64xf32, #tpu.memory_space<vmem>>) offsets(%dma_start3A_101 : memref<80xi32, #tpu.memory_space<vmem>>) semaphore(%arg20 : memref<!tpu.dma_semaphore, #tpu.memory_space<semaphore_mem>>)
    %add3A_105 = arith.constant 800 : i32
    %add3A_106 = arith.addi %mul3A_2, %add3A_105 : i32
    %dma_wait3A_107 = tpu.memref_slice %arg6[%add3A_106] : memref<819200xi32, #tpu.memory_space<hbm>> -> memref<400xi32, #tpu.memory_space<hbm>>
    %dma_wait3A_108 = tpu.memref_slice %arg6[%add3A_106] : memref<819200xi32, #tpu.memory_space<hbm>> -> memref<400xi32, #tpu.memory_space<hbm>>
    tpu.wait_dma2 semaphore(%arg29 : memref<!tpu.dma_semaphore, #tpu.memory_space<semaphore_mem>>) src(%dma_wait3A_108 : memref<400xi32, #tpu.memory_space<hbm>>) dst(%arg13 : memref<400xi32, #tpu.memory_space<vmem>>)
    %dma_start3A_109 = arith.constant 0 : i32
    %dma_start3A_110 = arith.constant 0 : i32
    %dma_start3A_111 = tpu.memref_slice %arg17[%dma_start3A_109, %dma_start3A_110] : memref<400x64xf32, #tpu.memory_space<vmem>> -> memref<80x64xf32, #tpu.memory_space<vmem>>
    %dma_start3A_112 = arith.constant 0 : i32
    %dma_start3A_113 = tpu.memref_slice %arg13[%dma_start3A_112] : memref<400xi32, #tpu.memory_space<vmem>> -> memref<80xi32, #tpu.memory_space<vmem>>
    %dma_start3A_114 = arith.constant 0 : i32
    %dma_start3A_115 = arith.constant 0 : i32
    %dma_start3A_116 = tpu.memref_slice %arg2[%dma_start3A_114, %dma_start3A_115] : memref<100000x64xf32, #tpu.memory_space<hbm>> -> memref<100000x64xf32, #tpu.memory_space<hbm>>
    tpu.enqueue_indirect_dma source(%dma_start3A_116 : memref<100000x64xf32, #tpu.memory_space<hbm>>) target(%dma_start3A_111 : memref<80x64xf32, #tpu.memory_space<vmem>>) offsets(%dma_start3A_113 : memref<80xi32, #tpu.memory_space<vmem>>) semaphore(%arg21 : memref<!tpu.dma_semaphore, #tpu.memory_space<semaphore_mem>>)
    %dma_start3A_117 = arith.constant 80 : i32
    %dma_start3A_118 = arith.constant 0 : i32
    %dma_start3A_119 = tpu.memref_slice %arg17[%dma_start3A_117, %dma_start3A_118] : memref<400x64xf32, #tpu.memory_space<vmem>> -> memref<80x64xf32, #tpu.memory_space<vmem>>
    %dma_start3A_120 = arith.constant 80 : i32
    %dma_start3A_121 = tpu.memref_slice %arg13[%dma_start3A_120] : memref<400xi32, #tpu.memory_space<vmem>> -> memref<80xi32, #tpu.memory_space<vmem>>
    %dma_start3A_122 = arith.constant 0 : i32
    %dma_start3A_123 = arith.constant 0 : i32
    %dma_start3A_124 = tpu.memref_slice %arg2[%dma_start3A_122, %dma_start3A_123] : memref<100000x64xf32, #tpu.memory_space<hbm>> -> memref<100000x64xf32, #tpu.memory_space<hbm>>
    tpu.enqueue_indirect_dma source(%dma_start3A_124 : memref<100000x64xf32, #tpu.memory_space<hbm>>) target(%dma_start3A_119 : memref<80x64xf32, #tpu.memory_space<vmem>>) offsets(%dma_start3A_121 : memref<80xi32, #tpu.memory_space<vmem>>) semaphore(%arg21 : memref<!tpu.dma_semaphore, #tpu.memory_space<semaphore_mem>>)
    %dma_start3A_125 = arith.constant 160 : i32
    %dma_start3A_126 = arith.constant 0 : i32
    %dma_start3A_127 = tpu.memref_slice %arg17[%dma_start3A_125, %dma_start3A_126] : memref<400x64xf32, #tpu.memory_space<vmem>> -> memref<80x64xf32, #tpu.memory_space<vmem>>
    %dma_start3A_128 = arith.constant 160 : i32
    %dma_start3A_129 = tpu.memref_slice %arg13[%dma_start3A_128] : memref<400xi32, #tpu.memory_space<vmem>> -> memref<80xi32, #tpu.memory_space<vmem>>
    %dma_start3A_130 = arith.constant 0 : i32
    %dma_start3A_131 = arith.constant 0 : i32
    %dma_start3A_132 = tpu.memref_slice %arg2[%dma_start3A_130, %dma_start3A_131] : memref<100000x64xf32, #tpu.memory_space<hbm>> -> memref<100000x64xf32, #tpu.memory_space<hbm>>
    tpu.enqueue_indirect_dma source(%dma_start3A_132 : memref<100000x64xf32, #tpu.memory_space<hbm>>) target(%dma_start3A_127 : memref<80x64xf32, #tpu.memory_space<vmem>>) offsets(%dma_start3A_129 : memref<80xi32, #tpu.memory_space<vmem>>) semaphore(%arg21 : memref<!tpu.dma_semaphore, #tpu.memory_space<semaphore_mem>>)
    %dma_start3A_133 = arith.constant 240 : i32
    %dma_start3A_134 = arith.constant 0 : i32
    %dma_start3A_135 = tpu.memref_slice %arg17[%dma_start3A_133, %dma_start3A_134] : memref<400x64xf32, #tpu.memory_space<vmem>> -> memref<80x64xf32, #tpu.memory_space<vmem>>
    %dma_start3A_136 = arith.constant 240 : i32
    %dma_start3A_137 = tpu.memref_slice %arg13[%dma_start3A_136] : memref<400xi32, #tpu.memory_space<vmem>> -> memref<80xi32, #tpu.memory_space<vmem>>
    %dma_start3A_138 = arith.constant 0 : i32
    %dma_start3A_139 = arith.constant 0 : i32
    %dma_start3A_140 = tpu.memref_slice %arg2[%dma_start3A_138, %dma_start3A_139] : memref<100000x64xf32, #tpu.memory_space<hbm>> -> memref<100000x64xf32, #tpu.memory_space<hbm>>
    tpu.enqueue_indirect_dma source(%dma_start3A_140 : memref<100000x64xf32, #tpu.memory_space<hbm>>) target(%dma_start3A_135 : memref<80x64xf32, #tpu.memory_space<vmem>>) offsets(%dma_start3A_137 : memref<80xi32, #tpu.memory_space<vmem>>) semaphore(%arg21 : memref<!tpu.dma_semaphore, #tpu.memory_space<semaphore_mem>>)
    %dma_start3A_141 = arith.constant 320 : i32
    %dma_start3A_142 = arith.constant 0 : i32
    %dma_start3A_143 = tpu.memref_slice %arg17[%dma_start3A_141, %dma_start3A_142] : memref<400x64xf32, #tpu.memory_space<vmem>> -> memref<80x64xf32, #tpu.memory_space<vmem>>
    %dma_start3A_144 = arith.constant 320 : i32
    %dma_start3A_145 = tpu.memref_slice %arg13[%dma_start3A_144] : memref<400xi32, #tpu.memory_space<vmem>> -> memref<80xi32, #tpu.memory_space<vmem>>
    %dma_start3A_146 = arith.constant 0 : i32
    %dma_start3A_147 = arith.constant 0 : i32
    %dma_start3A_148 = tpu.memref_slice %arg2[%dma_start3A_146, %dma_start3A_147] : memref<100000x64xf32, #tpu.memory_space<hbm>> -> memref<100000x64xf32, #tpu.memory_space<hbm>>
    tpu.enqueue_indirect_dma source(%dma_start3A_148 : memref<100000x64xf32, #tpu.memory_space<hbm>>) target(%dma_start3A_143 : memref<80x64xf32, #tpu.memory_space<vmem>>) offsets(%dma_start3A_145 : memref<80xi32, #tpu.memory_space<vmem>>) semaphore(%arg21 : memref<!tpu.dma_semaphore, #tpu.memory_space<semaphore_mem>>)
    %add3A_149 = arith.constant 1200 : i32
    %add3A_150 = arith.addi %mul3A_2, %add3A_149 : i32
    %dma_wait3A_151 = tpu.memref_slice %arg6[%add3A_150] : memref<819200xi32, #tpu.memory_space<hbm>> -> memref<400xi32, #tpu.memory_space<hbm>>
    %dma_wait3A_152 = tpu.memref_slice %arg6[%add3A_150] : memref<819200xi32, #tpu.memory_space<hbm>> -> memref<400xi32, #tpu.memory_space<hbm>>
    tpu.wait_dma2 semaphore(%arg30 : memref<!tpu.dma_semaphore, #tpu.memory_space<semaphore_mem>>) src(%dma_wait3A_152 : memref<400xi32, #tpu.memory_space<hbm>>) dst(%arg14 : memref<400xi32, #tpu.memory_space<vmem>>)
    %dma_start3A_153 = arith.constant 0 : i32
    %dma_start3A_154 = arith.constant 0 : i32
    %dma_start3A_155 = tpu.memref_slice %arg18[%dma_start3A_153, %dma_start3A_154] : memref<400x64xf32, #tpu.memory_space<vmem>> -> memref<80x64xf32, #tpu.memory_space<vmem>>
    %dma_start3A_156 = arith.constant 0 : i32
    %dma_start3A_157 = tpu.memref_slice %arg14[%dma_start3A_156] : memref<400xi32, #tpu.memory_space<vmem>> -> memref<80xi32, #tpu.memory_space<vmem>>
    %dma_start3A_158 = arith.constant 0 : i32
    %dma_start3A_159 = arith.constant 0 : i32
    %dma_start3A_160 = tpu.memref_slice %arg2[%dma_start3A_158, %dma_start3A_159] : memref<100000x64xf32, #tpu.memory_space<hbm>> -> memref<100000x64xf32, #tpu.memory_space<hbm>>
    tpu.enqueue_indirect_dma source(%dma_start3A_160 : memref<100000x64xf32, #tpu.memory_space<hbm>>) target(%dma_start3A_155 : memref<80x64xf32, #tpu.memory_space<vmem>>) offsets(%dma_start3A_157 : memref<80xi32, #tpu.memory_space<vmem>>) semaphore(%arg22 : memref<!tpu.dma_semaphore, #tpu.memory_space<semaphore_mem>>)
    %dma_start3A_161 = arith.constant 80 : i32
    %dma_start3A_162 = arith.constant 0 : i32
    %dma_start3A_163 = tpu.memref_slice %arg18[%dma_start3A_161, %dma_start3A_162] : memref<400x64xf32, #tpu.memory_space<vmem>> -> memref<80x64xf32, #tpu.memory_space<vmem>>
    %dma_start3A_164 = arith.constant 80 : i32
    %dma_start3A_165 = tpu.memref_slice %arg14[%dma_start3A_164] : memref<400xi32, #tpu.memory_space<vmem>> -> memref<80xi32, #tpu.memory_space<vmem>>
    %dma_start3A_166 = arith.constant 0 : i32
    %dma_start3A_167 = arith.constant 0 : i32
    %dma_start3A_168 = tpu.memref_slice %arg2[%dma_start3A_166, %dma_start3A_167] : memref<100000x64xf32, #tpu.memory_space<hbm>> -> memref<100000x64xf32, #tpu.memory_space<hbm>>
    tpu.enqueue_indirect_dma source(%dma_start3A_168 : memref<100000x64xf32, #tpu.memory_space<hbm>>) target(%dma_start3A_163 : memref<80x64xf32, #tpu.memory_space<vmem>>) offsets(%dma_start3A_165 : memref<80xi32, #tpu.memory_space<vmem>>) semaphore(%arg22 : memref<!tpu.dma_semaphore, #tpu.memory_space<semaphore_mem>>)
    %dma_start3A_169 = arith.constant 160 : i32
    %dma_start3A_170 = arith.constant 0 : i32
    %dma_start3A_171 = tpu.memref_slice %arg18[%dma_start3A_169, %dma_start3A_170] : memref<400x64xf32, #tpu.memory_space<vmem>> -> memref<80x64xf32, #tpu.memory_space<vmem>>
    %dma_start3A_172 = arith.constant 160 : i32
    %dma_start3A_173 = tpu.memref_slice %arg14[%dma_start3A_172] : memref<400xi32, #tpu.memory_space<vmem>> -> memref<80xi32, #tpu.memory_space<vmem>>
    %dma_start3A_174 = arith.constant 0 : i32
    %dma_start3A_175 = arith.constant 0 : i32
    %dma_start3A_176 = tpu.memref_slice %arg2[%dma_start3A_174, %dma_start3A_175] : memref<100000x64xf32, #tpu.memory_space<hbm>> -> memref<100000x64xf32, #tpu.memory_space<hbm>>
    tpu.enqueue_indirect_dma source(%dma_start3A_176 : memref<100000x64xf32, #tpu.memory_space<hbm>>) target(%dma_start3A_171 : memref<80x64xf32, #tpu.memory_space<vmem>>) offsets(%dma_start3A_173 : memref<80xi32, #tpu.memory_space<vmem>>) semaphore(%arg22 : memref<!tpu.dma_semaphore, #tpu.memory_space<semaphore_mem>>)
    %dma_start3A_177 = arith.constant 240 : i32
    %dma_start3A_178 = arith.constant 0 : i32
    %dma_start3A_179 = tpu.memref_slice %arg18[%dma_start3A_177, %dma_start3A_178] : memref<400x64xf32, #tpu.memory_space<vmem>> -> memref<80x64xf32, #tpu.memory_space<vmem>>
    %dma_start3A_180 = arith.constant 240 : i32
    %dma_start3A_181 = tpu.memref_slice %arg14[%dma_start3A_180] : memref<400xi32, #tpu.memory_space<vmem>> -> memref<80xi32, #tpu.memory_space<vmem>>
    %dma_start3A_182 = arith.constant 0 : i32
    %dma_start3A_183 = arith.constant 0 : i32
    %dma_start3A_184 = tpu.memref_slice %arg2[%dma_start3A_182, %dma_start3A_183] : memref<100000x64xf32, #tpu.memory_space<hbm>> -> memref<100000x64xf32, #tpu.memory_space<hbm>>
    tpu.enqueue_indirect_dma source(%dma_start3A_184 : memref<100000x64xf32, #tpu.memory_space<hbm>>) target(%dma_start3A_179 : memref<80x64xf32, #tpu.memory_space<vmem>>) offsets(%dma_start3A_181 : memref<80xi32, #tpu.memory_space<vmem>>) semaphore(%arg22 : memref<!tpu.dma_semaphore, #tpu.memory_space<semaphore_mem>>)
    %dma_start3A_185 = arith.constant 320 : i32
    %dma_start3A_186 = arith.constant 0 : i32
    %dma_start3A_187 = tpu.memref_slice %arg18[%dma_start3A_185, %dma_start3A_186] : memref<400x64xf32, #tpu.memory_space<vmem>> -> memref<80x64xf32, #tpu.memory_space<vmem>>
    %dma_start3A_188 = arith.constant 320 : i32
    %dma_start3A_189 = tpu.memref_slice %arg14[%dma_start3A_188] : memref<400xi32, #tpu.memory_space<vmem>> -> memref<80xi32, #tpu.memory_space<vmem>>
    %dma_start3A_190 = arith.constant 0 : i32
    %dma_start3A_191 = arith.constant 0 : i32
    %dma_start3A_192 = tpu.memref_slice %arg2[%dma_start3A_190, %dma_start3A_191] : memref<100000x64xf32, #tpu.memory_space<hbm>> -> memref<100000x64xf32, #tpu.memory_space<hbm>>
    tpu.enqueue_indirect_dma source(%dma_start3A_192 : memref<100000x64xf32, #tpu.memory_space<hbm>>) target(%dma_start3A_187 : memref<80x64xf32, #tpu.memory_space<vmem>>) offsets(%dma_start3A_189 : memref<80xi32, #tpu.memory_space<vmem>>) semaphore(%arg22 : memref<!tpu.dma_semaphore, #tpu.memory_space<semaphore_mem>>)
    %scan3A = arith.constant 0 : i32
    %scan3A_193 = arith.constant 0 : i32
    %scan3A_194 = arith.constant 16 : i32
    %scan3A_195 = arith.addi %scan3A_193, %scan3A_194 : i32
    %scan3A_196 = arith.constant 1 : i32
    %scan3A_197 = scf.for %scan3A_446 = %scan3A_193 to %scan3A_195 step %scan3A_196 iter_args(%scan3A_447 = %scan3A) -> (i32)  : i32 {
      %mul3A_448 = arith.constant 4 : i32
      %mul3A_449 = arith.muli %mul3A_448, %scan3A_446 : i32
      %add3A_450 = arith.constant 0 : i32
      %add3A_451 = arith.addi %mul3A_449, %add3A_450 : i32
      %mul3A_452 = arith.constant 400 : i32
      %mul3A_453 = arith.muli %add3A_451, %mul3A_452 : i32
      %add3A_454 = arith.addi %mul3A_2, %mul3A_453 : i32
      %dma_wait3A_455 = arith.constant 0 : i32
      %dma_wait3A_456 = tpu.memref_slice %arg8[%add3A_454, %dma_wait3A_455] : memref<819200x64xf32, #tpu.memory_space<hbm>> -> memref<400x64xf32, #tpu.memory_space<hbm>>
      %dma_wait3A_457 = arith.constant 0 : i32
      %dma_wait3A_458 = tpu.memref_slice %arg8[%add3A_454, %dma_wait3A_457] : memref<819200x64xf32, #tpu.memory_space<hbm>> -> memref<400x64xf32, #tpu.memory_space<hbm>>
      tpu.wait_dma2 semaphore(%arg19 : memref<!tpu.dma_semaphore, #tpu.memory_space<semaphore_mem>>) src(%dma_wait3A_458 : memref<400x64xf32, #tpu.memory_space<hbm>>) dst(%arg15 : memref<400x64xf32, #tpu.memory_space<vmem>>)
      %lt3A = arith.constant 15 : i32
      %lt3A_459 = arith.cmpi slt, %scan3A_446, %lt3A : i32
      %convert_element_type3A = arith.extui %lt3A_459 : i1 to i32
      %cond3A = arith.constant 0 : i32
      %cond3A_460 = arith.cmpi ne, %convert_element_type3A, %cond3A : i32
      scf.if %cond3A_460 {
        %add3A_571 = arith.constant 4 : i32
        %add3A_572 = arith.addi %add3A_451, %add3A_571 : i32
        %mul3A_573 = arith.constant 400 : i32
        %mul3A_574 = arith.muli %add3A_572, %mul3A_573 : i32
        %add3A_575 = arith.addi %mul3A_2, %mul3A_574 : i32
        %dma_start3A_576 = tpu.memref_slice %arg6[%add3A_575] : memref<819200xi32, #tpu.memory_space<hbm>> -> memref<400xi32, #tpu.memory_space<hbm>>
        %dma_start3A_577 = tpu.memref_slice %arg6[%add3A_575] : memref<819200xi32, #tpu.memory_space<hbm>> -> memref<400xi32, #tpu.memory_space<hbm>>
        tpu.enqueue_dma source(%dma_start3A_577 : memref<400xi32, #tpu.memory_space<hbm>>) target(%arg11 : memref<400xi32, #tpu.memory_space<vmem>>) target_semaphore(%arg27 : memref<!tpu.dma_semaphore, #tpu.memory_space<semaphore_mem>>)
      } else {
      }
      %scan3A_461 = arith.constant 0 : i32
      %scan3A_462 = arith.constant 0 : i32
      %scan3A_463 = arith.constant 200 : i32
      %scan3A_464 = arith.addi %scan3A_462, %scan3A_463 : i32
      %scan3A_465 = arith.constant 1 : i32
      %scan3A_466 = scf.for %scan3A_571 = %scan3A_462 to %scan3A_464 step %scan3A_465 iter_args(%scan3A_572 = %scan3A_461) -> (i32)  : i32 {
        %get3A = arith.index_cast %scan3A_571 : i32 to index
        %get3A_573 = arith.constant 0 : index
        %get3A_574 = tpu.vector_load %arg10[%get3A, %get3A_573] {strides = array<i32>} : memref<200x64xf32, #tpu.memory_space<vmem>>, vector<1x16xf32>,
        %get3A_575 = vector.shape_cast %get3A_574 : vector<1x16xf32> to vector<16xf32>
        %add3A_576 = arith.constant 0 : i32
        %add3A_577 = arith.addi %add3A_576, %scan3A_571 : i32
        %get3A_578 = arith.index_cast %add3A_577 : i32 to index
        %get3A_579 = arith.constant 0 : index
        %get3A_580 = tpu.vector_load %arg15[%get3A_578, %get3A_579] {strides = array<i32>} : memref<400x64xf32, #tpu.memory_space<vmem>>, vector<1x16xf32>,
        %get3A_581 = vector.shape_cast %get3A_580 : vector<1x16xf32> to vector<16xf32>
        %add3A_582 = arith.addf %get3A_581, %get3A_575 : vector<16xf32>
        %swap3A = arith.index_cast %add3A_577 : i32 to index
        %swap3A_583 = arith.constant 0 : index
        %swap3A_584 = tpu.vector_load %arg15[%swap3A, %swap3A_583] {strides = array<i32>} : memref<400x64xf32, #tpu.memory_space<vmem>>, vector<1x16xf32>,
        %swap3A_585 = vector.shape_cast %swap3A_584 : vector<1x16xf32> to vector<16xf32>
        %swap3A_586 = vector.shape_cast %add3A_582 : vector<16xf32> to vector<1x16xf32>
        tpu.vector_store %arg15[%swap3A, %swap3A_583], %swap3A_586 {strides = array<i32>} : memref<400x64xf32, #tpu.memory_space<vmem>>, vector<1x16xf32>,
        %add3A_587 = arith.constant 200 : i32
        %add3A_588 = arith.addi %add3A_587, %scan3A_571 : i32
        %get3A_589 = arith.index_cast %add3A_588 : i32 to index
        %get3A_590 = arith.constant 0 : index
        %get3A_591 = tpu.vector_load %arg15[%get3A_589, %get3A_590] {strides = array<i32>} : memref<400x64xf32, #tpu.memory_space<vmem>>, vector<1x16xf32>,
        %get3A_592 = vector.shape_cast %get3A_591 : vector<1x16xf32> to vector<16xf32>
        %add3A_593 = arith.addf %get3A_592, %get3A_575 : vector<16xf32>
        %swap3A_594 = arith.index_cast %add3A_588 : i32 to index
        %swap3A_595 = arith.constant 0 : index
        %swap3A_596 = tpu.vector_load %arg15[%swap3A_594, %swap3A_595] {strides = array<i32>} : memref<400x64xf32, #tpu.memory_space<vmem>>, vector<1x16xf32>,
        %swap3A_597 = vector.shape_cast %swap3A_596 : vector<1x16xf32> to vector<16xf32>
        %swap3A_598 = vector.shape_cast %add3A_593 : vector<16xf32> to vector<1x16xf32>
        tpu.vector_store %arg15[%swap3A_594, %swap3A_595], %swap3A_598 {strides = array<i32>} : memref<400x64xf32, #tpu.memory_space<vmem>>, vector<1x16xf32>,
        %get3A_599 = arith.index_cast %scan3A_571 : i32 to index
        %get3A_600 = arith.constant 16 : index
        %get3A_601 = tpu.vector_load %arg10[%get3A_599, %get3A_600] {strides = array<i32>} : memref<200x64xf32, #tpu.memory_space<vmem>>, vector<1x16xf32>,
        %get3A_602 = vector.shape_cast %get3A_601 : vector<1x16xf32> to vector<16xf32>
        %add3A_603 = arith.constant 0 : i32
        %add3A_604 = arith.addi %add3A_603, %scan3A_571 : i32
        %get3A_605 = arith.index_cast %add3A_604 : i32 to index
        %get3A_606 = arith.constant 16 : index
        %get3A_607 = tpu.vector_load %arg15[%get3A_605, %get3A_606] {strides = array<i32>} : memref<400x64xf32, #tpu.memory_space<vmem>>, vector<1x16xf32>,
        %get3A_608 = vector.shape_cast %get3A_607 : vector<1x16xf32> to vector<16xf32>
        %add3A_609 = arith.addf %get3A_608, %get3A_602 : vector<16xf32>
        %swap3A_610 = arith.index_cast %add3A_604 : i32 to index
        %swap3A_611 = arith.constant 16 : index
        %swap3A_612 = tpu.vector_load %arg15[%swap3A_610, %swap3A_611] {strides = array<i32>} : memref<400x64xf32, #tpu.memory_space<vmem>>, vector<1x16xf32>,
        %swap3A_613 = vector.shape_cast %swap3A_612 : vector<1x16xf32> to vector<16xf32>
        %swap3A_614 = vector.shape_cast %add3A_609 : vector<16xf32> to vector<1x16xf32>
        tpu.vector_store %arg15[%swap3A_610, %swap3A_611], %swap3A_614 {strides = array<i32>} : memref<400x64xf32, #tpu.memory_space<vmem>>, vector<1x16xf32>,
        %add3A_615 = arith.constant 200 : i32
        %add3A_616 = arith.addi %add3A_615, %scan3A_571 : i32
        %get3A_617 = arith.index_cast %add3A_616 : i32 to index
        %get3A_618 = arith.constant 16 : index
        %get3A_619 = tpu.vector_load %arg15[%get3A_617, %get3A_618] {strides = array<i32>} : memref<400x64xf32, #tpu.memory_space<vmem>>, vector<1x16xf32>,
        %get3A_620 = vector.shape_cast %get3A_619 : vector<1x16xf32> to vector<16xf32>
        %add3A_621 = arith.addf %get3A_620, %get3A_602 : vector<16xf32>
        %swap3A_622 = arith.index_cast %add3A_616 : i32 to index
        %swap3A_623 = arith.constant 16 : index
        %swap3A_624 = tpu.vector_load %arg15[%swap3A_622, %swap3A_623] {strides = array<i32>} : memref<400x64xf32, #tpu.memory_space<vmem>>, vector<1x16xf32>,
        %swap3A_625 = vector.shape_cast %swap3A_624 : vector<1x16xf32> to vector<16xf32>
        %swap3A_626 = vector.shape_cast %add3A_621 : vector<16xf32> to vector<1x16xf32>
        tpu.vector_store %arg15[%swap3A_622, %swap3A_623], %swap3A_626 {strides = array<i32>} : memref<400x64xf32, #tpu.memory_space<vmem>>, vector<1x16xf32>,
        %get3A_627 = arith.index_cast %scan3A_571 : i32 to index
        %get3A_628 = arith.constant 32 : index
        %get3A_629 = tpu.vector_load %arg10[%get3A_627, %get3A_628] {strides = array<i32>} : memref<200x64xf32, #tpu.memory_space<vmem>>, vector<1x16xf32>,
        %get3A_630 = vector.shape_cast %get3A_629 : vector<1x16xf32> to vector<16xf32>
        %add3A_631 = arith.constant 0 : i32
        %add3A_632 = arith.addi %add3A_631, %scan3A_571 : i32
        %get3A_633 = arith.index_cast %add3A_632 : i32 to index
        %get3A_634 = arith.constant 32 : index
        %get3A_635 = tpu.vector_load %arg15[%get3A_633, %get3A_634] {strides = array<i32>} : memref<400x64xf32, #tpu.memory_space<vmem>>, vector<1x16xf32>,
        %get3A_636 = vector.shape_cast %get3A_635 : vector<1x16xf32> to vector<16xf32>
        %add3A_637 = arith.addf %get3A_636, %get3A_630 : vector<16xf32>
        %swap3A_638 = arith.index_cast %add3A_632 : i32 to index
        %swap3A_639 = arith.constant 32 : index
        %swap3A_640 = tpu.vector_load %arg15[%swap3A_638, %swap3A_639] {strides = array<i32>} : memref<400x64xf32, #tpu.memory_space<vmem>>, vector<1x16xf32>,
        %swap3A_641 = vector.shape_cast %swap3A_640 : vector<1x16xf32> to vector<16xf32>
        %swap3A_642 = vector.shape_cast %add3A_637 : vector<16xf32> to vector<1x16xf32>
        tpu.vector_store %arg15[%swap3A_638, %swap3A_639], %swap3A_642 {strides = array<i32>} : memref<400x64xf32, #tpu.memory_space<vmem>>, vector<1x16xf32>,
        %add3A_643 = arith.constant 200 : i32
        %add3A_644 = arith.addi %add3A_643, %scan3A_571 : i32
        %get3A_645 = arith.index_cast %add3A_644 : i32 to index
        %get3A_646 = arith.constant 32 : index
        %get3A_647 = tpu.vector_load %arg15[%get3A_645, %get3A_646] {strides = array<i32>} : memref<400x64xf32, #tpu.memory_space<vmem>>, vector<1x16xf32>,
        %get3A_648 = vector.shape_cast %get3A_647 : vector<1x16xf32> to vector<16xf32>
        %add3A_649 = arith.addf %get3A_648, %get3A_630 : vector<16xf32>
        %swap3A_650 = arith.index_cast %add3A_644 : i32 to index
        %swap3A_651 = arith.constant 32 : index
        %swap3A_652 = tpu.vector_load %arg15[%swap3A_650, %swap3A_651] {strides = array<i32>} : memref<400x64xf32, #tpu.memory_space<vmem>>, vector<1x16xf32>,
        %swap3A_653 = vector.shape_cast %swap3A_652 : vector<1x16xf32> to vector<16xf32>
        %swap3A_654 = vector.shape_cast %add3A_649 : vector<16xf32> to vector<1x16xf32>
        tpu.vector_store %arg15[%swap3A_650, %swap3A_651], %swap3A_654 {strides = array<i32>} : memref<400x64xf32, #tpu.memory_space<vmem>>, vector<1x16xf32>,
        %get3A_655 = arith.index_cast %scan3A_571 : i32 to index
        %get3A_656 = arith.constant 48 : index
        %get3A_657 = tpu.vector_load %arg10[%get3A_655, %get3A_656] {strides = array<i32>} : memref<200x64xf32, #tpu.memory_space<vmem>>, vector<1x16xf32>,
        %get3A_658 = vector.shape_cast %get3A_657 : vector<1x16xf32> to vector<16xf32>
        %add3A_659 = arith.constant 0 : i32
        %add3A_660 = arith.addi %add3A_659, %scan3A_571 : i32
        %get3A_661 = arith.index_cast %add3A_660 : i32 to index
        %get3A_662 = arith.constant 48 : index
        %get3A_663 = tpu.vector_load %arg15[%get3A_661, %get3A_662] {strides = array<i32>} : memref<400x64xf32, #tpu.memory_space<vmem>>, vector<1x16xf32>,
        %get3A_664 = vector.shape_cast %get3A_663 : vector<1x16xf32> to vector<16xf32>
        %add3A_665 = arith.addf %get3A_664, %get3A_658 : vector<16xf32>
        %swap3A_666 = arith.index_cast %add3A_660 : i32 to index
        %swap3A_667 = arith.constant 48 : index
        %swap3A_668 = tpu.vector_load %arg15[%swap3A_666, %swap3A_667] {strides = array<i32>} : memref<400x64xf32, #tpu.memory_space<vmem>>, vector<1x16xf32>,
        %swap3A_669 = vector.shape_cast %swap3A_668 : vector<1x16xf32> to vector<16xf32>
        %swap3A_670 = vector.shape_cast %add3A_665 : vector<16xf32> to vector<1x16xf32>
        tpu.vector_store %arg15[%swap3A_666, %swap3A_667], %swap3A_670 {strides = array<i32>} : memref<400x64xf32, #tpu.memory_space<vmem>>, vector<1x16xf32>,
        %add3A_671 = arith.constant 200 : i32
        %add3A_672 = arith.addi %add3A_671, %scan3A_571 : i32
        %get3A_673 = arith.index_cast %add3A_672 : i32 to index
        %get3A_674 = arith.constant 48 : index
        %get3A_675 = tpu.vector_load %arg15[%get3A_673, %get3A_674] {strides = array<i32>} : memref<400x64xf32, #tpu.memory_space<vmem>>, vector<1x16xf32>,
        %get3A_676 = vector.shape_cast %get3A_675 : vector<1x16xf32> to vector<16xf32>
        %add3A_677 = arith.addf %get3A_676, %get3A_658 : vector<16xf32>
        %swap3A_678 = arith.index_cast %add3A_672 : i32 to index
        %swap3A_679 = arith.constant 48 : index
        %swap3A_680 = tpu.vector_load %arg15[%swap3A_678, %swap3A_679] {strides = array<i32>} : memref<400x64xf32, #tpu.memory_space<vmem>>, vector<1x16xf32>,
        %swap3A_681 = vector.shape_cast %swap3A_680 : vector<1x16xf32> to vector<16xf32>
        %swap3A_682 = vector.shape_cast %add3A_677 : vector<16xf32> to vector<1x16xf32>
        tpu.vector_store %arg15[%swap3A_678, %swap3A_679], %swap3A_682 {strides = array<i32>} : memref<400x64xf32, #tpu.memory_space<vmem>>, vector<1x16xf32>,
        %scan3A_683 = arith.constant 0 : i32
        scf.yield %scan3A_683 : i32
      }
      %scan3A_467 = arith.constant 200 : i32
      %mul3A_468 = arith.constant 400 : i32
      %mul3A_469 = arith.muli %add3A_451, %mul3A_468 : i32
      %add3A_470 = arith.addi %mul3A_2, %mul3A_469 : i32
      %dma_start3A_471 = arith.constant 0 : i32
      %dma_start3A_472 = tpu.memref_slice %arg8[%add3A_470, %dma_start3A_471] : memref<819200x64xf32, #tpu.memory_space<hbm>> -> memref<400x64xf32, #tpu.memory_space<hbm>>
      %dma_start3A_473 = arith.constant 0 : i32
      %dma_start3A_474 = tpu.memref_slice %arg8[%add3A_470, %dma_start3A_473] : memref<819200x64xf32, #tpu.memory_space<hbm>> -> memref<400x64xf32, #tpu.memory_space<hbm>>
      tpu.enqueue_dma source(%arg15 : memref<400x64xf32, #tpu.memory_space<vmem>>) target(%dma_start3A_474 : memref<400x64xf32, #tpu.memory_space<hbm>>) target_semaphore(%arg23 : memref<!tpu.dma_semaphore, #tpu.memory_space<semaphore_mem>>)
      %mul3A_475 = arith.constant 4 : i32
      %mul3A_476 = arith.muli %mul3A_475, %scan3A_446 : i32
      %add3A_477 = arith.constant 1 : i32
      %add3A_478 = arith.addi %mul3A_476, %add3A_477 : i32
      %mul3A_479 = arith.constant 400 : i32
      %mul3A_480 = arith.muli %add3A_478, %mul3A_479 : i32
      %add3A_481 = arith.addi %mul3A_2, %mul3A_480 : i32
      %dma_wait3A_482 = arith.constant 0 : i32
      %dma_wait3A_483 = tpu.memref_slice %arg8[%add3A_481, %dma_wait3A_482] : memref<819200x64xf32, #tpu.memory_space<hbm>> -> memref<400x64xf32, #tpu.memory_space<hbm>>
      %dma_wait3A_484 = arith.constant 0 : i32
      %dma_wait3A_485 = tpu.memref_slice %arg8[%add3A_481, %dma_wait3A_484] : memref<819200x64xf32, #tpu.memory_space<hbm>> -> memref<400x64xf32, #tpu.memory_space<hbm>>
      tpu.wait_dma2 semaphore(%arg20 : memref<!tpu.dma_semaphore, #tpu.memory_space<semaphore_mem>>) src(%dma_wait3A_485 : memref<400x64xf32, #tpu.memory_space<hbm>>) dst(%arg16 : memref<400x64xf32, #tpu.memory_space<vmem>>)
      %lt3A_486 = arith.constant 15 : i32
      %lt3A_487 = arith.cmpi slt, %scan3A_446, %lt3A_486 : i32
      %convert_element_type3A_488 = arith.extui %lt3A_487 : i1 to i32
      %cond3A_489 = arith.constant 0 : i32
      %cond3A_490 = arith.cmpi ne, %convert_element_type3A_488, %cond3A_489 : i32
      scf.if %cond3A_490 {
        %add3A_571 = arith.constant 4 : i32
        %add3A_572 = arith.addi %add3A_478, %add3A_571 : i32
        %mul3A_573 = arith.constant 400 : i32
        %mul3A_574 = arith.muli %add3A_572, %mul3A_573 : i32
        %add3A_575 = arith.addi %mul3A_2, %mul3A_574 : i32
        %dma_start3A_576 = tpu.memref_slice %arg6[%add3A_575] : memref<819200xi32, #tpu.memory_space<hbm>> -> memref<400xi32, #tpu.memory_space<hbm>>
        %dma_start3A_577 = tpu.memref_slice %arg6[%add3A_575] : memref<819200xi32, #tpu.memory_space<hbm>> -> memref<400xi32, #tpu.memory_space<hbm>>
        tpu.enqueue_dma source(%dma_start3A_577 : memref<400xi32, #tpu.memory_space<hbm>>) target(%arg12 : memref<400xi32, #tpu.memory_space<vmem>>) target_semaphore(%arg28 : memref<!tpu.dma_semaphore, #tpu.memory_space<semaphore_mem>>)
      } else {
      }
      %scan3A_491 = arith.constant 0 : i32
      %scan3A_492 = arith.constant 0 : i32
      %scan3A_493 = arith.constant 200 : i32
      %scan3A_494 = arith.addi %scan3A_492, %scan3A_493 : i32
      %scan3A_495 = arith.constant 1 : i32
      %scan3A_496 = scf.for %scan3A_571 = %scan3A_492 to %scan3A_494 step %scan3A_495 iter_args(%scan3A_572 = %scan3A_491) -> (i32)  : i32 {
        %get3A = arith.index_cast %scan3A_571 : i32 to index
        %get3A_573 = arith.constant 0 : index
        %get3A_574 = tpu.vector_load %arg10[%get3A, %get3A_573] {strides = array<i32>} : memref<200x64xf32, #tpu.memory_space<vmem>>, vector<1x16xf32>,
        %get3A_575 = vector.shape_cast %get3A_574 : vector<1x16xf32> to vector<16xf32>
        %add3A_576 = arith.constant 0 : i32
        %add3A_577 = arith.addi %add3A_576, %scan3A_571 : i32
        %get3A_578 = arith.index_cast %add3A_577 : i32 to index
        %get3A_579 = arith.constant 0 : index
        %get3A_580 = tpu.vector_load %arg16[%get3A_578, %get3A_579] {strides = array<i32>} : memref<400x64xf32, #tpu.memory_space<vmem>>, vector<1x16xf32>,
        %get3A_581 = vector.shape_cast %get3A_580 : vector<1x16xf32> to vector<16xf32>
        %add3A_582 = arith.addf %get3A_581, %get3A_575 : vector<16xf32>
        %swap3A = arith.index_cast %add3A_577 : i32 to index
        %swap3A_583 = arith.constant 0 : index
        %swap3A_584 = tpu.vector_load %arg16[%swap3A, %swap3A_583] {strides = array<i32>} : memref<400x64xf32, #tpu.memory_space<vmem>>, vector<1x16xf32>,
        %swap3A_585 = vector.shape_cast %swap3A_584 : vector<1x16xf32> to vector<16xf32>
        %swap3A_586 = vector.shape_cast %add3A_582 : vector<16xf32> to vector<1x16xf32>
        tpu.vector_store %arg16[%swap3A, %swap3A_583], %swap3A_586 {strides = array<i32>} : memref<400x64xf32, #tpu.memory_space<vmem>>, vector<1x16xf32>,
        %add3A_587 = arith.constant 200 : i32
        %add3A_588 = arith.addi %add3A_587, %scan3A_571 : i32
        %get3A_589 = arith.index_cast %add3A_588 : i32 to index
        %get3A_590 = arith.constant 0 : index
        %get3A_591 = tpu.vector_load %arg16[%get3A_589, %get3A_590] {strides = array<i32>} : memref<400x64xf32, #tpu.memory_space<vmem>>, vector<1x16xf32>,
        %get3A_592 = vector.shape_cast %get3A_591 : vector<1x16xf32> to vector<16xf32>
        %add3A_593 = arith.addf %get3A_592, %get3A_575 : vector<16xf32>
        %swap3A_594 = arith.index_cast %add3A_588 : i32 to index
        %swap3A_595 = arith.constant 0 : index
        %swap3A_596 = tpu.vector_load %arg16[%swap3A_594, %swap3A_595] {strides = array<i32>} : memref<400x64xf32, #tpu.memory_space<vmem>>, vector<1x16xf32>,
        %swap3A_597 = vector.shape_cast %swap3A_596 : vector<1x16xf32> to vector<16xf32>
        %swap3A_598 = vector.shape_cast %add3A_593 : vector<16xf32> to vector<1x16xf32>
        tpu.vector_store %arg16[%swap3A_594, %swap3A_595], %swap3A_598 {strides = array<i32>} : memref<400x64xf32, #tpu.memory_space<vmem>>, vector<1x16xf32>,
        %get3A_599 = arith.index_cast %scan3A_571 : i32 to index
        %get3A_600 = arith.constant 16 : index
        %get3A_601 = tpu.vector_load %arg10[%get3A_599, %get3A_600] {strides = array<i32>} : memref<200x64xf32, #tpu.memory_space<vmem>>, vector<1x16xf32>,
        %get3A_602 = vector.shape_cast %get3A_601 : vector<1x16xf32> to vector<16xf32>
        %add3A_603 = arith.constant 0 : i32
        %add3A_604 = arith.addi %add3A_603, %scan3A_571 : i32
        %get3A_605 = arith.index_cast %add3A_604 : i32 to index
        %get3A_606 = arith.constant 16 : index
        %get3A_607 = tpu.vector_load %arg16[%get3A_605, %get3A_606] {strides = array<i32>} : memref<400x64xf32, #tpu.memory_space<vmem>>, vector<1x16xf32>,
        %get3A_608 = vector.shape_cast %get3A_607 : vector<1x16xf32> to vector<16xf32>
        %add3A_609 = arith.addf %get3A_608, %get3A_602 : vector<16xf32>
        %swap3A_610 = arith.index_cast %add3A_604 : i32 to index
        %swap3A_611 = arith.constant 16 : index
        %swap3A_612 = tpu.vector_load %arg16[%swap3A_610, %swap3A_611] {strides = array<i32>} : memref<400x64xf32, #tpu.memory_space<vmem>>, vector<1x16xf32>,
        %swap3A_613 = vector.shape_cast %swap3A_612 : vector<1x16xf32> to vector<16xf32>
        %swap3A_614 = vector.shape_cast %add3A_609 : vector<16xf32> to vector<1x16xf32>
        tpu.vector_store %arg16[%swap3A_610, %swap3A_611], %swap3A_614 {strides = array<i32>} : memref<400x64xf32, #tpu.memory_space<vmem>>, vector<1x16xf32>,
        %add3A_615 = arith.constant 200 : i32
        %add3A_616 = arith.addi %add3A_615, %scan3A_571 : i32
        %get3A_617 = arith.index_cast %add3A_616 : i32 to index
        %get3A_618 = arith.constant 16 : index
        %get3A_619 = tpu.vector_load %arg16[%get3A_617, %get3A_618] {strides = array<i32>} : memref<400x64xf32, #tpu.memory_space<vmem>>, vector<1x16xf32>,
        %get3A_620 = vector.shape_cast %get3A_619 : vector<1x16xf32> to vector<16xf32>
        %add3A_621 = arith.addf %get3A_620, %get3A_602 : vector<16xf32>
        %swap3A_622 = arith.index_cast %add3A_616 : i32 to index
        %swap3A_623 = arith.constant 16 : index
        %swap3A_624 = tpu.vector_load %arg16[%swap3A_622, %swap3A_623] {strides = array<i32>} : memref<400x64xf32, #tpu.memory_space<vmem>>, vector<1x16xf32>,
        %swap3A_625 = vector.shape_cast %swap3A_624 : vector<1x16xf32> to vector<16xf32>
        %swap3A_626 = vector.shape_cast %add3A_621 : vector<16xf32> to vector<1x16xf32>
        tpu.vector_store %arg16[%swap3A_622, %swap3A_623], %swap3A_626 {strides = array<i32>} : memref<400x64xf32, #tpu.memory_space<vmem>>, vector<1x16xf32>,
        %get3A_627 = arith.index_cast %scan3A_571 : i32 to index
        %get3A_628 = arith.constant 32 : index
        %get3A_629 = tpu.vector_load %arg10[%get3A_627, %get3A_628] {strides = array<i32>} : memref<200x64xf32, #tpu.memory_space<vmem>>, vector<1x16xf32>,
        %get3A_630 = vector.shape_cast %get3A_629 : vector<1x16xf32> to vector<16xf32>
        %add3A_631 = arith.constant 0 : i32
        %add3A_632 = arith.addi %add3A_631, %scan3A_571 : i32
        %get3A_633 = arith.index_cast %add3A_632 : i32 to index
        %get3A_634 = arith.constant 32 : index
        %get3A_635 = tpu.vector_load %arg16[%get3A_633, %get3A_634] {strides = array<i32>} : memref<400x64xf32, #tpu.memory_space<vmem>>, vector<1x16xf32>,
        %get3A_636 = vector.shape_cast %get3A_635 : vector<1x16xf32> to vector<16xf32>
        %add3A_637 = arith.addf %get3A_636, %get3A_630 : vector<16xf32>
        %swap3A_638 = arith.index_cast %add3A_632 : i32 to index
        %swap3A_639 = arith.constant 32 : index
        %swap3A_640 = tpu.vector_load %arg16[%swap3A_638, %swap3A_639] {strides = array<i32>} : memref<400x64xf32, #tpu.memory_space<vmem>>, vector<1x16xf32>,
        %swap3A_641 = vector.shape_cast %swap3A_640 : vector<1x16xf32> to vector<16xf32>
        %swap3A_642 = vector.shape_cast %add3A_637 : vector<16xf32> to vector<1x16xf32>
        tpu.vector_store %arg16[%swap3A_638, %swap3A_639], %swap3A_642 {strides = array<i32>} : memref<400x64xf32, #tpu.memory_space<vmem>>, vector<1x16xf32>,
        %add3A_643 = arith.constant 200 : i32
        %add3A_644 = arith.addi %add3A_643, %scan3A_571 : i32
        %get3A_645 = arith.index_cast %add3A_644 : i32 to index
        %get3A_646 = arith.constant 32 : index
        %get3A_647 = tpu.vector_load %arg16[%get3A_645, %get3A_646] {strides = array<i32>} : memref<400x64xf32, #tpu.memory_space<vmem>>, vector<1x16xf32>,
        %get3A_648 = vector.shape_cast %get3A_647 : vector<1x16xf32> to vector<16xf32>
        %add3A_649 = arith.addf %get3A_648, %get3A_630 : vector<16xf32>
        %swap3A_650 = arith.index_cast %add3A_644 : i32 to index
        %swap3A_651 = arith.constant 32 : index
        %swap3A_652 = tpu.vector_load %arg16[%swap3A_650, %swap3A_651] {strides = array<i32>} : memref<400x64xf32, #tpu.memory_space<vmem>>, vector<1x16xf32>,
        %swap3A_653 = vector.shape_cast %swap3A_652 : vector<1x16xf32> to vector<16xf32>
        %swap3A_654 = vector.shape_cast %add3A_649 : vector<16xf32> to vector<1x16xf32>
        tpu.vector_store %arg16[%swap3A_650, %swap3A_651], %swap3A_654 {strides = array<i32>} : memref<400x64xf32, #tpu.memory_space<vmem>>, vector<1x16xf32>,
        %get3A_655 = arith.index_cast %scan3A_571 : i32 to index
        %get3A_656 = arith.constant 48 : index
        %get3A_657 = tpu.vector_load %arg10[%get3A_655, %get3A_656] {strides = array<i32>} : memref<200x64xf32, #tpu.memory_space<vmem>>, vector<1x16xf32>,
        %get3A_658 = vector.shape_cast %get3A_657 : vector<1x16xf32> to vector<16xf32>
        %add3A_659 = arith.constant 0 : i32
        %add3A_660 = arith.addi %add3A_659, %scan3A_571 : i32
        %get3A_661 = arith.index_cast %add3A_660 : i32 to index
        %get3A_662 = arith.constant 48 : index
        %get3A_663 = tpu.vector_load %arg16[%get3A_661, %get3A_662] {strides = array<i32>} : memref<400x64xf32, #tpu.memory_space<vmem>>, vector<1x16xf32>,
        %get3A_664 = vector.shape_cast %get3A_663 : vector<1x16xf32> to vector<16xf32>
        %add3A_665 = arith.addf %get3A_664, %get3A_658 : vector<16xf32>
        %swap3A_666 = arith.index_cast %add3A_660 : i32 to index
        %swap3A_667 = arith.constant 48 : index
        %swap3A_668 = tpu.vector_load %arg16[%swap3A_666, %swap3A_667] {strides = array<i32>} : memref<400x64xf32, #tpu.memory_space<vmem>>, vector<1x16xf32>,
        %swap3A_669 = vector.shape_cast %swap3A_668 : vector<1x16xf32> to vector<16xf32>
        %swap3A_670 = vector.shape_cast %add3A_665 : vector<16xf32> to vector<1x16xf32>
        tpu.vector_store %arg16[%swap3A_666, %swap3A_667], %swap3A_670 {strides = array<i32>} : memref<400x64xf32, #tpu.memory_space<vmem>>, vector<1x16xf32>,
        %add3A_671 = arith.constant 200 : i32
        %add3A_672 = arith.addi %add3A_671, %scan3A_571 : i32
        %get3A_673 = arith.index_cast %add3A_672 : i32 to index
        %get3A_674 = arith.constant 48 : index
        %get3A_675 = tpu.vector_load %arg16[%get3A_673, %get3A_674] {strides = array<i32>} : memref<400x64xf32, #tpu.memory_space<vmem>>, vector<1x16xf32>,
        %get3A_676 = vector.shape_cast %get3A_675 : vector<1x16xf32> to vector<16xf32>
        %add3A_677 = arith.addf %get3A_676, %get3A_658 : vector<16xf32>
        %swap3A_678 = arith.index_cast %add3A_672 : i32 to index
        %swap3A_679 = arith.constant 48 : index
        %swap3A_680 = tpu.vector_load %arg16[%swap3A_678, %swap3A_679] {strides = array<i32>} : memref<400x64xf32, #tpu.memory_space<vmem>>, vector<1x16xf32>,
        %swap3A_681 = vector.shape_cast %swap3A_680 : vector<1x16xf32> to vector<16xf32>
        %swap3A_682 = vector.shape_cast %add3A_677 : vector<16xf32> to vector<1x16xf32>
        tpu.vector_store %arg16[%swap3A_678, %swap3A_679], %swap3A_682 {strides = array<i32>} : memref<400x64xf32, #tpu.memory_space<vmem>>, vector<1x16xf32>,
        %scan3A_683 = arith.constant 0 : i32
        scf.yield %scan3A_683 : i32
      }
      %scan3A_497 = arith.constant 200 : i32
      %mul3A_498 = arith.constant 400 : i32
      %mul3A_499 = arith.muli %add3A_478, %mul3A_498 : i32
      %add3A_500 = arith.addi %mul3A_2, %mul3A_499 : i32
      %dma_start3A_501 = arith.constant 0 : i32
      %dma_start3A_502 = tpu.memref_slice %arg8[%add3A_500, %dma_start3A_501] : memref<819200x64xf32, #tpu.memory_space<hbm>> -> memref<400x64xf32, #tpu.memory_space<hbm>>
      %dma_start3A_503 = arith.constant 0 : i32
      %dma_start3A_504 = tpu.memref_slice %arg8[%add3A_500, %dma_start3A_503] : memref<819200x64xf32, #tpu.memory_space<hbm>> -> memref<400x64xf32, #tpu.memory_space<hbm>>
      tpu.enqueue_dma source(%arg16 : memref<400x64xf32, #tpu.memory_space<vmem>>) target(%dma_start3A_504 : memref<400x64xf32, #tpu.memory_space<hbm>>) target_semaphore(%arg24 : memref<!tpu.dma_semaphore, #tpu.memory_space<semaphore_mem>>)
      %mul3A_505 = arith.constant 4 : i32
      %mul3A_506 = arith.muli %mul3A_505, %scan3A_446 : i32
      %add3A_507 = arith.constant 2 : i32
      %add3A_508 = arith.addi %mul3A_506, %add3A_507 : i32
      %mul3A_509 = arith.constant 400 : i32
      %mul3A_510 = arith.muli %add3A_508, %mul3A_509 : i32
      %add3A_511 = arith.addi %mul3A_2, %mul3A_510 : i32
      %dma_wait3A_512 = arith.constant 0 : i32
      %dma_wait3A_513 = tpu.memref_slice %arg8[%add3A_511, %dma_wait3A_512] : memref<819200x64xf32, #tpu.memory_space<hbm>> -> memref<400x64xf32, #tpu.memory_space<hbm>>
      %dma_wait3A_514 = arith.constant 0 : i32
      %dma_wait3A_515 = tpu.memref_slice %arg8[%add3A_511, %dma_wait3A_514] : memref<819200x64xf32, #tpu.memory_space<hbm>> -> memref<400x64xf32, #tpu.memory_space<hbm>>
      tpu.wait_dma2 semaphore(%arg21 : memref<!tpu.dma_semaphore, #tpu.memory_space<semaphore_mem>>) src(%dma_wait3A_515 : memref<400x64xf32, #tpu.memory_space<hbm>>) dst(%arg17 : memref<400x64xf32, #tpu.memory_space<vmem>>)
      %lt3A_516 = arith.constant 15 : i32
      %lt3A_517 = arith.cmpi slt, %scan3A_446, %lt3A_516 : i32
      %convert_element_type3A_518 = arith.extui %lt3A_517 : i1 to i32
      %cond3A_519 = arith.constant 0 : i32
      %cond3A_520 = arith.cmpi ne, %convert_element_type3A_518, %cond3A_519 : i32
      scf.if %cond3A_520 {
        %add3A_571 = arith.constant 4 : i32
        %add3A_572 = arith.addi %add3A_508, %add3A_571 : i32
        %mul3A_573 = arith.constant 400 : i32
        %mul3A_574 = arith.muli %add3A_572, %mul3A_573 : i32
        %add3A_575 = arith.addi %mul3A_2, %mul3A_574 : i32
        %dma_start3A_576 = tpu.memref_slice %arg6[%add3A_575] : memref<819200xi32, #tpu.memory_space<hbm>> -> memref<400xi32, #tpu.memory_space<hbm>>
        %dma_start3A_577 = tpu.memref_slice %arg6[%add3A_575] : memref<819200xi32, #tpu.memory_space<hbm>> -> memref<400xi32, #tpu.memory_space<hbm>>
        tpu.enqueue_dma source(%dma_start3A_577 : memref<400xi32, #tpu.memory_space<hbm>>) target(%arg13 : memref<400xi32, #tpu.memory_space<vmem>>) target_semaphore(%arg29 : memref<!tpu.dma_semaphore, #tpu.memory_space<semaphore_mem>>)
      } else {
      }
      %scan3A_521 = arith.constant 0 : i32
      %scan3A_522 = arith.constant 0 : i32
      %scan3A_523 = arith.constant 200 : i32
      %scan3A_524 = arith.addi %scan3A_522, %scan3A_523 : i32
      %scan3A_525 = arith.constant 1 : i32
      %scan3A_526 = scf.for %scan3A_571 = %scan3A_522 to %scan3A_524 step %scan3A_525 iter_args(%scan3A_572 = %scan3A_521) -> (i32)  : i32 {
        %get3A = arith.index_cast %scan3A_571 : i32 to index
        %get3A_573 = arith.constant 0 : index
        %get3A_574 = tpu.vector_load %arg10[%get3A, %get3A_573] {strides = array<i32>} : memref<200x64xf32, #tpu.memory_space<vmem>>, vector<1x16xf32>,
        %get3A_575 = vector.shape_cast %get3A_574 : vector<1x16xf32> to vector<16xf32>
        %add3A_576 = arith.constant 0 : i32
        %add3A_577 = arith.addi %add3A_576, %scan3A_571 : i32
        %get3A_578 = arith.index_cast %add3A_577 : i32 to index
        %get3A_579 = arith.constant 0 : index
        %get3A_580 = tpu.vector_load %arg17[%get3A_578, %get3A_579] {strides = array<i32>} : memref<400x64xf32, #tpu.memory_space<vmem>>, vector<1x16xf32>,
        %get3A_581 = vector.shape_cast %get3A_580 : vector<1x16xf32> to vector<16xf32>
        %add3A_582 = arith.addf %get3A_581, %get3A_575 : vector<16xf32>
        %swap3A = arith.index_cast %add3A_577 : i32 to index
        %swap3A_583 = arith.constant 0 : index
        %swap3A_584 = tpu.vector_load %arg17[%swap3A, %swap3A_583] {strides = array<i32>} : memref<400x64xf32, #tpu.memory_space<vmem>>, vector<1x16xf32>,
        %swap3A_585 = vector.shape_cast %swap3A_584 : vector<1x16xf32> to vector<16xf32>
        %swap3A_586 = vector.shape_cast %add3A_582 : vector<16xf32> to vector<1x16xf32>
        tpu.vector_store %arg17[%swap3A, %swap3A_583], %swap3A_586 {strides = array<i32>} : memref<400x64xf32, #tpu.memory_space<vmem>>, vector<1x16xf32>,
        %add3A_587 = arith.constant 200 : i32
        %add3A_588 = arith.addi %add3A_587, %scan3A_571 : i32
        %get3A_589 = arith.index_cast %add3A_588 : i32 to index
        %get3A_590 = arith.constant 0 : index
        %get3A_591 = tpu.vector_load %arg17[%get3A_589, %get3A_590] {strides = array<i32>} : memref<400x64xf32, #tpu.memory_space<vmem>>, vector<1x16xf32>,
        %get3A_592 = vector.shape_cast %get3A_591 : vector<1x16xf32> to vector<16xf32>
        %add3A_593 = arith.addf %get3A_592, %get3A_575 : vector<16xf32>
        %swap3A_594 = arith.index_cast %add3A_588 : i32 to index
        %swap3A_595 = arith.constant 0 : index
        %swap3A_596 = tpu.vector_load %arg17[%swap3A_594, %swap3A_595] {strides = array<i32>} : memref<400x64xf32, #tpu.memory_space<vmem>>, vector<1x16xf32>,
        %swap3A_597 = vector.shape_cast %swap3A_596 : vector<1x16xf32> to vector<16xf32>
        %swap3A_598 = vector.shape_cast %add3A_593 : vector<16xf32> to vector<1x16xf32>
        tpu.vector_store %arg17[%swap3A_594, %swap3A_595], %swap3A_598 {strides = array<i32>} : memref<400x64xf32, #tpu.memory_space<vmem>>, vector<1x16xf32>,
        %get3A_599 = arith.index_cast %scan3A_571 : i32 to index
        %get3A_600 = arith.constant 16 : index
        %get3A_601 = tpu.vector_load %arg10[%get3A_599, %get3A_600] {strides = array<i32>} : memref<200x64xf32, #tpu.memory_space<vmem>>, vector<1x16xf32>,
        %get3A_602 = vector.shape_cast %get3A_601 : vector<1x16xf32> to vector<16xf32>
        %add3A_603 = arith.constant 0 : i32
        %add3A_604 = arith.addi %add3A_603, %scan3A_571 : i32
        %get3A_605 = arith.index_cast %add3A_604 : i32 to index
        %get3A_606 = arith.constant 16 : index
        %get3A_607 = tpu.vector_load %arg17[%get3A_605, %get3A_606] {strides = array<i32>} : memref<400x64xf32, #tpu.memory_space<vmem>>, vector<1x16xf32>,
        %get3A_608 = vector.shape_cast %get3A_607 : vector<1x16xf32> to vector<16xf32>
        %add3A_609 = arith.addf %get3A_608, %get3A_602 : vector<16xf32>
        %swap3A_610 = arith.index_cast %add3A_604 : i32 to index
        %swap3A_611 = arith.constant 16 : index
        %swap3A_612 = tpu.vector_load %arg17[%swap3A_610, %swap3A_611] {strides = array<i32>} : memref<400x64xf32, #tpu.memory_space<vmem>>, vector<1x16xf32>,
        %swap3A_613 = vector.shape_cast %swap3A_612 : vector<1x16xf32> to vector<16xf32>
        %swap3A_614 = vector.shape_cast %add3A_609 : vector<16xf32> to vector<1x16xf32>
        tpu.vector_store %arg17[%swap3A_610, %swap3A_611], %swap3A_614 {strides = array<i32>} : memref<400x64xf32, #tpu.memory_space<vmem>>, vector<1x16xf32>,
        %add3A_615 = arith.constant 200 : i32
        %add3A_616 = arith.addi %add3A_615, %scan3A_571 : i32
        %get3A_617 = arith.index_cast %add3A_616 : i32 to index
        %get3A_618 = arith.constant 16 : index
        %get3A_619 = tpu.vector_load %arg17[%get3A_617, %get3A_618] {strides = array<i32>} : memref<400x64xf32, #tpu.memory_space<vmem>>, vector<1x16xf32>,
        %get3A_620 = vector.shape_cast %get3A_619 : vector<1x16xf32> to vector<16xf32>
        %add3A_621 = arith.addf %get3A_620, %get3A_602 : vector<16xf32>
        %swap3A_622 = arith.index_cast %add3A_616 : i32 to index
        %swap3A_623 = arith.constant 16 : index
        %swap3A_624 = tpu.vector_load %arg17[%swap3A_622, %swap3A_623] {strides = array<i32>} : memref<400x64xf32, #tpu.memory_space<vmem>>, vector<1x16xf32>,
        %swap3A_625 = vector.shape_cast %swap3A_624 : vector<1x16xf32> to vector<16xf32>
        %swap3A_626 = vector.shape_cast %add3A_621 : vector<16xf32> to vector<1x16xf32>
        tpu.vector_store %arg17[%swap3A_622, %swap3A_623], %swap3A_626 {strides = array<i32>} : memref<400x64xf32, #tpu.memory_space<vmem>>, vector<1x16xf32>,
        %get3A_627 = arith.index_cast %scan3A_571 : i32 to index
        %get3A_628 = arith.constant 32 : index
        %get3A_629 = tpu.vector_load %arg10[%get3A_627, %get3A_628] {strides = array<i32>} : memref<200x64xf32, #tpu.memory_space<vmem>>, vector<1x16xf32>,
        %get3A_630 = vector.shape_cast %get3A_629 : vector<1x16xf32> to vector<16xf32>
        %add3A_631 = arith.constant 0 : i32
        %add3A_632 = arith.addi %add3A_631, %scan3A_571 : i32
        %get3A_633 = arith.index_cast %add3A_632 : i32 to index
        %get3A_634 = arith.constant 32 : index
        %get3A_635 = tpu.vector_load %arg17[%get3A_633, %get3A_634] {strides = array<i32>} : memref<400x64xf32, #tpu.memory_space<vmem>>, vector<1x16xf32>,
        %get3A_636 = vector.shape_cast %get3A_635 : vector<1x16xf32> to vector<16xf32>
        %add3A_637 = arith.addf %get3A_636, %get3A_630 : vector<16xf32>
        %swap3A_638 = arith.index_cast %add3A_632 : i32 to index
        %swap3A_639 = arith.constant 32 : index
        %swap3A_640 = tpu.vector_load %arg17[%swap3A_638, %swap3A_639] {strides = array<i32>} : memref<400x64xf32, #tpu.memory_space<vmem>>, vector<1x16xf32>,
        %swap3A_641 = vector.shape_cast %swap3A_640 : vector<1x16xf32> to vector<16xf32>
        %swap3A_642 = vector.shape_cast %add3A_637 : vector<16xf32> to vector<1x16xf32>
        tpu.vector_store %arg17[%swap3A_638, %swap3A_639], %swap3A_642 {strides = array<i32>} : memref<400x64xf32, #tpu.memory_space<vmem>>, vector<1x16xf32>,
        %add3A_643 = arith.constant 200 : i32
        %add3A_644 = arith.addi %add3A_643, %scan3A_571 : i32
        %get3A_645 = arith.index_cast %add3A_644 : i32 to index
        %get3A_646 = arith.constant 32 : index
        %get3A_647 = tpu.vector_load %arg17[%get3A_645, %get3A_646] {strides = array<i32>} : memref<400x64xf32, #tpu.memory_space<vmem>>, vector<1x16xf32>,
        %get3A_648 = vector.shape_cast %get3A_647 : vector<1x16xf32> to vector<16xf32>
        %add3A_649 = arith.addf %get3A_648, %get3A_630 : vector<16xf32>
        %swap3A_650 = arith.index_cast %add3A_644 : i32 to index
        %swap3A_651 = arith.constant 32 : index
        %swap3A_652 = tpu.vector_load %arg17[%swap3A_650, %swap3A_651] {strides = array<i32>} : memref<400x64xf32, #tpu.memory_space<vmem>>, vector<1x16xf32>,
        %swap3A_653 = vector.shape_cast %swap3A_652 : vector<1x16xf32> to vector<16xf32>
        %swap3A_654 = vector.shape_cast %add3A_649 : vector<16xf32> to vector<1x16xf32>
        tpu.vector_store %arg17[%swap3A_650, %swap3A_651], %swap3A_654 {strides = array<i32>} : memref<400x64xf32, #tpu.memory_space<vmem>>, vector<1x16xf32>,
        %get3A_655 = arith.index_cast %scan3A_571 : i32 to index
        %get3A_656 = arith.constant 48 : index
        %get3A_657 = tpu.vector_load %arg10[%get3A_655, %get3A_656] {strides = array<i32>} : memref<200x64xf32, #tpu.memory_space<vmem>>, vector<1x16xf32>,
        %get3A_658 = vector.shape_cast %get3A_657 : vector<1x16xf32> to vector<16xf32>
        %add3A_659 = arith.constant 0 : i32
        %add3A_660 = arith.addi %add3A_659, %scan3A_571 : i32
        %get3A_661 = arith.index_cast %add3A_660 : i32 to index
        %get3A_662 = arith.constant 48 : index
        %get3A_663 = tpu.vector_load %arg17[%get3A_661, %get3A_662] {strides = array<i32>} : memref<400x64xf32, #tpu.memory_space<vmem>>, vector<1x16xf32>,
        %get3A_664 = vector.shape_cast %get3A_663 : vector<1x16xf32> to vector<16xf32>
        %add3A_665 = arith.addf %get3A_664, %get3A_658 : vector<16xf32>
        %swap3A_666 = arith.index_cast %add3A_660 : i32 to index
        %swap3A_667 = arith.constant 48 : index
        %swap3A_668 = tpu.vector_load %arg17[%swap3A_666, %swap3A_667] {strides = array<i32>} : memref<400x64xf32, #tpu.memory_space<vmem>>, vector<1x16xf32>,
        %swap3A_669 = vector.shape_cast %swap3A_668 : vector<1x16xf32> to vector<16xf32>
        %swap3A_670 = vector.shape_cast %add3A_665 : vector<16xf32> to vector<1x16xf32>
        tpu.vector_store %arg17[%swap3A_666, %swap3A_667], %swap3A_670 {strides = array<i32>} : memref<400x64xf32, #tpu.memory_space<vmem>>, vector<1x16xf32>,
        %add3A_671 = arith.constant 200 : i32
        %add3A_672 = arith.addi %add3A_671, %scan3A_571 : i32
        %get3A_673 = arith.index_cast %add3A_672 : i32 to index
        %get3A_674 = arith.constant 48 : index
        %get3A_675 = tpu.vector_load %arg17[%get3A_673, %get3A_674] {strides = array<i32>} : memref<400x64xf32, #tpu.memory_space<vmem>>, vector<1x16xf32>,
        %get3A_676 = vector.shape_cast %get3A_675 : vector<1x16xf32> to vector<16xf32>
        %add3A_677 = arith.addf %get3A_676, %get3A_658 : vector<16xf32>
        %swap3A_678 = arith.index_cast %add3A_672 : i32 to index
        %swap3A_679 = arith.constant 48 : index
        %swap3A_680 = tpu.vector_load %arg17[%swap3A_678, %swap3A_679] {strides = array<i32>} : memref<400x64xf32, #tpu.memory_space<vmem>>, vector<1x16xf32>,
        %swap3A_681 = vector.shape_cast %swap3A_680 : vector<1x16xf32> to vector<16xf32>
        %swap3A_682 = vector.shape_cast %add3A_677 : vector<16xf32> to vector<1x16xf32>
        tpu.vector_store %arg17[%swap3A_678, %swap3A_679], %swap3A_682 {strides = array<i32>} : memref<400x64xf32, #tpu.memory_space<vmem>>, vector<1x16xf32>,
        %scan3A_683 = arith.constant 0 : i32
        scf.yield %scan3A_683 : i32
      }
      %scan3A_527 = arith.constant 200 : i32
      %mul3A_528 = arith.constant 400 : i32
      %mul3A_529 = arith.muli %add3A_508, %mul3A_528 : i32
      %add3A_530 = arith.addi %mul3A_2, %mul3A_529 : i32
      %dma_start3A_531 = arith.constant 0 : i32
      %dma_start3A_532 = tpu.memref_slice %arg8[%add3A_530, %dma_start3A_531] : memref<819200x64xf32, #tpu.memory_space<hbm>> -> memref<400x64xf32, #tpu.memory_space<hbm>>
      %dma_start3A_533 = arith.constant 0 : i32
      %dma_start3A_534 = tpu.memref_slice %arg8[%add3A_530, %dma_start3A_533] : memref<819200x64xf32, #tpu.memory_space<hbm>> -> memref<400x64xf32, #tpu.memory_space<hbm>>
      tpu.enqueue_dma source(%arg17 : memref<400x64xf32, #tpu.memory_space<vmem>>) target(%dma_start3A_534 : memref<400x64xf32, #tpu.memory_space<hbm>>) target_semaphore(%arg25 : memref<!tpu.dma_semaphore, #tpu.memory_space<semaphore_mem>>)
      %mul3A_535 = arith.constant 4 : i32
      %mul3A_536 = arith.muli %mul3A_535, %scan3A_446 : i32
      %add3A_537 = arith.constant 3 : i32
      %add3A_538 = arith.addi %mul3A_536, %add3A_537 : i32
      %mul3A_539 = arith.constant 400 : i32
      %mul3A_540 = arith.muli %add3A_538, %mul3A_539 : i32
      %add3A_541 = arith.addi %mul3A_2, %mul3A_540 : i32
      %dma_wait3A_542 = arith.constant 0 : i32
      %dma_wait3A_543 = tpu.memref_slice %arg8[%add3A_541, %dma_wait3A_542] : memref<819200x64xf32, #tpu.memory_space<hbm>> -> memref<400x64xf32, #tpu.memory_space<hbm>>
      %dma_wait3A_544 = arith.constant 0 : i32
      %dma_wait3A_545 = tpu.memref_slice %arg8[%add3A_541, %dma_wait3A_544] : memref<819200x64xf32, #tpu.memory_space<hbm>> -> memref<400x64xf32, #tpu.memory_space<hbm>>
      tpu.wait_dma2 semaphore(%arg22 : memref<!tpu.dma_semaphore, #tpu.memory_space<semaphore_mem>>) src(%dma_wait3A_545 : memref<400x64xf32, #tpu.memory_space<hbm>>) dst(%arg18 : memref<400x64xf32, #tpu.memory_space<vmem>>)
      %lt3A_546 = arith.constant 15 : i32
      %lt3A_547 = arith.cmpi slt, %scan3A_446, %lt3A_546 : i32
      %convert_element_type3A_548 = arith.extui %lt3A_547 : i1 to i32
      %cond3A_549 = arith.constant 0 : i32
      %cond3A_550 = arith.cmpi ne, %convert_element_type3A_548, %cond3A_549 : i32
      scf.if %cond3A_550 {
        %add3A_571 = arith.constant 4 : i32
        %add3A_572 = arith.addi %add3A_538, %add3A_571 : i32
        %mul3A_573 = arith.constant 400 : i32
        %mul3A_574 = arith.muli %add3A_572, %mul3A_573 : i32
        %add3A_575 = arith.addi %mul3A_2, %mul3A_574 : i32
        %dma_start3A_576 = tpu.memref_slice %arg6[%add3A_575] : memref<819200xi32, #tpu.memory_space<hbm>> -> memref<400xi32, #tpu.memory_space<hbm>>
        %dma_start3A_577 = tpu.memref_slice %arg6[%add3A_575] : memref<819200xi32, #tpu.memory_space<hbm>> -> memref<400xi32, #tpu.memory_space<hbm>>
        tpu.enqueue_dma source(%dma_start3A_577 : memref<400xi32, #tpu.memory_space<hbm>>) target(%arg14 : memref<400xi32, #tpu.memory_space<vmem>>) target_semaphore(%arg30 : memref<!tpu.dma_semaphore, #tpu.memory_space<semaphore_mem>>)
      } else {
      }
      %scan3A_551 = arith.constant 0 : i32
      %scan3A_552 = arith.constant 0 : i32
      %scan3A_553 = arith.constant 200 : i32
      %scan3A_554 = arith.addi %scan3A_552, %scan3A_553 : i32
      %scan3A_555 = arith.constant 1 : i32
      %scan3A_556 = scf.for %scan3A_571 = %scan3A_552 to %scan3A_554 step %scan3A_555 iter_args(%scan3A_572 = %scan3A_551) -> (i32)  : i32 {
        %get3A = arith.index_cast %scan3A_571 : i32 to index
        %get3A_573 = arith.constant 0 : index
        %get3A_574 = tpu.vector_load %arg10[%get3A, %get3A_573] {strides = array<i32>} : memref<200x64xf32, #tpu.memory_space<vmem>>, vector<1x16xf32>,
        %get3A_575 = vector.shape_cast %get3A_574 : vector<1x16xf32> to vector<16xf32>
        %add3A_576 = arith.constant 0 : i32
        %add3A_577 = arith.addi %add3A_576, %scan3A_571 : i32
        %get3A_578 = arith.index_cast %add3A_577 : i32 to index
        %get3A_579 = arith.constant 0 : index
        %get3A_580 = tpu.vector_load %arg18[%get3A_578, %get3A_579] {strides = array<i32>} : memref<400x64xf32, #tpu.memory_space<vmem>>, vector<1x16xf32>,
        %get3A_581 = vector.shape_cast %get3A_580 : vector<1x16xf32> to vector<16xf32>
        %add3A_582 = arith.addf %get3A_581, %get3A_575 : vector<16xf32>
        %swap3A = arith.index_cast %add3A_577 : i32 to index
        %swap3A_583 = arith.constant 0 : index
        %swap3A_584 = tpu.vector_load %arg18[%swap3A, %swap3A_583] {strides = array<i32>} : memref<400x64xf32, #tpu.memory_space<vmem>>, vector<1x16xf32>,
        %swap3A_585 = vector.shape_cast %swap3A_584 : vector<1x16xf32> to vector<16xf32>
        %swap3A_586 = vector.shape_cast %add3A_582 : vector<16xf32> to vector<1x16xf32>
        tpu.vector_store %arg18[%swap3A, %swap3A_583], %swap3A_586 {strides = array<i32>} : memref<400x64xf32, #tpu.memory_space<vmem>>, vector<1x16xf32>,
        %add3A_587 = arith.constant 200 : i32
        %add3A_588 = arith.addi %add3A_587, %scan3A_571 : i32
        %get3A_589 = arith.index_cast %add3A_588 : i32 to index
        %get3A_590 = arith.constant 0 : index
        %get3A_591 = tpu.vector_load %arg18[%get3A_589, %get3A_590] {strides = array<i32>} : memref<400x64xf32, #tpu.memory_space<vmem>>, vector<1x16xf32>,
        %get3A_592 = vector.shape_cast %get3A_591 : vector<1x16xf32> to vector<16xf32>
        %add3A_593 = arith.addf %get3A_592, %get3A_575 : vector<16xf32>
        %swap3A_594 = arith.index_cast %add3A_588 : i32 to index
        %swap3A_595 = arith.constant 0 : index
        %swap3A_596 = tpu.vector_load %arg18[%swap3A_594, %swap3A_595] {strides = array<i32>} : memref<400x64xf32, #tpu.memory_space<vmem>>, vector<1x16xf32>,
        %swap3A_597 = vector.shape_cast %swap3A_596 : vector<1x16xf32> to vector<16xf32>
        %swap3A_598 = vector.shape_cast %add3A_593 : vector<16xf32> to vector<1x16xf32>
        tpu.vector_store %arg18[%swap3A_594, %swap3A_595], %swap3A_598 {strides = array<i32>} : memref<400x64xf32, #tpu.memory_space<vmem>>, vector<1x16xf32>,
        %get3A_599 = arith.index_cast %scan3A_571 : i32 to index
        %get3A_600 = arith.constant 16 : index
        %get3A_601 = tpu.vector_load %arg10[%get3A_599, %get3A_600] {strides = array<i32>} : memref<200x64xf32, #tpu.memory_space<vmem>>, vector<1x16xf32>,
        %get3A_602 = vector.shape_cast %get3A_601 : vector<1x16xf32> to vector<16xf32>
        %add3A_603 = arith.constant 0 : i32
        %add3A_604 = arith.addi %add3A_603, %scan3A_571 : i32
        %get3A_605 = arith.index_cast %add3A_604 : i32 to index
        %get3A_606 = arith.constant 16 : index
        %get3A_607 = tpu.vector_load %arg18[%get3A_605, %get3A_606] {strides = array<i32>} : memref<400x64xf32, #tpu.memory_space<vmem>>, vector<1x16xf32>,
        %get3A_608 = vector.shape_cast %get3A_607 : vector<1x16xf32> to vector<16xf32>
        %add3A_609 = arith.addf %get3A_608, %get3A_602 : vector<16xf32>
        %swap3A_610 = arith.index_cast %add3A_604 : i32 to index
        %swap3A_611 = arith.constant 16 : index
        %swap3A_612 = tpu.vector_load %arg18[%swap3A_610, %swap3A_611] {strides = array<i32>} : memref<400x64xf32, #tpu.memory_space<vmem>>, vector<1x16xf32>,
        %swap3A_613 = vector.shape_cast %swap3A_612 : vector<1x16xf32> to vector<16xf32>
        %swap3A_614 = vector.shape_cast %add3A_609 : vector<16xf32> to vector<1x16xf32>
        tpu.vector_store %arg18[%swap3A_610, %swap3A_611], %swap3A_614 {strides = array<i32>} : memref<400x64xf32, #tpu.memory_space<vmem>>, vector<1x16xf32>,
        %add3A_615 = arith.constant 200 : i32
        %add3A_616 = arith.addi %add3A_615, %scan3A_571 : i32
        %get3A_617 = arith.index_cast %add3A_616 : i32 to index
        %get3A_618 = arith.constant 16 : index
        %get3A_619 = tpu.vector_load %arg18[%get3A_617, %get3A_618] {strides = array<i32>} : memref<400x64xf32, #tpu.memory_space<vmem>>, vector<1x16xf32>,
        %get3A_620 = vector.shape_cast %get3A_619 : vector<1x16xf32> to vector<16xf32>
        %add3A_621 = arith.addf %get3A_620, %get3A_602 : vector<16xf32>
        %swap3A_622 = arith.index_cast %add3A_616 : i32 to index
        %swap3A_623 = arith.constant 16 : index
        %swap3A_624 = tpu.vector_load %arg18[%swap3A_622, %swap3A_623] {strides = array<i32>} : memref<400x64xf32, #tpu.memory_space<vmem>>, vector<1x16xf32>,
        %swap3A_625 = vector.shape_cast %swap3A_624 : vector<1x16xf32> to vector<16xf32>
        %swap3A_626 = vector.shape_cast %add3A_621 : vector<16xf32> to vector<1x16xf32>
        tpu.vector_store %arg18[%swap3A_622, %swap3A_623], %swap3A_626 {strides = array<i32>} : memref<400x64xf32, #tpu.memory_space<vmem>>, vector<1x16xf32>,
        %get3A_627 = arith.index_cast %scan3A_571 : i32 to index
        %get3A_628 = arith.constant 32 : index
        %get3A_629 = tpu.vector_load %arg10[%get3A_627, %get3A_628] {strides = array<i32>} : memref<200x64xf32, #tpu.memory_space<vmem>>, vector<1x16xf32>,
        %get3A_630 = vector.shape_cast %get3A_629 : vector<1x16xf32> to vector<16xf32>
        %add3A_631 = arith.constant 0 : i32
        %add3A_632 = arith.addi %add3A_631, %scan3A_571 : i32
        %get3A_633 = arith.index_cast %add3A_632 : i32 to index
        %get3A_634 = arith.constant 32 : index
        %get3A_635 = tpu.vector_load %arg18[%get3A_633, %get3A_634] {strides = array<i32>} : memref<400x64xf32, #tpu.memory_space<vmem>>, vector<1x16xf32>,
        %get3A_636 = vector.shape_cast %get3A_635 : vector<1x16xf32> to vector<16xf32>
        %add3A_637 = arith.addf %get3A_636, %get3A_630 : vector<16xf32>
        %swap3A_638 = arith.index_cast %add3A_632 : i32 to index
        %swap3A_639 = arith.constant 32 : index
        %swap3A_640 = tpu.vector_load %arg18[%swap3A_638, %swap3A_639] {strides = array<i32>} : memref<400x64xf32, #tpu.memory_space<vmem>>, vector<1x16xf32>,
        %swap3A_641 = vector.shape_cast %swap3A_640 : vector<1x16xf32> to vector<16xf32>
        %swap3A_642 = vector.shape_cast %add3A_637 : vector<16xf32> to vector<1x16xf32>
        tpu.vector_store %arg18[%swap3A_638, %swap3A_639], %swap3A_642 {strides = array<i32>} : memref<400x64xf32, #tpu.memory_space<vmem>>, vector<1x16xf32>,
        %add3A_643 = arith.constant 200 : i32
        %add3A_644 = arith.addi %add3A_643, %scan3A_571 : i32
        %get3A_645 = arith.index_cast %add3A_644 : i32 to index
        %get3A_646 = arith.constant 32 : index
        %get3A_647 = tpu.vector_load %arg18[%get3A_645, %get3A_646] {strides = array<i32>} : memref<400x64xf32, #tpu.memory_space<vmem>>, vector<1x16xf32>,
        %get3A_648 = vector.shape_cast %get3A_647 : vector<1x16xf32> to vector<16xf32>
        %add3A_649 = arith.addf %get3A_648, %get3A_630 : vector<16xf32>
        %swap3A_650 = arith.index_cast %add3A_644 : i32 to index
        %swap3A_651 = arith.constant 32 : index
        %swap3A_652 = tpu.vector_load %arg18[%swap3A_650, %swap3A_651] {strides = array<i32>} : memref<400x64xf32, #tpu.memory_space<vmem>>, vector<1x16xf32>,
        %swap3A_653 = vector.shape_cast %swap3A_652 : vector<1x16xf32> to vector<16xf32>
        %swap3A_654 = vector.shape_cast %add3A_649 : vector<16xf32> to vector<1x16xf32>
        tpu.vector_store %arg18[%swap3A_650, %swap3A_651], %swap3A_654 {strides = array<i32>} : memref<400x64xf32, #tpu.memory_space<vmem>>, vector<1x16xf32>,
        %get3A_655 = arith.index_cast %scan3A_571 : i32 to index
        %get3A_656 = arith.constant 48 : index
        %get3A_657 = tpu.vector_load %arg10[%get3A_655, %get3A_656] {strides = array<i32>} : memref<200x64xf32, #tpu.memory_space<vmem>>, vector<1x16xf32>,
        %get3A_658 = vector.shape_cast %get3A_657 : vector<1x16xf32> to vector<16xf32>
        %add3A_659 = arith.constant 0 : i32
        %add3A_660 = arith.addi %add3A_659, %scan3A_571 : i32
        %get3A_661 = arith.index_cast %add3A_660 : i32 to index
        %get3A_662 = arith.constant 48 : index
        %get3A_663 = tpu.vector_load %arg18[%get3A_661, %get3A_662] {strides = array<i32>} : memref<400x64xf32, #tpu.memory_space<vmem>>, vector<1x16xf32>,
        %get3A_664 = vector.shape_cast %get3A_663 : vector<1x16xf32> to vector<16xf32>
        %add3A_665 = arith.addf %get3A_664, %get3A_658 : vector<16xf32>
        %swap3A_666 = arith.index_cast %add3A_660 : i32 to index
        %swap3A_667 = arith.constant 48 : index
        %swap3A_668 = tpu.vector_load %arg18[%swap3A_666, %swap3A_667] {strides = array<i32>} : memref<400x64xf32, #tpu.memory_space<vmem>>, vector<1x16xf32>,
        %swap3A_669 = vector.shape_cast %swap3A_668 : vector<1x16xf32> to vector<16xf32>
        %swap3A_670 = vector.shape_cast %add3A_665 : vector<16xf32> to vector<1x16xf32>
        tpu.vector_store %arg18[%swap3A_666, %swap3A_667], %swap3A_670 {strides = array<i32>} : memref<400x64xf32, #tpu.memory_space<vmem>>, vector<1x16xf32>,
        %add3A_671 = arith.constant 200 : i32
        %add3A_672 = arith.addi %add3A_671, %scan3A_571 : i32
        %get3A_673 = arith.index_cast %add3A_672 : i32 to index
        %get3A_674 = arith.constant 48 : index
        %get3A_675 = tpu.vector_load %arg18[%get3A_673, %get3A_674] {strides = array<i32>} : memref<400x64xf32, #tpu.memory_space<vmem>>, vector<1x16xf32>,
        %get3A_676 = vector.shape_cast %get3A_675 : vector<1x16xf32> to vector<16xf32>
        %add3A_677 = arith.addf %get3A_676, %get3A_658 : vector<16xf32>
        %swap3A_678 = arith.index_cast %add3A_672 : i32 to index
        %swap3A_679 = arith.constant 48 : index
        %swap3A_680 = tpu.vector_load %arg18[%swap3A_678, %swap3A_679] {strides = array<i32>} : memref<400x64xf32, #tpu.memory_space<vmem>>, vector<1x16xf32>,
        %swap3A_681 = vector.shape_cast %swap3A_680 : vector<1x16xf32> to vector<16xf32>
        %swap3A_682 = vector.shape_cast %add3A_677 : vector<16xf32> to vector<1x16xf32>
        tpu.vector_store %arg18[%swap3A_678, %swap3A_679], %swap3A_682 {strides = array<i32>} : memref<400x64xf32, #tpu.memory_space<vmem>>, vector<1x16xf32>,
        %scan3A_683 = arith.constant 0 : i32
        scf.yield %scan3A_683 : i32
      }
      %scan3A_557 = arith.constant 200 : i32
      %mul3A_558 = arith.constant 400 : i32
      %mul3A_559 = arith.muli %add3A_538, %mul3A_558 : i32
      %add3A_560 = arith.addi %mul3A_2, %mul3A_559 : i32
      %dma_start3A_561 = arith.constant 0 : i32
      %dma_start3A_562 = tpu.memref_slice %arg8[%add3A_560, %dma_start3A_561] : memref<819200x64xf32, #tpu.memory_space<hbm>> -> memref<400x64xf32, #tpu.memory_space<hbm>>
      %dma_start3A_563 = arith.constant 0 : i32
      %dma_start3A_564 = tpu.memref_slice %arg8[%add3A_560, %dma_start3A_563] : memref<819200x64xf32, #tpu.memory_space<hbm>> -> memref<400x64xf32, #tpu.memory_space<hbm>>
      tpu.enqueue_dma source(%arg18 : memref<400x64xf32, #tpu.memory_space<vmem>>) target(%dma_start3A_564 : memref<400x64xf32, #tpu.memory_space<hbm>>) target_semaphore(%arg26 : memref<!tpu.dma_semaphore, #tpu.memory_space<semaphore_mem>>)
      %lt3A_565 = arith.constant 15 : i32
      %lt3A_566 = arith.cmpi slt, %scan3A_446, %lt3A_565 : i32
      %convert_element_type3A_567 = arith.extui %lt3A_566 : i1 to i32
      %cond3A_568 = arith.constant 0 : i32
      %cond3A_569 = arith.cmpi ne, %convert_element_type3A_567, %cond3A_568 : i32
      scf.if %cond3A_569 {
        %mul3A_571 = arith.constant 4 : i32
        %mul3A_572 = arith.muli %mul3A_571, %scan3A_446 : i32
        %add3A_573 = arith.constant 0 : i32
        %add3A_574 = arith.addi %mul3A_572, %add3A_573 : i32
        %mul3A_575 = arith.constant 400 : i32
        %mul3A_576 = arith.muli %add3A_574, %mul3A_575 : i32
        %add3A_577 = arith.addi %mul3A_2, %mul3A_576 : i32
        %dma_wait3A_578 = arith.constant 0 : i32
        %dma_wait3A_579 = tpu.memref_slice %arg8[%add3A_577, %dma_wait3A_578] : memref<819200x64xf32, #tpu.memory_space<hbm>> -> memref<400x64xf32, #tpu.memory_space<hbm>>
        %dma_wait3A_580 = arith.constant 0 : i32
        %dma_wait3A_581 = tpu.memref_slice %arg8[%add3A_577, %dma_wait3A_580] : memref<819200x64xf32, #tpu.memory_space<hbm>> -> memref<400x64xf32, #tpu.memory_space<hbm>>
        tpu.wait_dma2 semaphore(%arg23 : memref<!tpu.dma_semaphore, #tpu.memory_space<semaphore_mem>>) src(%arg15 : memref<400x64xf32, #tpu.memory_space<vmem>>) dst(%dma_wait3A_581 : memref<400x64xf32, #tpu.memory_space<hbm>>)
        %add3A_582 = arith.constant 4 : i32
        %add3A_583 = arith.addi %add3A_574, %add3A_582 : i32
        %mul3A_584 = arith.constant 400 : i32
        %mul3A_585 = arith.muli %add3A_583, %mul3A_584 : i32
        %add3A_586 = arith.addi %mul3A_2, %mul3A_585 : i32
        %dma_wait3A_587 = tpu.memref_slice %arg6[%add3A_586] : memref<819200xi32, #tpu.memory_space<hbm>> -> memref<400xi32, #tpu.memory_space<hbm>>
        %dma_wait3A_588 = tpu.memref_slice %arg6[%add3A_586] : memref<819200xi32, #tpu.memory_space<hbm>> -> memref<400xi32, #tpu.memory_space<hbm>>
        tpu.wait_dma2 semaphore(%arg27 : memref<!tpu.dma_semaphore, #tpu.memory_space<semaphore_mem>>) src(%dma_wait3A_588 : memref<400xi32, #tpu.memory_space<hbm>>) dst(%arg11 : memref<400xi32, #tpu.memory_space<vmem>>)
        %dma_start3A_589 = arith.constant 0 : i32
        %dma_start3A_590 = arith.constant 0 : i32
        %dma_start3A_591 = tpu.memref_slice %arg15[%dma_start3A_589, %dma_start3A_590] : memref<400x64xf32, #tpu.memory_space<vmem>> -> memref<80x64xf32, #tpu.memory_space<vmem>>
        %dma_start3A_592 = arith.constant 0 : i32
        %dma_start3A_593 = tpu.memref_slice %arg11[%dma_start3A_592] : memref<400xi32, #tpu.memory_space<vmem>> -> memref<80xi32, #tpu.memory_space<vmem>>
        %dma_start3A_594 = arith.constant 0 : i32
        %dma_start3A_595 = arith.constant 0 : i32
        %dma_start3A_596 = tpu.memref_slice %arg2[%dma_start3A_594, %dma_start3A_595] : memref<100000x64xf32, #tpu.memory_space<hbm>> -> memref<100000x64xf32, #tpu.memory_space<hbm>>
        tpu.enqueue_indirect_dma source(%dma_start3A_596 : memref<100000x64xf32, #tpu.memory_space<hbm>>) target(%dma_start3A_591 : memref<80x64xf32, #tpu.memory_space<vmem>>) offsets(%dma_start3A_593 : memref<80xi32, #tpu.memory_space<vmem>>) semaphore(%arg19 : memref<!tpu.dma_semaphore, #tpu.memory_space<semaphore_mem>>)
        %dma_start3A_597 = arith.constant 80 : i32
        %dma_start3A_598 = arith.constant 0 : i32
        %dma_start3A_599 = tpu.memref_slice %arg15[%dma_start3A_597, %dma_start3A_598] : memref<400x64xf32, #tpu.memory_space<vmem>> -> memref<80x64xf32, #tpu.memory_space<vmem>>
        %dma_start3A_600 = arith.constant 80 : i32
        %dma_start3A_601 = tpu.memref_slice %arg11[%dma_start3A_600] : memref<400xi32, #tpu.memory_space<vmem>> -> memref<80xi32, #tpu.memory_space<vmem>>
        %dma_start3A_602 = arith.constant 0 : i32
        %dma_start3A_603 = arith.constant 0 : i32
        %dma_start3A_604 = tpu.memref_slice %arg2[%dma_start3A_602, %dma_start3A_603] : memref<100000x64xf32, #tpu.memory_space<hbm>> -> memref<100000x64xf32, #tpu.memory_space<hbm>>
        tpu.enqueue_indirect_dma source(%dma_start3A_604 : memref<100000x64xf32, #tpu.memory_space<hbm>>) target(%dma_start3A_599 : memref<80x64xf32, #tpu.memory_space<vmem>>) offsets(%dma_start3A_601 : memref<80xi32, #tpu.memory_space<vmem>>) semaphore(%arg19 : memref<!tpu.dma_semaphore, #tpu.memory_space<semaphore_mem>>)
        %dma_start3A_605 = arith.constant 160 : i32
        %dma_start3A_606 = arith.constant 0 : i32
        %dma_start3A_607 = tpu.memref_slice %arg15[%dma_start3A_605, %dma_start3A_606] : memref<400x64xf32, #tpu.memory_space<vmem>> -> memref<80x64xf32, #tpu.memory_space<vmem>>
        %dma_start3A_608 = arith.constant 160 : i32
        %dma_start3A_609 = tpu.memref_slice %arg11[%dma_start3A_608] : memref<400xi32, #tpu.memory_space<vmem>> -> memref<80xi32, #tpu.memory_space<vmem>>
        %dma_start3A_610 = arith.constant 0 : i32
        %dma_start3A_611 = arith.constant 0 : i32
        %dma_start3A_612 = tpu.memref_slice %arg2[%dma_start3A_610, %dma_start3A_611] : memref<100000x64xf32, #tpu.memory_space<hbm>> -> memref<100000x64xf32, #tpu.memory_space<hbm>>
        tpu.enqueue_indirect_dma source(%dma_start3A_612 : memref<100000x64xf32, #tpu.memory_space<hbm>>) target(%dma_start3A_607 : memref<80x64xf32, #tpu.memory_space<vmem>>) offsets(%dma_start3A_609 : memref<80xi32, #tpu.memory_space<vmem>>) semaphore(%arg19 : memref<!tpu.dma_semaphore, #tpu.memory_space<semaphore_mem>>)
        %dma_start3A_613 = arith.constant 240 : i32
        %dma_start3A_614 = arith.constant 0 : i32
        %dma_start3A_615 = tpu.memref_slice %arg15[%dma_start3A_613, %dma_start3A_614] : memref<400x64xf32, #tpu.memory_space<vmem>> -> memref<80x64xf32, #tpu.memory_space<vmem>>
        %dma_start3A_616 = arith.constant 240 : i32
        %dma_start3A_617 = tpu.memref_slice %arg11[%dma_start3A_616] : memref<400xi32, #tpu.memory_space<vmem>> -> memref<80xi32, #tpu.memory_space<vmem>>
        %dma_start3A_618 = arith.constant 0 : i32
        %dma_start3A_619 = arith.constant 0 : i32
        %dma_start3A_620 = tpu.memref_slice %arg2[%dma_start3A_618, %dma_start3A_619] : memref<100000x64xf32, #tpu.memory_space<hbm>> -> memref<100000x64xf32, #tpu.memory_space<hbm>>
        tpu.enqueue_indirect_dma source(%dma_start3A_620 : memref<100000x64xf32, #tpu.memory_space<hbm>>) target(%dma_start3A_615 : memref<80x64xf32, #tpu.memory_space<vmem>>) offsets(%dma_start3A_617 : memref<80xi32, #tpu.memory_space<vmem>>) semaphore(%arg19 : memref<!tpu.dma_semaphore, #tpu.memory_space<semaphore_mem>>)
        %dma_start3A_621 = arith.constant 320 : i32
        %dma_start3A_622 = arith.constant 0 : i32
        %dma_start3A_623 = tpu.memref_slice %arg15[%dma_start3A_621, %dma_start3A_622] : memref<400x64xf32, #tpu.memory_space<vmem>> -> memref<80x64xf32, #tpu.memory_space<vmem>>
        %dma_start3A_624 = arith.constant 320 : i32
        %dma_start3A_625 = tpu.memref_slice %arg11[%dma_start3A_624] : memref<400xi32, #tpu.memory_space<vmem>> -> memref<80xi32, #tpu.memory_space<vmem>>
        %dma_start3A_626 = arith.constant 0 : i32
        %dma_start3A_627 = arith.constant 0 : i32
        %dma_start3A_628 = tpu.memref_slice %arg2[%dma_start3A_626, %dma_start3A_627] : memref<100000x64xf32, #tpu.memory_space<hbm>> -> memref<100000x64xf32, #tpu.memory_space<hbm>>
        tpu.enqueue_indirect_dma source(%dma_start3A_628 : memref<100000x64xf32, #tpu.memory_space<hbm>>) target(%dma_start3A_623 : memref<80x64xf32, #tpu.memory_space<vmem>>) offsets(%dma_start3A_625 : memref<80xi32, #tpu.memory_space<vmem>>) semaphore(%arg19 : memref<!tpu.dma_semaphore, #tpu.memory_space<semaphore_mem>>)
        %mul3A_629 = arith.constant 4 : i32
        %mul3A_630 = arith.muli %mul3A_629, %scan3A_446 : i32
        %add3A_631 = arith.constant 1 : i32
        %add3A_632 = arith.addi %mul3A_630, %add3A_631 : i32
        %mul3A_633 = arith.constant 400 : i32
        %mul3A_634 = arith.muli %add3A_632, %mul3A_633 : i32
        %add3A_635 = arith.addi %mul3A_2, %mul3A_634 : i32
        %dma_wait3A_636 = arith.constant 0 : i32
        %dma_wait3A_637 = tpu.memref_slice %arg8[%add3A_635, %dma_wait3A_636] : memref<819200x64xf32, #tpu.memory_space<hbm>> -> memref<400x64xf32, #tpu.memory_space<hbm>>
        %dma_wait3A_638 = arith.constant 0 : i32
        %dma_wait3A_639 = tpu.memref_slice %arg8[%add3A_635, %dma_wait3A_638] : memref<819200x64xf32, #tpu.memory_space<hbm>> -> memref<400x64xf32, #tpu.memory_space<hbm>>
        tpu.wait_dma2 semaphore(%arg24 : memref<!tpu.dma_semaphore, #tpu.memory_space<semaphore_mem>>) src(%arg16 : memref<400x64xf32, #tpu.memory_space<vmem>>) dst(%dma_wait3A_639 : memref<400x64xf32, #tpu.memory_space<hbm>>)
        %add3A_640 = arith.constant 4 : i32
        %add3A_641 = arith.addi %add3A_632, %add3A_640 : i32
        %mul3A_642 = arith.constant 400 : i32
        %mul3A_643 = arith.muli %add3A_641, %mul3A_642 : i32
        %add3A_644 = arith.addi %mul3A_2, %mul3A_643 : i32
        %dma_wait3A_645 = tpu.memref_slice %arg6[%add3A_644] : memref<819200xi32, #tpu.memory_space<hbm>> -> memref<400xi32, #tpu.memory_space<hbm>>
        %dma_wait3A_646 = tpu.memref_slice %arg6[%add3A_644] : memref<819200xi32, #tpu.memory_space<hbm>> -> memref<400xi32, #tpu.memory_space<hbm>>
        tpu.wait_dma2 semaphore(%arg28 : memref<!tpu.dma_semaphore, #tpu.memory_space<semaphore_mem>>) src(%dma_wait3A_646 : memref<400xi32, #tpu.memory_space<hbm>>) dst(%arg12 : memref<400xi32, #tpu.memory_space<vmem>>)
        %dma_start3A_647 = arith.constant 0 : i32
        %dma_start3A_648 = arith.constant 0 : i32
        %dma_start3A_649 = tpu.memref_slice %arg16[%dma_start3A_647, %dma_start3A_648] : memref<400x64xf32, #tpu.memory_space<vmem>> -> memref<80x64xf32, #tpu.memory_space<vmem>>
        %dma_start3A_650 = arith.constant 0 : i32
        %dma_start3A_651 = tpu.memref_slice %arg12[%dma_start3A_650] : memref<400xi32, #tpu.memory_space<vmem>> -> memref<80xi32, #tpu.memory_space<vmem>>
        %dma_start3A_652 = arith.constant 0 : i32
        %dma_start3A_653 = arith.constant 0 : i32
        %dma_start3A_654 = tpu.memref_slice %arg2[%dma_start3A_652, %dma_start3A_653] : memref<100000x64xf32, #tpu.memory_space<hbm>> -> memref<100000x64xf32, #tpu.memory_space<hbm>>
        tpu.enqueue_indirect_dma source(%dma_start3A_654 : memref<100000x64xf32, #tpu.memory_space<hbm>>) target(%dma_start3A_649 : memref<80x64xf32, #tpu.memory_space<vmem>>) offsets(%dma_start3A_651 : memref<80xi32, #tpu.memory_space<vmem>>) semaphore(%arg20 : memref<!tpu.dma_semaphore, #tpu.memory_space<semaphore_mem>>)
        %dma_start3A_655 = arith.constant 80 : i32
        %dma_start3A_656 = arith.constant 0 : i32
        %dma_start3A_657 = tpu.memref_slice %arg16[%dma_start3A_655, %dma_start3A_656] : memref<400x64xf32, #tpu.memory_space<vmem>> -> memref<80x64xf32, #tpu.memory_space<vmem>>
        %dma_start3A_658 = arith.constant 80 : i32
        %dma_start3A_659 = tpu.memref_slice %arg12[%dma_start3A_658] : memref<400xi32, #tpu.memory_space<vmem>> -> memref<80xi32, #tpu.memory_space<vmem>>
        %dma_start3A_660 = arith.constant 0 : i32
        %dma_start3A_661 = arith.constant 0 : i32
        %dma_start3A_662 = tpu.memref_slice %arg2[%dma_start3A_660, %dma_start3A_661] : memref<100000x64xf32, #tpu.memory_space<hbm>> -> memref<100000x64xf32, #tpu.memory_space<hbm>>
        tpu.enqueue_indirect_dma source(%dma_start3A_662 : memref<100000x64xf32, #tpu.memory_space<hbm>>) target(%dma_start3A_657 : memref<80x64xf32, #tpu.memory_space<vmem>>) offsets(%dma_start3A_659 : memref<80xi32, #tpu.memory_space<vmem>>) semaphore(%arg20 : memref<!tpu.dma_semaphore, #tpu.memory_space<semaphore_mem>>)
        %dma_start3A_663 = arith.constant 160 : i32
        %dma_start3A_664 = arith.constant 0 : i32
        %dma_start3A_665 = tpu.memref_slice %arg16[%dma_start3A_663, %dma_start3A_664] : memref<400x64xf32, #tpu.memory_space<vmem>> -> memref<80x64xf32, #tpu.memory_space<vmem>>
        %dma_start3A_666 = arith.constant 160 : i32
        %dma_start3A_667 = tpu.memref_slice %arg12[%dma_start3A_666] : memref<400xi32, #tpu.memory_space<vmem>> -> memref<80xi32, #tpu.memory_space<vmem>>
        %dma_start3A_668 = arith.constant 0 : i32
        %dma_start3A_669 = arith.constant 0 : i32
        %dma_start3A_670 = tpu.memref_slice %arg2[%dma_start3A_668, %dma_start3A_669] : memref<100000x64xf32, #tpu.memory_space<hbm>> -> memref<100000x64xf32, #tpu.memory_space<hbm>>
        tpu.enqueue_indirect_dma source(%dma_start3A_670 : memref<100000x64xf32, #tpu.memory_space<hbm>>) target(%dma_start3A_665 : memref<80x64xf32, #tpu.memory_space<vmem>>) offsets(%dma_start3A_667 : memref<80xi32, #tpu.memory_space<vmem>>) semaphore(%arg20 : memref<!tpu.dma_semaphore, #tpu.memory_space<semaphore_mem>>)
        %dma_start3A_671 = arith.constant 240 : i32
        %dma_start3A_672 = arith.constant 0 : i32
        %dma_start3A_673 = tpu.memref_slice %arg16[%dma_start3A_671, %dma_start3A_672] : memref<400x64xf32, #tpu.memory_space<vmem>> -> memref<80x64xf32, #tpu.memory_space<vmem>>
        %dma_start3A_674 = arith.constant 240 : i32
        %dma_start3A_675 = tpu.memref_slice %arg12[%dma_start3A_674] : memref<400xi32, #tpu.memory_space<vmem>> -> memref<80xi32, #tpu.memory_space<vmem>>
        %dma_start3A_676 = arith.constant 0 : i32
        %dma_start3A_677 = arith.constant 0 : i32
        %dma_start3A_678 = tpu.memref_slice %arg2[%dma_start3A_676, %dma_start3A_677] : memref<100000x64xf32, #tpu.memory_space<hbm>> -> memref<100000x64xf32, #tpu.memory_space<hbm>>
        tpu.enqueue_indirect_dma source(%dma_start3A_678 : memref<100000x64xf32, #tpu.memory_space<hbm>>) target(%dma_start3A_673 : memref<80x64xf32, #tpu.memory_space<vmem>>) offsets(%dma_start3A_675 : memref<80xi32, #tpu.memory_space<vmem>>) semaphore(%arg20 : memref<!tpu.dma_semaphore, #tpu.memory_space<semaphore_mem>>)
        %dma_start3A_679 = arith.constant 320 : i32
        %dma_start3A_680 = arith.constant 0 : i32
        %dma_start3A_681 = tpu.memref_slice %arg16[%dma_start3A_679, %dma_start3A_680] : memref<400x64xf32, #tpu.memory_space<vmem>> -> memref<80x64xf32, #tpu.memory_space<vmem>>
        %dma_start3A_682 = arith.constant 320 : i32
        %dma_start3A_683 = tpu.memref_slice %arg12[%dma_start3A_682] : memref<400xi32, #tpu.memory_space<vmem>> -> memref<80xi32, #tpu.memory_space<vmem>>
        %dma_start3A_684 = arith.constant 0 : i32
        %dma_start3A_685 = arith.constant 0 : i32
        %dma_start3A_686 = tpu.memref_slice %arg2[%dma_start3A_684, %dma_start3A_685] : memref<100000x64xf32, #tpu.memory_space<hbm>> -> memref<100000x64xf32, #tpu.memory_space<hbm>>
        tpu.enqueue_indirect_dma source(%dma_start3A_686 : memref<100000x64xf32, #tpu.memory_space<hbm>>) target(%dma_start3A_681 : memref<80x64xf32, #tpu.memory_space<vmem>>) offsets(%dma_start3A_683 : memref<80xi32, #tpu.memory_space<vmem>>) semaphore(%arg20 : memref<!tpu.dma_semaphore, #tpu.memory_space<semaphore_mem>>)
        %mul3A_687 = arith.constant 4 : i32
        %mul3A_688 = arith.muli %mul3A_687, %scan3A_446 : i32
        %add3A_689 = arith.constant 2 : i32
        %add3A_690 = arith.addi %mul3A_688, %add3A_689 : i32
        %mul3A_691 = arith.constant 400 : i32
        %mul3A_692 = arith.muli %add3A_690, %mul3A_691 : i32
        %add3A_693 = arith.addi %mul3A_2, %mul3A_692 : i32
        %dma_wait3A_694 = arith.constant 0 : i32
        %dma_wait3A_695 = tpu.memref_slice %arg8[%add3A_693, %dma_wait3A_694] : memref<819200x64xf32, #tpu.memory_space<hbm>> -> memref<400x64xf32, #tpu.memory_space<hbm>>
        %dma_wait3A_696 = arith.constant 0 : i32
        %dma_wait3A_697 = tpu.memref_slice %arg8[%add3A_693, %dma_wait3A_696] : memref<819200x64xf32, #tpu.memory_space<hbm>> -> memref<400x64xf32, #tpu.memory_space<hbm>>
        tpu.wait_dma2 semaphore(%arg25 : memref<!tpu.dma_semaphore, #tpu.memory_space<semaphore_mem>>) src(%arg17 : memref<400x64xf32, #tpu.memory_space<vmem>>) dst(%dma_wait3A_697 : memref<400x64xf32, #tpu.memory_space<hbm>>)
        %add3A_698 = arith.constant 4 : i32
        %add3A_699 = arith.addi %add3A_690, %add3A_698 : i32
        %mul3A_700 = arith.constant 400 : i32
        %mul3A_701 = arith.muli %add3A_699, %mul3A_700 : i32
        %add3A_702 = arith.addi %mul3A_2, %mul3A_701 : i32
        %dma_wait3A_703 = tpu.memref_slice %arg6[%add3A_702] : memref<819200xi32, #tpu.memory_space<hbm>> -> memref<400xi32, #tpu.memory_space<hbm>>
        %dma_wait3A_704 = tpu.memref_slice %arg6[%add3A_702] : memref<819200xi32, #tpu.memory_space<hbm>> -> memref<400xi32, #tpu.memory_space<hbm>>
        tpu.wait_dma2 semaphore(%arg29 : memref<!tpu.dma_semaphore, #tpu.memory_space<semaphore_mem>>) src(%dma_wait3A_704 : memref<400xi32, #tpu.memory_space<hbm>>) dst(%arg13 : memref<400xi32, #tpu.memory_space<vmem>>)
        %dma_start3A_705 = arith.constant 0 : i32
        %dma_start3A_706 = arith.constant 0 : i32
        %dma_start3A_707 = tpu.memref_slice %arg17[%dma_start3A_705, %dma_start3A_706] : memref<400x64xf32, #tpu.memory_space<vmem>> -> memref<80x64xf32, #tpu.memory_space<vmem>>
        %dma_start3A_708 = arith.constant 0 : i32
        %dma_start3A_709 = tpu.memref_slice %arg13[%dma_start3A_708] : memref<400xi32, #tpu.memory_space<vmem>> -> memref<80xi32, #tpu.memory_space<vmem>>
        %dma_start3A_710 = arith.constant 0 : i32
        %dma_start3A_711 = arith.constant 0 : i32
        %dma_start3A_712 = tpu.memref_slice %arg2[%dma_start3A_710, %dma_start3A_711] : memref<100000x64xf32, #tpu.memory_space<hbm>> -> memref<100000x64xf32, #tpu.memory_space<hbm>>
        tpu.enqueue_indirect_dma source(%dma_start3A_712 : memref<100000x64xf32, #tpu.memory_space<hbm>>) target(%dma_start3A_707 : memref<80x64xf32, #tpu.memory_space<vmem>>) offsets(%dma_start3A_709 : memref<80xi32, #tpu.memory_space<vmem>>) semaphore(%arg21 : memref<!tpu.dma_semaphore, #tpu.memory_space<semaphore_mem>>)
        %dma_start3A_713 = arith.constant 80 : i32
        %dma_start3A_714 = arith.constant 0 : i32
        %dma_start3A_715 = tpu.memref_slice %arg17[%dma_start3A_713, %dma_start3A_714] : memref<400x64xf32, #tpu.memory_space<vmem>> -> memref<80x64xf32, #tpu.memory_space<vmem>>
        %dma_start3A_716 = arith.constant 80 : i32
        %dma_start3A_717 = tpu.memref_slice %arg13[%dma_start3A_716] : memref<400xi32, #tpu.memory_space<vmem>> -> memref<80xi32, #tpu.memory_space<vmem>>
        %dma_start3A_718 = arith.constant 0 : i32
        %dma_start3A_719 = arith.constant 0 : i32
        %dma_start3A_720 = tpu.memref_slice %arg2[%dma_start3A_718, %dma_start3A_719] : memref<100000x64xf32, #tpu.memory_space<hbm>> -> memref<100000x64xf32, #tpu.memory_space<hbm>>
        tpu.enqueue_indirect_dma source(%dma_start3A_720 : memref<100000x64xf32, #tpu.memory_space<hbm>>) target(%dma_start3A_715 : memref<80x64xf32, #tpu.memory_space<vmem>>) offsets(%dma_start3A_717 : memref<80xi32, #tpu.memory_space<vmem>>) semaphore(%arg21 : memref<!tpu.dma_semaphore, #tpu.memory_space<semaphore_mem>>)
        %dma_start3A_721 = arith.constant 160 : i32
        %dma_start3A_722 = arith.constant 0 : i32
        %dma_start3A_723 = tpu.memref_slice %arg17[%dma_start3A_721, %dma_start3A_722] : memref<400x64xf32, #tpu.memory_space<vmem>> -> memref<80x64xf32, #tpu.memory_space<vmem>>
        %dma_start3A_724 = arith.constant 160 : i32
        %dma_start3A_725 = tpu.memref_slice %arg13[%dma_start3A_724] : memref<400xi32, #tpu.memory_space<vmem>> -> memref<80xi32, #tpu.memory_space<vmem>>
        %dma_start3A_726 = arith.constant 0 : i32
        %dma_start3A_727 = arith.constant 0 : i32
        %dma_start3A_728 = tpu.memref_slice %arg2[%dma_start3A_726, %dma_start3A_727] : memref<100000x64xf32, #tpu.memory_space<hbm>> -> memref<100000x64xf32, #tpu.memory_space<hbm>>
        tpu.enqueue_indirect_dma source(%dma_start3A_728 : memref<100000x64xf32, #tpu.memory_space<hbm>>) target(%dma_start3A_723 : memref<80x64xf32, #tpu.memory_space<vmem>>) offsets(%dma_start3A_725 : memref<80xi32, #tpu.memory_space<vmem>>) semaphore(%arg21 : memref<!tpu.dma_semaphore, #tpu.memory_space<semaphore_mem>>)
        %dma_start3A_729 = arith.constant 240 : i32
        %dma_start3A_730 = arith.constant 0 : i32
        %dma_start3A_731 = tpu.memref_slice %arg17[%dma_start3A_729, %dma_start3A_730] : memref<400x64xf32, #tpu.memory_space<vmem>> -> memref<80x64xf32, #tpu.memory_space<vmem>>
        %dma_start3A_732 = arith.constant 240 : i32
        %dma_start3A_733 = tpu.memref_slice %arg13[%dma_start3A_732] : memref<400xi32, #tpu.memory_space<vmem>> -> memref<80xi32, #tpu.memory_space<vmem>>
        %dma_start3A_734 = arith.constant 0 : i32
        %dma_start3A_735 = arith.constant 0 : i32
        %dma_start3A_736 = tpu.memref_slice %arg2[%dma_start3A_734, %dma_start3A_735] : memref<100000x64xf32, #tpu.memory_space<hbm>> -> memref<100000x64xf32, #tpu.memory_space<hbm>>
        tpu.enqueue_indirect_dma source(%dma_start3A_736 : memref<100000x64xf32, #tpu.memory_space<hbm>>) target(%dma_start3A_731 : memref<80x64xf32, #tpu.memory_space<vmem>>) offsets(%dma_start3A_733 : memref<80xi32, #tpu.memory_space<vmem>>) semaphore(%arg21 : memref<!tpu.dma_semaphore, #tpu.memory_space<semaphore_mem>>)
        %dma_start3A_737 = arith.constant 320 : i32
        %dma_start3A_738 = arith.constant 0 : i32
        %dma_start3A_739 = tpu.memref_slice %arg17[%dma_start3A_737, %dma_start3A_738] : memref<400x64xf32, #tpu.memory_space<vmem>> -> memref<80x64xf32, #tpu.memory_space<vmem>>
        %dma_start3A_740 = arith.constant 320 : i32
        %dma_start3A_741 = tpu.memref_slice %arg13[%dma_start3A_740] : memref<400xi32, #tpu.memory_space<vmem>> -> memref<80xi32, #tpu.memory_space<vmem>>
        %dma_start3A_742 = arith.constant 0 : i32
        %dma_start3A_743 = arith.constant 0 : i32
        %dma_start3A_744 = tpu.memref_slice %arg2[%dma_start3A_742, %dma_start3A_743] : memref<100000x64xf32, #tpu.memory_space<hbm>> -> memref<100000x64xf32, #tpu.memory_space<hbm>>
        tpu.enqueue_indirect_dma source(%dma_start3A_744 : memref<100000x64xf32, #tpu.memory_space<hbm>>) target(%dma_start3A_739 : memref<80x64xf32, #tpu.memory_space<vmem>>) offsets(%dma_start3A_741 : memref<80xi32, #tpu.memory_space<vmem>>) semaphore(%arg21 : memref<!tpu.dma_semaphore, #tpu.memory_space<semaphore_mem>>)
        %mul3A_745 = arith.constant 4 : i32
        %mul3A_746 = arith.muli %mul3A_745, %scan3A_446 : i32
        %add3A_747 = arith.constant 3 : i32
        %add3A_748 = arith.addi %mul3A_746, %add3A_747 : i32
        %mul3A_749 = arith.constant 400 : i32
        %mul3A_750 = arith.muli %add3A_748, %mul3A_749 : i32
        %add3A_751 = arith.addi %mul3A_2, %mul3A_750 : i32
        %dma_wait3A_752 = arith.constant 0 : i32
        %dma_wait3A_753 = tpu.memref_slice %arg8[%add3A_751, %dma_wait3A_752] : memref<819200x64xf32, #tpu.memory_space<hbm>> -> memref<400x64xf32, #tpu.memory_space<hbm>>
        %dma_wait3A_754 = arith.constant 0 : i32
        %dma_wait3A_755 = tpu.memref_slice %arg8[%add3A_751, %dma_wait3A_754] : memref<819200x64xf32, #tpu.memory_space<hbm>> -> memref<400x64xf32, #tpu.memory_space<hbm>>
        tpu.wait_dma2 semaphore(%arg26 : memref<!tpu.dma_semaphore, #tpu.memory_space<semaphore_mem>>) src(%arg18 : memref<400x64xf32, #tpu.memory_space<vmem>>) dst(%dma_wait3A_755 : memref<400x64xf32, #tpu.memory_space<hbm>>)
        %add3A_756 = arith.constant 4 : i32
        %add3A_757 = arith.addi %add3A_748, %add3A_756 : i32
        %mul3A_758 = arith.constant 400 : i32
        %mul3A_759 = arith.muli %add3A_757, %mul3A_758 : i32
        %add3A_760 = arith.addi %mul3A_2, %mul3A_759 : i32
        %dma_wait3A_761 = tpu.memref_slice %arg6[%add3A_760] : memref<819200xi32, #tpu.memory_space<hbm>> -> memref<400xi32, #tpu.memory_space<hbm>>
        %dma_wait3A_762 = tpu.memref_slice %arg6[%add3A_760] : memref<819200xi32, #tpu.memory_space<hbm>> -> memref<400xi32, #tpu.memory_space<hbm>>
        tpu.wait_dma2 semaphore(%arg30 : memref<!tpu.dma_semaphore, #tpu.memory_space<semaphore_mem>>) src(%dma_wait3A_762 : memref<400xi32, #tpu.memory_space<hbm>>) dst(%arg14 : memref<400xi32, #tpu.memory_space<vmem>>)
        %dma_start3A_763 = arith.constant 0 : i32
        %dma_start3A_764 = arith.constant 0 : i32
        %dma_start3A_765 = tpu.memref_slice %arg18[%dma_start3A_763, %dma_start3A_764] : memref<400x64xf32, #tpu.memory_space<vmem>> -> memref<80x64xf32, #tpu.memory_space<vmem>>
        %dma_start3A_766 = arith.constant 0 : i32
        %dma_start3A_767 = tpu.memref_slice %arg14[%dma_start3A_766] : memref<400xi32, #tpu.memory_space<vmem>> -> memref<80xi32, #tpu.memory_space<vmem>>
        %dma_start3A_768 = arith.constant 0 : i32
        %dma_start3A_769 = arith.constant 0 : i32
        %dma_start3A_770 = tpu.memref_slice %arg2[%dma_start3A_768, %dma_start3A_769] : memref<100000x64xf32, #tpu.memory_space<hbm>> -> memref<100000x64xf32, #tpu.memory_space<hbm>>
        tpu.enqueue_indirect_dma source(%dma_start3A_770 : memref<100000x64xf32, #tpu.memory_space<hbm>>) target(%dma_start3A_765 : memref<80x64xf32, #tpu.memory_space<vmem>>) offsets(%dma_start3A_767 : memref<80xi32, #tpu.memory_space<vmem>>) semaphore(%arg22 : memref<!tpu.dma_semaphore, #tpu.memory_space<semaphore_mem>>)
        %dma_start3A_771 = arith.constant 80 : i32
        %dma_start3A_772 = arith.constant 0 : i32
        %dma_start3A_773 = tpu.memref_slice %arg18[%dma_start3A_771, %dma_start3A_772] : memref<400x64xf32, #tpu.memory_space<vmem>> -> memref<80x64xf32, #tpu.memory_space<vmem>>
        %dma_start3A_774 = arith.constant 80 : i32
        %dma_start3A_775 = tpu.memref_slice %arg14[%dma_start3A_774] : memref<400xi32, #tpu.memory_space<vmem>> -> memref<80xi32, #tpu.memory_space<vmem>>
        %dma_start3A_776 = arith.constant 0 : i32
        %dma_start3A_777 = arith.constant 0 : i32
        %dma_start3A_778 = tpu.memref_slice %arg2[%dma_start3A_776, %dma_start3A_777] : memref<100000x64xf32, #tpu.memory_space<hbm>> -> memref<100000x64xf32, #tpu.memory_space<hbm>>
        tpu.enqueue_indirect_dma source(%dma_start3A_778 : memref<100000x64xf32, #tpu.memory_space<hbm>>) target(%dma_start3A_773 : memref<80x64xf32, #tpu.memory_space<vmem>>) offsets(%dma_start3A_775 : memref<80xi32, #tpu.memory_space<vmem>>) semaphore(%arg22 : memref<!tpu.dma_semaphore, #tpu.memory_space<semaphore_mem>>)
        %dma_start3A_779 = arith.constant 160 : i32
        %dma_start3A_780 = arith.constant 0 : i32
        %dma_start3A_781 = tpu.memref_slice %arg18[%dma_start3A_779, %dma_start3A_780] : memref<400x64xf32, #tpu.memory_space<vmem>> -> memref<80x64xf32, #tpu.memory_space<vmem>>
        %dma_start3A_782 = arith.constant 160 : i32
        %dma_start3A_783 = tpu.memref_slice %arg14[%dma_start3A_782] : memref<400xi32, #tpu.memory_space<vmem>> -> memref<80xi32, #tpu.memory_space<vmem>>
        %dma_start3A_784 = arith.constant 0 : i32
        %dma_start3A_785 = arith.constant 0 : i32
        %dma_start3A_786 = tpu.memref_slice %arg2[%dma_start3A_784, %dma_start3A_785] : memref<100000x64xf32, #tpu.memory_space<hbm>> -> memref<100000x64xf32, #tpu.memory_space<hbm>>
        tpu.enqueue_indirect_dma source(%dma_start3A_786 : memref<100000x64xf32, #tpu.memory_space<hbm>>) target(%dma_start3A_781 : memref<80x64xf32, #tpu.memory_space<vmem>>) offsets(%dma_start3A_783 : memref<80xi32, #tpu.memory_space<vmem>>) semaphore(%arg22 : memref<!tpu.dma_semaphore, #tpu.memory_space<semaphore_mem>>)
        %dma_start3A_787 = arith.constant 240 : i32
        %dma_start3A_788 = arith.constant 0 : i32
        %dma_start3A_789 = tpu.memref_slice %arg18[%dma_start3A_787, %dma_start3A_788] : memref<400x64xf32, #tpu.memory_space<vmem>> -> memref<80x64xf32, #tpu.memory_space<vmem>>
        %dma_start3A_790 = arith.constant 240 : i32
        %dma_start3A_791 = tpu.memref_slice %arg14[%dma_start3A_790] : memref<400xi32, #tpu.memory_space<vmem>> -> memref<80xi32, #tpu.memory_space<vmem>>
        %dma_start3A_792 = arith.constant 0 : i32
        %dma_start3A_793 = arith.constant 0 : i32
        %dma_start3A_794 = tpu.memref_slice %arg2[%dma_start3A_792, %dma_start3A_793] : memref<100000x64xf32, #tpu.memory_space<hbm>> -> memref<100000x64xf32, #tpu.memory_space<hbm>>
        tpu.enqueue_indirect_dma source(%dma_start3A_794 : memref<100000x64xf32, #tpu.memory_space<hbm>>) target(%dma_start3A_789 : memref<80x64xf32, #tpu.memory_space<vmem>>) offsets(%dma_start3A_791 : memref<80xi32, #tpu.memory_space<vmem>>) semaphore(%arg22 : memref<!tpu.dma_semaphore, #tpu.memory_space<semaphore_mem>>)
        %dma_start3A_795 = arith.constant 320 : i32
        %dma_start3A_796 = arith.constant 0 : i32
        %dma_start3A_797 = tpu.memref_slice %arg18[%dma_start3A_795, %dma_start3A_796] : memref<400x64xf32, #tpu.memory_space<vmem>> -> memref<80x64xf32, #tpu.memory_space<vmem>>
        %dma_start3A_798 = arith.constant 320 : i32
        %dma_start3A_799 = tpu.memref_slice %arg14[%dma_start3A_798] : memref<400xi32, #tpu.memory_space<vmem>> -> memref<80xi32, #tpu.memory_space<vmem>>
        %dma_start3A_800 = arith.constant 0 : i32
        %dma_start3A_801 = arith.constant 0 : i32
        %dma_start3A_802 = tpu.memref_slice %arg2[%dma_start3A_800, %dma_start3A_801] : memref<100000x64xf32, #tpu.memory_space<hbm>> -> memref<100000x64xf32, #tpu.memory_space<hbm>>
        tpu.enqueue_indirect_dma source(%dma_start3A_802 : memref<100000x64xf32, #tpu.memory_space<hbm>>) target(%dma_start3A_797 : memref<80x64xf32, #tpu.memory_space<vmem>>) offsets(%dma_start3A_799 : memref<80xi32, #tpu.memory_space<vmem>>) semaphore(%arg22 : memref<!tpu.dma_semaphore, #tpu.memory_space<semaphore_mem>>)
      } else {
      }
      %scan3A_570 = arith.constant 0 : i32
      scf.yield %scan3A_570 : i32
    }
    %scan3A_198 = arith.constant 16 : i32
    %add3A_199 = arith.constant 24000 : i32
    %add3A_200 = arith.addi %mul3A_2, %add3A_199 : i32
    %dma_wait3A_201 = arith.constant 0 : i32
    %dma_wait3A_202 = tpu.memref_slice %arg8[%add3A_200, %dma_wait3A_201] : memref<819200x64xf32, #tpu.memory_space<hbm>> -> memref<400x64xf32, #tpu.memory_space<hbm>>
    %dma_wait3A_203 = arith.constant 0 : i32
    %dma_wait3A_204 = tpu.memref_slice %arg8[%add3A_200, %dma_wait3A_203] : memref<819200x64xf32, #tpu.memory_space<hbm>> -> memref<400x64xf32, #tpu.memory_space<hbm>>
    tpu.wait_dma2 semaphore(%arg23 : memref<!tpu.dma_semaphore, #tpu.memory_space<semaphore_mem>>) src(%arg15 : memref<400x64xf32, #tpu.memory_space<vmem>>) dst(%dma_wait3A_204 : memref<400x64xf32, #tpu.memory_space<hbm>>)
    %add3A_205 = arith.constant 24400 : i32
    %add3A_206 = arith.addi %mul3A_2, %add3A_205 : i32
    %dma_wait3A_207 = arith.constant 0 : i32
    %dma_wait3A_208 = tpu.memref_slice %arg8[%add3A_206, %dma_wait3A_207] : memref<819200x64xf32, #tpu.memory_space<hbm>> -> memref<400x64xf32, #tpu.memory_space<hbm>>
    %dma_wait3A_209 = arith.constant 0 : i32
    %dma_wait3A_210 = tpu.memref_slice %arg8[%add3A_206, %dma_wait3A_209] : memref<819200x64xf32, #tpu.memory_space<hbm>> -> memref<400x64xf32, #tpu.memory_space<hbm>>
    tpu.wait_dma2 semaphore(%arg24 : memref<!tpu.dma_semaphore, #tpu.memory_space<semaphore_mem>>) src(%arg16 : memref<400x64xf32, #tpu.memory_space<vmem>>) dst(%dma_wait3A_210 : memref<400x64xf32, #tpu.memory_space<hbm>>)
    %add3A_211 = arith.constant 24800 : i32
    %add3A_212 = arith.addi %mul3A_2, %add3A_211 : i32
    %dma_wait3A_213 = arith.constant 0 : i32
    %dma_wait3A_214 = tpu.memref_slice %arg8[%add3A_212, %dma_wait3A_213] : memref<819200x64xf32, #tpu.memory_space<hbm>> -> memref<400x64xf32, #tpu.memory_space<hbm>>
    %dma_wait3A_215 = arith.constant 0 : i32
    %dma_wait3A_216 = tpu.memref_slice %arg8[%add3A_212, %dma_wait3A_215] : memref<819200x64xf32, #tpu.memory_space<hbm>> -> memref<400x64xf32, #tpu.memory_space<hbm>>
    tpu.wait_dma2 semaphore(%arg25 : memref<!tpu.dma_semaphore, #tpu.memory_space<semaphore_mem>>) src(%arg17 : memref<400x64xf32, #tpu.memory_space<vmem>>) dst(%dma_wait3A_216 : memref<400x64xf32, #tpu.memory_space<hbm>>)
    %add3A_217 = arith.constant 25200 : i32
    %add3A_218 = arith.addi %mul3A_2, %add3A_217 : i32
    %dma_wait3A_219 = arith.constant 0 : i32
    %dma_wait3A_220 = tpu.memref_slice %arg8[%add3A_218, %dma_wait3A_219] : memref<819200x64xf32, #tpu.memory_space<hbm>> -> memref<400x64xf32, #tpu.memory_space<hbm>>
    %dma_wait3A_221 = arith.constant 0 : i32
    %dma_wait3A_222 = tpu.memref_slice %arg8[%add3A_218, %dma_wait3A_221] : memref<819200x64xf32, #tpu.memory_space<hbm>> -> memref<400x64xf32, #tpu.memory_space<hbm>>
    tpu.wait_dma2 semaphore(%arg26 : memref<!tpu.dma_semaphore, #tpu.memory_space<semaphore_mem>>) src(%arg18 : memref<400x64xf32, #tpu.memory_space<vmem>>) dst(%dma_wait3A_222 : memref<400x64xf32, #tpu.memory_space<hbm>>)
    "tpu.region"() ({
      %run_scoped3A = tpu.sem_alloc : memref<!tpu.dma_semaphore, #tpu.memory_space<semaphore_mem>>
      tpu.enqueue_dma source(%arg5 : memref<200x64xf32, #tpu.memory_space<hbm>>) target(%arg10 : memref<200x64xf32, #tpu.memory_space<vmem>>) target_semaphore(%run_scoped3A : memref<!tpu.dma_semaphore, #tpu.memory_space<semaphore_mem>>)
      tpu.wait_dma2 semaphore(%run_scoped3A : memref<!tpu.dma_semaphore, #tpu.memory_space<semaphore_mem>>) src(%arg5 : memref<200x64xf32, #tpu.memory_space<hbm>>) dst(%arg10 : memref<200x64xf32, #tpu.memory_space<vmem>>)
      tpu.yield
    }) : () -> ()
    %add3A_223 = arith.constant 0 : i32
    %add3A_224 = arith.addi %mul3A_2, %add3A_223 : i32
    %dma_start3A_225 = tpu.memref_slice %arg7[%add3A_224] : memref<819200xi32, #tpu.memory_space<hbm>> -> memref<400xi32, #tpu.memory_space<hbm>>
    %dma_start3A_226 = tpu.memref_slice %arg7[%add3A_224] : memref<819200xi32, #tpu.memory_space<hbm>> -> memref<400xi32, #tpu.memory_space<hbm>>
    tpu.enqueue_dma source(%dma_start3A_226 : memref<400xi32, #tpu.memory_space<hbm>>) target(%arg11 : memref<400xi32, #tpu.memory_space<vmem>>) target_semaphore(%arg27 : memref<!tpu.dma_semaphore, #tpu.memory_space<semaphore_mem>>)
    %add3A_227 = arith.constant 400 : i32
    %add3A_228 = arith.addi %mul3A_2, %add3A_227 : i32
    %dma_start3A_229 = tpu.memref_slice %arg7[%add3A_228] : memref<819200xi32, #tpu.memory_space<hbm>> -> memref<400xi32, #tpu.memory_space<hbm>>
    %dma_start3A_230 = tpu.memref_slice %arg7[%add3A_228] : memref<819200xi32, #tpu.memory_space<hbm>> -> memref<400xi32, #tpu.memory_space<hbm>>
    tpu.enqueue_dma source(%dma_start3A_230 : memref<400xi32, #tpu.memory_space<hbm>>) target(%arg12 : memref<400xi32, #tpu.memory_space<vmem>>) target_semaphore(%arg28 : memref<!tpu.dma_semaphore, #tpu.memory_space<semaphore_mem>>)
    %add3A_231 = arith.constant 800 : i32
    %add3A_232 = arith.addi %mul3A_2, %add3A_231 : i32
    %dma_start3A_233 = tpu.memref_slice %arg7[%add3A_232] : memref<819200xi32, #tpu.memory_space<hbm>> -> memref<400xi32, #tpu.memory_space<hbm>>
    %dma_start3A_234 = tpu.memref_slice %arg7[%add3A_232] : memref<819200xi32, #tpu.memory_space<hbm>> -> memref<400xi32, #tpu.memory_space<hbm>>
    tpu.enqueue_dma source(%dma_start3A_234 : memref<400xi32, #tpu.memory_space<hbm>>) target(%arg13 : memref<400xi32, #tpu.memory_space<vmem>>) target_semaphore(%arg29 : memref<!tpu.dma_semaphore, #tpu.memory_space<semaphore_mem>>)
    %add3A_235 = arith.constant 1200 : i32
    %add3A_236 = arith.addi %mul3A_2, %add3A_235 : i32
    %dma_start3A_237 = tpu.memref_slice %arg7[%add3A_236] : memref<819200xi32, #tpu.memory_space<hbm>> -> memref<400xi32, #tpu.memory_space<hbm>>
    %dma_start3A_238 = tpu.memref_slice %arg7[%add3A_236] : memref<819200xi32, #tpu.memory_space<hbm>> -> memref<400xi32, #tpu.memory_space<hbm>>
    tpu.enqueue_dma source(%dma_start3A_238 : memref<400xi32, #tpu.memory_space<hbm>>) target(%arg14 : memref<400xi32, #tpu.memory_space<vmem>>) target_semaphore(%arg30 : memref<!tpu.dma_semaphore, #tpu.memory_space<semaphore_mem>>)
    %add3A_239 = arith.constant 0 : i32
    %add3A_240 = arith.addi %mul3A_2, %add3A_239 : i32
    %dma_wait3A_241 = tpu.memref_slice %arg7[%add3A_240] : memref<819200xi32, #tpu.memory_space<hbm>> -> memref<400xi32, #tpu.memory_space<hbm>>
    %dma_wait3A_242 = tpu.memref_slice %arg7[%add3A_240] : memref<819200xi32, #tpu.memory_space<hbm>> -> memref<400xi32, #tpu.memory_space<hbm>>
    tpu.wait_dma2 semaphore(%arg27 : memref<!tpu.dma_semaphore, #tpu.memory_space<semaphore_mem>>) src(%dma_wait3A_242 : memref<400xi32, #tpu.memory_space<hbm>>) dst(%arg11 : memref<400xi32, #tpu.memory_space<vmem>>)
    %dma_start3A_243 = arith.constant 0 : i32
    %dma_start3A_244 = arith.constant 0 : i32
    %dma_start3A_245 = tpu.memref_slice %arg15[%dma_start3A_243, %dma_start3A_244] : memref<400x64xf32, #tpu.memory_space<vmem>> -> memref<80x64xf32, #tpu.memory_space<vmem>>
    %dma_start3A_246 = arith.constant 0 : i32
    %dma_start3A_247 = tpu.memref_slice %arg11[%dma_start3A_246] : memref<400xi32, #tpu.memory_space<vmem>> -> memref<80xi32, #tpu.memory_space<vmem>>
    %dma_start3A_248 = arith.constant 0 : i32
    %dma_start3A_249 = arith.constant 0 : i32
    %dma_start3A_250 = tpu.memref_slice %arg3[%dma_start3A_248, %dma_start3A_249] : memref<100000x64xf32, #tpu.memory_space<hbm>> -> memref<100000x64xf32, #tpu.memory_space<hbm>>
    tpu.enqueue_indirect_dma source(%dma_start3A_250 : memref<100000x64xf32, #tpu.memory_space<hbm>>) target(%dma_start3A_245 : memref<80x64xf32, #tpu.memory_space<vmem>>) offsets(%dma_start3A_247 : memref<80xi32, #tpu.memory_space<vmem>>) semaphore(%arg19 : memref<!tpu.dma_semaphore, #tpu.memory_space<semaphore_mem>>)
    %dma_start3A_251 = arith.constant 80 : i32
    %dma_start3A_252 = arith.constant 0 : i32
    %dma_start3A_253 = tpu.memref_slice %arg15[%dma_start3A_251, %dma_start3A_252] : memref<400x64xf32, #tpu.memory_space<vmem>> -> memref<80x64xf32, #tpu.memory_space<vmem>>
    %dma_start3A_254 = arith.constant 80 : i32
    %dma_start3A_255 = tpu.memref_slice %arg11[%dma_start3A_254] : memref<400xi32, #tpu.memory_space<vmem>> -> memref<80xi32, #tpu.memory_space<vmem>>
    %dma_start3A_256 = arith.constant 0 : i32
    %dma_start3A_257 = arith.constant 0 : i32
    %dma_start3A_258 = tpu.memref_slice %arg3[%dma_start3A_256, %dma_start3A_257] : memref<100000x64xf32, #tpu.memory_space<hbm>> -> memref<100000x64xf32, #tpu.memory_space<hbm>>
    tpu.enqueue_indirect_dma source(%dma_start3A_258 : memref<100000x64xf32, #tpu.memory_space<hbm>>) target(%dma_start3A_253 : memref<80x64xf32, #tpu.memory_space<vmem>>) offsets(%dma_start3A_255 : memref<80xi32, #tpu.memory_space<vmem>>) semaphore(%arg19 : memref<!tpu.dma_semaphore, #tpu.memory_space<semaphore_mem>>)
    %dma_start3A_259 = arith.constant 160 : i32
    %dma_start3A_260 = arith.constant 0 : i32
    %dma_start3A_261 = tpu.memref_slice %arg15[%dma_start3A_259, %dma_start3A_260] : memref<400x64xf32, #tpu.memory_space<vmem>> -> memref<80x64xf32, #tpu.memory_space<vmem>>
    %dma_start3A_262 = arith.constant 160 : i32
    %dma_start3A_263 = tpu.memref_slice %arg11[%dma_start3A_262] : memref<400xi32, #tpu.memory_space<vmem>> -> memref<80xi32, #tpu.memory_space<vmem>>
    %dma_start3A_264 = arith.constant 0 : i32
    %dma_start3A_265 = arith.constant 0 : i32
    %dma_start3A_266 = tpu.memref_slice %arg3[%dma_start3A_264, %dma_start3A_265] : memref<100000x64xf32, #tpu.memory_space<hbm>> -> memref<100000x64xf32, #tpu.memory_space<hbm>>
    tpu.enqueue_indirect_dma source(%dma_start3A_266 : memref<100000x64xf32, #tpu.memory_space<hbm>>) target(%dma_start3A_261 : memref<80x64xf32, #tpu.memory_space<vmem>>) offsets(%dma_start3A_263 : memref<80xi32, #tpu.memory_space<vmem>>) semaphore(%arg19 : memref<!tpu.dma_semaphore, #tpu.memory_space<semaphore_mem>>)
    %dma_start3A_267 = arith.constant 240 : i32
    %dma_start3A_268 = arith.constant 0 : i32
    %dma_start3A_269 = tpu.memref_slice %arg15[%dma_start3A_267, %dma_start3A_268] : memref<400x64xf32, #tpu.memory_space<vmem>> -> memref<80x64xf32, #tpu.memory_space<vmem>>
    %dma_start3A_270 = arith.constant 240 : i32
    %dma_start3A_271 = tpu.memref_slice %arg11[%dma_start3A_270] : memref<400xi32, #tpu.memory_space<vmem>> -> memref<80xi32, #tpu.memory_space<vmem>>
    %dma_start3A_272 = arith.constant 0 : i32
    %dma_start3A_273 = arith.constant 0 : i32
    %dma_start3A_274 = tpu.memref_slice %arg3[%dma_start3A_272, %dma_start3A_273] : memref<100000x64xf32, #tpu.memory_space<hbm>> -> memref<100000x64xf32, #tpu.memory_space<hbm>>
    tpu.enqueue_indirect_dma source(%dma_start3A_274 : memref<100000x64xf32, #tpu.memory_space<hbm>>) target(%dma_start3A_269 : memref<80x64xf32, #tpu.memory_space<vmem>>) offsets(%dma_start3A_271 : memref<80xi32, #tpu.memory_space<vmem>>) semaphore(%arg19 : memref<!tpu.dma_semaphore, #tpu.memory_space<semaphore_mem>>)
    %dma_start3A_275 = arith.constant 320 : i32
    %dma_start3A_276 = arith.constant 0 : i32
    %dma_start3A_277 = tpu.memref_slice %arg15[%dma_start3A_275, %dma_start3A_276] : memref<400x64xf32, #tpu.memory_space<vmem>> -> memref<80x64xf32, #tpu.memory_space<vmem>>
    %dma_start3A_278 = arith.constant 320 : i32
    %dma_start3A_279 = tpu.memref_slice %arg11[%dma_start3A_278] : memref<400xi32, #tpu.memory_space<vmem>> -> memref<80xi32, #tpu.memory_space<vmem>>
    %dma_start3A_280 = arith.constant 0 : i32
    %dma_start3A_281 = arith.constant 0 : i32
    %dma_start3A_282 = tpu.memref_slice %arg3[%dma_start3A_280, %dma_start3A_281] : memref<100000x64xf32, #tpu.memory_space<hbm>> -> memref<100000x64xf32, #tpu.memory_space<hbm>>
    tpu.enqueue_indirect_dma source(%dma_start3A_282 : memref<100000x64xf32, #tpu.memory_space<hbm>>) target(%dma_start3A_277 : memref<80x64xf32, #tpu.memory_space<vmem>>) offsets(%dma_start3A_279 : memref<80xi32, #tpu.memory_space<vmem>>) semaphore(%arg19 : memref<!tpu.dma_semaphore, #tpu.memory_space<semaphore_mem>>)
    %add3A_283 = arith.constant 400 : i32
    %add3A_284 = arith.addi %mul3A_2, %add3A_283 : i32
    %dma_wait3A_285 = tpu.memref_slice %arg7[%add3A_284] : memref<819200xi32, #tpu.memory_space<hbm>> -> memref<400xi32, #tpu.memory_space<hbm>>
    %dma_wait3A_286 = tpu.memref_slice %arg7[%add3A_284] : memref<819200xi32, #tpu.memory_space<hbm>> -> memref<400xi32, #tpu.memory_space<hbm>>
    tpu.wait_dma2 semaphore(%arg28 : memref<!tpu.dma_semaphore, #tpu.memory_space<semaphore_mem>>) src(%dma_wait3A_286 : memref<400xi32, #tpu.memory_space<hbm>>) dst(%arg12 : memref<400xi32, #tpu.memory_space<vmem>>)
    %dma_start3A_287 = arith.constant 0 : i32
    %dma_start3A_288 = arith.constant 0 : i32
    %dma_start3A_289 = tpu.memref_slice %arg16[%dma_start3A_287, %dma_start3A_288] : memref<400x64xf32, #tpu.memory_space<vmem>> -> memref<80x64xf32, #tpu.memory_space<vmem>>
    %dma_start3A_290 = arith.constant 0 : i32
    %dma_start3A_291 = tpu.memref_slice %arg12[%dma_start3A_290] : memref<400xi32, #tpu.memory_space<vmem>> -> memref<80xi32, #tpu.memory_space<vmem>>
    %dma_start3A_292 = arith.constant 0 : i32
    %dma_start3A_293 = arith.constant 0 : i32
    %dma_start3A_294 = tpu.memref_slice %arg3[%dma_start3A_292, %dma_start3A_293] : memref<100000x64xf32, #tpu.memory_space<hbm>> -> memref<100000x64xf32, #tpu.memory_space<hbm>>
    tpu.enqueue_indirect_dma source(%dma_start3A_294 : memref<100000x64xf32, #tpu.memory_space<hbm>>) target(%dma_start3A_289 : memref<80x64xf32, #tpu.memory_space<vmem>>) offsets(%dma_start3A_291 : memref<80xi32, #tpu.memory_space<vmem>>) semaphore(%arg20 : memref<!tpu.dma_semaphore, #tpu.memory_space<semaphore_mem>>)
    %dma_start3A_295 = arith.constant 80 : i32
    %dma_start3A_296 = arith.constant 0 : i32
    %dma_start3A_297 = tpu.memref_slice %arg16[%dma_start3A_295, %dma_start3A_296] : memref<400x64xf32, #tpu.memory_space<vmem>> -> memref<80x64xf32, #tpu.memory_space<vmem>>
    %dma_start3A_298 = arith.constant 80 : i32
    %dma_start3A_299 = tpu.memref_slice %arg12[%dma_start3A_298] : memref<400xi32, #tpu.memory_space<vmem>> -> memref<80xi32, #tpu.memory_space<vmem>>
    %dma_start3A_300 = arith.constant 0 : i32
    %dma_start3A_301 = arith.constant 0 : i32
    %dma_start3A_302 = tpu.memref_slice %arg3[%dma_start3A_300, %dma_start3A_301] : memref<100000x64xf32, #tpu.memory_space<hbm>> -> memref<100000x64xf32, #tpu.memory_space<hbm>>
    tpu.enqueue_indirect_dma source(%dma_start3A_302 : memref<100000x64xf32, #tpu.memory_space<hbm>>) target(%dma_start3A_297 : memref<80x64xf32, #tpu.memory_space<vmem>>) offsets(%dma_start3A_299 : memref<80xi32, #tpu.memory_space<vmem>>) semaphore(%arg20 : memref<!tpu.dma_semaphore, #tpu.memory_space<semaphore_mem>>)
    %dma_start3A_303 = arith.constant 160 : i32
    %dma_start3A_304 = arith.constant 0 : i32
    %dma_start3A_305 = tpu.memref_slice %arg16[%dma_start3A_303, %dma_start3A_304] : memref<400x64xf32, #tpu.memory_space<vmem>> -> memref<80x64xf32, #tpu.memory_space<vmem>>
    %dma_start3A_306 = arith.constant 160 : i32
    %dma_start3A_307 = tpu.memref_slice %arg12[%dma_start3A_306] : memref<400xi32, #tpu.memory_space<vmem>> -> memref<80xi32, #tpu.memory_space<vmem>>
    %dma_start3A_308 = arith.constant 0 : i32
    %dma_start3A_309 = arith.constant 0 : i32
    %dma_start3A_310 = tpu.memref_slice %arg3[%dma_start3A_308, %dma_start3A_309] : memref<100000x64xf32, #tpu.memory_space<hbm>> -> memref<100000x64xf32, #tpu.memory_space<hbm>>
    tpu.enqueue_indirect_dma source(%dma_start3A_310 : memref<100000x64xf32, #tpu.memory_space<hbm>>) target(%dma_start3A_305 : memref<80x64xf32, #tpu.memory_space<vmem>>) offsets(%dma_start3A_307 : memref<80xi32, #tpu.memory_space<vmem>>) semaphore(%arg20 : memref<!tpu.dma_semaphore, #tpu.memory_space<semaphore_mem>>)
    %dma_start3A_311 = arith.constant 240 : i32
    %dma_start3A_312 = arith.constant 0 : i32
    %dma_start3A_313 = tpu.memref_slice %arg16[%dma_start3A_311, %dma_start3A_312] : memref<400x64xf32, #tpu.memory_space<vmem>> -> memref<80x64xf32, #tpu.memory_space<vmem>>
    %dma_start3A_314 = arith.constant 240 : i32
    %dma_start3A_315 = tpu.memref_slice %arg12[%dma_start3A_314] : memref<400xi32, #tpu.memory_space<vmem>> -> memref<80xi32, #tpu.memory_space<vmem>>
    %dma_start3A_316 = arith.constant 0 : i32
    %dma_start3A_317 = arith.constant 0 : i32
    %dma_start3A_318 = tpu.memref_slice %arg3[%dma_start3A_316, %dma_start3A_317] : memref<100000x64xf32, #tpu.memory_space<hbm>> -> memref<100000x64xf32, #tpu.memory_space<hbm>>
    tpu.enqueue_indirect_dma source(%dma_start3A_318 : memref<100000x64xf32, #tpu.memory_space<hbm>>) target(%dma_start3A_313 : memref<80x64xf32, #tpu.memory_space<vmem>>) offsets(%dma_start3A_315 : memref<80xi32, #tpu.memory_space<vmem>>) semaphore(%arg20 : memref<!tpu.dma_semaphore, #tpu.memory_space<semaphore_mem>>)
    %dma_start3A_319 = arith.constant 320 : i32
    %dma_start3A_320 = arith.constant 0 : i32
    %dma_start3A_321 = tpu.memref_slice %arg16[%dma_start3A_319, %dma_start3A_320] : memref<400x64xf32, #tpu.memory_space<vmem>> -> memref<80x64xf32, #tpu.memory_space<vmem>>
    %dma_start3A_322 = arith.constant 320 : i32
    %dma_start3A_323 = tpu.memref_slice %arg12[%dma_start3A_322] : memref<400xi32, #tpu.memory_space<vmem>> -> memref<80xi32, #tpu.memory_space<vmem>>
    %dma_start3A_324 = arith.constant 0 : i32
    %dma_start3A_325 = arith.constant 0 : i32
    %dma_start3A_326 = tpu.memref_slice %arg3[%dma_start3A_324, %dma_start3A_325] : memref<100000x64xf32, #tpu.memory_space<hbm>> -> memref<100000x64xf32, #tpu.memory_space<hbm>>
    tpu.enqueue_indirect_dma source(%dma_start3A_326 : memref<100000x64xf32, #tpu.memory_space<hbm>>) target(%dma_start3A_321 : memref<80x64xf32, #tpu.memory_space<vmem>>) offsets(%dma_start3A_323 : memref<80xi32, #tpu.memory_space<vmem>>) semaphore(%arg20 : memref<!tpu.dma_semaphore, #tpu.memory_space<semaphore_mem>>)
    %add3A_327 = arith.constant 800 : i32
    %add3A_328 = arith.addi %mul3A_2, %add3A_327 : i32
    %dma_wait3A_329 = tpu.memref_slice %arg7[%add3A_328] : memref<819200xi32, #tpu.memory_space<hbm>> -> memref<400xi32, #tpu.memory_space<hbm>>
    %dma_wait3A_330 = tpu.memref_slice %arg7[%add3A_328] : memref<819200xi32, #tpu.memory_space<hbm>> -> memref<400xi32, #tpu.memory_space<hbm>>
    tpu.wait_dma2 semaphore(%arg29 : memref<!tpu.dma_semaphore, #tpu.memory_space<semaphore_mem>>) src(%dma_wait3A_330 : memref<400xi32, #tpu.memory_space<hbm>>) dst(%arg13 : memref<400xi32, #tpu.memory_space<vmem>>)
    %dma_start3A_331 = arith.constant 0 : i32
    %dma_start3A_332 = arith.constant 0 : i32
    %dma_start3A_333 = tpu.memref_slice %arg17[%dma_start3A_331, %dma_start3A_332] : memref<400x64xf32, #tpu.memory_space<vmem>> -> memref<80x64xf32, #tpu.memory_space<vmem>>
    %dma_start3A_334 = arith.constant 0 : i32
    %dma_start3A_335 = tpu.memref_slice %arg13[%dma_start3A_334] : memref<400xi32, #tpu.memory_space<vmem>> -> memref<80xi32, #tpu.memory_space<vmem>>
    %dma_start3A_336 = arith.constant 0 : i32
    %dma_start3A_337 = arith.constant 0 : i32
    %dma_start3A_338 = tpu.memref_slice %arg3[%dma_start3A_336, %dma_start3A_337] : memref<100000x64xf32, #tpu.memory_space<hbm>> -> memref<100000x64xf32, #tpu.memory_space<hbm>>
    tpu.enqueue_indirect_dma source(%dma_start3A_338 : memref<100000x64xf32, #tpu.memory_space<hbm>>) target(%dma_start3A_333 : memref<80x64xf32, #tpu.memory_space<vmem>>) offsets(%dma_start3A_335 : memref<80xi32, #tpu.memory_space<vmem>>) semaphore(%arg21 : memref<!tpu.dma_semaphore, #tpu.memory_space<semaphore_mem>>)
    %dma_start3A_339 = arith.constant 80 : i32
    %dma_start3A_340 = arith.constant 0 : i32
    %dma_start3A_341 = tpu.memref_slice %arg17[%dma_start3A_339, %dma_start3A_340] : memref<400x64xf32, #tpu.memory_space<vmem>> -> memref<80x64xf32, #tpu.memory_space<vmem>>
    %dma_start3A_342 = arith.constant 80 : i32
    %dma_start3A_343 = tpu.memref_slice %arg13[%dma_start3A_342] : memref<400xi32, #tpu.memory_space<vmem>> -> memref<80xi32, #tpu.memory_space<vmem>>
    %dma_start3A_344 = arith.constant 0 : i32
    %dma_start3A_345 = arith.constant 0 : i32
    %dma_start3A_346 = tpu.memref_slice %arg3[%dma_start3A_344, %dma_start3A_345] : memref<100000x64xf32, #tpu.memory_space<hbm>> -> memref<100000x64xf32, #tpu.memory_space<hbm>>
    tpu.enqueue_indirect_dma source(%dma_start3A_346 : memref<100000x64xf32, #tpu.memory_space<hbm>>) target(%dma_start3A_341 : memref<80x64xf32, #tpu.memory_space<vmem>>) offsets(%dma_start3A_343 : memref<80xi32, #tpu.memory_space<vmem>>) semaphore(%arg21 : memref<!tpu.dma_semaphore, #tpu.memory_space<semaphore_mem>>)
    %dma_start3A_347 = arith.constant 160 : i32
    %dma_start3A_348 = arith.constant 0 : i32
    %dma_start3A_349 = tpu.memref_slice %arg17[%dma_start3A_347, %dma_start3A_348] : memref<400x64xf32, #tpu.memory_space<vmem>> -> memref<80x64xf32, #tpu.memory_space<vmem>>
    %dma_start3A_350 = arith.constant 160 : i32
    %dma_start3A_351 = tpu.memref_slice %arg13[%dma_start3A_350] : memref<400xi32, #tpu.memory_space<vmem>> -> memref<80xi32, #tpu.memory_space<vmem>>
    %dma_start3A_352 = arith.constant 0 : i32
    %dma_start3A_353 = arith.constant 0 : i32
    %dma_start3A_354 = tpu.memref_slice %arg3[%dma_start3A_352, %dma_start3A_353] : memref<100000x64xf32, #tpu.memory_space<hbm>> -> memref<100000x64xf32, #tpu.memory_space<hbm>>
    tpu.enqueue_indirect_dma source(%dma_start3A_354 : memref<100000x64xf32, #tpu.memory_space<hbm>>) target(%dma_start3A_349 : memref<80x64xf32, #tpu.memory_space<vmem>>) offsets(%dma_start3A_351 : memref<80xi32, #tpu.memory_space<vmem>>) semaphore(%arg21 : memref<!tpu.dma_semaphore, #tpu.memory_space<semaphore_mem>>)
    %dma_start3A_355 = arith.constant 240 : i32
    %dma_start3A_356 = arith.constant 0 : i32
    %dma_start3A_357 = tpu.memref_slice %arg17[%dma_start3A_355, %dma_start3A_356] : memref<400x64xf32, #tpu.memory_space<vmem>> -> memref<80x64xf32, #tpu.memory_space<vmem>>
    %dma_start3A_358 = arith.constant 240 : i32
    %dma_start3A_359 = tpu.memref_slice %arg13[%dma_start3A_358] : memref<400xi32, #tpu.memory_space<vmem>> -> memref<80xi32, #tpu.memory_space<vmem>>
    %dma_start3A_360 = arith.constant 0 : i32
    %dma_start3A_361 = arith.constant 0 : i32
    %dma_start3A_362 = tpu.memref_slice %arg3[%dma_start3A_360, %dma_start3A_361] : memref<100000x64xf32, #tpu.memory_space<hbm>> -> memref<100000x64xf32, #tpu.memory_space<hbm>>
    tpu.enqueue_indirect_dma source(%dma_start3A_362 : memref<100000x64xf32, #tpu.memory_space<hbm>>) target(%dma_start3A_357 : memref<80x64xf32, #tpu.memory_space<vmem>>) offsets(%dma_start3A_359 : memref<80xi32, #tpu.memory_space<vmem>>) semaphore(%arg21 : memref<!tpu.dma_semaphore, #tpu.memory_space<semaphore_mem>>)
    %dma_start3A_363 = arith.constant 320 : i32
    %dma_start3A_364 = arith.constant 0 : i32
    %dma_start3A_365 = tpu.memref_slice %arg17[%dma_start3A_363, %dma_start3A_364] : memref<400x64xf32, #tpu.memory_space<vmem>> -> memref<80x64xf32, #tpu.memory_space<vmem>>
    %dma_start3A_366 = arith.constant 320 : i32
    %dma_start3A_367 = tpu.memref_slice %arg13[%dma_start3A_366] : memref<400xi32, #tpu.memory_space<vmem>> -> memref<80xi32, #tpu.memory_space<vmem>>
    %dma_start3A_368 = arith.constant 0 : i32
    %dma_start3A_369 = arith.constant 0 : i32
    %dma_start3A_370 = tpu.memref_slice %arg3[%dma_start3A_368, %dma_start3A_369] : memref<100000x64xf32, #tpu.memory_space<hbm>> -> memref<100000x64xf32, #tpu.memory_space<hbm>>
    tpu.enqueue_indirect_dma source(%dma_start3A_370 : memref<100000x64xf32, #tpu.memory_space<hbm>>) target(%dma_start3A_365 : memref<80x64xf32, #tpu.memory_space<vmem>>) offsets(%dma_start3A_367 : memref<80xi32, #tpu.memory_space<vmem>>) semaphore(%arg21 : memref<!tpu.dma_semaphore, #tpu.memory_space<semaphore_mem>>)
    %add3A_371 = arith.constant 1200 : i32
    %add3A_372 = arith.addi %mul3A_2, %add3A_371 : i32
    %dma_wait3A_373 = tpu.memref_slice %arg7[%add3A_372] : memref<819200xi32, #tpu.memory_space<hbm>> -> memref<400xi32, #tpu.memory_space<hbm>>
    %dma_wait3A_374 = tpu.memref_slice %arg7[%add3A_372] : memref<819200xi32, #tpu.memory_space<hbm>> -> memref<400xi32, #tpu.memory_space<hbm>>
    tpu.wait_dma2 semaphore(%arg30 : memref<!tpu.dma_semaphore, #tpu.memory_space<semaphore_mem>>) src(%dma_wait3A_374 : memref<400xi32, #tpu.memory_space<hbm>>) dst(%arg14 : memref<400xi32, #tpu.memory_space<vmem>>)
    %dma_start3A_375 = arith.constant 0 : i32
    %dma_start3A_376 = arith.constant 0 : i32
    %dma_start3A_377 = tpu.memref_slice %arg18[%dma_start3A_375, %dma_start3A_376] : memref<400x64xf32, #tpu.memory_space<vmem>> -> memref<80x64xf32, #tpu.memory_space<vmem>>
    %dma_start3A_378 = arith.constant 0 : i32
    %dma_start3A_379 = tpu.memref_slice %arg14[%dma_start3A_378] : memref<400xi32, #tpu.memory_space<vmem>> -> memref<80xi32, #tpu.memory_space<vmem>>
    %dma_start3A_380 = arith.constant 0 : i32
    %dma_start3A_381 = arith.constant 0 : i32
    %dma_start3A_382 = tpu.memref_slice %arg3[%dma_start3A_380, %dma_start3A_381] : memref<100000x64xf32, #tpu.memory_space<hbm>> -> memref<100000x64xf32, #tpu.memory_space<hbm>>
    tpu.enqueue_indirect_dma source(%dma_start3A_382 : memref<100000x64xf32, #tpu.memory_space<hbm>>) target(%dma_start3A_377 : memref<80x64xf32, #tpu.memory_space<vmem>>) offsets(%dma_start3A_379 : memref<80xi32, #tpu.memory_space<vmem>>) semaphore(%arg22 : memref<!tpu.dma_semaphore, #tpu.memory_space<semaphore_mem>>)
    %dma_start3A_383 = arith.constant 80 : i32
    %dma_start3A_384 = arith.constant 0 : i32
    %dma_start3A_385 = tpu.memref_slice %arg18[%dma_start3A_383, %dma_start3A_384] : memref<400x64xf32, #tpu.memory_space<vmem>> -> memref<80x64xf32, #tpu.memory_space<vmem>>
    %dma_start3A_386 = arith.constant 80 : i32
    %dma_start3A_387 = tpu.memref_slice %arg14[%dma_start3A_386] : memref<400xi32, #tpu.memory_space<vmem>> -> memref<80xi32, #tpu.memory_space<vmem>>
    %dma_start3A_388 = arith.constant 0 : i32
    %dma_start3A_389 = arith.constant 0 : i32
    %dma_start3A_390 = tpu.memref_slice %arg3[%dma_start3A_388, %dma_start3A_389] : memref<100000x64xf32, #tpu.memory_space<hbm>> -> memref<100000x64xf32, #tpu.memory_space<hbm>>
    tpu.enqueue_indirect_dma source(%dma_start3A_390 : memref<100000x64xf32, #tpu.memory_space<hbm>>) target(%dma_start3A_385 : memref<80x64xf32, #tpu.memory_space<vmem>>) offsets(%dma_start3A_387 : memref<80xi32, #tpu.memory_space<vmem>>) semaphore(%arg22 : memref<!tpu.dma_semaphore, #tpu.memory_space<semaphore_mem>>)
    %dma_start3A_391 = arith.constant 160 : i32
    %dma_start3A_392 = arith.constant 0 : i32
    %dma_start3A_393 = tpu.memref_slice %arg18[%dma_start3A_391, %dma_start3A_392] : memref<400x64xf32, #tpu.memory_space<vmem>> -> memref<80x64xf32, #tpu.memory_space<vmem>>
    %dma_start3A_394 = arith.constant 160 : i32
    %dma_start3A_395 = tpu.memref_slice %arg14[%dma_start3A_394] : memref<400xi32, #tpu.memory_space<vmem>> -> memref<80xi32, #tpu.memory_space<vmem>>
    %dma_start3A_396 = arith.constant 0 : i32
    %dma_start3A_397 = arith.constant 0 : i32
    %dma_start3A_398 = tpu.memref_slice %arg3[%dma_start3A_396, %dma_start3A_397] : memref<100000x64xf32, #tpu.memory_space<hbm>> -> memref<100000x64xf32, #tpu.memory_space<hbm>>
    tpu.enqueue_indirect_dma source(%dma_start3A_398 : memref<100000x64xf32, #tpu.memory_space<hbm>>) target(%dma_start3A_393 : memref<80x64xf32, #tpu.memory_space<vmem>>) offsets(%dma_start3A_395 : memref<80xi32, #tpu.memory_space<vmem>>) semaphore(%arg22 : memref<!tpu.dma_semaphore, #tpu.memory_space<semaphore_mem>>)
    %dma_start3A_399 = arith.constant 240 : i32
    %dma_start3A_400 = arith.constant 0 : i32
    %dma_start3A_401 = tpu.memref_slice %arg18[%dma_start3A_399, %dma_start3A_400] : memref<400x64xf32, #tpu.memory_space<vmem>> -> memref<80x64xf32, #tpu.memory_space<vmem>>
    %dma_start3A_402 = arith.constant 240 : i32
    %dma_start3A_403 = tpu.memref_slice %arg14[%dma_start3A_402] : memref<400xi32, #tpu.memory_space<vmem>> -> memref<80xi32, #tpu.memory_space<vmem>>
    %dma_start3A_404 = arith.constant 0 : i32
    %dma_start3A_405 = arith.constant 0 : i32
    %dma_start3A_406 = tpu.memref_slice %arg3[%dma_start3A_404, %dma_start3A_405] : memref<100000x64xf32, #tpu.memory_space<hbm>> -> memref<100000x64xf32, #tpu.memory_space<hbm>>
    tpu.enqueue_indirect_dma source(%dma_start3A_406 : memref<100000x64xf32, #tpu.memory_space<hbm>>) target(%dma_start3A_401 : memref<80x64xf32, #tpu.memory_space<vmem>>) offsets(%dma_start3A_403 : memref<80xi32, #tpu.memory_space<vmem>>) semaphore(%arg22 : memref<!tpu.dma_semaphore, #tpu.memory_space<semaphore_mem>>)
    %dma_start3A_407 = arith.constant 320 : i32
    %dma_start3A_408 = arith.constant 0 : i32
    %dma_start3A_409 = tpu.memref_slice %arg18[%dma_start3A_407, %dma_start3A_408] : memref<400x64xf32, #tpu.memory_space<vmem>> -> memref<80x64xf32, #tpu.memory_space<vmem>>
    %dma_start3A_410 = arith.constant 320 : i32
    %dma_start3A_411 = tpu.memref_slice %arg14[%dma_start3A_410] : memref<400xi32, #tpu.memory_space<vmem>> -> memref<80xi32, #tpu.memory_space<vmem>>
    %dma_start3A_412 = arith.constant 0 : i32
    %dma_start3A_413 = arith.constant 0 : i32
    %dma_start3A_414 = tpu.memref_slice %arg3[%dma_start3A_412, %dma_start3A_413] : memref<100000x64xf32, #tpu.memory_space<hbm>> -> memref<100000x64xf32, #tpu.memory_space<hbm>>
    tpu.enqueue_indirect_dma source(%dma_start3A_414 : memref<100000x64xf32, #tpu.memory_space<hbm>>) target(%dma_start3A_409 : memref<80x64xf32, #tpu.memory_space<vmem>>) offsets(%dma_start3A_411 : memref<80xi32, #tpu.memory_space<vmem>>) semaphore(%arg22 : memref<!tpu.dma_semaphore, #tpu.memory_space<semaphore_mem>>)
    %scan3A_415 = arith.constant 0 : i32
    %scan3A_416 = arith.constant 0 : i32
    %scan3A_417 = arith.constant 16 : i32
    %scan3A_418 = arith.addi %scan3A_416, %scan3A_417 : i32
    %scan3A_419 = arith.constant 1 : i32
    %scan3A_420 = scf.for %scan3A_446 = %scan3A_416 to %scan3A_418 step %scan3A_419 iter_args(%scan3A_447 = %scan3A_415) -> (i32)  : i32 {
      %mul3A_448 = arith.constant 4 : i32
      %mul3A_449 = arith.muli %mul3A_448, %scan3A_446 : i32
      %add3A_450 = arith.constant 0 : i32
      %add3A_451 = arith.addi %mul3A_449, %add3A_450 : i32
      %mul3A_452 = arith.constant 400 : i32
      %mul3A_453 = arith.muli %add3A_451, %mul3A_452 : i32
      %add3A_454 = arith.addi %mul3A_2, %mul3A_453 : i32
      %dma_wait3A_455 = arith.constant 0 : i32
      %dma_wait3A_456 = tpu.memref_slice %arg9[%add3A_454, %dma_wait3A_455] : memref<819200x64xf32, #tpu.memory_space<hbm>> -> memref<400x64xf32, #tpu.memory_space<hbm>>
      %dma_wait3A_457 = arith.constant 0 : i32
      %dma_wait3A_458 = tpu.memref_slice %arg9[%add3A_454, %dma_wait3A_457] : memref<819200x64xf32, #tpu.memory_space<hbm>> -> memref<400x64xf32, #tpu.memory_space<hbm>>
      tpu.wait_dma2 semaphore(%arg19 : memref<!tpu.dma_semaphore, #tpu.memory_space<semaphore_mem>>) src(%dma_wait3A_458 : memref<400x64xf32, #tpu.memory_space<hbm>>) dst(%arg15 : memref<400x64xf32, #tpu.memory_space<vmem>>)
      %lt3A = arith.constant 15 : i32
      %lt3A_459 = arith.cmpi slt, %scan3A_446, %lt3A : i32
      %convert_element_type3A = arith.extui %lt3A_459 : i1 to i32
      %cond3A = arith.constant 0 : i32
      %cond3A_460 = arith.cmpi ne, %convert_element_type3A, %cond3A : i32
      scf.if %cond3A_460 {
        %add3A_571 = arith.constant 4 : i32
        %add3A_572 = arith.addi %add3A_451, %add3A_571 : i32
        %mul3A_573 = arith.constant 400 : i32
        %mul3A_574 = arith.muli %add3A_572, %mul3A_573 : i32
        %add3A_575 = arith.addi %mul3A_2, %mul3A_574 : i32
        %dma_start3A_576 = tpu.memref_slice %arg7[%add3A_575] : memref<819200xi32, #tpu.memory_space<hbm>> -> memref<400xi32, #tpu.memory_space<hbm>>
        %dma_start3A_577 = tpu.memref_slice %arg7[%add3A_575] : memref<819200xi32, #tpu.memory_space<hbm>> -> memref<400xi32, #tpu.memory_space<hbm>>
        tpu.enqueue_dma source(%dma_start3A_577 : memref<400xi32, #tpu.memory_space<hbm>>) target(%arg11 : memref<400xi32, #tpu.memory_space<vmem>>) target_semaphore(%arg27 : memref<!tpu.dma_semaphore, #tpu.memory_space<semaphore_mem>>)
      } else {
      }
      %scan3A_461 = arith.constant 0 : i32
      %scan3A_462 = arith.constant 0 : i32
      %scan3A_463 = arith.constant 200 : i32
      %scan3A_464 = arith.addi %scan3A_462, %scan3A_463 : i32
      %scan3A_465 = arith.constant 1 : i32
      %scan3A_466 = scf.for %scan3A_571 = %scan3A_462 to %scan3A_464 step %scan3A_465 iter_args(%scan3A_572 = %scan3A_461) -> (i32)  : i32 {
        %get3A = arith.index_cast %scan3A_571 : i32 to index
        %get3A_573 = arith.constant 0 : index
        %get3A_574 = tpu.vector_load %arg10[%get3A, %get3A_573] {strides = array<i32>} : memref<200x64xf32, #tpu.memory_space<vmem>>, vector<1x16xf32>,
        %get3A_575 = vector.shape_cast %get3A_574 : vector<1x16xf32> to vector<16xf32>
        %add3A_576 = arith.constant 0 : i32
        %add3A_577 = arith.addi %add3A_576, %scan3A_571 : i32
        %get3A_578 = arith.index_cast %add3A_577 : i32 to index
        %get3A_579 = arith.constant 0 : index
        %get3A_580 = tpu.vector_load %arg15[%get3A_578, %get3A_579] {strides = array<i32>} : memref<400x64xf32, #tpu.memory_space<vmem>>, vector<1x16xf32>,
        %get3A_581 = vector.shape_cast %get3A_580 : vector<1x16xf32> to vector<16xf32>
        %add3A_582 = arith.addf %get3A_581, %get3A_575 : vector<16xf32>
        %swap3A = arith.index_cast %add3A_577 : i32 to index
        %swap3A_583 = arith.constant 0 : index
        %swap3A_584 = tpu.vector_load %arg15[%swap3A, %swap3A_583] {strides = array<i32>} : memref<400x64xf32, #tpu.memory_space<vmem>>, vector<1x16xf32>,
        %swap3A_585 = vector.shape_cast %swap3A_584 : vector<1x16xf32> to vector<16xf32>
        %swap3A_586 = vector.shape_cast %add3A_582 : vector<16xf32> to vector<1x16xf32>
        tpu.vector_store %arg15[%swap3A, %swap3A_583], %swap3A_586 {strides = array<i32>} : memref<400x64xf32, #tpu.memory_space<vmem>>, vector<1x16xf32>,
        %add3A_587 = arith.constant 200 : i32
        %add3A_588 = arith.addi %add3A_587, %scan3A_571 : i32
        %get3A_589 = arith.index_cast %add3A_588 : i32 to index
        %get3A_590 = arith.constant 0 : index
        %get3A_591 = tpu.vector_load %arg15[%get3A_589, %get3A_590] {strides = array<i32>} : memref<400x64xf32, #tpu.memory_space<vmem>>, vector<1x16xf32>,
        %get3A_592 = vector.shape_cast %get3A_591 : vector<1x16xf32> to vector<16xf32>
        %add3A_593 = arith.addf %get3A_592, %get3A_575 : vector<16xf32>
        %swap3A_594 = arith.index_cast %add3A_588 : i32 to index
        %swap3A_595 = arith.constant 0 : index
        %swap3A_596 = tpu.vector_load %arg15[%swap3A_594, %swap3A_595] {strides = array<i32>} : memref<400x64xf32, #tpu.memory_space<vmem>>, vector<1x16xf32>,
        %swap3A_597 = vector.shape_cast %swap3A_596 : vector<1x16xf32> to vector<16xf32>
        %swap3A_598 = vector.shape_cast %add3A_593 : vector<16xf32> to vector<1x16xf32>
        tpu.vector_store %arg15[%swap3A_594, %swap3A_595], %swap3A_598 {strides = array<i32>} : memref<400x64xf32, #tpu.memory_space<vmem>>, vector<1x16xf32>,
        %get3A_599 = arith.index_cast %scan3A_571 : i32 to index
        %get3A_600 = arith.constant 16 : index
        %get3A_601 = tpu.vector_load %arg10[%get3A_599, %get3A_600] {strides = array<i32>} : memref<200x64xf32, #tpu.memory_space<vmem>>, vector<1x16xf32>,
        %get3A_602 = vector.shape_cast %get3A_601 : vector<1x16xf32> to vector<16xf32>
        %add3A_603 = arith.constant 0 : i32
        %add3A_604 = arith.addi %add3A_603, %scan3A_571 : i32
        %get3A_605 = arith.index_cast %add3A_604 : i32 to index
        %get3A_606 = arith.constant 16 : index
        %get3A_607 = tpu.vector_load %arg15[%get3A_605, %get3A_606] {strides = array<i32>} : memref<400x64xf32, #tpu.memory_space<vmem>>, vector<1x16xf32>,
        %get3A_608 = vector.shape_cast %get3A_607 : vector<1x16xf32> to vector<16xf32>
        %add3A_609 = arith.addf %get3A_608, %get3A_602 : vector<16xf32>
        %swap3A_610 = arith.index_cast %add3A_604 : i32 to index
        %swap3A_611 = arith.constant 16 : index
        %swap3A_612 = tpu.vector_load %arg15[%swap3A_610, %swap3A_611] {strides = array<i32>} : memref<400x64xf32, #tpu.memory_space<vmem>>, vector<1x16xf32>,
        %swap3A_613 = vector.shape_cast %swap3A_612 : vector<1x16xf32> to vector<16xf32>
        %swap3A_614 = vector.shape_cast %add3A_609 : vector<16xf32> to vector<1x16xf32>
        tpu.vector_store %arg15[%swap3A_610, %swap3A_611], %swap3A_614 {strides = array<i32>} : memref<400x64xf32, #tpu.memory_space<vmem>>, vector<1x16xf32>,
        %add3A_615 = arith.constant 200 : i32
        %add3A_616 = arith.addi %add3A_615, %scan3A_571 : i32
        %get3A_617 = arith.index_cast %add3A_616 : i32 to index
        %get3A_618 = arith.constant 16 : index
        %get3A_619 = tpu.vector_load %arg15[%get3A_617, %get3A_618] {strides = array<i32>} : memref<400x64xf32, #tpu.memory_space<vmem>>, vector<1x16xf32>,
        %get3A_620 = vector.shape_cast %get3A_619 : vector<1x16xf32> to vector<16xf32>
        %add3A_621 = arith.addf %get3A_620, %get3A_602 : vector<16xf32>
        %swap3A_622 = arith.index_cast %add3A_616 : i32 to index
        %swap3A_623 = arith.constant 16 : index
        %swap3A_624 = tpu.vector_load %arg15[%swap3A_622, %swap3A_623] {strides = array<i32>} : memref<400x64xf32, #tpu.memory_space<vmem>>, vector<1x16xf32>,
        %swap3A_625 = vector.shape_cast %swap3A_624 : vector<1x16xf32> to vector<16xf32>
        %swap3A_626 = vector.shape_cast %add3A_621 : vector<16xf32> to vector<1x16xf32>
        tpu.vector_store %arg15[%swap3A_622, %swap3A_623], %swap3A_626 {strides = array<i32>} : memref<400x64xf32, #tpu.memory_space<vmem>>, vector<1x16xf32>,
        %get3A_627 = arith.index_cast %scan3A_571 : i32 to index
        %get3A_628 = arith.constant 32 : index
        %get3A_629 = tpu.vector_load %arg10[%get3A_627, %get3A_628] {strides = array<i32>} : memref<200x64xf32, #tpu.memory_space<vmem>>, vector<1x16xf32>,
        %get3A_630 = vector.shape_cast %get3A_629 : vector<1x16xf32> to vector<16xf32>
        %add3A_631 = arith.constant 0 : i32
        %add3A_632 = arith.addi %add3A_631, %scan3A_571 : i32
        %get3A_633 = arith.index_cast %add3A_632 : i32 to index
        %get3A_634 = arith.constant 32 : index
        %get3A_635 = tpu.vector_load %arg15[%get3A_633, %get3A_634] {strides = array<i32>} : memref<400x64xf32, #tpu.memory_space<vmem>>, vector<1x16xf32>,
        %get3A_636 = vector.shape_cast %get3A_635 : vector<1x16xf32> to vector<16xf32>
        %add3A_637 = arith.addf %get3A_636, %get3A_630 : vector<16xf32>
        %swap3A_638 = arith.index_cast %add3A_632 : i32 to index
        %swap3A_639 = arith.constant 32 : index
        %swap3A_640 = tpu.vector_load %arg15[%swap3A_638, %swap3A_639] {strides = array<i32>} : memref<400x64xf32, #tpu.memory_space<vmem>>, vector<1x16xf32>,
        %swap3A_641 = vector.shape_cast %swap3A_640 : vector<1x16xf32> to vector<16xf32>
        %swap3A_642 = vector.shape_cast %add3A_637 : vector<16xf32> to vector<1x16xf32>
        tpu.vector_store %arg15[%swap3A_638, %swap3A_639], %swap3A_642 {strides = array<i32>} : memref<400x64xf32, #tpu.memory_space<vmem>>, vector<1x16xf32>,
        %add3A_643 = arith.constant 200 : i32
        %add3A_644 = arith.addi %add3A_643, %scan3A_571 : i32
        %get3A_645 = arith.index_cast %add3A_644 : i32 to index
        %get3A_646 = arith.constant 32 : index
        %get3A_647 = tpu.vector_load %arg15[%get3A_645, %get3A_646] {strides = array<i32>} : memref<400x64xf32, #tpu.memory_space<vmem>>, vector<1x16xf32>,
        %get3A_648 = vector.shape_cast %get3A_647 : vector<1x16xf32> to vector<16xf32>
        %add3A_649 = arith.addf %get3A_648, %get3A_630 : vector<16xf32>
        %swap3A_650 = arith.index_cast %add3A_644 : i32 to index
        %swap3A_651 = arith.constant 32 : index
        %swap3A_652 = tpu.vector_load %arg15[%swap3A_650, %swap3A_651] {strides = array<i32>} : memref<400x64xf32, #tpu.memory_space<vmem>>, vector<1x16xf32>,
        %swap3A_653 = vector.shape_cast %swap3A_652 : vector<1x16xf32> to vector<16xf32>
        %swap3A_654 = vector.shape_cast %add3A_649 : vector<16xf32> to vector<1x16xf32>
        tpu.vector_store %arg15[%swap3A_650, %swap3A_651], %swap3A_654 {strides = array<i32>} : memref<400x64xf32, #tpu.memory_space<vmem>>, vector<1x16xf32>,
        %get3A_655 = arith.index_cast %scan3A_571 : i32 to index
        %get3A_656 = arith.constant 48 : index
        %get3A_657 = tpu.vector_load %arg10[%get3A_655, %get3A_656] {strides = array<i32>} : memref<200x64xf32, #tpu.memory_space<vmem>>, vector<1x16xf32>,
        %get3A_658 = vector.shape_cast %get3A_657 : vector<1x16xf32> to vector<16xf32>
        %add3A_659 = arith.constant 0 : i32
        %add3A_660 = arith.addi %add3A_659, %scan3A_571 : i32
        %get3A_661 = arith.index_cast %add3A_660 : i32 to index
        %get3A_662 = arith.constant 48 : index
        %get3A_663 = tpu.vector_load %arg15[%get3A_661, %get3A_662] {strides = array<i32>} : memref<400x64xf32, #tpu.memory_space<vmem>>, vector<1x16xf32>,
        %get3A_664 = vector.shape_cast %get3A_663 : vector<1x16xf32> to vector<16xf32>
        %add3A_665 = arith.addf %get3A_664, %get3A_658 : vector<16xf32>
        %swap3A_666 = arith.index_cast %add3A_660 : i32 to index
        %swap3A_667 = arith.constant 48 : index
        %swap3A_668 = tpu.vector_load %arg15[%swap3A_666, %swap3A_667] {strides = array<i32>} : memref<400x64xf32, #tpu.memory_space<vmem>>, vector<1x16xf32>,
        %swap3A_669 = vector.shape_cast %swap3A_668 : vector<1x16xf32> to vector<16xf32>
        %swap3A_670 = vector.shape_cast %add3A_665 : vector<16xf32> to vector<1x16xf32>
        tpu.vector_store %arg15[%swap3A_666, %swap3A_667], %swap3A_670 {strides = array<i32>} : memref<400x64xf32, #tpu.memory_space<vmem>>, vector<1x16xf32>,
        %add3A_671 = arith.constant 200 : i32
        %add3A_672 = arith.addi %add3A_671, %scan3A_571 : i32
        %get3A_673 = arith.index_cast %add3A_672 : i32 to index
        %get3A_674 = arith.constant 48 : index
        %get3A_675 = tpu.vector_load %arg15[%get3A_673, %get3A_674] {strides = array<i32>} : memref<400x64xf32, #tpu.memory_space<vmem>>, vector<1x16xf32>,
        %get3A_676 = vector.shape_cast %get3A_675 : vector<1x16xf32> to vector<16xf32>
        %add3A_677 = arith.addf %get3A_676, %get3A_658 : vector<16xf32>
        %swap3A_678 = arith.index_cast %add3A_672 : i32 to index
        %swap3A_679 = arith.constant 48 : index
        %swap3A_680 = tpu.vector_load %arg15[%swap3A_678, %swap3A_679] {strides = array<i32>} : memref<400x64xf32, #tpu.memory_space<vmem>>, vector<1x16xf32>,
        %swap3A_681 = vector.shape_cast %swap3A_680 : vector<1x16xf32> to vector<16xf32>
        %swap3A_682 = vector.shape_cast %add3A_677 : vector<16xf32> to vector<1x16xf32>
        tpu.vector_store %arg15[%swap3A_678, %swap3A_679], %swap3A_682 {strides = array<i32>} : memref<400x64xf32, #tpu.memory_space<vmem>>, vector<1x16xf32>,
        %scan3A_683 = arith.constant 0 : i32
        scf.yield %scan3A_683 : i32
      }
      %scan3A_467 = arith.constant 200 : i32
      %mul3A_468 = arith.constant 400 : i32
      %mul3A_469 = arith.muli %add3A_451, %mul3A_468 : i32
      %add3A_470 = arith.addi %mul3A_2, %mul3A_469 : i32
      %dma_start3A_471 = arith.constant 0 : i32
      %dma_start3A_472 = tpu.memref_slice %arg9[%add3A_470, %dma_start3A_471] : memref<819200x64xf32, #tpu.memory_space<hbm>> -> memref<400x64xf32, #tpu.memory_space<hbm>>
      %dma_start3A_473 = arith.constant 0 : i32
      %dma_start3A_474 = tpu.memref_slice %arg9[%add3A_470, %dma_start3A_473] : memref<819200x64xf32, #tpu.memory_space<hbm>> -> memref<400x64xf32, #tpu.memory_space<hbm>>
      tpu.enqueue_dma source(%arg15 : memref<400x64xf32, #tpu.memory_space<vmem>>) target(%dma_start3A_474 : memref<400x64xf32, #tpu.memory_space<hbm>>) target_semaphore(%arg23 : memref<!tpu.dma_semaphore, #tpu.memory_space<semaphore_mem>>)
      %mul3A_475 = arith.constant 4 : i32
      %mul3A_476 = arith.muli %mul3A_475, %scan3A_446 : i32
      %add3A_477 = arith.constant 1 : i32
      %add3A_478 = arith.addi %mul3A_476, %add3A_477 : i32
      %mul3A_479 = arith.constant 400 : i32
      %mul3A_480 = arith.muli %add3A_478, %mul3A_479 : i32
      %add3A_481 = arith.addi %mul3A_2, %mul3A_480 : i32
      %dma_wait3A_482 = arith.constant 0 : i32
      %dma_wait3A_483 = tpu.memref_slice %arg9[%add3A_481, %dma_wait3A_482] : memref<819200x64xf32, #tpu.memory_space<hbm>> -> memref<400x64xf32, #tpu.memory_space<hbm>>
      %dma_wait3A_484 = arith.constant 0 : i32
      %dma_wait3A_485 = tpu.memref_slice %arg9[%add3A_481, %dma_wait3A_484] : memref<819200x64xf32, #tpu.memory_space<hbm>> -> memref<400x64xf32, #tpu.memory_space<hbm>>
      tpu.wait_dma2 semaphore(%arg20 : memref<!tpu.dma_semaphore, #tpu.memory_space<semaphore_mem>>) src(%dma_wait3A_485 : memref<400x64xf32, #tpu.memory_space<hbm>>) dst(%arg16 : memref<400x64xf32, #tpu.memory_space<vmem>>)
      %lt3A_486 = arith.constant 15 : i32
      %lt3A_487 = arith.cmpi slt, %scan3A_446, %lt3A_486 : i32
      %convert_element_type3A_488 = arith.extui %lt3A_487 : i1 to i32
      %cond3A_489 = arith.constant 0 : i32
      %cond3A_490 = arith.cmpi ne, %convert_element_type3A_488, %cond3A_489 : i32
      scf.if %cond3A_490 {
        %add3A_571 = arith.constant 4 : i32
        %add3A_572 = arith.addi %add3A_478, %add3A_571 : i32
        %mul3A_573 = arith.constant 400 : i32
        %mul3A_574 = arith.muli %add3A_572, %mul3A_573 : i32
        %add3A_575 = arith.addi %mul3A_2, %mul3A_574 : i32
        %dma_start3A_576 = tpu.memref_slice %arg7[%add3A_575] : memref<819200xi32, #tpu.memory_space<hbm>> -> memref<400xi32, #tpu.memory_space<hbm>>
        %dma_start3A_577 = tpu.memref_slice %arg7[%add3A_575] : memref<819200xi32, #tpu.memory_space<hbm>> -> memref<400xi32, #tpu.memory_space<hbm>>
        tpu.enqueue_dma source(%dma_start3A_577 : memref<400xi32, #tpu.memory_space<hbm>>) target(%arg12 : memref<400xi32, #tpu.memory_space<vmem>>) target_semaphore(%arg28 : memref<!tpu.dma_semaphore, #tpu.memory_space<semaphore_mem>>)
      } else {
      }
      %scan3A_491 = arith.constant 0 : i32
      %scan3A_492 = arith.constant 0 : i32
      %scan3A_493 = arith.constant 200 : i32
      %scan3A_494 = arith.addi %scan3A_492, %scan3A_493 : i32
      %scan3A_495 = arith.constant 1 : i32
      %scan3A_496 = scf.for %scan3A_571 = %scan3A_492 to %scan3A_494 step %scan3A_495 iter_args(%scan3A_572 = %scan3A_491) -> (i32)  : i32 {
        %get3A = arith.index_cast %scan3A_571 : i32 to index
        %get3A_573 = arith.constant 0 : index
        %get3A_574 = tpu.vector_load %arg10[%get3A, %get3A_573] {strides = array<i32>} : memref<200x64xf32, #tpu.memory_space<vmem>>, vector<1x16xf32>,
        %get3A_575 = vector.shape_cast %get3A_574 : vector<1x16xf32> to vector<16xf32>
        %add3A_576 = arith.constant 0 : i32
        %add3A_577 = arith.addi %add3A_576, %scan3A_571 : i32
        %get3A_578 = arith.index_cast %add3A_577 : i32 to index
        %get3A_579 = arith.constant 0 : index
        %get3A_580 = tpu.vector_load %arg16[%get3A_578, %get3A_579] {strides = array<i32>} : memref<400x64xf32, #tpu.memory_space<vmem>>, vector<1x16xf32>,
        %get3A_581 = vector.shape_cast %get3A_580 : vector<1x16xf32> to vector<16xf32>
        %add3A_582 = arith.addf %get3A_581, %get3A_575 : vector<16xf32>
        %swap3A = arith.index_cast %add3A_577 : i32 to index
        %swap3A_583 = arith.constant 0 : index
        %swap3A_584 = tpu.vector_load %arg16[%swap3A, %swap3A_583] {strides = array<i32>} : memref<400x64xf32, #tpu.memory_space<vmem>>, vector<1x16xf32>,
        %swap3A_585 = vector.shape_cast %swap3A_584 : vector<1x16xf32> to vector<16xf32>
        %swap3A_586 = vector.shape_cast %add3A_582 : vector<16xf32> to vector<1x16xf32>
        tpu.vector_store %arg16[%swap3A, %swap3A_583], %swap3A_586 {strides = array<i32>} : memref<400x64xf32, #tpu.memory_space<vmem>>, vector<1x16xf32>,
        %add3A_587 = arith.constant 200 : i32
        %add3A_588 = arith.addi %add3A_587, %scan3A_571 : i32
        %get3A_589 = arith.index_cast %add3A_588 : i32 to index
        %get3A_590 = arith.constant 0 : index
        %get3A_591 = tpu.vector_load %arg16[%get3A_589, %get3A_590] {strides = array<i32>} : memref<400x64xf32, #tpu.memory_space<vmem>>, vector<1x16xf32>,
        %get3A_592 = vector.shape_cast %get3A_591 : vector<1x16xf32> to vector<16xf32>
        %add3A_593 = arith.addf %get3A_592, %get3A_575 : vector<16xf32>
        %swap3A_594 = arith.index_cast %add3A_588 : i32 to index
        %swap3A_595 = arith.constant 0 : index
        %swap3A_596 = tpu.vector_load %arg16[%swap3A_594, %swap3A_595] {strides = array<i32>} : memref<400x64xf32, #tpu.memory_space<vmem>>, vector<1x16xf32>,
        %swap3A_597 = vector.shape_cast %swap3A_596 : vector<1x16xf32> to vector<16xf32>
        %swap3A_598 = vector.shape_cast %add3A_593 : vector<16xf32> to vector<1x16xf32>
        tpu.vector_store %arg16[%swap3A_594, %swap3A_595], %swap3A_598 {strides = array<i32>} : memref<400x64xf32, #tpu.memory_space<vmem>>, vector<1x16xf32>,
        %get3A_599 = arith.index_cast %scan3A_571 : i32 to index
        %get3A_600 = arith.constant 16 : index
        %get3A_601 = tpu.vector_load %arg10[%get3A_599, %get3A_600] {strides = array<i32>} : memref<200x64xf32, #tpu.memory_space<vmem>>, vector<1x16xf32>,
        %get3A_602 = vector.shape_cast %get3A_601 : vector<1x16xf32> to vector<16xf32>
        %add3A_603 = arith.constant 0 : i32
        %add3A_604 = arith.addi %add3A_603, %scan3A_571 : i32
        %get3A_605 = arith.index_cast %add3A_604 : i32 to index
        %get3A_606 = arith.constant 16 : index
        %get3A_607 = tpu.vector_load %arg16[%get3A_605, %get3A_606] {strides = array<i32>} : memref<400x64xf32, #tpu.memory_space<vmem>>, vector<1x16xf32>,
        %get3A_608 = vector.shape_cast %get3A_607 : vector<1x16xf32> to vector<16xf32>
        %add3A_609 = arith.addf %get3A_608, %get3A_602 : vector<16xf32>
        %swap3A_610 = arith.index_cast %add3A_604 : i32 to index
        %swap3A_611 = arith.constant 16 : index
        %swap3A_612 = tpu.vector_load %arg16[%swap3A_610, %swap3A_611] {strides = array<i32>} : memref<400x64xf32, #tpu.memory_space<vmem>>, vector<1x16xf32>,
        %swap3A_613 = vector.shape_cast %swap3A_612 : vector<1x16xf32> to vector<16xf32>
        %swap3A_614 = vector.shape_cast %add3A_609 : vector<16xf32> to vector<1x16xf32>
        tpu.vector_store %arg16[%swap3A_610, %swap3A_611], %swap3A_614 {strides = array<i32>} : memref<400x64xf32, #tpu.memory_space<vmem>>, vector<1x16xf32>,
        %add3A_615 = arith.constant 200 : i32
        %add3A_616 = arith.addi %add3A_615, %scan3A_571 : i32
        %get3A_617 = arith.index_cast %add3A_616 : i32 to index
        %get3A_618 = arith.constant 16 : index
        %get3A_619 = tpu.vector_load %arg16[%get3A_617, %get3A_618] {strides = array<i32>} : memref<400x64xf32, #tpu.memory_space<vmem>>, vector<1x16xf32>,
        %get3A_620 = vector.shape_cast %get3A_619 : vector<1x16xf32> to vector<16xf32>
        %add3A_621 = arith.addf %get3A_620, %get3A_602 : vector<16xf32>
        %swap3A_622 = arith.index_cast %add3A_616 : i32 to index
        %swap3A_623 = arith.constant 16 : index
        %swap3A_624 = tpu.vector_load %arg16[%swap3A_622, %swap3A_623] {strides = array<i32>} : memref<400x64xf32, #tpu.memory_space<vmem>>, vector<1x16xf32>,
        %swap3A_625 = vector.shape_cast %swap3A_624 : vector<1x16xf32> to vector<16xf32>
        %swap3A_626 = vector.shape_cast %add3A_621 : vector<16xf32> to vector<1x16xf32>
        tpu.vector_store %arg16[%swap3A_622, %swap3A_623], %swap3A_626 {strides = array<i32>} : memref<400x64xf32, #tpu.memory_space<vmem>>, vector<1x16xf32>,
        %get3A_627 = arith.index_cast %scan3A_571 : i32 to index
        %get3A_628 = arith.constant 32 : index
        %get3A_629 = tpu.vector_load %arg10[%get3A_627, %get3A_628] {strides = array<i32>} : memref<200x64xf32, #tpu.memory_space<vmem>>, vector<1x16xf32>,
        %get3A_630 = vector.shape_cast %get3A_629 : vector<1x16xf32> to vector<16xf32>
        %add3A_631 = arith.constant 0 : i32
        %add3A_632 = arith.addi %add3A_631, %scan3A_571 : i32
        %get3A_633 = arith.index_cast %add3A_632 : i32 to index
        %get3A_634 = arith.constant 32 : index
        %get3A_635 = tpu.vector_load %arg16[%get3A_633, %get3A_634] {strides = array<i32>} : memref<400x64xf32, #tpu.memory_space<vmem>>, vector<1x16xf32>,
        %get3A_636 = vector.shape_cast %get3A_635 : vector<1x16xf32> to vector<16xf32>
        %add3A_637 = arith.addf %get3A_636, %get3A_630 : vector<16xf32>
        %swap3A_638 = arith.index_cast %add3A_632 : i32 to index
        %swap3A_639 = arith.constant 32 : index
        %swap3A_640 = tpu.vector_load %arg16[%swap3A_638, %swap3A_639] {strides = array<i32>} : memref<400x64xf32, #tpu.memory_space<vmem>>, vector<1x16xf32>,
        %swap3A_641 = vector.shape_cast %swap3A_640 : vector<1x16xf32> to vector<16xf32>
        %swap3A_642 = vector.shape_cast %add3A_637 : vector<16xf32> to vector<1x16xf32>
        tpu.vector_store %arg16[%swap3A_638, %swap3A_639], %swap3A_642 {strides = array<i32>} : memref<400x64xf32, #tpu.memory_space<vmem>>, vector<1x16xf32>,
        %add3A_643 = arith.constant 200 : i32
        %add3A_644 = arith.addi %add3A_643, %scan3A_571 : i32
        %get3A_645 = arith.index_cast %add3A_644 : i32 to index
        %get3A_646 = arith.constant 32 : index
        %get3A_647 = tpu.vector_load %arg16[%get3A_645, %get3A_646] {strides = array<i32>} : memref<400x64xf32, #tpu.memory_space<vmem>>, vector<1x16xf32>,
        %get3A_648 = vector.shape_cast %get3A_647 : vector<1x16xf32> to vector<16xf32>
        %add3A_649 = arith.addf %get3A_648, %get3A_630 : vector<16xf32>
        %swap3A_650 = arith.index_cast %add3A_644 : i32 to index
        %swap3A_651 = arith.constant 32 : index
        %swap3A_652 = tpu.vector_load %arg16[%swap3A_650, %swap3A_651] {strides = array<i32>} : memref<400x64xf32, #tpu.memory_space<vmem>>, vector<1x16xf32>,
        %swap3A_653 = vector.shape_cast %swap3A_652 : vector<1x16xf32> to vector<16xf32>
        %swap3A_654 = vector.shape_cast %add3A_649 : vector<16xf32> to vector<1x16xf32>
        tpu.vector_store %arg16[%swap3A_650, %swap3A_651], %swap3A_654 {strides = array<i32>} : memref<400x64xf32, #tpu.memory_space<vmem>>, vector<1x16xf32>,
        %get3A_655 = arith.index_cast %scan3A_571 : i32 to index
        %get3A_656 = arith.constant 48 : index
        %get3A_657 = tpu.vector_load %arg10[%get3A_655, %get3A_656] {strides = array<i32>} : memref<200x64xf32, #tpu.memory_space<vmem>>, vector<1x16xf32>,
        %get3A_658 = vector.shape_cast %get3A_657 : vector<1x16xf32> to vector<16xf32>
        %add3A_659 = arith.constant 0 : i32
        %add3A_660 = arith.addi %add3A_659, %scan3A_571 : i32
        %get3A_661 = arith.index_cast %add3A_660 : i32 to index
        %get3A_662 = arith.constant 48 : index
        %get3A_663 = tpu.vector_load %arg16[%get3A_661, %get3A_662] {strides = array<i32>} : memref<400x64xf32, #tpu.memory_space<vmem>>, vector<1x16xf32>,
        %get3A_664 = vector.shape_cast %get3A_663 : vector<1x16xf32> to vector<16xf32>
        %add3A_665 = arith.addf %get3A_664, %get3A_658 : vector<16xf32>
        %swap3A_666 = arith.index_cast %add3A_660 : i32 to index
        %swap3A_667 = arith.constant 48 : index
        %swap3A_668 = tpu.vector_load %arg16[%swap3A_666, %swap3A_667] {strides = array<i32>} : memref<400x64xf32, #tpu.memory_space<vmem>>, vector<1x16xf32>,
        %swap3A_669 = vector.shape_cast %swap3A_668 : vector<1x16xf32> to vector<16xf32>
        %swap3A_670 = vector.shape_cast %add3A_665 : vector<16xf32> to vector<1x16xf32>
        tpu.vector_store %arg16[%swap3A_666, %swap3A_667], %swap3A_670 {strides = array<i32>} : memref<400x64xf32, #tpu.memory_space<vmem>>, vector<1x16xf32>,
        %add3A_671 = arith.constant 200 : i32
        %add3A_672 = arith.addi %add3A_671, %scan3A_571 : i32
        %get3A_673 = arith.index_cast %add3A_672 : i32 to index
        %get3A_674 = arith.constant 48 : index
        %get3A_675 = tpu.vector_load %arg16[%get3A_673, %get3A_674] {strides = array<i32>} : memref<400x64xf32, #tpu.memory_space<vmem>>, vector<1x16xf32>,
        %get3A_676 = vector.shape_cast %get3A_675 : vector<1x16xf32> to vector<16xf32>
        %add3A_677 = arith.addf %get3A_676, %get3A_658 : vector<16xf32>
        %swap3A_678 = arith.index_cast %add3A_672 : i32 to index
        %swap3A_679 = arith.constant 48 : index
        %swap3A_680 = tpu.vector_load %arg16[%swap3A_678, %swap3A_679] {strides = array<i32>} : memref<400x64xf32, #tpu.memory_space<vmem>>, vector<1x16xf32>,
        %swap3A_681 = vector.shape_cast %swap3A_680 : vector<1x16xf32> to vector<16xf32>
        %swap3A_682 = vector.shape_cast %add3A_677 : vector<16xf32> to vector<1x16xf32>
        tpu.vector_store %arg16[%swap3A_678, %swap3A_679], %swap3A_682 {strides = array<i32>} : memref<400x64xf32, #tpu.memory_space<vmem>>, vector<1x16xf32>,
        %scan3A_683 = arith.constant 0 : i32
        scf.yield %scan3A_683 : i32
      }
      %scan3A_497 = arith.constant 200 : i32
      %mul3A_498 = arith.constant 400 : i32
      %mul3A_499 = arith.muli %add3A_478, %mul3A_498 : i32
      %add3A_500 = arith.addi %mul3A_2, %mul3A_499 : i32
      %dma_start3A_501 = arith.constant 0 : i32
      %dma_start3A_502 = tpu.memref_slice %arg9[%add3A_500, %dma_start3A_501] : memref<819200x64xf32, #tpu.memory_space<hbm>> -> memref<400x64xf32, #tpu.memory_space<hbm>>
      %dma_start3A_503 = arith.constant 0 : i32
      %dma_start3A_504 = tpu.memref_slice %arg9[%add3A_500, %dma_start3A_503] : memref<819200x64xf32, #tpu.memory_space<hbm>> -> memref<400x64xf32, #tpu.memory_space<hbm>>
      tpu.enqueue_dma source(%arg16 : memref<400x64xf32, #tpu.memory_space<vmem>>) target(%dma_start3A_504 : memref<400x64xf32, #tpu.memory_space<hbm>>) target_semaphore(%arg24 : memref<!tpu.dma_semaphore, #tpu.memory_space<semaphore_mem>>)
      %mul3A_505 = arith.constant 4 : i32
      %mul3A_506 = arith.muli %mul3A_505, %scan3A_446 : i32
      %add3A_507 = arith.constant 2 : i32
      %add3A_508 = arith.addi %mul3A_506, %add3A_507 : i32
      %mul3A_509 = arith.constant 400 : i32
      %mul3A_510 = arith.muli %add3A_508, %mul3A_509 : i32
      %add3A_511 = arith.addi %mul3A_2, %mul3A_510 : i32
      %dma_wait3A_512 = arith.constant 0 : i32
      %dma_wait3A_513 = tpu.memref_slice %arg9[%add3A_511, %dma_wait3A_512] : memref<819200x64xf32, #tpu.memory_space<hbm>> -> memref<400x64xf32, #tpu.memory_space<hbm>>
      %dma_wait3A_514 = arith.constant 0 : i32
      %dma_wait3A_515 = tpu.memref_slice %arg9[%add3A_511, %dma_wait3A_514] : memref<819200x64xf32, #tpu.memory_space<hbm>> -> memref<400x64xf32, #tpu.memory_space<hbm>>
      tpu.wait_dma2 semaphore(%arg21 : memref<!tpu.dma_semaphore, #tpu.memory_space<semaphore_mem>>) src(%dma_wait3A_515 : memref<400x64xf32, #tpu.memory_space<hbm>>) dst(%arg17 : memref<400x64xf32, #tpu.memory_space<vmem>>)
      %lt3A_516 = arith.constant 15 : i32
      %lt3A_517 = arith.cmpi slt, %scan3A_446, %lt3A_516 : i32
      %convert_element_type3A_518 = arith.extui %lt3A_517 : i1 to i32
      %cond3A_519 = arith.constant 0 : i32
      %cond3A_520 = arith.cmpi ne, %convert_element_type3A_518, %cond3A_519 : i32
      scf.if %cond3A_520 {
        %add3A_571 = arith.constant 4 : i32
        %add3A_572 = arith.addi %add3A_508, %add3A_571 : i32
        %mul3A_573 = arith.constant 400 : i32
        %mul3A_574 = arith.muli %add3A_572, %mul3A_573 : i32
        %add3A_575 = arith.addi %mul3A_2, %mul3A_574 : i32
        %dma_start3A_576 = tpu.memref_slice %arg7[%add3A_575] : memref<819200xi32, #tpu.memory_space<hbm>> -> memref<400xi32, #tpu.memory_space<hbm>>
        %dma_start3A_577 = tpu.memref_slice %arg7[%add3A_575] : memref<819200xi32, #tpu.memory_space<hbm>> -> memref<400xi32, #tpu.memory_space<hbm>>
        tpu.enqueue_dma source(%dma_start3A_577 : memref<400xi32, #tpu.memory_space<hbm>>) target(%arg13 : memref<400xi32, #tpu.memory_space<vmem>>) target_semaphore(%arg29 : memref<!tpu.dma_semaphore, #tpu.memory_space<semaphore_mem>>)
      } else {
      }
      %scan3A_521 = arith.constant 0 : i32
      %scan3A_522 = arith.constant 0 : i32
      %scan3A_523 = arith.constant 200 : i32
      %scan3A_524 = arith.addi %scan3A_522, %scan3A_523 : i32
      %scan3A_525 = arith.constant 1 : i32
      %scan3A_526 = scf.for %scan3A_571 = %scan3A_522 to %scan3A_524 step %scan3A_525 iter_args(%scan3A_572 = %scan3A_521) -> (i32)  : i32 {
        %get3A = arith.index_cast %scan3A_571 : i32 to index
        %get3A_573 = arith.constant 0 : index
        %get3A_574 = tpu.vector_load %arg10[%get3A, %get3A_573] {strides = array<i32>} : memref<200x64xf32, #tpu.memory_space<vmem>>, vector<1x16xf32>,
        %get3A_575 = vector.shape_cast %get3A_574 : vector<1x16xf32> to vector<16xf32>
        %add3A_576 = arith.constant 0 : i32
        %add3A_577 = arith.addi %add3A_576, %scan3A_571 : i32
        %get3A_578 = arith.index_cast %add3A_577 : i32 to index
        %get3A_579 = arith.constant 0 : index
        %get3A_580 = tpu.vector_load %arg17[%get3A_578, %get3A_579] {strides = array<i32>} : memref<400x64xf32, #tpu.memory_space<vmem>>, vector<1x16xf32>,
        %get3A_581 = vector.shape_cast %get3A_580 : vector<1x16xf32> to vector<16xf32>
        %add3A_582 = arith.addf %get3A_581, %get3A_575 : vector<16xf32>
        %swap3A = arith.index_cast %add3A_577 : i32 to index
        %swap3A_583 = arith.constant 0 : index
        %swap3A_584 = tpu.vector_load %arg17[%swap3A, %swap3A_583] {strides = array<i32>} : memref<400x64xf32, #tpu.memory_space<vmem>>, vector<1x16xf32>,
        %swap3A_585 = vector.shape_cast %swap3A_584 : vector<1x16xf32> to vector<16xf32>
        %swap3A_586 = vector.shape_cast %add3A_582 : vector<16xf32> to vector<1x16xf32>
        tpu.vector_store %arg17[%swap3A, %swap3A_583], %swap3A_586 {strides = array<i32>} : memref<400x64xf32, #tpu.memory_space<vmem>>, vector<1x16xf32>,
        %add3A_587 = arith.constant 200 : i32
        %add3A_588 = arith.addi %add3A_587, %scan3A_571 : i32
        %get3A_589 = arith.index_cast %add3A_588 : i32 to index
        %get3A_590 = arith.constant 0 : index
        %get3A_591 = tpu.vector_load %arg17[%get3A_589, %get3A_590] {strides = array<i32>} : memref<400x64xf32, #tpu.memory_space<vmem>>, vector<1x16xf32>,
        %get3A_592 = vector.shape_cast %get3A_591 : vector<1x16xf32> to vector<16xf32>
        %add3A_593 = arith.addf %get3A_592, %get3A_575 : vector<16xf32>
        %swap3A_594 = arith.index_cast %add3A_588 : i32 to index
        %swap3A_595 = arith.constant 0 : index
        %swap3A_596 = tpu.vector_load %arg17[%swap3A_594, %swap3A_595] {strides = array<i32>} : memref<400x64xf32, #tpu.memory_space<vmem>>, vector<1x16xf32>,
        %swap3A_597 = vector.shape_cast %swap3A_596 : vector<1x16xf32> to vector<16xf32>
        %swap3A_598 = vector.shape_cast %add3A_593 : vector<16xf32> to vector<1x16xf32>
        tpu.vector_store %arg17[%swap3A_594, %swap3A_595], %swap3A_598 {strides = array<i32>} : memref<400x64xf32, #tpu.memory_space<vmem>>, vector<1x16xf32>,
        %get3A_599 = arith.index_cast %scan3A_571 : i32 to index
        %get3A_600 = arith.constant 16 : index
        %get3A_601 = tpu.vector_load %arg10[%get3A_599, %get3A_600] {strides = array<i32>} : memref<200x64xf32, #tpu.memory_space<vmem>>, vector<1x16xf32>,
        %get3A_602 = vector.shape_cast %get3A_601 : vector<1x16xf32> to vector<16xf32>
        %add3A_603 = arith.constant 0 : i32
        %add3A_604 = arith.addi %add3A_603, %scan3A_571 : i32
        %get3A_605 = arith.index_cast %add3A_604 : i32 to index
        %get3A_606 = arith.constant 16 : index
        %get3A_607 = tpu.vector_load %arg17[%get3A_605, %get3A_606] {strides = array<i32>} : memref<400x64xf32, #tpu.memory_space<vmem>>, vector<1x16xf32>,
        %get3A_608 = vector.shape_cast %get3A_607 : vector<1x16xf32> to vector<16xf32>
        %add3A_609 = arith.addf %get3A_608, %get3A_602 : vector<16xf32>
        %swap3A_610 = arith.index_cast %add3A_604 : i32 to index
        %swap3A_611 = arith.constant 16 : index
        %swap3A_612 = tpu.vector_load %arg17[%swap3A_610, %swap3A_611] {strides = array<i32>} : memref<400x64xf32, #tpu.memory_space<vmem>>, vector<1x16xf32>,
        %swap3A_613 = vector.shape_cast %swap3A_612 : vector<1x16xf32> to vector<16xf32>
        %swap3A_614 = vector.shape_cast %add3A_609 : vector<16xf32> to vector<1x16xf32>
        tpu.vector_store %arg17[%swap3A_610, %swap3A_611], %swap3A_614 {strides = array<i32>} : memref<400x64xf32, #tpu.memory_space<vmem>>, vector<1x16xf32>,
        %add3A_615 = arith.constant 200 : i32
        %add3A_616 = arith.addi %add3A_615, %scan3A_571 : i32
        %get3A_617 = arith.index_cast %add3A_616 : i32 to index
        %get3A_618 = arith.constant 16 : index
        %get3A_619 = tpu.vector_load %arg17[%get3A_617, %get3A_618] {strides = array<i32>} : memref<400x64xf32, #tpu.memory_space<vmem>>, vector<1x16xf32>,
        %get3A_620 = vector.shape_cast %get3A_619 : vector<1x16xf32> to vector<16xf32>
        %add3A_621 = arith.addf %get3A_620, %get3A_602 : vector<16xf32>
        %swap3A_622 = arith.index_cast %add3A_616 : i32 to index
        %swap3A_623 = arith.constant 16 : index
        %swap3A_624 = tpu.vector_load %arg17[%swap3A_622, %swap3A_623] {strides = array<i32>} : memref<400x64xf32, #tpu.memory_space<vmem>>, vector<1x16xf32>,
        %swap3A_625 = vector.shape_cast %swap3A_624 : vector<1x16xf32> to vector<16xf32>
        %swap3A_626 = vector.shape_cast %add3A_621 : vector<16xf32> to vector<1x16xf32>
        tpu.vector_store %arg17[%swap3A_622, %swap3A_623], %swap3A_626 {strides = array<i32>} : memref<400x64xf32, #tpu.memory_space<vmem>>, vector<1x16xf32>,
        %get3A_627 = arith.index_cast %scan3A_571 : i32 to index
        %get3A_628 = arith.constant 32 : index
        %get3A_629 = tpu.vector_load %arg10[%get3A_627, %get3A_628] {strides = array<i32>} : memref<200x64xf32, #tpu.memory_space<vmem>>, vector<1x16xf32>,
        %get3A_630 = vector.shape_cast %get3A_629 : vector<1x16xf32> to vector<16xf32>
        %add3A_631 = arith.constant 0 : i32
        %add3A_632 = arith.addi %add3A_631, %scan3A_571 : i32
        %get3A_633 = arith.index_cast %add3A_632 : i32 to index
        %get3A_634 = arith.constant 32 : index
        %get3A_635 = tpu.vector_load %arg17[%get3A_633, %get3A_634] {strides = array<i32>} : memref<400x64xf32, #tpu.memory_space<vmem>>, vector<1x16xf32>,
        %get3A_636 = vector.shape_cast %get3A_635 : vector<1x16xf32> to vector<16xf32>
        %add3A_637 = arith.addf %get3A_636, %get3A_630 : vector<16xf32>
        %swap3A_638 = arith.index_cast %add3A_632 : i32 to index
        %swap3A_639 = arith.constant 32 : index
        %swap3A_640 = tpu.vector_load %arg17[%swap3A_638, %swap3A_639] {strides = array<i32>} : memref<400x64xf32, #tpu.memory_space<vmem>>, vector<1x16xf32>,
        %swap3A_641 = vector.shape_cast %swap3A_640 : vector<1x16xf32> to vector<16xf32>
        %swap3A_642 = vector.shape_cast %add3A_637 : vector<16xf32> to vector<1x16xf32>
        tpu.vector_store %arg17[%swap3A_638, %swap3A_639], %swap3A_642 {strides = array<i32>} : memref<400x64xf32, #tpu.memory_space<vmem>>, vector<1x16xf32>,
        %add3A_643 = arith.constant 200 : i32
        %add3A_644 = arith.addi %add3A_643, %scan3A_571 : i32
        %get3A_645 = arith.index_cast %add3A_644 : i32 to index
        %get3A_646 = arith.constant 32 : index
        %get3A_647 = tpu.vector_load %arg17[%get3A_645, %get3A_646] {strides = array<i32>} : memref<400x64xf32, #tpu.memory_space<vmem>>, vector<1x16xf32>,
        %get3A_648 = vector.shape_cast %get3A_647 : vector<1x16xf32> to vector<16xf32>
        %add3A_649 = arith.addf %get3A_648, %get3A_630 : vector<16xf32>
        %swap3A_650 = arith.index_cast %add3A_644 : i32 to index
        %swap3A_651 = arith.constant 32 : index
        %swap3A_652 = tpu.vector_load %arg17[%swap3A_650, %swap3A_651] {strides = array<i32>} : memref<400x64xf32, #tpu.memory_space<vmem>>, vector<1x16xf32>,
        %swap3A_653 = vector.shape_cast %swap3A_652 : vector<1x16xf32> to vector<16xf32>
        %swap3A_654 = vector.shape_cast %add3A_649 : vector<16xf32> to vector<1x16xf32>
        tpu.vector_store %arg17[%swap3A_650, %swap3A_651], %swap3A_654 {strides = array<i32>} : memref<400x64xf32, #tpu.memory_space<vmem>>, vector<1x16xf32>,
        %get3A_655 = arith.index_cast %scan3A_571 : i32 to index
        %get3A_656 = arith.constant 48 : index
        %get3A_657 = tpu.vector_load %arg10[%get3A_655, %get3A_656] {strides = array<i32>} : memref<200x64xf32, #tpu.memory_space<vmem>>, vector<1x16xf32>,
        %get3A_658 = vector.shape_cast %get3A_657 : vector<1x16xf32> to vector<16xf32>
        %add3A_659 = arith.constant 0 : i32
        %add3A_660 = arith.addi %add3A_659, %scan3A_571 : i32
        %get3A_661 = arith.index_cast %add3A_660 : i32 to index
        %get3A_662 = arith.constant 48 : index
        %get3A_663 = tpu.vector_load %arg17[%get3A_661, %get3A_662] {strides = array<i32>} : memref<400x64xf32, #tpu.memory_space<vmem>>, vector<1x16xf32>,
        %get3A_664 = vector.shape_cast %get3A_663 : vector<1x16xf32> to vector<16xf32>
        %add3A_665 = arith.addf %get3A_664, %get3A_658 : vector<16xf32>
        %swap3A_666 = arith.index_cast %add3A_660 : i32 to index
        %swap3A_667 = arith.constant 48 : index
        %swap3A_668 = tpu.vector_load %arg17[%swap3A_666, %swap3A_667] {strides = array<i32>} : memref<400x64xf32, #tpu.memory_space<vmem>>, vector<1x16xf32>,
        %swap3A_669 = vector.shape_cast %swap3A_668 : vector<1x16xf32> to vector<16xf32>
        %swap3A_670 = vector.shape_cast %add3A_665 : vector<16xf32> to vector<1x16xf32>
        tpu.vector_store %arg17[%swap3A_666, %swap3A_667], %swap3A_670 {strides = array<i32>} : memref<400x64xf32, #tpu.memory_space<vmem>>, vector<1x16xf32>,
        %add3A_671 = arith.constant 200 : i32
        %add3A_672 = arith.addi %add3A_671, %scan3A_571 : i32
        %get3A_673 = arith.index_cast %add3A_672 : i32 to index
        %get3A_674 = arith.constant 48 : index
        %get3A_675 = tpu.vector_load %arg17[%get3A_673, %get3A_674] {strides = array<i32>} : memref<400x64xf32, #tpu.memory_space<vmem>>, vector<1x16xf32>,
        %get3A_676 = vector.shape_cast %get3A_675 : vector<1x16xf32> to vector<16xf32>
        %add3A_677 = arith.addf %get3A_676, %get3A_658 : vector<16xf32>
        %swap3A_678 = arith.index_cast %add3A_672 : i32 to index
        %swap3A_679 = arith.constant 48 : index
        %swap3A_680 = tpu.vector_load %arg17[%swap3A_678, %swap3A_679] {strides = array<i32>} : memref<400x64xf32, #tpu.memory_space<vmem>>, vector<1x16xf32>,
        %swap3A_681 = vector.shape_cast %swap3A_680 : vector<1x16xf32> to vector<16xf32>
        %swap3A_682 = vector.shape_cast %add3A_677 : vector<16xf32> to vector<1x16xf32>
        tpu.vector_store %arg17[%swap3A_678, %swap3A_679], %swap3A_682 {strides = array<i32>} : memref<400x64xf32, #tpu.memory_space<vmem>>, vector<1x16xf32>,
        %scan3A_683 = arith.constant 0 : i32
        scf.yield %scan3A_683 : i32
      }
      %scan3A_527 = arith.constant 200 : i32
      %mul3A_528 = arith.constant 400 : i32
      %mul3A_529 = arith.muli %add3A_508, %mul3A_528 : i32
      %add3A_530 = arith.addi %mul3A_2, %mul3A_529 : i32
      %dma_start3A_531 = arith.constant 0 : i32
      %dma_start3A_532 = tpu.memref_slice %arg9[%add3A_530, %dma_start3A_531] : memref<819200x64xf32, #tpu.memory_space<hbm>> -> memref<400x64xf32, #tpu.memory_space<hbm>>
      %dma_start3A_533 = arith.constant 0 : i32
      %dma_start3A_534 = tpu.memref_slice %arg9[%add3A_530, %dma_start3A_533] : memref<819200x64xf32, #tpu.memory_space<hbm>> -> memref<400x64xf32, #tpu.memory_space<hbm>>
      tpu.enqueue_dma source(%arg17 : memref<400x64xf32, #tpu.memory_space<vmem>>) target(%dma_start3A_534 : memref<400x64xf32, #tpu.memory_space<hbm>>) target_semaphore(%arg25 : memref<!tpu.dma_semaphore, #tpu.memory_space<semaphore_mem>>)
      %mul3A_535 = arith.constant 4 : i32
      %mul3A_536 = arith.muli %mul3A_535, %scan3A_446 : i32
      %add3A_537 = arith.constant 3 : i32
      %add3A_538 = arith.addi %mul3A_536, %add3A_537 : i32
      %mul3A_539 = arith.constant 400 : i32
      %mul3A_540 = arith.muli %add3A_538, %mul3A_539 : i32
      %add3A_541 = arith.addi %mul3A_2, %mul3A_540 : i32
      %dma_wait3A_542 = arith.constant 0 : i32
      %dma_wait3A_543 = tpu.memref_slice %arg9[%add3A_541, %dma_wait3A_542] : memref<819200x64xf32, #tpu.memory_space<hbm>> -> memref<400x64xf32, #tpu.memory_space<hbm>>
      %dma_wait3A_544 = arith.constant 0 : i32
      %dma_wait3A_545 = tpu.memref_slice %arg9[%add3A_541, %dma_wait3A_544] : memref<819200x64xf32, #tpu.memory_space<hbm>> -> memref<400x64xf32, #tpu.memory_space<hbm>>
      tpu.wait_dma2 semaphore(%arg22 : memref<!tpu.dma_semaphore, #tpu.memory_space<semaphore_mem>>) src(%dma_wait3A_545 : memref<400x64xf32, #tpu.memory_space<hbm>>) dst(%arg18 : memref<400x64xf32, #tpu.memory_space<vmem>>)
      %lt3A_546 = arith.constant 15 : i32
      %lt3A_547 = arith.cmpi slt, %scan3A_446, %lt3A_546 : i32
      %convert_element_type3A_548 = arith.extui %lt3A_547 : i1 to i32
      %cond3A_549 = arith.constant 0 : i32
      %cond3A_550 = arith.cmpi ne, %convert_element_type3A_548, %cond3A_549 : i32
      scf.if %cond3A_550 {
        %add3A_571 = arith.constant 4 : i32
        %add3A_572 = arith.addi %add3A_538, %add3A_571 : i32
        %mul3A_573 = arith.constant 400 : i32
        %mul3A_574 = arith.muli %add3A_572, %mul3A_573 : i32
        %add3A_575 = arith.addi %mul3A_2, %mul3A_574 : i32
        %dma_start3A_576 = tpu.memref_slice %arg7[%add3A_575] : memref<819200xi32, #tpu.memory_space<hbm>> -> memref<400xi32, #tpu.memory_space<hbm>>
        %dma_start3A_577 = tpu.memref_slice %arg7[%add3A_575] : memref<819200xi32, #tpu.memory_space<hbm>> -> memref<400xi32, #tpu.memory_space<hbm>>
        tpu.enqueue_dma source(%dma_start3A_577 : memref<400xi32, #tpu.memory_space<hbm>>) target(%arg14 : memref<400xi32, #tpu.memory_space<vmem>>) target_semaphore(%arg30 : memref<!tpu.dma_semaphore, #tpu.memory_space<semaphore_mem>>)
      } else {
      }
      %scan3A_551 = arith.constant 0 : i32
      %scan3A_552 = arith.constant 0 : i32
      %scan3A_553 = arith.constant 200 : i32
      %scan3A_554 = arith.addi %scan3A_552, %scan3A_553 : i32
      %scan3A_555 = arith.constant 1 : i32
      %scan3A_556 = scf.for %scan3A_571 = %scan3A_552 to %scan3A_554 step %scan3A_555 iter_args(%scan3A_572 = %scan3A_551) -> (i32)  : i32 {
        %get3A = arith.index_cast %scan3A_571 : i32 to index
        %get3A_573 = arith.constant 0 : index
        %get3A_574 = tpu.vector_load %arg10[%get3A, %get3A_573] {strides = array<i32>} : memref<200x64xf32, #tpu.memory_space<vmem>>, vector<1x16xf32>,
        %get3A_575 = vector.shape_cast %get3A_574 : vector<1x16xf32> to vector<16xf32>
        %add3A_576 = arith.constant 0 : i32
        %add3A_577 = arith.addi %add3A_576, %scan3A_571 : i32
        %get3A_578 = arith.index_cast %add3A_577 : i32 to index
        %get3A_579 = arith.constant 0 : index
        %get3A_580 = tpu.vector_load %arg18[%get3A_578, %get3A_579] {strides = array<i32>} : memref<400x64xf32, #tpu.memory_space<vmem>>, vector<1x16xf32>,
        %get3A_581 = vector.shape_cast %get3A_580 : vector<1x16xf32> to vector<16xf32>
        %add3A_582 = arith.addf %get3A_581, %get3A_575 : vector<16xf32>
        %swap3A = arith.index_cast %add3A_577 : i32 to index
        %swap3A_583 = arith.constant 0 : index
        %swap3A_584 = tpu.vector_load %arg18[%swap3A, %swap3A_583] {strides = array<i32>} : memref<400x64xf32, #tpu.memory_space<vmem>>, vector<1x16xf32>,
        %swap3A_585 = vector.shape_cast %swap3A_584 : vector<1x16xf32> to vector<16xf32>
        %swap3A_586 = vector.shape_cast %add3A_582 : vector<16xf32> to vector<1x16xf32>
        tpu.vector_store %arg18[%swap3A, %swap3A_583], %swap3A_586 {strides = array<i32>} : memref<400x64xf32, #tpu.memory_space<vmem>>, vector<1x16xf32>,
        %add3A_587 = arith.constant 200 : i32
        %add3A_588 = arith.addi %add3A_587, %scan3A_571 : i32
        %get3A_589 = arith.index_cast %add3A_588 : i32 to index
        %get3A_590 = arith.constant 0 : index
        %get3A_591 = tpu.vector_load %arg18[%get3A_589, %get3A_590] {strides = array<i32>} : memref<400x64xf32, #tpu.memory_space<vmem>>, vector<1x16xf32>,
        %get3A_592 = vector.shape_cast %get3A_591 : vector<1x16xf32> to vector<16xf32>
        %add3A_593 = arith.addf %get3A_592, %get3A_575 : vector<16xf32>
        %swap3A_594 = arith.index_cast %add3A_588 : i32 to index
        %swap3A_595 = arith.constant 0 : index
        %swap3A_596 = tpu.vector_load %arg18[%swap3A_594, %swap3A_595] {strides = array<i32>} : memref<400x64xf32, #tpu.memory_space<vmem>>, vector<1x16xf32>,
        %swap3A_597 = vector.shape_cast %swap3A_596 : vector<1x16xf32> to vector<16xf32>
        %swap3A_598 = vector.shape_cast %add3A_593 : vector<16xf32> to vector<1x16xf32>
        tpu.vector_store %arg18[%swap3A_594, %swap3A_595], %swap3A_598 {strides = array<i32>} : memref<400x64xf32, #tpu.memory_space<vmem>>, vector<1x16xf32>,
        %get3A_599 = arith.index_cast %scan3A_571 : i32 to index
        %get3A_600 = arith.constant 16 : index
        %get3A_601 = tpu.vector_load %arg10[%get3A_599, %get3A_600] {strides = array<i32>} : memref<200x64xf32, #tpu.memory_space<vmem>>, vector<1x16xf32>,
        %get3A_602 = vector.shape_cast %get3A_601 : vector<1x16xf32> to vector<16xf32>
        %add3A_603 = arith.constant 0 : i32
        %add3A_604 = arith.addi %add3A_603, %scan3A_571 : i32
        %get3A_605 = arith.index_cast %add3A_604 : i32 to index
        %get3A_606 = arith.constant 16 : index
        %get3A_607 = tpu.vector_load %arg18[%get3A_605, %get3A_606] {strides = array<i32>} : memref<400x64xf32, #tpu.memory_space<vmem>>, vector<1x16xf32>,
        %get3A_608 = vector.shape_cast %get3A_607 : vector<1x16xf32> to vector<16xf32>
        %add3A_609 = arith.addf %get3A_608, %get3A_602 : vector<16xf32>
        %swap3A_610 = arith.index_cast %add3A_604 : i32 to index
        %swap3A_611 = arith.constant 16 : index
        %swap3A_612 = tpu.vector_load %arg18[%swap3A_610, %swap3A_611] {strides = array<i32>} : memref<400x64xf32, #tpu.memory_space<vmem>>, vector<1x16xf32>,
        %swap3A_613 = vector.shape_cast %swap3A_612 : vector<1x16xf32> to vector<16xf32>
        %swap3A_614 = vector.shape_cast %add3A_609 : vector<16xf32> to vector<1x16xf32>
        tpu.vector_store %arg18[%swap3A_610, %swap3A_611], %swap3A_614 {strides = array<i32>} : memref<400x64xf32, #tpu.memory_space<vmem>>, vector<1x16xf32>,
        %add3A_615 = arith.constant 200 : i32
        %add3A_616 = arith.addi %add3A_615, %scan3A_571 : i32
        %get3A_617 = arith.index_cast %add3A_616 : i32 to index
        %get3A_618 = arith.constant 16 : index
        %get3A_619 = tpu.vector_load %arg18[%get3A_617, %get3A_618] {strides = array<i32>} : memref<400x64xf32, #tpu.memory_space<vmem>>, vector<1x16xf32>,
        %get3A_620 = vector.shape_cast %get3A_619 : vector<1x16xf32> to vector<16xf32>
        %add3A_621 = arith.addf %get3A_620, %get3A_602 : vector<16xf32>
        %swap3A_622 = arith.index_cast %add3A_616 : i32 to index
        %swap3A_623 = arith.constant 16 : index
        %swap3A_624 = tpu.vector_load %arg18[%swap3A_622, %swap3A_623] {strides = array<i32>} : memref<400x64xf32, #tpu.memory_space<vmem>>, vector<1x16xf32>,
        %swap3A_625 = vector.shape_cast %swap3A_624 : vector<1x16xf32> to vector<16xf32>
        %swap3A_626 = vector.shape_cast %add3A_621 : vector<16xf32> to vector<1x16xf32>
        tpu.vector_store %arg18[%swap3A_622, %swap3A_623], %swap3A_626 {strides = array<i32>} : memref<400x64xf32, #tpu.memory_space<vmem>>, vector<1x16xf32>,
        %get3A_627 = arith.index_cast %scan3A_571 : i32 to index
        %get3A_628 = arith.constant 32 : index
        %get3A_629 = tpu.vector_load %arg10[%get3A_627, %get3A_628] {strides = array<i32>} : memref<200x64xf32, #tpu.memory_space<vmem>>, vector<1x16xf32>,
        %get3A_630 = vector.shape_cast %get3A_629 : vector<1x16xf32> to vector<16xf32>
        %add3A_631 = arith.constant 0 : i32
        %add3A_632 = arith.addi %add3A_631, %scan3A_571 : i32
        %get3A_633 = arith.index_cast %add3A_632 : i32 to index
        %get3A_634 = arith.constant 32 : index
        %get3A_635 = tpu.vector_load %arg18[%get3A_633, %get3A_634] {strides = array<i32>} : memref<400x64xf32, #tpu.memory_space<vmem>>, vector<1x16xf32>,
        %get3A_636 = vector.shape_cast %get3A_635 : vector<1x16xf32> to vector<16xf32>
        %add3A_637 = arith.addf %get3A_636, %get3A_630 : vector<16xf32>
        %swap3A_638 = arith.index_cast %add3A_632 : i32 to index
        %swap3A_639 = arith.constant 32 : index
        %swap3A_640 = tpu.vector_load %arg18[%swap3A_638, %swap3A_639] {strides = array<i32>} : memref<400x64xf32, #tpu.memory_space<vmem>>, vector<1x16xf32>,
        %swap3A_641 = vector.shape_cast %swap3A_640 : vector<1x16xf32> to vector<16xf32>
        %swap3A_642 = vector.shape_cast %add3A_637 : vector<16xf32> to vector<1x16xf32>
        tpu.vector_store %arg18[%swap3A_638, %swap3A_639], %swap3A_642 {strides = array<i32>} : memref<400x64xf32, #tpu.memory_space<vmem>>, vector<1x16xf32>,
        %add3A_643 = arith.constant 200 : i32
        %add3A_644 = arith.addi %add3A_643, %scan3A_571 : i32
        %get3A_645 = arith.index_cast %add3A_644 : i32 to index
        %get3A_646 = arith.constant 32 : index
        %get3A_647 = tpu.vector_load %arg18[%get3A_645, %get3A_646] {strides = array<i32>} : memref<400x64xf32, #tpu.memory_space<vmem>>, vector<1x16xf32>,
        %get3A_648 = vector.shape_cast %get3A_647 : vector<1x16xf32> to vector<16xf32>
        %add3A_649 = arith.addf %get3A_648, %get3A_630 : vector<16xf32>
        %swap3A_650 = arith.index_cast %add3A_644 : i32 to index
        %swap3A_651 = arith.constant 32 : index
        %swap3A_652 = tpu.vector_load %arg18[%swap3A_650, %swap3A_651] {strides = array<i32>} : memref<400x64xf32, #tpu.memory_space<vmem>>, vector<1x16xf32>,
        %swap3A_653 = vector.shape_cast %swap3A_652 : vector<1x16xf32> to vector<16xf32>
        %swap3A_654 = vector.shape_cast %add3A_649 : vector<16xf32> to vector<1x16xf32>
        tpu.vector_store %arg18[%swap3A_650, %swap3A_651], %swap3A_654 {strides = array<i32>} : memref<400x64xf32, #tpu.memory_space<vmem>>, vector<1x16xf32>,
        %get3A_655 = arith.index_cast %scan3A_571 : i32 to index
        %get3A_656 = arith.constant 48 : index
        %get3A_657 = tpu.vector_load %arg10[%get3A_655, %get3A_656] {strides = array<i32>} : memref<200x64xf32, #tpu.memory_space<vmem>>, vector<1x16xf32>,
        %get3A_658 = vector.shape_cast %get3A_657 : vector<1x16xf32> to vector<16xf32>
        %add3A_659 = arith.constant 0 : i32
        %add3A_660 = arith.addi %add3A_659, %scan3A_571 : i32
        %get3A_661 = arith.index_cast %add3A_660 : i32 to index
        %get3A_662 = arith.constant 48 : index
        %get3A_663 = tpu.vector_load %arg18[%get3A_661, %get3A_662] {strides = array<i32>} : memref<400x64xf32, #tpu.memory_space<vmem>>, vector<1x16xf32>,
        %get3A_664 = vector.shape_cast %get3A_663 : vector<1x16xf32> to vector<16xf32>
        %add3A_665 = arith.addf %get3A_664, %get3A_658 : vector<16xf32>
        %swap3A_666 = arith.index_cast %add3A_660 : i32 to index
        %swap3A_667 = arith.constant 48 : index
        %swap3A_668 = tpu.vector_load %arg18[%swap3A_666, %swap3A_667] {strides = array<i32>} : memref<400x64xf32, #tpu.memory_space<vmem>>, vector<1x16xf32>,
        %swap3A_669 = vector.shape_cast %swap3A_668 : vector<1x16xf32> to vector<16xf32>
        %swap3A_670 = vector.shape_cast %add3A_665 : vector<16xf32> to vector<1x16xf32>
        tpu.vector_store %arg18[%swap3A_666, %swap3A_667], %swap3A_670 {strides = array<i32>} : memref<400x64xf32, #tpu.memory_space<vmem>>, vector<1x16xf32>,
        %add3A_671 = arith.constant 200 : i32
        %add3A_672 = arith.addi %add3A_671, %scan3A_571 : i32
        %get3A_673 = arith.index_cast %add3A_672 : i32 to index
        %get3A_674 = arith.constant 48 : index
        %get3A_675 = tpu.vector_load %arg18[%get3A_673, %get3A_674] {strides = array<i32>} : memref<400x64xf32, #tpu.memory_space<vmem>>, vector<1x16xf32>,
        %get3A_676 = vector.shape_cast %get3A_675 : vector<1x16xf32> to vector<16xf32>
        %add3A_677 = arith.addf %get3A_676, %get3A_658 : vector<16xf32>
        %swap3A_678 = arith.index_cast %add3A_672 : i32 to index
        %swap3A_679 = arith.constant 48 : index
        %swap3A_680 = tpu.vector_load %arg18[%swap3A_678, %swap3A_679] {strides = array<i32>} : memref<400x64xf32, #tpu.memory_space<vmem>>, vector<1x16xf32>,
        %swap3A_681 = vector.shape_cast %swap3A_680 : vector<1x16xf32> to vector<16xf32>
        %swap3A_682 = vector.shape_cast %add3A_677 : vector<16xf32> to vector<1x16xf32>
        tpu.vector_store %arg18[%swap3A_678, %swap3A_679], %swap3A_682 {strides = array<i32>} : memref<400x64xf32, #tpu.memory_space<vmem>>, vector<1x16xf32>,
        %scan3A_683 = arith.constant 0 : i32
        scf.yield %scan3A_683 : i32
      }
      %scan3A_557 = arith.constant 200 : i32
      %mul3A_558 = arith.constant 400 : i32
      %mul3A_559 = arith.muli %add3A_538, %mul3A_558 : i32
      %add3A_560 = arith.addi %mul3A_2, %mul3A_559 : i32
      %dma_start3A_561 = arith.constant 0 : i32
      %dma_start3A_562 = tpu.memref_slice %arg9[%add3A_560, %dma_start3A_561] : memref<819200x64xf32, #tpu.memory_space<hbm>> -> memref<400x64xf32, #tpu.memory_space<hbm>>
      %dma_start3A_563 = arith.constant 0 : i32
      %dma_start3A_564 = tpu.memref_slice %arg9[%add3A_560, %dma_start3A_563] : memref<819200x64xf32, #tpu.memory_space<hbm>> -> memref<400x64xf32, #tpu.memory_space<hbm>>
      tpu.enqueue_dma source(%arg18 : memref<400x64xf32, #tpu.memory_space<vmem>>) target(%dma_start3A_564 : memref<400x64xf32, #tpu.memory_space<hbm>>) target_semaphore(%arg26 : memref<!tpu.dma_semaphore, #tpu.memory_space<semaphore_mem>>)
      %lt3A_565 = arith.constant 15 : i32
      %lt3A_566 = arith.cmpi slt, %scan3A_446, %lt3A_565 : i32
      %convert_element_type3A_567 = arith.extui %lt3A_566 : i1 to i32
      %cond3A_568 = arith.constant 0 : i32
      %cond3A_569 = arith.cmpi ne, %convert_element_type3A_567, %cond3A_568 : i32
      scf.if %cond3A_569 {
        %mul3A_571 = arith.constant 4 : i32
        %mul3A_572 = arith.muli %mul3A_571, %scan3A_446 : i32
        %add3A_573 = arith.constant 0 : i32
        %add3A_574 = arith.addi %mul3A_572, %add3A_573 : i32
        %mul3A_575 = arith.constant 400 : i32
        %mul3A_576 = arith.muli %add3A_574, %mul3A_575 : i32
        %add3A_577 = arith.addi %mul3A_2, %mul3A_576 : i32
        %dma_wait3A_578 = arith.constant 0 : i32
        %dma_wait3A_579 = tpu.memref_slice %arg9[%add3A_577, %dma_wait3A_578] : memref<819200x64xf32, #tpu.memory_space<hbm>> -> memref<400x64xf32, #tpu.memory_space<hbm>>
        %dma_wait3A_580 = arith.constant 0 : i32
        %dma_wait3A_581 = tpu.memref_slice %arg9[%add3A_577, %dma_wait3A_580] : memref<819200x64xf32, #tpu.memory_space<hbm>> -> memref<400x64xf32, #tpu.memory_space<hbm>>
        tpu.wait_dma2 semaphore(%arg23 : memref<!tpu.dma_semaphore, #tpu.memory_space<semaphore_mem>>) src(%arg15 : memref<400x64xf32, #tpu.memory_space<vmem>>) dst(%dma_wait3A_581 : memref<400x64xf32, #tpu.memory_space<hbm>>)
        %add3A_582 = arith.constant 4 : i32
        %add3A_583 = arith.addi %add3A_574, %add3A_582 : i32
        %mul3A_584 = arith.constant 400 : i32
        %mul3A_585 = arith.muli %add3A_583, %mul3A_584 : i32
        %add3A_586 = arith.addi %mul3A_2, %mul3A_585 : i32
        %dma_wait3A_587 = tpu.memref_slice %arg7[%add3A_586] : memref<819200xi32, #tpu.memory_space<hbm>> -> memref<400xi32, #tpu.memory_space<hbm>>
        %dma_wait3A_588 = tpu.memref_slice %arg7[%add3A_586] : memref<819200xi32, #tpu.memory_space<hbm>> -> memref<400xi32, #tpu.memory_space<hbm>>
        tpu.wait_dma2 semaphore(%arg27 : memref<!tpu.dma_semaphore, #tpu.memory_space<semaphore_mem>>) src(%dma_wait3A_588 : memref<400xi32, #tpu.memory_space<hbm>>) dst(%arg11 : memref<400xi32, #tpu.memory_space<vmem>>)
        %dma_start3A_589 = arith.constant 0 : i32
        %dma_start3A_590 = arith.constant 0 : i32
        %dma_start3A_591 = tpu.memref_slice %arg15[%dma_start3A_589, %dma_start3A_590] : memref<400x64xf32, #tpu.memory_space<vmem>> -> memref<80x64xf32, #tpu.memory_space<vmem>>
        %dma_start3A_592 = arith.constant 0 : i32
        %dma_start3A_593 = tpu.memref_slice %arg11[%dma_start3A_592] : memref<400xi32, #tpu.memory_space<vmem>> -> memref<80xi32, #tpu.memory_space<vmem>>
        %dma_start3A_594 = arith.constant 0 : i32
        %dma_start3A_595 = arith.constant 0 : i32
        %dma_start3A_596 = tpu.memref_slice %arg3[%dma_start3A_594, %dma_start3A_595] : memref<100000x64xf32, #tpu.memory_space<hbm>> -> memref<100000x64xf32, #tpu.memory_space<hbm>>
        tpu.enqueue_indirect_dma source(%dma_start3A_596 : memref<100000x64xf32, #tpu.memory_space<hbm>>) target(%dma_start3A_591 : memref<80x64xf32, #tpu.memory_space<vmem>>) offsets(%dma_start3A_593 : memref<80xi32, #tpu.memory_space<vmem>>) semaphore(%arg19 : memref<!tpu.dma_semaphore, #tpu.memory_space<semaphore_mem>>)
        %dma_start3A_597 = arith.constant 80 : i32
        %dma_start3A_598 = arith.constant 0 : i32
        %dma_start3A_599 = tpu.memref_slice %arg15[%dma_start3A_597, %dma_start3A_598] : memref<400x64xf32, #tpu.memory_space<vmem>> -> memref<80x64xf32, #tpu.memory_space<vmem>>
        %dma_start3A_600 = arith.constant 80 : i32
        %dma_start3A_601 = tpu.memref_slice %arg11[%dma_start3A_600] : memref<400xi32, #tpu.memory_space<vmem>> -> memref<80xi32, #tpu.memory_space<vmem>>
        %dma_start3A_602 = arith.constant 0 : i32
        %dma_start3A_603 = arith.constant 0 : i32
        %dma_start3A_604 = tpu.memref_slice %arg3[%dma_start3A_602, %dma_start3A_603] : memref<100000x64xf32, #tpu.memory_space<hbm>> -> memref<100000x64xf32, #tpu.memory_space<hbm>>
        tpu.enqueue_indirect_dma source(%dma_start3A_604 : memref<100000x64xf32, #tpu.memory_space<hbm>>) target(%dma_start3A_599 : memref<80x64xf32, #tpu.memory_space<vmem>>) offsets(%dma_start3A_601 : memref<80xi32, #tpu.memory_space<vmem>>) semaphore(%arg19 : memref<!tpu.dma_semaphore, #tpu.memory_space<semaphore_mem>>)
        %dma_start3A_605 = arith.constant 160 : i32
        %dma_start3A_606 = arith.constant 0 : i32
        %dma_start3A_607 = tpu.memref_slice %arg15[%dma_start3A_605, %dma_start3A_606] : memref<400x64xf32, #tpu.memory_space<vmem>> -> memref<80x64xf32, #tpu.memory_space<vmem>>
        %dma_start3A_608 = arith.constant 160 : i32
        %dma_start3A_609 = tpu.memref_slice %arg11[%dma_start3A_608] : memref<400xi32, #tpu.memory_space<vmem>> -> memref<80xi32, #tpu.memory_space<vmem>>
        %dma_start3A_610 = arith.constant 0 : i32
        %dma_start3A_611 = arith.constant 0 : i32
        %dma_start3A_612 = tpu.memref_slice %arg3[%dma_start3A_610, %dma_start3A_611] : memref<100000x64xf32, #tpu.memory_space<hbm>> -> memref<100000x64xf32, #tpu.memory_space<hbm>>
        tpu.enqueue_indirect_dma source(%dma_start3A_612 : memref<100000x64xf32, #tpu.memory_space<hbm>>) target(%dma_start3A_607 : memref<80x64xf32, #tpu.memory_space<vmem>>) offsets(%dma_start3A_609 : memref<80xi32, #tpu.memory_space<vmem>>) semaphore(%arg19 : memref<!tpu.dma_semaphore, #tpu.memory_space<semaphore_mem>>)
        %dma_start3A_613 = arith.constant 240 : i32
        %dma_start3A_614 = arith.constant 0 : i32
        %dma_start3A_615 = tpu.memref_slice %arg15[%dma_start3A_613, %dma_start3A_614] : memref<400x64xf32, #tpu.memory_space<vmem>> -> memref<80x64xf32, #tpu.memory_space<vmem>>
        %dma_start3A_616 = arith.constant 240 : i32
        %dma_start3A_617 = tpu.memref_slice %arg11[%dma_start3A_616] : memref<400xi32, #tpu.memory_space<vmem>> -> memref<80xi32, #tpu.memory_space<vmem>>
        %dma_start3A_618 = arith.constant 0 : i32
        %dma_start3A_619 = arith.constant 0 : i32
        %dma_start3A_620 = tpu.memref_slice %arg3[%dma_start3A_618, %dma_start3A_619] : memref<100000x64xf32, #tpu.memory_space<hbm>> -> memref<100000x64xf32, #tpu.memory_space<hbm>>
        tpu.enqueue_indirect_dma source(%dma_start3A_620 : memref<100000x64xf32, #tpu.memory_space<hbm>>) target(%dma_start3A_615 : memref<80x64xf32, #tpu.memory_space<vmem>>) offsets(%dma_start3A_617 : memref<80xi32, #tpu.memory_space<vmem>>) semaphore(%arg19 : memref<!tpu.dma_semaphore, #tpu.memory_space<semaphore_mem>>)
        %dma_start3A_621 = arith.constant 320 : i32
        %dma_start3A_622 = arith.constant 0 : i32
        %dma_start3A_623 = tpu.memref_slice %arg15[%dma_start3A_621, %dma_start3A_622] : memref<400x64xf32, #tpu.memory_space<vmem>> -> memref<80x64xf32, #tpu.memory_space<vmem>>
        %dma_start3A_624 = arith.constant 320 : i32
        %dma_start3A_625 = tpu.memref_slice %arg11[%dma_start3A_624] : memref<400xi32, #tpu.memory_space<vmem>> -> memref<80xi32, #tpu.memory_space<vmem>>
        %dma_start3A_626 = arith.constant 0 : i32
        %dma_start3A_627 = arith.constant 0 : i32
        %dma_start3A_628 = tpu.memref_slice %arg3[%dma_start3A_626, %dma_start3A_627] : memref<100000x64xf32, #tpu.memory_space<hbm>> -> memref<100000x64xf32, #tpu.memory_space<hbm>>
        tpu.enqueue_indirect_dma source(%dma_start3A_628 : memref<100000x64xf32, #tpu.memory_space<hbm>>) target(%dma_start3A_623 : memref<80x64xf32, #tpu.memory_space<vmem>>) offsets(%dma_start3A_625 : memref<80xi32, #tpu.memory_space<vmem>>) semaphore(%arg19 : memref<!tpu.dma_semaphore, #tpu.memory_space<semaphore_mem>>)
        %mul3A_629 = arith.constant 4 : i32
        %mul3A_630 = arith.muli %mul3A_629, %scan3A_446 : i32
        %add3A_631 = arith.constant 1 : i32
        %add3A_632 = arith.addi %mul3A_630, %add3A_631 : i32
        %mul3A_633 = arith.constant 400 : i32
        %mul3A_634 = arith.muli %add3A_632, %mul3A_633 : i32
        %add3A_635 = arith.addi %mul3A_2, %mul3A_634 : i32
        %dma_wait3A_636 = arith.constant 0 : i32
        %dma_wait3A_637 = tpu.memref_slice %arg9[%add3A_635, %dma_wait3A_636] : memref<819200x64xf32, #tpu.memory_space<hbm>> -> memref<400x64xf32, #tpu.memory_space<hbm>>
        %dma_wait3A_638 = arith.constant 0 : i32
        %dma_wait3A_639 = tpu.memref_slice %arg9[%add3A_635, %dma_wait3A_638] : memref<819200x64xf32, #tpu.memory_space<hbm>> -> memref<400x64xf32, #tpu.memory_space<hbm>>
        tpu.wait_dma2 semaphore(%arg24 : memref<!tpu.dma_semaphore, #tpu.memory_space<semaphore_mem>>) src(%arg16 : memref<400x64xf32, #tpu.memory_space<vmem>>) dst(%dma_wait3A_639 : memref<400x64xf32, #tpu.memory_space<hbm>>)
        %add3A_640 = arith.constant 4 : i32
        %add3A_641 = arith.addi %add3A_632, %add3A_640 : i32
        %mul3A_642 = arith.constant 400 : i32
        %mul3A_643 = arith.muli %add3A_641, %mul3A_642 : i32
        %add3A_644 = arith.addi %mul3A_2, %mul3A_643 : i32
        %dma_wait3A_645 = tpu.memref_slice %arg7[%add3A_644] : memref<819200xi32, #tpu.memory_space<hbm>> -> memref<400xi32, #tpu.memory_space<hbm>>
        %dma_wait3A_646 = tpu.memref_slice %arg7[%add3A_644] : memref<819200xi32, #tpu.memory_space<hbm>> -> memref<400xi32, #tpu.memory_space<hbm>>
        tpu.wait_dma2 semaphore(%arg28 : memref<!tpu.dma_semaphore, #tpu.memory_space<semaphore_mem>>) src(%dma_wait3A_646 : memref<400xi32, #tpu.memory_space<hbm>>) dst(%arg12 : memref<400xi32, #tpu.memory_space<vmem>>)
        %dma_start3A_647 = arith.constant 0 : i32
        %dma_start3A_648 = arith.constant 0 : i32
        %dma_start3A_649 = tpu.memref_slice %arg16[%dma_start3A_647, %dma_start3A_648] : memref<400x64xf32, #tpu.memory_space<vmem>> -> memref<80x64xf32, #tpu.memory_space<vmem>>
        %dma_start3A_650 = arith.constant 0 : i32
        %dma_start3A_651 = tpu.memref_slice %arg12[%dma_start3A_650] : memref<400xi32, #tpu.memory_space<vmem>> -> memref<80xi32, #tpu.memory_space<vmem>>
        %dma_start3A_652 = arith.constant 0 : i32
        %dma_start3A_653 = arith.constant 0 : i32
        %dma_start3A_654 = tpu.memref_slice %arg3[%dma_start3A_652, %dma_start3A_653] : memref<100000x64xf32, #tpu.memory_space<hbm>> -> memref<100000x64xf32, #tpu.memory_space<hbm>>
        tpu.enqueue_indirect_dma source(%dma_start3A_654 : memref<100000x64xf32, #tpu.memory_space<hbm>>) target(%dma_start3A_649 : memref<80x64xf32, #tpu.memory_space<vmem>>) offsets(%dma_start3A_651 : memref<80xi32, #tpu.memory_space<vmem>>) semaphore(%arg20 : memref<!tpu.dma_semaphore, #tpu.memory_space<semaphore_mem>>)
        %dma_start3A_655 = arith.constant 80 : i32
        %dma_start3A_656 = arith.constant 0 : i32
        %dma_start3A_657 = tpu.memref_slice %arg16[%dma_start3A_655, %dma_start3A_656] : memref<400x64xf32, #tpu.memory_space<vmem>> -> memref<80x64xf32, #tpu.memory_space<vmem>>
        %dma_start3A_658 = arith.constant 80 : i32
        %dma_start3A_659 = tpu.memref_slice %arg12[%dma_start3A_658] : memref<400xi32, #tpu.memory_space<vmem>> -> memref<80xi32, #tpu.memory_space<vmem>>
        %dma_start3A_660 = arith.constant 0 : i32
        %dma_start3A_661 = arith.constant 0 : i32
        %dma_start3A_662 = tpu.memref_slice %arg3[%dma_start3A_660, %dma_start3A_661] : memref<100000x64xf32, #tpu.memory_space<hbm>> -> memref<100000x64xf32, #tpu.memory_space<hbm>>
        tpu.enqueue_indirect_dma source(%dma_start3A_662 : memref<100000x64xf32, #tpu.memory_space<hbm>>) target(%dma_start3A_657 : memref<80x64xf32, #tpu.memory_space<vmem>>) offsets(%dma_start3A_659 : memref<80xi32, #tpu.memory_space<vmem>>) semaphore(%arg20 : memref<!tpu.dma_semaphore, #tpu.memory_space<semaphore_mem>>)
        %dma_start3A_663 = arith.constant 160 : i32
        %dma_start3A_664 = arith.constant 0 : i32
        %dma_start3A_665 = tpu.memref_slice %arg16[%dma_start3A_663, %dma_start3A_664] : memref<400x64xf32, #tpu.memory_space<vmem>> -> memref<80x64xf32, #tpu.memory_space<vmem>>
        %dma_start3A_666 = arith.constant 160 : i32
        %dma_start3A_667 = tpu.memref_slice %arg12[%dma_start3A_666] : memref<400xi32, #tpu.memory_space<vmem>> -> memref<80xi32, #tpu.memory_space<vmem>>
        %dma_start3A_668 = arith.constant 0 : i32
        %dma_start3A_669 = arith.constant 0 : i32
        %dma_start3A_670 = tpu.memref_slice %arg3[%dma_start3A_668, %dma_start3A_669] : memref<100000x64xf32, #tpu.memory_space<hbm>> -> memref<100000x64xf32, #tpu.memory_space<hbm>>
        tpu.enqueue_indirect_dma source(%dma_start3A_670 : memref<100000x64xf32, #tpu.memory_space<hbm>>) target(%dma_start3A_665 : memref<80x64xf32, #tpu.memory_space<vmem>>) offsets(%dma_start3A_667 : memref<80xi32, #tpu.memory_space<vmem>>) semaphore(%arg20 : memref<!tpu.dma_semaphore, #tpu.memory_space<semaphore_mem>>)
        %dma_start3A_671 = arith.constant 240 : i32
        %dma_start3A_672 = arith.constant 0 : i32
        %dma_start3A_673 = tpu.memref_slice %arg16[%dma_start3A_671, %dma_start3A_672] : memref<400x64xf32, #tpu.memory_space<vmem>> -> memref<80x64xf32, #tpu.memory_space<vmem>>
        %dma_start3A_674 = arith.constant 240 : i32
        %dma_start3A_675 = tpu.memref_slice %arg12[%dma_start3A_674] : memref<400xi32, #tpu.memory_space<vmem>> -> memref<80xi32, #tpu.memory_space<vmem>>
        %dma_start3A_676 = arith.constant 0 : i32
        %dma_start3A_677 = arith.constant 0 : i32
        %dma_start3A_678 = tpu.memref_slice %arg3[%dma_start3A_676, %dma_start3A_677] : memref<100000x64xf32, #tpu.memory_space<hbm>> -> memref<100000x64xf32, #tpu.memory_space<hbm>>
        tpu.enqueue_indirect_dma source(%dma_start3A_678 : memref<100000x64xf32, #tpu.memory_space<hbm>>) target(%dma_start3A_673 : memref<80x64xf32, #tpu.memory_space<vmem>>) offsets(%dma_start3A_675 : memref<80xi32, #tpu.memory_space<vmem>>) semaphore(%arg20 : memref<!tpu.dma_semaphore, #tpu.memory_space<semaphore_mem>>)
        %dma_start3A_679 = arith.constant 320 : i32
        %dma_start3A_680 = arith.constant 0 : i32
        %dma_start3A_681 = tpu.memref_slice %arg16[%dma_start3A_679, %dma_start3A_680] : memref<400x64xf32, #tpu.memory_space<vmem>> -> memref<80x64xf32, #tpu.memory_space<vmem>>
        %dma_start3A_682 = arith.constant 320 : i32
        %dma_start3A_683 = tpu.memref_slice %arg12[%dma_start3A_682] : memref<400xi32, #tpu.memory_space<vmem>> -> memref<80xi32, #tpu.memory_space<vmem>>
        %dma_start3A_684 = arith.constant 0 : i32
        %dma_start3A_685 = arith.constant 0 : i32
        %dma_start3A_686 = tpu.memref_slice %arg3[%dma_start3A_684, %dma_start3A_685] : memref<100000x64xf32, #tpu.memory_space<hbm>> -> memref<100000x64xf32, #tpu.memory_space<hbm>>
        tpu.enqueue_indirect_dma source(%dma_start3A_686 : memref<100000x64xf32, #tpu.memory_space<hbm>>) target(%dma_start3A_681 : memref<80x64xf32, #tpu.memory_space<vmem>>) offsets(%dma_start3A_683 : memref<80xi32, #tpu.memory_space<vmem>>) semaphore(%arg20 : memref<!tpu.dma_semaphore, #tpu.memory_space<semaphore_mem>>)
        %mul3A_687 = arith.constant 4 : i32
        %mul3A_688 = arith.muli %mul3A_687, %scan3A_446 : i32
        %add3A_689 = arith.constant 2 : i32
        %add3A_690 = arith.addi %mul3A_688, %add3A_689 : i32
        %mul3A_691 = arith.constant 400 : i32
        %mul3A_692 = arith.muli %add3A_690, %mul3A_691 : i32
        %add3A_693 = arith.addi %mul3A_2, %mul3A_692 : i32
        %dma_wait3A_694 = arith.constant 0 : i32
        %dma_wait3A_695 = tpu.memref_slice %arg9[%add3A_693, %dma_wait3A_694] : memref<819200x64xf32, #tpu.memory_space<hbm>> -> memref<400x64xf32, #tpu.memory_space<hbm>>
        %dma_wait3A_696 = arith.constant 0 : i32
        %dma_wait3A_697 = tpu.memref_slice %arg9[%add3A_693, %dma_wait3A_696] : memref<819200x64xf32, #tpu.memory_space<hbm>> -> memref<400x64xf32, #tpu.memory_space<hbm>>
        tpu.wait_dma2 semaphore(%arg25 : memref<!tpu.dma_semaphore, #tpu.memory_space<semaphore_mem>>) src(%arg17 : memref<400x64xf32, #tpu.memory_space<vmem>>) dst(%dma_wait3A_697 : memref<400x64xf32, #tpu.memory_space<hbm>>)
        %add3A_698 = arith.constant 4 : i32
        %add3A_699 = arith.addi %add3A_690, %add3A_698 : i32
        %mul3A_700 = arith.constant 400 : i32
        %mul3A_701 = arith.muli %add3A_699, %mul3A_700 : i32
        %add3A_702 = arith.addi %mul3A_2, %mul3A_701 : i32
        %dma_wait3A_703 = tpu.memref_slice %arg7[%add3A_702] : memref<819200xi32, #tpu.memory_space<hbm>> -> memref<400xi32, #tpu.memory_space<hbm>>
        %dma_wait3A_704 = tpu.memref_slice %arg7[%add3A_702] : memref<819200xi32, #tpu.memory_space<hbm>> -> memref<400xi32, #tpu.memory_space<hbm>>
        tpu.wait_dma2 semaphore(%arg29 : memref<!tpu.dma_semaphore, #tpu.memory_space<semaphore_mem>>) src(%dma_wait3A_704 : memref<400xi32, #tpu.memory_space<hbm>>) dst(%arg13 : memref<400xi32, #tpu.memory_space<vmem>>)
        %dma_start3A_705 = arith.constant 0 : i32
        %dma_start3A_706 = arith.constant 0 : i32
        %dma_start3A_707 = tpu.memref_slice %arg17[%dma_start3A_705, %dma_start3A_706] : memref<400x64xf32, #tpu.memory_space<vmem>> -> memref<80x64xf32, #tpu.memory_space<vmem>>
        %dma_start3A_708 = arith.constant 0 : i32
        %dma_start3A_709 = tpu.memref_slice %arg13[%dma_start3A_708] : memref<400xi32, #tpu.memory_space<vmem>> -> memref<80xi32, #tpu.memory_space<vmem>>
        %dma_start3A_710 = arith.constant 0 : i32
        %dma_start3A_711 = arith.constant 0 : i32
        %dma_start3A_712 = tpu.memref_slice %arg3[%dma_start3A_710, %dma_start3A_711] : memref<100000x64xf32, #tpu.memory_space<hbm>> -> memref<100000x64xf32, #tpu.memory_space<hbm>>
        tpu.enqueue_indirect_dma source(%dma_start3A_712 : memref<100000x64xf32, #tpu.memory_space<hbm>>) target(%dma_start3A_707 : memref<80x64xf32, #tpu.memory_space<vmem>>) offsets(%dma_start3A_709 : memref<80xi32, #tpu.memory_space<vmem>>) semaphore(%arg21 : memref<!tpu.dma_semaphore, #tpu.memory_space<semaphore_mem>>)
        %dma_start3A_713 = arith.constant 80 : i32
        %dma_start3A_714 = arith.constant 0 : i32
        %dma_start3A_715 = tpu.memref_slice %arg17[%dma_start3A_713, %dma_start3A_714] : memref<400x64xf32, #tpu.memory_space<vmem>> -> memref<80x64xf32, #tpu.memory_space<vmem>>
        %dma_start3A_716 = arith.constant 80 : i32
        %dma_start3A_717 = tpu.memref_slice %arg13[%dma_start3A_716] : memref<400xi32, #tpu.memory_space<vmem>> -> memref<80xi32, #tpu.memory_space<vmem>>
        %dma_start3A_718 = arith.constant 0 : i32
        %dma_start3A_719 = arith.constant 0 : i32
        %dma_start3A_720 = tpu.memref_slice %arg3[%dma_start3A_718, %dma_start3A_719] : memref<100000x64xf32, #tpu.memory_space<hbm>> -> memref<100000x64xf32, #tpu.memory_space<hbm>>
        tpu.enqueue_indirect_dma source(%dma_start3A_720 : memref<100000x64xf32, #tpu.memory_space<hbm>>) target(%dma_start3A_715 : memref<80x64xf32, #tpu.memory_space<vmem>>) offsets(%dma_start3A_717 : memref<80xi32, #tpu.memory_space<vmem>>) semaphore(%arg21 : memref<!tpu.dma_semaphore, #tpu.memory_space<semaphore_mem>>)
        %dma_start3A_721 = arith.constant 160 : i32
        %dma_start3A_722 = arith.constant 0 : i32
        %dma_start3A_723 = tpu.memref_slice %arg17[%dma_start3A_721, %dma_start3A_722] : memref<400x64xf32, #tpu.memory_space<vmem>> -> memref<80x64xf32, #tpu.memory_space<vmem>>
        %dma_start3A_724 = arith.constant 160 : i32
        %dma_start3A_725 = tpu.memref_slice %arg13[%dma_start3A_724] : memref<400xi32, #tpu.memory_space<vmem>> -> memref<80xi32, #tpu.memory_space<vmem>>
        %dma_start3A_726 = arith.constant 0 : i32
        %dma_start3A_727 = arith.constant 0 : i32
        %dma_start3A_728 = tpu.memref_slice %arg3[%dma_start3A_726, %dma_start3A_727] : memref<100000x64xf32, #tpu.memory_space<hbm>> -> memref<100000x64xf32, #tpu.memory_space<hbm>>
        tpu.enqueue_indirect_dma source(%dma_start3A_728 : memref<100000x64xf32, #tpu.memory_space<hbm>>) target(%dma_start3A_723 : memref<80x64xf32, #tpu.memory_space<vmem>>) offsets(%dma_start3A_725 : memref<80xi32, #tpu.memory_space<vmem>>) semaphore(%arg21 : memref<!tpu.dma_semaphore, #tpu.memory_space<semaphore_mem>>)
        %dma_start3A_729 = arith.constant 240 : i32
        %dma_start3A_730 = arith.constant 0 : i32
        %dma_start3A_731 = tpu.memref_slice %arg17[%dma_start3A_729, %dma_start3A_730] : memref<400x64xf32, #tpu.memory_space<vmem>> -> memref<80x64xf32, #tpu.memory_space<vmem>>
        %dma_start3A_732 = arith.constant 240 : i32
        %dma_start3A_733 = tpu.memref_slice %arg13[%dma_start3A_732] : memref<400xi32, #tpu.memory_space<vmem>> -> memref<80xi32, #tpu.memory_space<vmem>>
        %dma_start3A_734 = arith.constant 0 : i32
        %dma_start3A_735 = arith.constant 0 : i32
        %dma_start3A_736 = tpu.memref_slice %arg3[%dma_start3A_734, %dma_start3A_735] : memref<100000x64xf32, #tpu.memory_space<hbm>> -> memref<100000x64xf32, #tpu.memory_space<hbm>>
        tpu.enqueue_indirect_dma source(%dma_start3A_736 : memref<100000x64xf32, #tpu.memory_space<hbm>>) target(%dma_start3A_731 : memref<80x64xf32, #tpu.memory_space<vmem>>) offsets(%dma_start3A_733 : memref<80xi32, #tpu.memory_space<vmem>>) semaphore(%arg21 : memref<!tpu.dma_semaphore, #tpu.memory_space<semaphore_mem>>)
        %dma_start3A_737 = arith.constant 320 : i32
        %dma_start3A_738 = arith.constant 0 : i32
        %dma_start3A_739 = tpu.memref_slice %arg17[%dma_start3A_737, %dma_start3A_738] : memref<400x64xf32, #tpu.memory_space<vmem>> -> memref<80x64xf32, #tpu.memory_space<vmem>>
        %dma_start3A_740 = arith.constant 320 : i32
        %dma_start3A_741 = tpu.memref_slice %arg13[%dma_start3A_740] : memref<400xi32, #tpu.memory_space<vmem>> -> memref<80xi32, #tpu.memory_space<vmem>>
        %dma_start3A_742 = arith.constant 0 : i32
        %dma_start3A_743 = arith.constant 0 : i32
        %dma_start3A_744 = tpu.memref_slice %arg3[%dma_start3A_742, %dma_start3A_743] : memref<100000x64xf32, #tpu.memory_space<hbm>> -> memref<100000x64xf32, #tpu.memory_space<hbm>>
        tpu.enqueue_indirect_dma source(%dma_start3A_744 : memref<100000x64xf32, #tpu.memory_space<hbm>>) target(%dma_start3A_739 : memref<80x64xf32, #tpu.memory_space<vmem>>) offsets(%dma_start3A_741 : memref<80xi32, #tpu.memory_space<vmem>>) semaphore(%arg21 : memref<!tpu.dma_semaphore, #tpu.memory_space<semaphore_mem>>)
        %mul3A_745 = arith.constant 4 : i32
        %mul3A_746 = arith.muli %mul3A_745, %scan3A_446 : i32
        %add3A_747 = arith.constant 3 : i32
        %add3A_748 = arith.addi %mul3A_746, %add3A_747 : i32
        %mul3A_749 = arith.constant 400 : i32
        %mul3A_750 = arith.muli %add3A_748, %mul3A_749 : i32
        %add3A_751 = arith.addi %mul3A_2, %mul3A_750 : i32
        %dma_wait3A_752 = arith.constant 0 : i32
        %dma_wait3A_753 = tpu.memref_slice %arg9[%add3A_751, %dma_wait3A_752] : memref<819200x64xf32, #tpu.memory_space<hbm>> -> memref<400x64xf32, #tpu.memory_space<hbm>>
        %dma_wait3A_754 = arith.constant 0 : i32
        %dma_wait3A_755 = tpu.memref_slice %arg9[%add3A_751, %dma_wait3A_754] : memref<819200x64xf32, #tpu.memory_space<hbm>> -> memref<400x64xf32, #tpu.memory_space<hbm>>
        tpu.wait_dma2 semaphore(%arg26 : memref<!tpu.dma_semaphore, #tpu.memory_space<semaphore_mem>>) src(%arg18 : memref<400x64xf32, #tpu.memory_space<vmem>>) dst(%dma_wait3A_755 : memref<400x64xf32, #tpu.memory_space<hbm>>)
        %add3A_756 = arith.constant 4 : i32
        %add3A_757 = arith.addi %add3A_748, %add3A_756 : i32
        %mul3A_758 = arith.constant 400 : i32
        %mul3A_759 = arith.muli %add3A_757, %mul3A_758 : i32
        %add3A_760 = arith.addi %mul3A_2, %mul3A_759 : i32
        %dma_wait3A_761 = tpu.memref_slice %arg7[%add3A_760] : memref<819200xi32, #tpu.memory_space<hbm>> -> memref<400xi32, #tpu.memory_space<hbm>>
        %dma_wait3A_762 = tpu.memref_slice %arg7[%add3A_760] : memref<819200xi32, #tpu.memory_space<hbm>> -> memref<400xi32, #tpu.memory_space<hbm>>
        tpu.wait_dma2 semaphore(%arg30 : memref<!tpu.dma_semaphore, #tpu.memory_space<semaphore_mem>>) src(%dma_wait3A_762 : memref<400xi32, #tpu.memory_space<hbm>>) dst(%arg14 : memref<400xi32, #tpu.memory_space<vmem>>)
        %dma_start3A_763 = arith.constant 0 : i32
        %dma_start3A_764 = arith.constant 0 : i32
        %dma_start3A_765 = tpu.memref_slice %arg18[%dma_start3A_763, %dma_start3A_764] : memref<400x64xf32, #tpu.memory_space<vmem>> -> memref<80x64xf32, #tpu.memory_space<vmem>>
        %dma_start3A_766 = arith.constant 0 : i32
        %dma_start3A_767 = tpu.memref_slice %arg14[%dma_start3A_766] : memref<400xi32, #tpu.memory_space<vmem>> -> memref<80xi32, #tpu.memory_space<vmem>>
        %dma_start3A_768 = arith.constant 0 : i32
        %dma_start3A_769 = arith.constant 0 : i32
        %dma_start3A_770 = tpu.memref_slice %arg3[%dma_start3A_768, %dma_start3A_769] : memref<100000x64xf32, #tpu.memory_space<hbm>> -> memref<100000x64xf32, #tpu.memory_space<hbm>>
        tpu.enqueue_indirect_dma source(%dma_start3A_770 : memref<100000x64xf32, #tpu.memory_space<hbm>>) target(%dma_start3A_765 : memref<80x64xf32, #tpu.memory_space<vmem>>) offsets(%dma_start3A_767 : memref<80xi32, #tpu.memory_space<vmem>>) semaphore(%arg22 : memref<!tpu.dma_semaphore, #tpu.memory_space<semaphore_mem>>)
        %dma_start3A_771 = arith.constant 80 : i32
        %dma_start3A_772 = arith.constant 0 : i32
        %dma_start3A_773 = tpu.memref_slice %arg18[%dma_start3A_771, %dma_start3A_772] : memref<400x64xf32, #tpu.memory_space<vmem>> -> memref<80x64xf32, #tpu.memory_space<vmem>>
        %dma_start3A_774 = arith.constant 80 : i32
        %dma_start3A_775 = tpu.memref_slice %arg14[%dma_start3A_774] : memref<400xi32, #tpu.memory_space<vmem>> -> memref<80xi32, #tpu.memory_space<vmem>>
        %dma_start3A_776 = arith.constant 0 : i32
        %dma_start3A_777 = arith.constant 0 : i32
        %dma_start3A_778 = tpu.memref_slice %arg3[%dma_start3A_776, %dma_start3A_777] : memref<100000x64xf32, #tpu.memory_space<hbm>> -> memref<100000x64xf32, #tpu.memory_space<hbm>>
        tpu.enqueue_indirect_dma source(%dma_start3A_778 : memref<100000x64xf32, #tpu.memory_space<hbm>>) target(%dma_start3A_773 : memref<80x64xf32, #tpu.memory_space<vmem>>) offsets(%dma_start3A_775 : memref<80xi32, #tpu.memory_space<vmem>>) semaphore(%arg22 : memref<!tpu.dma_semaphore, #tpu.memory_space<semaphore_mem>>)
        %dma_start3A_779 = arith.constant 160 : i32
        %dma_start3A_780 = arith.constant 0 : i32
        %dma_start3A_781 = tpu.memref_slice %arg18[%dma_start3A_779, %dma_start3A_780] : memref<400x64xf32, #tpu.memory_space<vmem>> -> memref<80x64xf32, #tpu.memory_space<vmem>>
        %dma_start3A_782 = arith.constant 160 : i32
        %dma_start3A_783 = tpu.memref_slice %arg14[%dma_start3A_782] : memref<400xi32, #tpu.memory_space<vmem>> -> memref<80xi32, #tpu.memory_space<vmem>>
        %dma_start3A_784 = arith.constant 0 : i32
        %dma_start3A_785 = arith.constant 0 : i32
        %dma_start3A_786 = tpu.memref_slice %arg3[%dma_start3A_784, %dma_start3A_785] : memref<100000x64xf32, #tpu.memory_space<hbm>> -> memref<100000x64xf32, #tpu.memory_space<hbm>>
        tpu.enqueue_indirect_dma source(%dma_start3A_786 : memref<100000x64xf32, #tpu.memory_space<hbm>>) target(%dma_start3A_781 : memref<80x64xf32, #tpu.memory_space<vmem>>) offsets(%dma_start3A_783 : memref<80xi32, #tpu.memory_space<vmem>>) semaphore(%arg22 : memref<!tpu.dma_semaphore, #tpu.memory_space<semaphore_mem>>)
        %dma_start3A_787 = arith.constant 240 : i32
        %dma_start3A_788 = arith.constant 0 : i32
        %dma_start3A_789 = tpu.memref_slice %arg18[%dma_start3A_787, %dma_start3A_788] : memref<400x64xf32, #tpu.memory_space<vmem>> -> memref<80x64xf32, #tpu.memory_space<vmem>>
        %dma_start3A_790 = arith.constant 240 : i32
        %dma_start3A_791 = tpu.memref_slice %arg14[%dma_start3A_790] : memref<400xi32, #tpu.memory_space<vmem>> -> memref<80xi32, #tpu.memory_space<vmem>>
        %dma_start3A_792 = arith.constant 0 : i32
        %dma_start3A_793 = arith.constant 0 : i32
        %dma_start3A_794 = tpu.memref_slice %arg3[%dma_start3A_792, %dma_start3A_793] : memref<100000x64xf32, #tpu.memory_space<hbm>> -> memref<100000x64xf32, #tpu.memory_space<hbm>>
        tpu.enqueue_indirect_dma source(%dma_start3A_794 : memref<100000x64xf32, #tpu.memory_space<hbm>>) target(%dma_start3A_789 : memref<80x64xf32, #tpu.memory_space<vmem>>) offsets(%dma_start3A_791 : memref<80xi32, #tpu.memory_space<vmem>>) semaphore(%arg22 : memref<!tpu.dma_semaphore, #tpu.memory_space<semaphore_mem>>)
        %dma_start3A_795 = arith.constant 320 : i32
        %dma_start3A_796 = arith.constant 0 : i32
        %dma_start3A_797 = tpu.memref_slice %arg18[%dma_start3A_795, %dma_start3A_796] : memref<400x64xf32, #tpu.memory_space<vmem>> -> memref<80x64xf32, #tpu.memory_space<vmem>>
        %dma_start3A_798 = arith.constant 320 : i32
        %dma_start3A_799 = tpu.memref_slice %arg14[%dma_start3A_798] : memref<400xi32, #tpu.memory_space<vmem>> -> memref<80xi32, #tpu.memory_space<vmem>>
        %dma_start3A_800 = arith.constant 0 : i32
        %dma_start3A_801 = arith.constant 0 : i32
        %dma_start3A_802 = tpu.memref_slice %arg3[%dma_start3A_800, %dma_start3A_801] : memref<100000x64xf32, #tpu.memory_space<hbm>> -> memref<100000x64xf32, #tpu.memory_space<hbm>>
        tpu.enqueue_indirect_dma source(%dma_start3A_802 : memref<100000x64xf32, #tpu.memory_space<hbm>>) target(%dma_start3A_797 : memref<80x64xf32, #tpu.memory_space<vmem>>) offsets(%dma_start3A_799 : memref<80xi32, #tpu.memory_space<vmem>>) semaphore(%arg22 : memref<!tpu.dma_semaphore, #tpu.memory_space<semaphore_mem>>)
      } else {
      }
      %scan3A_570 = arith.constant 0 : i32
      scf.yield %scan3A_570 : i32
    }
    %scan3A_421 = arith.constant 16 : i32
    %add3A_422 = arith.constant 24000 : i32
    %add3A_423 = arith.addi %mul3A_2, %add3A_422 : i32
    %dma_wait3A_424 = arith.constant 0 : i32
    %dma_wait3A_425 = tpu.memref_slice %arg9[%add3A_423, %dma_wait3A_424] : memref<819200x64xf32, #tpu.memory_space<hbm>> -> memref<400x64xf32, #tpu.memory_space<hbm>>
    %dma_wait3A_426 = arith.constant 0 : i32
    %dma_wait3A_427 = tpu.memref_slice %arg9[%add3A_423, %dma_wait3A_426] : memref<819200x64xf32, #tpu.memory_space<hbm>> -> memref<400x64xf32, #tpu.memory_space<hbm>>
    tpu.wait_dma2 semaphore(%arg23 : memref<!tpu.dma_semaphore, #tpu.memory_space<semaphore_mem>>) src(%arg15 : memref<400x64xf32, #tpu.memory_space<vmem>>) dst(%dma_wait3A_427 : memref<400x64xf32, #tpu.memory_space<hbm>>)
    %add3A_428 = arith.constant 24400 : i32
    %add3A_429 = arith.addi %mul3A_2, %add3A_428 : i32
    %dma_wait3A_430 = arith.constant 0 : i32
    %dma_wait3A_431 = tpu.memref_slice %arg9[%add3A_429, %dma_wait3A_430] : memref<819200x64xf32, #tpu.memory_space<hbm>> -> memref<400x64xf32, #tpu.memory_space<hbm>>
    %dma_wait3A_432 = arith.constant 0 : i32
    %dma_wait3A_433 = tpu.memref_slice %arg9[%add3A_429, %dma_wait3A_432] : memref<819200x64xf32, #tpu.memory_space<hbm>> -> memref<400x64xf32, #tpu.memory_space<hbm>>
    tpu.wait_dma2 semaphore(%arg24 : memref<!tpu.dma_semaphore, #tpu.memory_space<semaphore_mem>>) src(%arg16 : memref<400x64xf32, #tpu.memory_space<vmem>>) dst(%dma_wait3A_433 : memref<400x64xf32, #tpu.memory_space<hbm>>)
    %add3A_434 = arith.constant 24800 : i32
    %add3A_435 = arith.addi %mul3A_2, %add3A_434 : i32
    %dma_wait3A_436 = arith.constant 0 : i32
    %dma_wait3A_437 = tpu.memref_slice %arg9[%add3A_435, %dma_wait3A_436] : memref<819200x64xf32, #tpu.memory_space<hbm>> -> memref<400x64xf32, #tpu.memory_space<hbm>>
    %dma_wait3A_438 = arith.constant 0 : i32
    %dma_wait3A_439 = tpu.memref_slice %arg9[%add3A_435, %dma_wait3A_438] : memref<819200x64xf32, #tpu.memory_space<hbm>> -> memref<400x64xf32, #tpu.memory_space<hbm>>
    tpu.wait_dma2 semaphore(%arg25 : memref<!tpu.dma_semaphore, #tpu.memory_space<semaphore_mem>>) src(%arg17 : memref<400x64xf32, #tpu.memory_space<vmem>>) dst(%dma_wait3A_439 : memref<400x64xf32, #tpu.memory_space<hbm>>)
    %add3A_440 = arith.constant 25200 : i32
    %add3A_441 = arith.addi %mul3A_2, %add3A_440 : i32
    %dma_wait3A_442 = arith.constant 0 : i32
    %dma_wait3A_443 = tpu.memref_slice %arg9[%add3A_441, %dma_wait3A_442] : memref<819200x64xf32, #tpu.memory_space<hbm>> -> memref<400x64xf32, #tpu.memory_space<hbm>>
    %dma_wait3A_444 = arith.constant 0 : i32
    %dma_wait3A_445 = tpu.memref_slice %arg9[%add3A_441, %dma_wait3A_444] : memref<819200x64xf32, #tpu.memory_space<hbm>> -> memref<400x64xf32, #tpu.memory_space<hbm>>
    tpu.wait_dma2 semaphore(%arg26 : memref<!tpu.dma_semaphore, #tpu.memory_space<semaphore_mem>>) src(%arg18 : memref<400x64xf32, #tpu.memory_space<vmem>>) dst(%dma_wait3A_445 : memref<400x64xf32, #tpu.memory_space<hbm>>)
    return
  }
}

</mosaic_0001>

<sc_bundles>
// kernel: kernel.3.cloned.1.call-start
scs
__scs_entry_jumppad:
0x0: {  	(pc) =	sbr.rel $0x88, $3  }
0x1: {  	(tag) =	ssettag $0x0;
	lr =	simm.s32 $0x1  }
0x2: {  	[smem:$0x3F9B] =	sst lr;
	_ =	strace $0xD0000000  }
0x3: {  	_ = 	snop  }
0x4: {  	_ = 	snop  }
0x5: {  	_ = 	snop  }
0x6: {  	_ = 	snop  }
0x7: {  	_ = 	snop  }
__scs_overlays_trampoline_lowered:
0x8: {  	[smem:$0x3FAA] =	sst s0  }
0x9: {  	[smem:$0x3FAB] =	sst s1  }
0xa: {  	[smem:$0x3FAC] =	sst s2  }
0xb: {  	[smem:$0x3FAD] =	sst s3  }
0xc: {  	[smem:$0x3FAE] =	sst s4  }
0xd: {  	[smem:$0x3FAF] =	sst s5  }
0xe: {  	[smem:$0x3FB0] =	sst s6  }
0xf: {  	[smem:$0x3FB1] =	sst s7  }
0x10: {  	[smem:$0x3FB2] =	sst s8  }
0x11: {  	[smem:$0x3FB3] =	sst s9;
	s0 =	simm.s32 @!p0 $0x0  }
0x12: {  	s1 =	sld [smem:$0x3F99];
	s0 =	simm.s32 @p0 $0x1  }
0x13: {  	[smem:$0x3FB4] =	sst s0;
	s0 =	simm.s32 @!p1 $0x0  }
0x14: {  	s2 =	sld [smem:$0x3F98];
	s0 =	simm.s32 @p1 $0x1  }
0x15: {  	[smem:$0x3FB5] =	sst s0;
	s0 =	simm.s32 @!p2 $0x0  }
0x16: {  	s3 =	sld [smem:$0x3FDB];
	s0 =	simm.s32 @p2 $0x1  }
0x17: {  	s4 =	simm.s32 $0x1BF5;
	[smem:$0x3FB7] =	sst s0  }
0x18: {  	s0 =	sld [smem:$0x3F9A];
	_ =	swait.ge [sflag:s4], $0x0  }
0x19: {  	s7 =	sld [smem:$0x3F9B]  }
0x1a: {  	s8 =	sadd.s32 $0xFFFFE003, lr  }
0x1b: {  	s9 =	sadd.s32 $0xFFFFFEF7, lr;
	s5 =	simm.s32 $0xFFFFFFFF;
	p2 =	slt.u32 s8, $0xFFFFF086  }
0x1c: {  	p1 =	slt.u32 s9, $0xF7A;
	s5 =	simm.s32 @!p2 $0x0  }
0x1d: {  	s5 =	simm.s32 @p1 $0x1;
	p0 =	seq.s32 s7, s2  }
0x1e: {  	s7 =	smul.u32 @!p0 $0xF7A, s2;
	p2 =	seq.s32 @!p0 s5, $0x0  }
0x1f: {  	s9 =	smul.u32 $0xF7A, s1;
	s8 =	simm.s32 @!p0 $0x1BF5;
	p2 =	por !p2, p0  }
0x20: {  	[sflag:s8] =	ssyncset.s32 @!p0 $0xFFFFF086;
	s6 =	sadd.s32 @!p0 s3, s7;
	s7 =	simm.s32 @!p0 $0x108  }
0x21: {  	s3 =	sadd.s32 s3, s9;
	s6 =	sadd.s32 @!p0 $0x88, s6;
	s7 =	simm.s32 @p2 $0x1082  }
0x22: {  	[simem:s7], [sflag:s8] =	dma.local @!p0 [hbm:s6], $0xF7A  }
0x23: {  	s9 =	sor.u32 $0xD0000000, s2;
	s6 =	simm.s32 $0x108;
	_ =	swait.ge @!p0 [sflag:s8], $0x0  }
0x24: {  	s3 =	sadd.s32 $0x88, s3;
	s6 =	simm.s32 @!p1 $0x1082;
	[sflag:s4] =	ssyncset.s32 $0xFFFFF086  }
0x25: {  	[simem:s6], [sflag:s4] =	dma.local [hbm:s3], $0xF7A  }
0x26: {  	[smem:$0x3F9B] =	sst s1;
	(tag) =	ssettag s2;
	_ =	strace s9  }
0x27: {  	s1 =	sld [smem:$0x3FAB]  }
0x28: {  	s2 =	sld [smem:$0x3FAC]  }
0x29: {  	s4 =	sld [smem:$0x3FAE]  }
0x2a: {  	p0 =	seq.s32 s5, $0x0;
	s5 =	sld [smem:$0x3FAF]  }
0x2b: {  	s6 =	sld [smem:$0x3FB0]  }
0x2c: {  	s7 =	sld [smem:$0x3FB1]  }
0x2d: {  	s3 =	simm.s32 $0x108;
	s8 =	sld [smem:$0x3FB2]  }
0x2e: {  	s3 =	simm.s32 @!p0 $0x1082;
	s9 =	sld [smem:$0x3FB3]  }
0x2f: {  	lr =	sadd.s32 s0, s3;
	s0 =	sld [smem:$0x3FAA]  }
0x30: {  	s3 =	sld [smem:$0x3FAD]  }
0x31: {  	[smem:$0x3FB6] =	sst s10  }
0x32: {  	s10 =	sld [smem:$0x3FB4];
	_ =	sdelay $0x3  }
0x33: {  	p0 =	seq.s32 s10, $0x1;
	s10 =	sld [smem:$0x3FB6];
	_ =	sdelay $0x3  }
0x34: {  	[smem:$0x3FB6] =	sst s10  }
0x35: {  	s10 =	sld [smem:$0x3FB5];
	_ =	sdelay $0x3  }
0x36: {  	p1 =	seq.s32 s10, $0x1;
	s10 =	sld [smem:$0x3FB6];
	_ =	sdelay $0x3  }
0x37: {  	[smem:$0x3FB6] =	sst s10  }
0x38: {  	s10 =	sld [smem:$0x3FB7]  }
0x39: {  	_ = 	snop;
	(pc) =	sbr.ind lr, $3  }
0x3a: {  	_ = 	snop  }
0x3b: {  	_ = 	snop  }
0x3c: {  	p2 =	seq.s32 s10, $0x1;
	s10 =	sld [smem:$0x3FB6]  }
0x3d: {  	_ =	shalt  }
0x3e: {  	_ =	shalt  }
0x3f: {  	_ =	shalt  }
0x40: {  	_ =	shalt  }
0x41: {  	_ =	shalt  }
0x42: {  	_ =	shalt  }
0x43: {  	_ =	shalt  }
0x44: {  	_ =	shalt  }
0x45: {  	_ =	shalt  }
0x46: {  	_ =	shalt  }
0x47: {  	_ =	shalt  }
0x48: {  	_ =	shalt  }
0x49: {  	_ =	shalt  }
0x4a: {  	_ =	shalt  }
0x4b: {  	_ =	shalt  }
0x4c: {  	_ =	shalt  }
0x4d: {  	_ =	shalt  }
0x4e: {  	_ =	shalt  }
0x4f: {  	_ =	shalt  }
0x50: {  	_ =	shalt  }
0x51: {  	_ =	shalt  }
0x52: {  	_ =	shalt  }
0x53: {  	_ =	shalt  }
0x54: {  	_ =	shalt  }
0x55: {  	_ =	shalt  }
0x56: {  	_ =	shalt  }
0x57: {  	_ =	shalt  }
0x58: {  	_ =	shalt  }
0x59: {  	_ =	shalt  }
0x5a: {  	_ =	shalt  }
0x5b: {  	_ =	shalt  }
0x5c: {  	_ =	shalt  }
0x5d: {  	_ =	shalt  }
0x5e: {  	_ =	shalt  }
0x5f: {  	_ =	shalt  }
0x60: {  	_ =	shalt  }
0x61: {  	_ =	shalt  }
0x62: {  	_ =	shalt  }
0x63: {  	_ =	shalt  }
0x64: {  	_ =	shalt  }
0x65: {  	_ =	shalt  }
0x66: {  	_ =	shalt  }
0x67: {  	_ =	shalt  }
0x68: {  	_ =	shalt  }
0x69: {  	_ =	shalt  }
0x6a: {  	_ =	shalt  }
0x6b: {  	_ =	shalt  }
0x6c: {  	_ =	shalt  }
0x6d: {  	_ =	shalt  }
0x6e: {  	_ =	shalt  }
0x6f: {  	_ =	shalt  }
0x70: {  	_ =	shalt  }
0x71: {  	_ =	shalt  }
0x72: {  	_ =	shalt  }
0x73: {  	_ =	shalt  }
0x74: {  	_ =	shalt  }
0x75: {  	_ =	shalt  }
0x76: {  	_ =	shalt  }
0x77: {  	_ =	shalt  }
0x78: {  	_ =	shalt  }
0x79: {  	_ =	shalt  }
0x7a: {  	_ =	shalt  }
0x7b: {  	_ =	shalt  }
0x7c: {  	_ =	shalt  }
0x7d: {  	_ =	shalt  }
0x7e: {  	_ =	shalt  }
0x7f: {  	_ =	shalt  }
0x80: {  	_ =	shalt  }
0x81: {  	_ =	shalt  }
0x82: {  	_ =	shalt  }
0x83: {  	_ =	shalt  }
0x84: {  	_ =	shalt  }
0x85: {  	_ =	shalt  }
0x86: {  	_ =	shalt  }
0x87: {  	_ =	shalt  }
.Lfunc_end0:
.L_simem_size_0:
called_computation.2_lowered:
.L_overlay_start_0:
0x88: {  	s2 =	sld [smem:$0x3FD9]  }
0x89: {  	s3 =	sld [smem:$0x3FFE];
	_ =	sdelay $0x1  }
0x8a: {  	s1 =	srdreg.scid  }
0x8b: {  	s0 =	sand.u32 $0x1, s1  }
0x8c: {  	s14 =	sshll.u32 s0, $0xA;
	s2 =	sadd.s32 s3, s2  }
0x8d: {  	s2 =	sadd.s32 s2, s14  }
0x8e: {  	[smem:$0x3FC2] =	sst s2  }
0x8f: {  	_ = 	snop  }
0x90: {  	s2 =	sld [smem:$0x3FD0];
	_ =	sdelay $0x2  }
0x91: {  	s15 =	simm.s32 $0xB;
	s4 =	simm.s32 $0x10  }
0x92: {  	[smem:s4], [sflag:s15] =	dma.local [hbm:s2], $0x1  }
0x93: {  	_ =	swait.eq [sflag:s15], $0x1  }
0x94: {  	[sflag:s15] =	ssyncset.done $0x0  }
0x95: {  	s16 =	sld [smem:$0x10];
	[sflag:s15] =	ssyncadd.s32 $0xFFFFFFFF  }
0x96: {  	s17 =	sld [smem:$0x11];
	(tm) =	ssettm $0x1  }
0x97: {  	s18 =	sld [smem:$0x3FFB];
	_ =	sdelay $0x3  }
0x98: {  	_ =	strace s18  }
0x99: {  	s4 =	sld [smem:$0x3FFC];
	_ =	sdelay $0x3  }
0x9a: {  	_ =	strace s4  }
0x9b: {  	s4 =	sld [smem:$0x3FFD];
	_ =	sdelay $0x3  }
0x9c: {  	_ =	strace s4  }
0x9d: {  	_ =	strace $0x8FFFFFFF  }
0x9e: {  	s19 =	sld [smem:$0x3FDB];
	_ =	sdelay $0x1  }
0x9f: {  	s5 =	simm.s32 $_scs_section_size  }
0xa0: {  	s6 =	simm.s32 $_size__tile_overlayer_lowered;
	s7 =	simm.s32 $_tile_overlayer_lowered  }
0xa1: {  	s22 =	simm.s32 $0x1BFF;
	s21 =	sshll.u32 s7, $0x1;
	s4 =	sadd.s32 s5, s19  }
0xa2: {  	s8 =	simm.s32 $0x0;
	s20 =	sshll.u32 s6, $0x1;
	s6 =	sadd.s32 s21, s4  }
0xa3: {  	[timem:s8], [sflag:s22] =	dma.local [hbm:s6], s20  }
0xa4: {  	_ =	swait.ge [sflag:s22], s20  }
0xa5: {  	s5 =	ssub.s32 $0x0, s20;
	[sflag:s22] =	ssyncset.done $0x0  }
0xa6: {  	[sflag:s22] =	ssyncadd.s32 s5;
	_ =	sdelay $0x1  }
0xa7: {  	s23 =	simm.s32 $0x1B8B  }
0xa8: {  	_ =	swait.ge [sflag:s23], $0x1  }
0xa9: {  	[sflag:s23] =	ssyncset.done $0x0  }
0xaa: {  	s25 =	simm.s32 $0x1B8E;
	s24 =	sld [smem:$0x3FFE];
	[sflag:s23] =	ssyncadd.s32 $0xFFFFFFFF  }
0xab: {  	s26 =	simm.s32 $execute0_lowered;
	[smem:$0x3FD2] =	sst s25  }
0xac: {  	s6 =	sshll.u32 s26, $0x1;
	_ =	strace $0x80000046;
	[dreg:$0x1] =	wrdreg $0xFFFFFFFF  }
0xad: {  	s28 =	simm.s32 $_size_execute0_lowered;
	s4 =	sadd.s32 s4, s6;
	[dreg:$0x0] =	wrdreg $0x0  }
0xae: {  	s6 =	sshll.u32 s28, $0x1;
	[dreg:$0x2] =	wrdreg s4  }
0xaf: {  	[dreg:$0x3] =	wrdreg s6  }
0xb0: {  	[dreg:$0x4] =	wrdreg $0xC0  }
0xb1: {  	_ =	task [dreg:s8], $0x5FFFF  }
0xb2: {  	[dreg:$0x1] =	wrdreg $0xFFFFFFFF  }
0xb3: {  	[dreg:$0x0] =	wrdreg $0x60  }
0xb4: {  	[dreg:$0x2] =	wrdreg s24  }
0xb5: {  	[dreg:$0x3] =	wrdreg s16  }
0xb6: {  	[dreg:$0x4] =	wrdreg s17  }
0xb7: {  	[dreg:$0x5] =	wrdreg $0x9  }
0xb8: {  	_ =	task.clear_ibuf [dreg:s8], $0x6FFFF;
	_ =	strace $0x90000046  }
0xb9: {  	s29 =	simm.s32 $0x9;
	_ =	strace $0x80000048  }
0xba: {  	_ =	swait.ge [sflag:s29], $0x1  }
0xbb: {  	[sflag:s29] =	ssyncadd.s32 $0xFFFFFFFF  }
0xbc: {  	_ =	strace $0x90000048  }
0xbd: {  	_ =	sfence  }
0xbe: {  	s30 =	sld [smem:$0x0];
	_ =	sdelay $0x2  }
0xbf: {  	s31 =	sshll.u32 s1, $0xD;
	s1 =	sshrl.u32 s1, $0x2  }
0xc0: {  	s3 =	sand.u32 $0x4000, s31;
	s1 =	sadd.s32 s1, s30  }
0xc1: {  	s0 =	sor.u32 s3, s0;
	s1 =	sshll.u32 s1, $0x11  }
0xc2: {  	s0 =	sor.u32 s1, s0  }
0xc3: {  	s0 =	sadd.s32 $0x8F2B, s0  }
0xc4: {  	[sflag:s0] =	ssyncadd.remote.s32 $0x1  }
0xc5: {  	_ =	sfence.sel $0xFFFF  }
0xc6: {  	[dreg:$0x0] =	wrdreg $0xFFFFFFFF;
	(pc) =	sbr.abs _section_cstart, $3  }
0xc7: {  	[dreg:$0x1] =	wrdreg $0xFFFFFFFF  }
0xc8: {  	_ =	task.clear_ibuf [dreg:s8], $0x2FFFF;
	_ =	strace $0x9FFFFFFF  }
0xc9: {  	(tm) =	ssettm $0x7FFFFFFF  }
tec
execute0_lowered:
.L_overlay_start_1:
0x0: {  	(tag) =	ssettag $0x1  }
0x1: {  	s0 =	rddreg [dreg:$0x0];
	s4 =	simm.s32 $0x0;
	s1 =	srdreg.scid  }
0x2: {  	s2 =	stileid.u32;
	s12 =	simm.s32 $0x3840;
	s29 =	simm.s32 $0xA  }
0x3: {  	s31 =	simm.s32 $0x2;
	s30 =	simm.s32 $0x7;
	[smem:$0x7FF] =	sst s4  }
0x4: {  	s1 =	sand.u32 $0x1, s1;
	s2 =	sshll.u32 s2, $0x1;
	s5 =	sadd.s32 $0xC6A00, s0  }
0x5: {  	s6 =	sadd.s32 $0x3400, s0;
	s3 =	sadd.s32 $0x1BC800, s0;
	s13 =	sadd.s32 $0x1BC000, s0  }
0x6: {  	s10 =	sadd.s32 $0x1A3000, s0;
	_ =	strace $0x80000047;
	s2 =	sor.u32 s1, s2  }
0x7: {  	[dreg:$0x4] =	wrdreg s3;
	s1 =	ssub.s32 $0x2, s1;
	s8 =	smul.u32 $0x6400, s2  }
0x8: {  	s11 =	sadd.s32 $0x18A000, s0;
	[dreg:$0x5] =	wrdreg s13;
	s14 =	sshrl.u32 s1, $0x1  }
0x9: {  	s0 =	ssub.s32 s1, s14;
	s14 =	simm.s32 $0x9C40;
	s7 =	sadd.s32 $0x4B0, s8  }
0xa: {  	s15 =	sshrl.u32 s8, $0x3;
	s21 =	sadd.s32 $0x640, s8;
	[dreg:$0x7] =	wrdreg s7  }
0xb: {  	s22 =	sor.u32 $0x190, s8;
	s23 =	sadd.s32 $0x7D0, s8;
	[dreg:$0xb] =	wrdreg s21  }
0xc: {  	s24 =	sor.u32 $0x320, s8;
	s0 =	smax.u32 s0, $0x1;
	[dreg:$0xc] =	wrdreg s22  }
0xd: {  	s28 =	sadd.s32 $0xAF0, s8;
	s16 =	sadd.s32 s10, s15;
	[dreg:$0xd] =	wrdreg s23  }
0xe: {  	s17 =	sor.u32 $0x32, s15;
	s18 =	sor.u32 $0x64, s15;
	[dreg:$0xe] =	wrdreg s24  }
0xf: {  	s7 =	sshrl.u32 s7, $0x3;
	s2 =	sadd.s32 s11, s15;
	[dreg:$0x13] =	wrdreg s0  }
0x10: {  	s21 =	simm.s32 $0x10040;
	s15 =	simm.s32 $0x16440;
	[dreg:$0x6] =	wrdreg s16  }
0x11: {  	s22 =	simm.s32 $0x1;
	s9 =	sadd.s32 s10, s17;
	[dreg:$0xf] =	wrdreg s2  }
0x12: {  	s23 =	simm.s32 $0x3;
	s19 =	sadd.s32 s10, s18;
	[dreg:$0x8] =	wrdreg s9  }
0x13: {  	s0 =	simm.s32 $0x4;
	s20 =	sadd.s32 s10, s7;
	[dreg:$0x9] =	wrdreg s19  }
0x14: {  	s24 =	simm.s32 $0x5;
	s1 =	sadd.s32 s11, s17;
	[dreg:$0xa] =	wrdreg s20  }
.Ltmp0:
0x15: {  	s25 =	sadd.s32 s11, s18;
	[dreg:$0x10] =	wrdreg s1;
	(pc) =	sbr.rel .LBB2_1-.Ltmp0, $4  }
0x16: {  	s26 =	sadd.s32 s11, s7;
	s7 =	simm.s32 $0x9;
	[dreg:$0x11] =	wrdreg s25  }
0x17: {  	s16 =	simm.s32 $0xB;
	s2 =	simm.s32 $0x6;
	[dreg:$0x12] =	wrdreg s26  }
0x18: {  	s26 =	sadd.s32 $0x960, s8;
	s20 =	smov.u32 s8;
	s9 =	simm.s32 $0x50  }
0x19: {  	s25 =	simm.s32 $0xC;
	s1 =	simm.s32 $0x8;
	s8 =	simm.s32 $0x0  }
.LBB2_23:
0x1a: {  	_ =	swait.ge [sflag:s2], $0x6400  }
0x1b: {  	[sflag:s2] =	ssyncset.done $0x0  }
0x1c: {  	[sflag:s2] =	ssyncadd.s32 $0xFFFF9C00  }
0x1d: {  	_ =	swait.ge [sflag:s30], $0x6400  }
0x1e: {  	[sflag:s30] =	ssyncset.done $0x0  }
0x1f: {  	[sflag:s30] =	ssyncadd.s32 $0xFFFF9C00  }
0x20: {  	_ =	swait.ge [sflag:s1], $0x6400  }
0x21: {  	s8 =	rddreg [dreg:$0x14]  }
0x22: {  	s3 =	rddreg [dreg:$0x13];
	s8 =	sadd.s32 $0x1, s8  }
0x23: {  	p0 =	sne.s32 s8, s3  }
.Ltmp1:
0x24: {  	_ = 	snop;
	(pc) =	sbr.rel @!p0 .LBB2_24-.Ltmp1, $3  }
0x25: {  	_ =	sdelay $0x1  }
0x26: {  	[sflag:s1] =	ssyncset.done $0x0  }
0x27: {  	[sflag:s1] =	ssyncadd.s32 $0xFFFF9C00  }
.LBB2_1:
0x28: {  	[dreg:$0x14] =	wrdreg s8  }
0x29: {  	s3 =	rddreg [dreg:$0x4];
	s8 =	simm.s32 $0xD  }
0x2a: {  	[tilespmem:s4], [sflag:$0xD] =	stream.linear.gather [hbm4b:s3+s4], $0x3200, $0x38;
	[tilespmem:$0x1C840] =	vst v63  }
0x2b: {  	_ =	swait.ge [sflag:s8], $0x3200  }
0x2c: {  	[sflag:s8] =	ssyncset.done $0x0  }
0x2d: {  	s13 =	rddreg [dreg:$0x6];
	[sflag:s8] =	ssyncadd.s32 $0xFFFFCE00;
	s8 =	simm.s32 $0x3200  }
0x2e: {  	[tilespmem:s8], [sflag:$0x9] =	stream.linear.gather [hbm4b:s13+s4], $0x190, $0x38;
	[tilespmem:$0x1C840] =	vst v63  }
0x2f: {  	s17 =	rddreg [dreg:$0x8];
	s13 =	simm.s32 $0x3390  }
0x30: {  	[tilespmem:s13], [sflag:$0xA] =	stream.linear.gather [hbm4b:s17+s4], $0x190, $0x38;
	[tilespmem:$0x1C840] =	vst v63  }
0x31: {  	s18 =	rddreg [dreg:$0x9];
	s17 =	simm.s32 $0x3520  }
0x32: {  	[tilespmem:s17], [sflag:$0xB] =	stream.linear.gather [hbm4b:s18+s4], $0x190, $0x38;
	[tilespmem:$0x1C840] =	vst v63  }
0x33: {  	s19 =	rddreg [dreg:$0xa];
	s18 =	simm.s32 $0x36B0  }
0x34: {  	[tilespmem:s18], [sflag:$0xC] =	stream.linear.gather [hbm4b:s19+s4], $0x190, $0x38;
	[tilespmem:$0x1C840] =	vst v63  }
0x35: {  	_ =	swait.ge [sflag:s7], $0x190  }
0x36: {  	[sflag:s7] =	ssyncset.done $0x0  }
0x37: {  	[sflag:s7] =	ssyncadd.s32 $0xFFFFFE70  }
0x38: {  	[tilespmem:s12], [sflag:$0x1] =	stream.indirect.gather [hbm4b:s5+s9], $0x40, s8, s9, $0xb8;
	[tilespmem:$0x1C840] =	vst v63  }
0x39: {  	s19 =	simm.s32 $0x4C40;
	s8 =	simm.s32 $0x3250  }
0x3a: {  	[tilespmem:s19], [sflag:$0x1] =	stream.indirect.gather [hbm4b:s5+s9], $0x40, s8, s9, $0xb8;
	[tilespmem:$0x1C840] =	vst v63  }
0x3b: {  	s8 =	simm.s32 $0x32A0;
	s19 =	simm.s32 $0x6040  }
0x3c: {  	[tilespmem:s19], [sflag:$0x1] =	stream.indirect.gather [hbm4b:s5+s9], $0x40, s8, s9, $0xb8;
	[tilespmem:$0x1C840] =	vst v63  }
0x3d: {  	s8 =	simm.s32 $0x32F0;
	s19 =	simm.s32 $0x7440  }
0x3e: {  	[tilespmem:s19], [sflag:$0x1] =	stream.indirect.gather [hbm4b:s5+s9], $0x40, s8, s9, $0xb8;
	[tilespmem:$0x1C840] =	vst v63  }
0x3f: {  	s8 =	simm.s32 $0x3340;
	s19 =	simm.s32 $0x8840  }
0x40: {  	[tilespmem:s19], [sflag:$0x1] =	stream.indirect.gather [hbm4b:s5+s9], $0x40, s8, s9, $0xb8;
	[tilespmem:$0x1C840] =	vst v63  }
0x41: {  	_ =	swait.ge [sflag:s29], $0x190  }
0x42: {  	[sflag:s29] =	ssyncset.done $0x0  }
0x43: {  	[sflag:s29] =	ssyncadd.s32 $0xFFFFFE70  }
0x44: {  	[tilespmem:s14], [sflag:$0x2] =	stream.indirect.gather [hbm4b:s5+s9], $0x40, s13, s9, $0xb8;
	[tilespmem:$0x1C840] =	vst v63  }
0x45: {  	s19 =	simm.s32 $0xB040;
	s13 =	simm.s32 $0x33E0  }
0x46: {  	[tilespmem:s19], [sflag:$0x2] =	stream.indirect.gather [hbm4b:s5+s9], $0x40, s13, s9, $0xb8;
	[tilespmem:$0x1C840] =	vst v63  }
0x47: {  	s13 =	simm.s32 $0x3430;
	s19 =	simm.s32 $0xC440  }
0x48: {  	[tilespmem:s19], [sflag:$0x2] =	stream.indirect.gather [hbm4b:s5+s9], $0x40, s13, s9, $0xb8;
	[tilespmem:$0x1C840] =	vst v63  }
0x49: {  	s13 =	simm.s32 $0x3480;
	s19 =	simm.s32 $0xD840  }
0x4a: {  	[tilespmem:s19], [sflag:$0x2] =	stream.indirect.gather [hbm4b:s5+s9], $0x40, s13, s9, $0xb8;
	[tilespmem:$0x1C840] =	vst v63  }
0x4b: {  	s13 =	simm.s32 $0x34D0;
	s19 =	simm.s32 $0xEC40  }
0x4c: {  	[tilespmem:s19], [sflag:$0x2] =	stream.indirect.gather [hbm4b:s5+s9], $0x40, s13, s9, $0xb8;
	[tilespmem:$0x1C840] =	vst v63  }
0x4d: {  	_ =	swait.ge [sflag:s16], $0x190  }
0x4e: {  	[sflag:s16] =	ssyncset.done $0x0  }
0x4f: {  	[sflag:s16] =	ssyncadd.s32 $0xFFFFFE70  }
0x50: {  	[tilespmem:s21], [sflag:$0x3] =	stream.indirect.gather [hbm4b:s5+s9], $0x40, s17, s9, $0xb8;
	[tilespmem:$0x1C840] =	vst v63  }
0x51: {  	s8 =	simm.s32 $0x3570;
	s13 =	simm.s32 $0x11440  }
0x52: {  	[tilespmem:s13], [sflag:$0x3] =	stream.indirect.gather [hbm4b:s5+s9], $0x40, s8, s9, $0xb8;
	[tilespmem:$0x1C840] =	vst v63  }
0x53: {  	s19 =	simm.s32 $0x12840;
	s17 =	simm.s32 $0x35C0  }
0x54: {  	[tilespmem:s19], [sflag:$0x3] =	stream.indirect.gather [hbm4b:s5+s9], $0x40, s17, s9, $0xb8;
	[tilespmem:$0x1C840] =	vst v63  }
0x55: {  	s8 =	simm.s32 $0x3610;
	s13 =	simm.s32 $0x13C40  }
0x56: {  	[tilespmem:s13], [sflag:$0x3] =	stream.indirect.gather [hbm4b:s5+s9], $0x40, s8, s9, $0xb8;
	[tilespmem:$0x1C840] =	vst v63  }
0x57: {  	s17 =	simm.s32 $0x3660;
	s19 =	simm.s32 $0x15040  }
0x58: {  	[tilespmem:s19], [sflag:$0x3] =	stream.indirect.gather [hbm4b:s5+s9], $0x40, s17, s9, $0xb8;
	[tilespmem:$0x1C840] =	vst v63  }
0x59: {  	_ =	swait.ge [sflag:s25], $0x190  }
0x5a: {  	[sflag:s25] =	ssyncset.done $0x0  }
0x5b: {  	[sflag:s25] =	ssyncadd.s32 $0xFFFFFE70  }
0x5c: {  	[tilespmem:s15], [sflag:$0x4] =	stream.indirect.gather [hbm4b:s5+s9], $0x40, s18, s9, $0xb8;
	[tilespmem:$0x1C840] =	vst v63  }
0x5d: {  	s13 =	simm.s32 $0x3700;
	s17 =	simm.s32 $0x17840  }
0x5e: {  	[tilespmem:s17], [sflag:$0x4] =	stream.indirect.gather [hbm4b:s5+s9], $0x40, s13, s9, $0xb8;
	[tilespmem:$0x1C840] =	vst v63  }
0x5f: {  	s19 =	simm.s32 $0x18C40;
	s18 =	simm.s32 $0x3750  }
0x60: {  	[tilespmem:s19], [sflag:$0x4] =	stream.indirect.gather [hbm4b:s5+s9], $0x40, s18, s9, $0xb8;
	[tilespmem:$0x1C840] =	vst v63  }
0x61: {  	s13 =	simm.s32 $0x37A0;
	s17 =	simm.s32 $0x1A040  }
0x62: {  	[tilespmem:s17], [sflag:$0x4] =	stream.indirect.gather [hbm4b:s5+s9], $0x40, s13, s9, $0xb8;
	[tilespmem:$0x1C840] =	vst v63  }
0x63: {  	s3 =	simm.s32 $0x0;
	s18 =	simm.s32 $0x37F0;
	s19 =	simm.s32 $0x1B440  }
0x64: {  	[tilespmem:s19], [sflag:$0x4] =	stream.indirect.gather [hbm4b:s5+s9], $0x40, s18, s9, $0xb8;
	[tilespmem:$0x1C840] =	vst v63  }
.LBB2_2:
0x65: {  	s8 =	smul.u32 $0x640, s3;
	_ =	swait.ge [sflag:s22], $0x6400  }
0x66: {  	p0 =	seq.s32 s3, $0xF;
	s13 =	rddreg [dreg:$0xb]  }
0x67: {  	s13 =	sadd.s32 @!p0 s8, s13  }
0x68: {  	[sflag:s22] =	ssyncset.done $0x0;
	s17 =	simm.s32 @!p0 $0x0;
	s13 =	sshrl.u32 @!p0 s13, $0x3  }
0x69: {  	s18 =	simm.s32 @!p0 $0x3200;
	[sflag:s22] =	ssyncadd.s32 $0xFFFF9C00;
	s13 =	sadd.s32 @!p0 s10, s13  }
0x6a: {  	[tilespmem:s18], [sflag:$0x9] =	stream.linear.gather @!p0 [hbm4b:s13+s17], $0x190, $0x38;
	[tilespmem:$0x1C840] =	vst v63  }
0x6b: {  	s13 =	simm.s32 $0x0  }
0x6c: {  	v5 =	vld [tilespmem:s13+$0x0]  }
0x6d: {  	v1 =	vld [tilespmem:s13+$0x10]  }
0x6e: {  	v0 =	vld [tilespmem:s13+$0x20]  }
0x6f: {  	v2 =	vld [tilespmem:s13+$0x30]  }
0x70: {  	v8 =	vld [tilespmem:s13+$0x3840]  }
0x71: {  	v10 =	vld [tilespmem:s13+$0x6A40]  }
0x72: {  	v7 =	vld [tilespmem:s13+$0x3850]  }
0x73: {  	v6 =	vld [tilespmem:s13+$0x6A50]  }
0x74: {  	s18 =	sadd.s32 s20, s8;
	v3 =	vld [tilespmem:s13+$0x3860]  }
0x75: {  	s19 =	rddreg [dreg:$0x1];
	s17 =	sshll.u32 s18, $0x3;
	v4 =	vld [tilespmem:s13+$0x6A60];
	v9 =	vadd.f32 v8, v5  }
0x76: {  	s18 =	simm.s32 $0x100;
	s17 =	sadd.s32 s19, s17;
	v8 =	vadd.f32 v10, v5;
	v5 =	vld [tilespmem:s13+$0x3870]  }
.LBB2_3:
0x77: {  	s19 =	sshra.s32 s18, $0x2;
	p1 =	sne.s32 s18, $0xC700;
	[tilespmem:s13+$0x3840] =	vst v9;
	v7 =	vadd.f32 v7, v1;
	v9 =	vld [tilespmem:s13+$0x6A70]  }
0x78: {  	v10 =	vld [tilespmem:s19+$0x0];
	[tilespmem:s13+$0x6A40] =	vst v8;
	v6 =	vadd.f32 v6, v1  }
0x79: {  	v1 =	vld [tilespmem:s19+$0x10];
	[tilespmem:s13+$0x3850] =	vst v7;
	v3 =	vadd.f32 v3, v0  }
0x7a: {  	[tilespmem:s13+$0x6A50] =	vst v6;
	v4 =	vadd.f32 v4, v0;
	v0 =	vld [tilespmem:s19+$0x20]  }
0x7b: {  	v8 =	vld [tilespmem:s19+$0x30];
	[tilespmem:s13+$0x3860] =	vst v3;
	v3 =	vadd.f32 v5, v2  }
0x7c: {  	v5 =	vld [tilespmem:s19+$0x3840];
	[tilespmem:s13+$0x6A60] =	vst v4;
	v2 =	vadd.f32 v9, v2  }
0x7d: {  	v11 =	vld [tilespmem:s19+$0x6A40];
	[tilespmem:s13+$0x3870] =	vst v3  }
.Ltmp2:
0x7e: {  	v7 =	vld [tilespmem:s19+$0x3850];
	[tilespmem:s13+$0x6A70] =	vst v2;
	s13 =	smov.u32 s19;
	(pc) =	sbr.rel @p1 .LBB2_3-.Ltmp2, $4  }
0x7f: {  	v6 =	vld [tilespmem:s13+$0x6A50]  }
0x80: {  	v3 =	vld [tilespmem:s13+$0x3860];
	v2 =	vmov v8  }
0x81: {  	v9 =	vadd.f32 v5, v10;
	v4 =	vld [tilespmem:s13+$0x6A60]  }
0x82: {  	s18 =	sadd.s32 $0x100, s18;
	v8 =	vadd.f32 v11, v10;
	v5 =	vld [tilespmem:s13+$0x3870]  }
0x83: {  	[tilespmem:s13+$0x3840] =	vst v9;
	v7 =	vadd.f32 v7, v1;
	v9 =	vld [tilespmem:s13+$0x6A70]  }
0x84: {  	[tilespmem:s13+$0x6A40] =	vst v8;
	v1 =	vadd.f32 v6, v1  }
0x85: {  	[tilespmem:s13+$0x3850] =	vst v7;
	v3 =	vadd.f32 v3, v0  }
0x86: {  	[tilespmem:s13+$0x6A50] =	vst v1;
	v0 =	vadd.f32 v4, v0  }
0x87: {  	[tilespmem:s13+$0x3860] =	vst v3;
	v1 =	vadd.f32 v5, v2  }
0x88: {  	[tilespmem:s13+$0x6A60] =	vst v0;
	v0 =	vadd.f32 v9, v2  }
0x89: {  	[tilespmem:s13+$0x3870] =	vst v1  }
0x8a: {  	[tilespmem:s13+$0x6A70] =	vst v0  }
0x8b: {  	[hbm4b:s17+s4] =	stream.linear.scatter [tilespmem:s12], [sflag:$0x5], $0x6400, $0x38;
	[tilespmem:$0x1C840] =	vst v63  }
0x8c: {  	_ =	swait.ge [sflag:s31], $0x6400  }
0x8d: {  	s13 =	rddreg [dreg:$0xd]  }
0x8e: {  	s13 =	sadd.s32 @!p0 s8, s13  }
0x8f: {  	s18 =	simm.s32 @!p0 $0x3390;
	[sflag:s31] =	ssyncset.done $0x0;
	s13 =	sshrl.u32 @!p0 s13, $0x3  }
0x90: {  	s17 =	simm.s32 @!p0 $0x0;
	[sflag:s31] =	ssyncadd.s32 $0xFFFF9C00;
	s13 =	sadd.s32 @!p0 s10, s13  }
0x91: {  	[tilespmem:s18], [sflag:$0xA] =	stream.linear.gather @!p0 [hbm4b:s13+s17], $0x190, $0x38;
	[tilespmem:$0x1C840] =	vst v63  }
0x92: {  	s13 =	simm.s32 $0x0  }
0x93: {  	v5 =	vld [tilespmem:s13+$0x0]  }
0x94: {  	v1 =	vld [tilespmem:s13+$0x10]  }
0x95: {  	v0 =	vld [tilespmem:s13+$0x20]  }
0x96: {  	v2 =	vld [tilespmem:s13+$0x30]  }
0x97: {  	v8 =	vld [tilespmem:s13+$0x9C40]  }
0x98: {  	v10 =	vld [tilespmem:s13+$0xCE40]  }
0x99: {  	s18 =	rddreg [dreg:$0xc];
	v7 =	vld [tilespmem:s13+$0x9C50]  }
0x9a: {  	s17 =	sadd.s32 s8, s18;
	v6 =	vld [tilespmem:s13+$0xCE50]  }
0x9b: {  	v3 =	vld [tilespmem:s13+$0x9C60];
	s17 =	sshll.u32 s17, $0x3  }
0x9c: {  	s19 =	rddreg [dreg:$0x1];
	v4 =	vld [tilespmem:s13+$0xCE60];
	s17 =	sand.u32 $0x1FFFFE80, s17;
	v9 =	vadd.f32 v8, v5  }
0x9d: {  	s18 =	simm.s32 $0x100;
	s17 =	sadd.s32 s19, s17;
	v8 =	vadd.f32 v10, v5;
	v5 =	vld [tilespmem:s13+$0x9C70]  }
.LBB2_5:
0x9e: {  	s19 =	sshra.s32 s18, $0x2;
	p1 =	sne.s32 s18, $0xC700;
	[tilespmem:s13+$0x9C40] =	vst v9;
	v7 =	vadd.f32 v7, v1;
	v9 =	vld [tilespmem:s13+$0xCE70]  }
0x9f: {  	v10 =	vld [tilespmem:s19+$0x0];
	[tilespmem:s13+$0xCE40] =	vst v8;
	v6 =	vadd.f32 v6, v1  }
0xa0: {  	v1 =	vld [tilespmem:s19+$0x10];
	[tilespmem:s13+$0x9C50] =	vst v7;
	v3 =	vadd.f32 v3, v0  }
0xa1: {  	[tilespmem:s13+$0xCE50] =	vst v6;
	v4 =	vadd.f32 v4, v0;
	v0 =	vld [tilespmem:s19+$0x20]  }
0xa2: {  	v8 =	vld [tilespmem:s19+$0x30];
	[tilespmem:s13+$0x9C60] =	vst v3;
	v3 =	vadd.f32 v5, v2  }
0xa3: {  	v5 =	vld [tilespmem:s19+$0x9C40];
	[tilespmem:s13+$0xCE60] =	vst v4;
	v2 =	vadd.f32 v9, v2  }
0xa4: {  	v11 =	vld [tilespmem:s19+$0xCE40];
	[tilespmem:s13+$0x9C70] =	vst v3  }
.Ltmp3:
0xa5: {  	v7 =	vld [tilespmem:s19+$0x9C50];
	[tilespmem:s13+$0xCE70] =	vst v2;
	s13 =	smov.u32 s19;
	(pc) =	sbr.rel @p1 .LBB2_5-.Ltmp3, $4  }
0xa6: {  	v6 =	vld [tilespmem:s13+$0xCE50]  }
0xa7: {  	v3 =	vld [tilespmem:s13+$0x9C60];
	v2 =	vmov v8  }
0xa8: {  	v9 =	vadd.f32 v5, v10;
	v4 =	vld [tilespmem:s13+$0xCE60]  }
0xa9: {  	s18 =	sadd.s32 $0x100, s18;
	v8 =	vadd.f32 v11, v10;
	v5 =	vld [tilespmem:s13+$0x9C70]  }
0xaa: {  	[tilespmem:s13+$0x9C40] =	vst v9;
	v7 =	vadd.f32 v7, v1;
	v9 =	vld [tilespmem:s13+$0xCE70]  }
0xab: {  	[tilespmem:s13+$0xCE40] =	vst v8;
	v1 =	vadd.f32 v6, v1  }
0xac: {  	[tilespmem:s13+$0x9C50] =	vst v7;
	v3 =	vadd.f32 v3, v0  }
0xad: {  	[tilespmem:s13+$0xCE50] =	vst v1;
	v0 =	vadd.f32 v4, v0  }
0xae: {  	[tilespmem:s13+$0x9C60] =	vst v3;
	v1 =	vadd.f32 v5, v2  }
0xaf: {  	[tilespmem:s13+$0xCE60] =	vst v0;
	v0 =	vadd.f32 v9, v2  }
0xb0: {  	[tilespmem:s13+$0x9C70] =	vst v1  }
0xb1: {  	[tilespmem:s13+$0xCE70] =	vst v0  }
0xb2: {  	[hbm4b:s17+s4] =	stream.linear.scatter [tilespmem:s14], [sflag:$0x6], $0x6400, $0x38;
	[tilespmem:$0x1C840] =	vst v63  }
0xb3: {  	s13 =	sadd.s32 @!p0 s8, s26;
	_ =	swait.ge [sflag:s23], $0x6400  }
0xb4: {  	s18 =	simm.s32 @!p0 $0x3520;
	s13 =	sshrl.u32 @!p0 s13, $0x3;
	[sflag:s23] =	ssyncset.done $0x0  }
0xb5: {  	s17 =	simm.s32 @!p0 $0x0;
	s13 =	sadd.s32 @!p0 s10, s13;
	[sflag:s23] =	ssyncadd.s32 $0xFFFF9C00  }
0xb6: {  	[tilespmem:s18], [sflag:$0xB] =	stream.linear.gather @!p0 [hbm4b:s13+s17], $0x190, $0x38;
	[tilespmem:$0x1C840] =	vst v63  }
0xb7: {  	s13 =	simm.s32 $0x0  }
0xb8: {  	v5 =	vld [tilespmem:s13+$0x0]  }
0xb9: {  	v1 =	vld [tilespmem:s13+$0x10]  }
0xba: {  	v0 =	vld [tilespmem:s13+$0x20]  }
0xbb: {  	v2 =	vld [tilespmem:s13+$0x30]  }
0xbc: {  	v8 =	vld [tilespmem:s13+$0x10040]  }
0xbd: {  	v10 =	vld [tilespmem:s13+$0x13240]  }
0xbe: {  	s18 =	rddreg [dreg:$0xe];
	v7 =	vld [tilespmem:s13+$0x10050]  }
0xbf: {  	s17 =	sadd.s32 s8, s18;
	v6 =	vld [tilespmem:s13+$0x13250]  }
0xc0: {  	v3 =	vld [tilespmem:s13+$0x10060];
	s17 =	sshll.u32 s17, $0x3  }
0xc1: {  	s19 =	rddreg [dreg:$0x1];
	v4 =	vld [tilespmem:s13+$0x13260];
	s17 =	sand.u32 $0x1FFFFF00, s17;
	v9 =	vadd.f32 v8, v5  }
0xc2: {  	s18 =	simm.s32 $0x100;
	s17 =	sadd.s32 s19, s17;
	v8 =	vadd.f32 v10, v5;
	v5 =	vld [tilespmem:s13+$0x10070]  }
.LBB2_7:
0xc3: {  	s19 =	sshra.s32 s18, $0x2;
	p1 =	sne.s32 s18, $0xC700;
	[tilespmem:s13+$0x10040] =	vst v9;
	v7 =	vadd.f32 v7, v1;
	v9 =	vld [tilespmem:s13+$0x13270]  }
0xc4: {  	v10 =	vld [tilespmem:s19+$0x0];
	[tilespmem:s13+$0x13240] =	vst v8;
	v6 =	vadd.f32 v6, v1  }
0xc5: {  	v1 =	vld [tilespmem:s19+$0x10];
	[tilespmem:s13+$0x10050] =	vst v7;
	v3 =	vadd.f32 v3, v0  }
0xc6: {  	[tilespmem:s13+$0x13250] =	vst v6;
	v4 =	vadd.f32 v4, v0;
	v0 =	vld [tilespmem:s19+$0x20]  }
0xc7: {  	v8 =	vld [tilespmem:s19+$0x30];
	[tilespmem:s13+$0x10060] =	vst v3;
	v3 =	vadd.f32 v5, v2  }
0xc8: {  	v5 =	vld [tilespmem:s19+$0x10040];
	[tilespmem:s13+$0x13260] =	vst v4;
	v2 =	vadd.f32 v9, v2  }
0xc9: {  	v11 =	vld [tilespmem:s19+$0x13240];
	[tilespmem:s13+$0x10070] =	vst v3  }
.Ltmp4:
0xca: {  	v7 =	vld [tilespmem:s19+$0x10050];
	[tilespmem:s13+$0x13270] =	vst v2;
	s13 =	smov.u32 s19;
	(pc) =	sbr.rel @p1 .LBB2_7-.Ltmp4, $4  }
0xcb: {  	v6 =	vld [tilespmem:s13+$0x13250]  }
0xcc: {  	v3 =	vld [tilespmem:s13+$0x10060];
	v2 =	vmov v8  }
0xcd: {  	v9 =	vadd.f32 v5, v10;
	v4 =	vld [tilespmem:s13+$0x13260]  }
0xce: {  	s18 =	sadd.s32 $0x100, s18;
	v8 =	vadd.f32 v11, v10;
	v5 =	vld [tilespmem:s13+$0x10070]  }
0xcf: {  	[tilespmem:s13+$0x10040] =	vst v9;
	v7 =	vadd.f32 v7, v1;
	v9 =	vld [tilespmem:s13+$0x13270]  }
0xd0: {  	[tilespmem:s13+$0x13240] =	vst v8;
	v1 =	vadd.f32 v6, v1  }
0xd1: {  	[tilespmem:s13+$0x10050] =	vst v7;
	v3 =	vadd.f32 v3, v0  }
0xd2: {  	[tilespmem:s13+$0x13250] =	vst v1;
	v0 =	vadd.f32 v4, v0  }
0xd3: {  	[tilespmem:s13+$0x10060] =	vst v3;
	v1 =	vadd.f32 v5, v2  }
0xd4: {  	[tilespmem:s13+$0x13260] =	vst v0;
	v0 =	vadd.f32 v9, v2  }
0xd5: {  	[tilespmem:s13+$0x10070] =	vst v1  }
0xd6: {  	[tilespmem:s13+$0x13270] =	vst v0  }
0xd7: {  	[hbm4b:s17+s4] =	stream.linear.scatter [tilespmem:s21], [sflag:$0x7], $0x6400, $0x38;
	[tilespmem:$0x1C840] =	vst v63  }
0xd8: {  	s13 =	sadd.s32 @!p0 s8, s28;
	_ =	swait.ge [sflag:s0], $0x6400  }
0xd9: {  	s18 =	simm.s32 @!p0 $0x36B0;
	s13 =	sshrl.u32 @!p0 s13, $0x3;
	[sflag:s0] =	ssyncset.done $0x0  }
0xda: {  	s17 =	simm.s32 @!p0 $0x0;
	s13 =	sadd.s32 @!p0 s10, s13;
	[sflag:s0] =	ssyncadd.s32 $0xFFFF9C00  }
0xdb: {  	[tilespmem:s18], [sflag:$0xC] =	stream.linear.gather @!p0 [hbm4b:s13+s17], $0x190, $0x38;
	[tilespmem:$0x1C840] =	vst v63  }
0xdc: {  	s13 =	simm.s32 $0x0  }
0xdd: {  	v5 =	vld [tilespmem:s13+$0x0]  }
0xde: {  	v1 =	vld [tilespmem:s13+$0x10]  }
0xdf: {  	v0 =	vld [tilespmem:s13+$0x20]  }
0xe0: {  	v2 =	vld [tilespmem:s13+$0x30]  }
0xe1: {  	v8 =	vld [tilespmem:s13+$0x16440]  }
0xe2: {  	v10 =	vld [tilespmem:s13+$0x19640]  }
0xe3: {  	s19 =	rddreg [dreg:$0x7];
	v7 =	vld [tilespmem:s13+$0x16450]  }
0xe4: {  	s18 =	sadd.s32 s8, s19;
	v6 =	vld [tilespmem:s13+$0x19650]  }
0xe5: {  	s8 =	sshll.u32 s18, $0x3;
	v3 =	vld [tilespmem:s13+$0x16460]  }
0xe6: {  	s19 =	rddreg [dreg:$0x1];
	v4 =	vld [tilespmem:s13+$0x19660];
	s8 =	sand.u32 $0x1FFFFF80, s8;
	v9 =	vadd.f32 v8, v5  }
0xe7: {  	s17 =	simm.s32 $0x100;
	s8 =	sadd.s32 s19, s8;
	v8 =	vadd.f32 v10, v5;
	v5 =	vld [tilespmem:s13+$0x16470]  }
.LBB2_9:
0xe8: {  	s18 =	sshra.s32 s17, $0x2;
	p1 =	sne.s32 s17, $0xC700;
	[tilespmem:s13+$0x16440] =	vst v9;
	v7 =	vadd.f32 v7, v1;
	v9 =	vld [tilespmem:s13+$0x19670]  }
0xe9: {  	v10 =	vld [tilespmem:s18+$0x0];
	[tilespmem:s13+$0x19640] =	vst v8;
	v6 =	vadd.f32 v6, v1  }
0xea: {  	v1 =	vld [tilespmem:s18+$0x10];
	[tilespmem:s13+$0x16450] =	vst v7;
	v3 =	vadd.f32 v3, v0  }
0xeb: {  	[tilespmem:s13+$0x19650] =	vst v6;
	v4 =	vadd.f32 v4, v0;
	v0 =	vld [tilespmem:s18+$0x20]  }
0xec: {  	v8 =	vld [tilespmem:s18+$0x30];
	[tilespmem:s13+$0x16460] =	vst v3;
	v3 =	vadd.f32 v5, v2  }
0xed: {  	v5 =	vld [tilespmem:s18+$0x16440];
	[tilespmem:s13+$0x19660] =	vst v4;
	v2 =	vadd.f32 v9, v2  }
0xee: {  	v11 =	vld [tilespmem:s18+$0x19640];
	[tilespmem:s13+$0x16470] =	vst v3  }
.Ltmp5:
0xef: {  	v7 =	vld [tilespmem:s18+$0x16450];
	[tilespmem:s13+$0x19670] =	vst v2;
	s13 =	smov.u32 s18;
	(pc) =	sbr.rel @p1 .LBB2_9-.Ltmp5, $4  }
0xf0: {  	v6 =	vld [tilespmem:s13+$0x19650]  }
0xf1: {  	v3 =	vld [tilespmem:s13+$0x16460];
	v2 =	vmov v8  }
0xf2: {  	v9 =	vadd.f32 v5, v10;
	v4 =	vld [tilespmem:s13+$0x19660]  }
0xf3: {  	s17 =	sadd.s32 $0x100, s17;
	v8 =	vadd.f32 v11, v10;
	v5 =	vld [tilespmem:s13+$0x16470]  }
0xf4: {  	[tilespmem:s13+$0x16440] =	vst v9;
	v7 =	vadd.f32 v7, v1;
	v59 =	vld [tilespmem:s13+$0x19670]  }
0xf5: {  	[tilespmem:s13+$0x19640] =	vst v8;
	v60 =	vadd.f32 v6, v1  }
0xf6: {  	[tilespmem:s13+$0x16450] =	vst v7;
	v3 =	vadd.f32 v3, v0  }
0xf7: {  	[tilespmem:s13+$0x19650] =	vst v60;
	v61 =	vadd.f32 v4, v0  }
0xf8: {  	[tilespmem:s13+$0x16460] =	vst v3;
	v62 =	vadd.f32 v5, v2  }
0xf9: {  	[tilespmem:s13+$0x19660] =	vst v61;
	v63 =	vadd.f32 v59, v2  }
0xfa: {  	[tilespmem:s13+$0x16470] =	vst v62  }
.Ltmp6:
0xfb: {  	[tilespmem:s13+$0x19670] =	vst v63;
	(pc) =	sbr.rel @p0 .LBB2_12-.Ltmp6, $4  }
0xfc: {  	[hbm4b:s8+s4] =	stream.linear.scatter [tilespmem:s15], [sflag:$0x8], $0x6400, $0x38;
	[tilespmem:$0x1C840] =	vst v63  }
0xfd: {  	_ =	swait.ge [sflag:s24], $0x6400  }
0xfe: {  	[sflag:s24] =	ssyncset.done $0x0  }
0xff: {  	[sflag:s24] =	ssyncadd.s32 $0xFFFF9C00  }
0x100: {  	_ =	swait.ge [sflag:s7], $0x190  }
0x101: {  	[sflag:s7] =	ssyncset.done $0x0  }
0x102: {  	s8 =	simm.s32 $0x3200;
	[sflag:s7] =	ssyncadd.s32 $0xFFFFFE70  }
0x103: {  	[tilespmem:s12], [sflag:$0x1] =	stream.indirect.gather [hbm4b:s5+s9], $0x40, s8, s9, $0xb8;
	[tilespmem:$0x1C840] =	vst v63  }
0x104: {  	s19 =	simm.s32 $0x3250;
	s13 =	simm.s32 $0x4C40  }
0x105: {  	[tilespmem:s13], [sflag:$0x1] =	stream.indirect.gather [hbm4b:s5+s9], $0x40, s19, s9, $0xb8;
	[tilespmem:$0x1C840] =	vst v63  }
0x106: {  	s17 =	simm.s32 $0x6040;
	s13 =	simm.s32 $0x32A0  }
0x107: {  	[tilespmem:s17], [sflag:$0x1] =	stream.indirect.gather [hbm4b:s5+s9], $0x40, s13, s9, $0xb8;
	[tilespmem:$0x1C840] =	vst v63  }
0x108: {  	s18 =	simm.s32 $0x32F0;
	s19 =	simm.s32 $0x7440  }
0x109: {  	[tilespmem:s19], [sflag:$0x1] =	stream.indirect.gather [hbm4b:s5+s9], $0x40, s18, s9, $0xb8;
	[tilespmem:$0x1C840] =	vst v63  }
0x10a: {  	s17 =	simm.s32 $0x3340;
	s18 =	simm.s32 $0x8840  }
0x10b: {  	[tilespmem:s18], [sflag:$0x1] =	stream.indirect.gather [hbm4b:s5+s9], $0x40, s17, s9, $0xb8;
	[tilespmem:$0x1C840] =	vst v63  }
0x10c: {  	_ =	swait.ge [sflag:s2], $0x6400  }
0x10d: {  	[sflag:s2] =	ssyncset.done $0x0  }
0x10e: {  	[sflag:s2] =	ssyncadd.s32 $0xFFFF9C00  }
0x10f: {  	_ =	swait.ge [sflag:s29], $0x190  }
0x110: {  	[sflag:s29] =	ssyncset.done $0x0  }
0x111: {  	s19 =	simm.s32 $0x3390;
	[sflag:s29] =	ssyncadd.s32 $0xFFFFFE70  }
0x112: {  	[tilespmem:s14], [sflag:$0x2] =	stream.indirect.gather [hbm4b:s5+s9], $0x40, s19, s9, $0xb8;
	[tilespmem:$0x1C840] =	vst v63  }
0x113: {  	s13 =	simm.s32 $0x33E0;
	s17 =	simm.s32 $0xB040  }
0x114: {  	[tilespmem:s17], [sflag:$0x2] =	stream.indirect.gather [hbm4b:s5+s9], $0x40, s13, s9, $0xb8;
	[tilespmem:$0x1C840] =	vst v63  }
0x115: {  	s18 =	simm.s32 $0x3430;
	s19 =	simm.s32 $0xC440  }
0x116: {  	[tilespmem:s19], [sflag:$0x2] =	stream.indirect.gather [hbm4b:s5+s9], $0x40, s18, s9, $0xb8;
	[tilespmem:$0x1C840] =	vst v63  }
0x117: {  	s13 =	simm.s32 $0x3480;
	s17 =	simm.s32 $0xD840  }
0x118: {  	[tilespmem:s17], [sflag:$0x2] =	stream.indirect.gather [hbm4b:s5+s9], $0x40, s13, s9, $0xb8;
	[tilespmem:$0x1C840] =	vst v63  }
0x119: {  	s18 =	simm.s32 $0x34D0;
	s19 =	simm.s32 $0xEC40  }
0x11a: {  	[tilespmem:s19], [sflag:$0x2] =	stream.indirect.gather [hbm4b:s5+s9], $0x40, s18, s9, $0xb8;
	[tilespmem:$0x1C840] =	vst v63  }
0x11b: {  	_ =	swait.ge [sflag:s30], $0x6400  }
0x11c: {  	[sflag:s30] =	ssyncset.done $0x0  }
0x11d: {  	[sflag:s30] =	ssyncadd.s32 $0xFFFF9C00  }
0x11e: {  	_ =	swait.ge [sflag:s16], $0x190  }
0x11f: {  	[sflag:s16] =	ssyncset.done $0x0  }
0x120: {  	s17 =	simm.s32 $0x3520;
	[sflag:s16] =	ssyncadd.s32 $0xFFFFFE70  }
0x121: {  	[tilespmem:s21], [sflag:$0x3] =	stream.indirect.gather [hbm4b:s5+s9], $0x40, s17, s9, $0xb8;
	[tilespmem:$0x1C840] =	vst v63  }
0x122: {  	s18 =	simm.s32 $0x3570;
	s19 =	simm.s32 $0x11440  }
0x123: {  	[tilespmem:s19], [sflag:$0x3] =	stream.indirect.gather [hbm4b:s5+s9], $0x40, s18, s9, $0xb8;
	[tilespmem:$0x1C840] =	vst v63  }
0x124: {  	s13 =	simm.s32 $0x35C0;
	s17 =	simm.s32 $0x12840  }
0x125: {  	[tilespmem:s17], [sflag:$0x3] =	stream.indirect.gather [hbm4b:s5+s9], $0x40, s13, s9, $0xb8;
	[tilespmem:$0x1C840] =	vst v63  }
0x126: {  	s18 =	simm.s32 $0x3610;
	s19 =	simm.s32 $0x13C40  }
0x127: {  	[tilespmem:s19], [sflag:$0x3] =	stream.indirect.gather [hbm4b:s5+s9], $0x40, s18, s9, $0xb8;
	[tilespmem:$0x1C840] =	vst v63  }
0x128: {  	s17 =	simm.s32 $0x3660;
	s18 =	simm.s32 $0x15040  }
0x129: {  	[tilespmem:s18], [sflag:$0x3] =	stream.indirect.gather [hbm4b:s5+s9], $0x40, s17, s9, $0xb8;
	[tilespmem:$0x1C840] =	vst v63  }
0x12a: {  	_ =	swait.ge [sflag:s1], $0x6400  }
0x12b: {  	[sflag:s1] =	ssyncset.done $0x0  }
0x12c: {  	[sflag:s1] =	ssyncadd.s32 $0xFFFF9C00  }
0x12d: {  	_ =	swait.ge [sflag:s25], $0x190  }
0x12e: {  	[sflag:s25] =	ssyncset.done $0x0  }
0x12f: {  	s19 =	simm.s32 $0x36B0;
	[sflag:s25] =	ssyncadd.s32 $0xFFFFFE70  }
0x130: {  	[tilespmem:s15], [sflag:$0x4] =	stream.indirect.gather [hbm4b:s5+s9], $0x40, s19, s9, $0xb8;
	[tilespmem:$0x1C840] =	vst v63  }
0x131: {  	s13 =	simm.s32 $0x3700;
	s17 =	simm.s32 $0x17840  }
0x132: {  	[tilespmem:s17], [sflag:$0x4] =	stream.indirect.gather [hbm4b:s5+s9], $0x40, s13, s9, $0xb8;
	[tilespmem:$0x1C840] =	vst v63  }
0x133: {  	s18 =	simm.s32 $0x3750;
	s19 =	simm.s32 $0x18C40  }
0x134: {  	[tilespmem:s19], [sflag:$0x4] =	stream.indirect.gather [hbm4b:s5+s9], $0x40, s18, s9, $0xb8;
	[tilespmem:$0x1C840] =	vst v63  }
.Ltmp7:
0x135: {  	_ = 	snop;
	(pc) =	sbr.rel .LBB2_2-.Ltmp7, $4  }
0x136: {  	s13 =	simm.s32 $0x37A0;
	s17 =	simm.s32 $0x1A040  }
0x137: {  	[tilespmem:s17], [sflag:$0x4] =	stream.indirect.gather [hbm4b:s5+s9], $0x40, s13, s9, $0xb8;
	[tilespmem:$0x1C840] =	vst v63  }
0x138: {  	s3 =	sadd.s32 $0x1, s3;
	s18 =	simm.s32 $0x37F0;
	s19 =	simm.s32 $0x1B440  }
0x139: {  	[tilespmem:s19], [sflag:$0x4] =	stream.indirect.gather [hbm4b:s5+s9], $0x40, s18, s9, $0xb8;
	[tilespmem:$0x1C840] =	vst v63  }
.LBB2_12:
0x13a: {  	_ =	swait.ge [sflag:s2], $0x6400  }
0x13b: {  	[sflag:s2] =	ssyncset.done $0x0  }
0x13c: {  	[sflag:s2] =	ssyncadd.s32 $0xFFFF9C00  }
0x13d: {  	_ =	swait.ge [sflag:s30], $0x6400  }
0x13e: {  	[sflag:s30] =	ssyncset.done $0x0  }
0x13f: {  	[sflag:s30] =	ssyncadd.s32 $0xFFFF9C00  }
0x140: {  	_ =	swait.ge [sflag:s1], $0x6400  }
0x141: {  	s3 =	simm.s32 $0x0;
	[sflag:s1] =	ssyncset.done $0x0  }
0x142: {  	s13 =	simm.s32 $0xD;
	s8 =	rddreg [dreg:$0x5];
	[sflag:s1] =	ssyncadd.s32 $0xFFFF9C00  }
0x143: {  	[tilespmem:s3], [sflag:$0xD] =	stream.linear.gather [hbm4b:s8+s3], $0x3200, $0x38;
	[tilespmem:$0x1C840] =	vst v63  }
0x144: {  	_ =	swait.ge [sflag:s13], $0x3200  }
0x145: {  	[sflag:s13] =	ssyncset.done $0x0  }
0x146: {  	s17 =	rddreg [dreg:$0xf];
	[sflag:s13] =	ssyncadd.s32 $0xFFFFCE00;
	s13 =	simm.s32 $0x3200  }
0x147: {  	[tilespmem:s13], [sflag:$0x9] =	stream.linear.gather [hbm4b:s17+s3], $0x190, $0x38;
	[tilespmem:$0x1C840] =	vst v63  }
0x148: {  	s18 =	rddreg [dreg:$0x10];
	s17 =	simm.s32 $0x3390  }
0x149: {  	[tilespmem:s17], [sflag:$0xA] =	stream.linear.gather [hbm4b:s18+s3], $0x190, $0x38;
	[tilespmem:$0x1C840] =	vst v63  }
0x14a: {  	s19 =	rddreg [dreg:$0x11];
	s18 =	simm.s32 $0x3520  }
0x14b: {  	[tilespmem:s18], [sflag:$0xB] =	stream.linear.gather [hbm4b:s19+s3], $0x190, $0x38;
	[tilespmem:$0x1C840] =	vst v63  }
0x14c: {  	s8 =	rddreg [dreg:$0x12];
	s19 =	simm.s32 $0x36B0  }
0x14d: {  	[tilespmem:s19], [sflag:$0xC] =	stream.linear.gather [hbm4b:s8+s3], $0x190, $0x38;
	[tilespmem:$0x1C840] =	vst v63  }
0x14e: {  	_ =	swait.ge [sflag:s7], $0x190  }
0x14f: {  	[sflag:s7] =	ssyncset.done $0x0  }
0x150: {  	[sflag:s7] =	ssyncadd.s32 $0xFFFFFE70  }
0x151: {  	[tilespmem:s12], [sflag:$0x1] =	stream.indirect.gather [hbm4b:s6+s9], $0x40, s13, s9, $0xb8;
	[tilespmem:$0x1C840] =	vst v63  }
0x152: {  	s8 =	simm.s32 $0x3250;
	s13 =	simm.s32 $0x4C40  }
0x153: {  	[tilespmem:s13], [sflag:$0x1] =	stream.indirect.gather [hbm4b:s6+s9], $0x40, s8, s9, $0xb8;
	[tilespmem:$0x1C840] =	vst v63  }
0x154: {  	s8 =	simm.s32 $0x32A0;
	s13 =	simm.s32 $0x6040  }
0x155: {  	[tilespmem:s13], [sflag:$0x1] =	stream.indirect.gather [hbm4b:s6+s9], $0x40, s8, s9, $0xb8;
	[tilespmem:$0x1C840] =	vst v63  }
0x156: {  	s8 =	simm.s32 $0x32F0;
	s13 =	simm.s32 $0x7440  }
0x157: {  	[tilespmem:s13], [sflag:$0x1] =	stream.indirect.gather [hbm4b:s6+s9], $0x40, s8, s9, $0xb8;
	[tilespmem:$0x1C840] =	vst v63  }
0x158: {  	s8 =	simm.s32 $0x3340;
	s13 =	simm.s32 $0x8840  }
0x159: {  	[tilespmem:s13], [sflag:$0x1] =	stream.indirect.gather [hbm4b:s6+s9], $0x40, s8, s9, $0xb8;
	[tilespmem:$0x1C840] =	vst v63  }
0x15a: {  	_ =	swait.ge [sflag:s29], $0x190  }
0x15b: {  	[sflag:s29] =	ssyncset.done $0x0  }
0x15c: {  	[sflag:s29] =	ssyncadd.s32 $0xFFFFFE70  }
0x15d: {  	[tilespmem:s14], [sflag:$0x2] =	stream.indirect.gather [hbm4b:s6+s9], $0x40, s17, s9, $0xb8;
	[tilespmem:$0x1C840] =	vst v63  }
0x15e: {  	s13 =	simm.s32 $0x33E0;
	s17 =	simm.s32 $0xB040  }
0x15f: {  	[tilespmem:s17], [sflag:$0x2] =	stream.indirect.gather [hbm4b:s6+s9], $0x40, s13, s9, $0xb8;
	[tilespmem:$0x1C840] =	vst v63  }
0x160: {  	s13 =	simm.s32 $0x3430;
	s17 =	simm.s32 $0xC440  }
0x161: {  	[tilespmem:s17], [sflag:$0x2] =	stream.indirect.gather [hbm4b:s6+s9], $0x40, s13, s9, $0xb8;
	[tilespmem:$0x1C840] =	vst v63  }
0x162: {  	s13 =	simm.s32 $0x3480;
	s17 =	simm.s32 $0xD840  }
0x163: {  	[tilespmem:s17], [sflag:$0x2] =	stream.indirect.gather [hbm4b:s6+s9], $0x40, s13, s9, $0xb8;
	[tilespmem:$0x1C840] =	vst v63  }
0x164: {  	s13 =	simm.s32 $0x34D0;
	s17 =	simm.s32 $0xEC40  }
0x165: {  	[tilespmem:s17], [sflag:$0x2] =	stream.indirect.gather [hbm4b:s6+s9], $0x40, s13, s9, $0xb8;
	[tilespmem:$0x1C840] =	vst v63  }
0x166: {  	_ =	swait.ge [sflag:s16], $0x190  }
0x167: {  	[sflag:s16] =	ssyncset.done $0x0  }
0x168: {  	[sflag:s16] =	ssyncadd.s32 $0xFFFFFE70  }
0x169: {  	[tilespmem:s21], [sflag:$0x3] =	stream.indirect.gather [hbm4b:s6+s9], $0x40, s18, s9, $0xb8;
	[tilespmem:$0x1C840] =	vst v63  }
0x16a: {  	s17 =	simm.s32 $0x3570;
	s18 =	simm.s32 $0x11440  }
0x16b: {  	[tilespmem:s18], [sflag:$0x3] =	stream.indirect.gather [hbm4b:s6+s9], $0x40, s17, s9, $0xb8;
	[tilespmem:$0x1C840] =	vst v63  }
0x16c: {  	s17 =	simm.s32 $0x35C0;
	s18 =	simm.s32 $0x12840  }
0x16d: {  	[tilespmem:s18], [sflag:$0x3] =	stream.indirect.gather [hbm4b:s6+s9], $0x40, s17, s9, $0xb8;
	[tilespmem:$0x1C840] =	vst v63  }
0x16e: {  	s17 =	simm.s32 $0x3610;
	s18 =	simm.s32 $0x13C40  }
0x16f: {  	[tilespmem:s18], [sflag:$0x3] =	stream.indirect.gather [hbm4b:s6+s9], $0x40, s17, s9, $0xb8;
	[tilespmem:$0x1C840] =	vst v63  }
0x170: {  	s17 =	simm.s32 $0x3660;
	s18 =	simm.s32 $0x15040  }
0x171: {  	[tilespmem:s18], [sflag:$0x3] =	stream.indirect.gather [hbm4b:s6+s9], $0x40, s17, s9, $0xb8;
	[tilespmem:$0x1C840] =	vst v63  }
0x172: {  	_ =	swait.ge [sflag:s25], $0x190  }
0x173: {  	[sflag:s25] =	ssyncset.done $0x0  }
0x174: {  	[sflag:s25] =	ssyncadd.s32 $0xFFFFFE70  }
0x175: {  	[tilespmem:s15], [sflag:$0x4] =	stream.indirect.gather [hbm4b:s6+s9], $0x40, s19, s9, $0xb8;
	[tilespmem:$0x1C840] =	vst v63  }
0x176: {  	s13 =	simm.s32 $0x3700;
	s17 =	simm.s32 $0x17840  }
0x177: {  	[tilespmem:s17], [sflag:$0x4] =	stream.indirect.gather [hbm4b:s6+s9], $0x40, s13, s9, $0xb8;
	[tilespmem:$0x1C840] =	vst v63  }
0x178: {  	s18 =	simm.s32 $0x3750;
	s19 =	simm.s32 $0x18C40  }
0x179: {  	[tilespmem:s19], [sflag:$0x4] =	stream.indirect.gather [hbm4b:s6+s9], $0x40, s18, s9, $0xb8;
	[tilespmem:$0x1C840] =	vst v63  }
0x17a: {  	s13 =	simm.s32 $0x37A0;
	s17 =	simm.s32 $0x1A040  }
0x17b: {  	[tilespmem:s17], [sflag:$0x4] =	stream.indirect.gather [hbm4b:s6+s9], $0x40, s13, s9, $0xb8;
	[tilespmem:$0x1C840] =	vst v63  }
0x17c: {  	s18 =	simm.s32 $0x37F0;
	s19 =	simm.s32 $0x1B440  }
0x17d: {  	[tilespmem:s19], [sflag:$0x4] =	stream.indirect.gather [hbm4b:s6+s9], $0x40, s18, s9, $0xb8;
	[tilespmem:$0x1C840] =	vst v63  }
.LBB2_13:
0x17e: {  	s8 =	smul.u32 $0x640, s3;
	_ =	swait.ge [sflag:s22], $0x6400  }
0x17f: {  	p0 =	seq.s32 s3, $0xF;
	s13 =	rddreg [dreg:$0xb]  }
0x180: {  	s13 =	sadd.s32 @!p0 s8, s13  }
0x181: {  	[sflag:s22] =	ssyncset.done $0x0;
	s17 =	simm.s32 @!p0 $0x0;
	s13 =	sshrl.u32 @!p0 s13, $0x3  }
0x182: {  	s18 =	simm.s32 @!p0 $0x3200;
	[sflag:s22] =	ssyncadd.s32 $0xFFFF9C00;
	s13 =	sadd.s32 @!p0 s11, s13  }
0x183: {  	[tilespmem:s18], [sflag:$0x9] =	stream.linear.gather @!p0 [hbm4b:s13+s17], $0x190, $0x38;
	[tilespmem:$0x1C840] =	vst v63  }
0x184: {  	s13 =	simm.s32 $0x0  }
0x185: {  	v5 =	vld [tilespmem:s13+$0x0]  }
0x186: {  	v1 =	vld [tilespmem:s13+$0x10]  }
0x187: {  	v0 =	vld [tilespmem:s13+$0x20]  }
0x188: {  	v2 =	vld [tilespmem:s13+$0x30]  }
0x189: {  	v8 =	vld [tilespmem:s13+$0x3840]  }
0x18a: {  	v10 =	vld [tilespmem:s13+$0x6A40]  }
0x18b: {  	v7 =	vld [tilespmem:s13+$0x3850]  }
0x18c: {  	v6 =	vld [tilespmem:s13+$0x6A50]  }
0x18d: {  	s18 =	sadd.s32 s20, s8;
	v3 =	vld [tilespmem:s13+$0x3860]  }
0x18e: {  	s19 =	rddreg [dreg:$0x2];
	s17 =	sshll.u32 s18, $0x3;
	v4 =	vld [tilespmem:s13+$0x6A60];
	v9 =	vadd.f32 v8, v5  }
0x18f: {  	s18 =	simm.s32 $0x100;
	s17 =	sadd.s32 s19, s17;
	v8 =	vadd.f32 v10, v5;
	v5 =	vld [tilespmem:s13+$0x3870]  }
.LBB2_14:
0x190: {  	s19 =	sshra.s32 s18, $0x2;
	p1 =	sne.s32 s18, $0xC700;
	[tilespmem:s13+$0x3840] =	vst v9;
	v7 =	vadd.f32 v7, v1;
	v9 =	vld [tilespmem:s13+$0x6A70]  }
0x191: {  	v10 =	vld [tilespmem:s19+$0x0];
	[tilespmem:s13+$0x6A40] =	vst v8;
	v6 =	vadd.f32 v6, v1  }
0x192: {  	v1 =	vld [tilespmem:s19+$0x10];
	[tilespmem:s13+$0x3850] =	vst v7;
	v3 =	vadd.f32 v3, v0  }
0x193: {  	[tilespmem:s13+$0x6A50] =	vst v6;
	v4 =	vadd.f32 v4, v0;
	v0 =	vld [tilespmem:s19+$0x20]  }
0x194: {  	v8 =	vld [tilespmem:s19+$0x30];
	[tilespmem:s13+$0x3860] =	vst v3;
	v3 =	vadd.f32 v5, v2  }
0x195: {  	v5 =	vld [tilespmem:s19+$0x3840];
	[tilespmem:s13+$0x6A60] =	vst v4;
	v2 =	vadd.f32 v9, v2  }
0x196: {  	v11 =	vld [tilespmem:s19+$0x6A40];
	[tilespmem:s13+$0x3870] =	vst v3  }
.Ltmp8:
0x197: {  	v7 =	vld [tilespmem:s19+$0x3850];
	[tilespmem:s13+$0x6A70] =	vst v2;
	s13 =	smov.u32 s19;
	(pc) =	sbr.rel @p1 .LBB2_14-.Ltmp8, $4  }
0x198: {  	v6 =	vld [tilespmem:s13+$0x6A50]  }
0x199: {  	v3 =	vld [tilespmem:s13+$0x3860];
	v2 =	vmov v8  }
0x19a: {  	v9 =	vadd.f32 v5, v10;
	v4 =	vld [tilespmem:s13+$0x6A60]  }
0x19b: {  	s18 =	sadd.s32 $0x100, s18;
	v8 =	vadd.f32 v11, v10;
	v5 =	vld [tilespmem:s13+$0x3870]  }
0x19c: {  	[tilespmem:s13+$0x3840] =	vst v9;
	v7 =	vadd.f32 v7, v1;
	v9 =	vld [tilespmem:s13+$0x6A70]  }
0x19d: {  	[tilespmem:s13+$0x6A40] =	vst v8;
	v1 =	vadd.f32 v6, v1  }
0x19e: {  	[tilespmem:s13+$0x3850] =	vst v7;
	v3 =	vadd.f32 v3, v0  }
0x19f: {  	[tilespmem:s13+$0x6A50] =	vst v1;
	v0 =	vadd.f32 v4, v0  }
0x1a0: {  	[tilespmem:s13+$0x3860] =	vst v3;
	v1 =	vadd.f32 v5, v2  }
0x1a1: {  	[tilespmem:s13+$0x6A60] =	vst v0;
	v0 =	vadd.f32 v9, v2  }
0x1a2: {  	[tilespmem:s13+$0x3870] =	vst v1  }
0x1a3: {  	[tilespmem:s13+$0x6A70] =	vst v0  }
0x1a4: {  	[hbm4b:s17+s4] =	stream.linear.scatter [tilespmem:s12], [sflag:$0x5], $0x6400, $0x38;
	[tilespmem:$0x1C840] =	vst v63  }
0x1a5: {  	_ =	swait.ge [sflag:s31], $0x6400  }
0x1a6: {  	s13 =	rddreg [dreg:$0xd]  }
0x1a7: {  	s13 =	sadd.s32 @!p0 s8, s13  }
0x1a8: {  	s18 =	simm.s32 @!p0 $0x3390;
	[sflag:s31] =	ssyncset.done $0x0;
	s13 =	sshrl.u32 @!p0 s13, $0x3  }
0x1a9: {  	s17 =	simm.s32 @!p0 $0x0;
	[sflag:s31] =	ssyncadd.s32 $0xFFFF9C00;
	s13 =	sadd.s32 @!p0 s11, s13  }
0x1aa: {  	[tilespmem:s18], [sflag:$0xA] =	stream.linear.gather @!p0 [hbm4b:s13+s17], $0x190, $0x38;
	[tilespmem:$0x1C840] =	vst v63  }
0x1ab: {  	s13 =	simm.s32 $0x0  }
0x1ac: {  	v5 =	vld [tilespmem:s13+$0x0]  }
0x1ad: {  	v1 =	vld [tilespmem:s13+$0x10]  }
0x1ae: {  	v0 =	vld [tilespmem:s13+$0x20]  }
0x1af: {  	v2 =	vld [tilespmem:s13+$0x30]  }
0x1b0: {  	v8 =	vld [tilespmem:s13+$0x9C40]  }
0x1b1: {  	v10 =	vld [tilespmem:s13+$0xCE40]  }
0x1b2: {  	s18 =	rddreg [dreg:$0xc];
	v7 =	vld [tilespmem:s13+$0x9C50]  }
0x1b3: {  	s17 =	sadd.s32 s8, s18;
	v6 =	vld [tilespmem:s13+$0xCE50]  }
0x1b4: {  	v3 =	vld [tilespmem:s13+$0x9C60];
	s17 =	sshll.u32 s17, $0x3  }
0x1b5: {  	s19 =	rddreg [dreg:$0x2];
	v4 =	vld [tilespmem:s13+$0xCE60];
	s17 =	sand.u32 $0x1FFFFE80, s17;
	v9 =	vadd.f32 v8, v5  }
0x1b6: {  	s18 =	simm.s32 $0x100;
	s17 =	sadd.s32 s19, s17;
	v8 =	vadd.f32 v10, v5;
	v5 =	vld [tilespmem:s13+$0x9C70]  }
.LBB2_16:
0x1b7: {  	s19 =	sshra.s32 s18, $0x2;
	p1 =	sne.s32 s18, $0xC700;
	[tilespmem:s13+$0x9C40] =	vst v9;
	v7 =	vadd.f32 v7, v1;
	v9 =	vld [tilespmem:s13+$0xCE70]  }
0x1b8: {  	v10 =	vld [tilespmem:s19+$0x0];
	[tilespmem:s13+$0xCE40] =	vst v8;
	v6 =	vadd.f32 v6, v1  }
0x1b9: {  	v1 =	vld [tilespmem:s19+$0x10];
	[tilespmem:s13+$0x9C50] =	vst v7;
	v3 =	vadd.f32 v3, v0  }
0x1ba: {  	[tilespmem:s13+$0xCE50] =	vst v6;
	v4 =	vadd.f32 v4, v0;
	v0 =	vld [tilespmem:s19+$0x20]  }
0x1bb: {  	v8 =	vld [tilespmem:s19+$0x30];
	[tilespmem:s13+$0x9C60] =	vst v3;
	v3 =	vadd.f32 v5, v2  }
0x1bc: {  	v5 =	vld [tilespmem:s19+$0x9C40];
	[tilespmem:s13+$0xCE60] =	vst v4;
	v2 =	vadd.f32 v9, v2  }
0x1bd: {  	v11 =	vld [tilespmem:s19+$0xCE40];
	[tilespmem:s13+$0x9C70] =	vst v3  }
.Ltmp9:
0x1be: {  	v7 =	vld [tilespmem:s19+$0x9C50];
	[tilespmem:s13+$0xCE70] =	vst v2;
	s13 =	smov.u32 s19;
	(pc) =	sbr.rel @p1 .LBB2_16-.Ltmp9, $4  }
0x1bf: {  	v6 =	vld [tilespmem:s13+$0xCE50]  }
0x1c0: {  	v3 =	vld [tilespmem:s13+$0x9C60];
	v2 =	vmov v8  }
0x1c1: {  	v9 =	vadd.f32 v5, v10;
	v4 =	vld [tilespmem:s13+$0xCE60]  }
0x1c2: {  	s18 =	sadd.s32 $0x100, s18;
	v8 =	vadd.f32 v11, v10;
	v5 =	vld [tilespmem:s13+$0x9C70]  }
0x1c3: {  	[tilespmem:s13+$0x9C40] =	vst v9;
	v7 =	vadd.f32 v7, v1;
	v9 =	vld [tilespmem:s13+$0xCE70]  }
0x1c4: {  	[tilespmem:s13+$0xCE40] =	vst v8;
	v1 =	vadd.f32 v6, v1  }
0x1c5: {  	[tilespmem:s13+$0x9C50] =	vst v7;
	v3 =	vadd.f32 v3, v0  }
0x1c6: {  	[tilespmem:s13+$0xCE50] =	vst v1;
	v0 =	vadd.f32 v4, v0  }
0x1c7: {  	[tilespmem:s13+$0x9C60] =	vst v3;
	v1 =	vadd.f32 v5, v2  }
0x1c8: {  	[tilespmem:s13+$0xCE60] =	vst v0;
	v0 =	vadd.f32 v9, v2  }
0x1c9: {  	[tilespmem:s13+$0x9C70] =	vst v1  }
0x1ca: {  	[tilespmem:s13+$0xCE70] =	vst v0  }
0x1cb: {  	[hbm4b:s17+s4] =	stream.linear.scatter [tilespmem:s14], [sflag:$0x6], $0x6400, $0x38;
	[tilespmem:$0x1C840] =	vst v63  }
0x1cc: {  	s13 =	sadd.s32 @!p0 s8, s26;
	_ =	swait.ge [sflag:s23], $0x6400  }
0x1cd: {  	s18 =	simm.s32 @!p0 $0x3520;
	s13 =	sshrl.u32 @!p0 s13, $0x3;
	[sflag:s23] =	ssyncset.done $0x0  }
0x1ce: {  	s17 =	simm.s32 @!p0 $0x0;
	s13 =	sadd.s32 @!p0 s11, s13;
	[sflag:s23] =	ssyncadd.s32 $0xFFFF9C00  }
0x1cf: {  	[tilespmem:s18], [sflag:$0xB] =	stream.linear.gather @!p0 [hbm4b:s13+s17], $0x190, $0x38;
	[tilespmem:$0x1C840] =	vst v63  }
0x1d0: {  	s13 =	simm.s32 $0x0  }
0x1d1: {  	v5 =	vld [tilespmem:s13+$0x0]  }
0x1d2: {  	v1 =	vld [tilespmem:s13+$0x10]  }
0x1d3: {  	v0 =	vld [tilespmem:s13+$0x20]  }
0x1d4: {  	v2 =	vld [tilespmem:s13+$0x30]  }
0x1d5: {  	v8 =	vld [tilespmem:s13+$0x10040]  }
0x1d6: {  	v10 =	vld [tilespmem:s13+$0x13240]  }
0x1d7: {  	s18 =	rddreg [dreg:$0xe];
	v7 =	vld [tilespmem:s13+$0x10050]  }
0x1d8: {  	s17 =	sadd.s32 s8, s18;
	v6 =	vld [tilespmem:s13+$0x13250]  }
0x1d9: {  	v3 =	vld [tilespmem:s13+$0x10060];
	s17 =	sshll.u32 s17, $0x3  }
0x1da: {  	s19 =	rddreg [dreg:$0x2];
	v4 =	vld [tilespmem:s13+$0x13260];
	s17 =	sand.u32 $0x1FFFFF00, s17;
	v9 =	vadd.f32 v8, v5  }
0x1db: {  	s18 =	simm.s32 $0x100;
	s17 =	sadd.s32 s19, s17;
	v8 =	vadd.f32 v10, v5;
	v5 =	vld [tilespmem:s13+$0x10070]  }
.LBB2_18:
0x1dc: {  	s19 =	sshra.s32 s18, $0x2;
	p1 =	sne.s32 s18, $0xC700;
	[tilespmem:s13+$0x10040] =	vst v9;
	v7 =	vadd.f32 v7, v1;
	v9 =	vld [tilespmem:s13+$0x13270]  }
0x1dd: {  	v10 =	vld [tilespmem:s19+$0x0];
	[tilespmem:s13+$0x13240] =	vst v8;
	v6 =	vadd.f32 v6, v1  }
0x1de: {  	v1 =	vld [tilespmem:s19+$0x10];
	[tilespmem:s13+$0x10050] =	vst v7;
	v3 =	vadd.f32 v3, v0  }
0x1df: {  	[tilespmem:s13+$0x13250] =	vst v6;
	v4 =	vadd.f32 v4, v0;
	v0 =	vld [tilespmem:s19+$0x20]  }
0x1e0: {  	v8 =	vld [tilespmem:s19+$0x30];
	[tilespmem:s13+$0x10060] =	vst v3;
	v3 =	vadd.f32 v5, v2  }
0x1e1: {  	v5 =	vld [tilespmem:s19+$0x10040];
	[tilespmem:s13+$0x13260] =	vst v4;
	v2 =	vadd.f32 v9, v2  }
0x1e2: {  	v11 =	vld [tilespmem:s19+$0x13240];
	[tilespmem:s13+$0x10070] =	vst v3  }
.Ltmp10:
0x1e3: {  	v7 =	vld [tilespmem:s19+$0x10050];
	[tilespmem:s13+$0x13270] =	vst v2;
	s13 =	smov.u32 s19;
	(pc) =	sbr.rel @p1 .LBB2_18-.Ltmp10, $4  }
0x1e4: {  	v6 =	vld [tilespmem:s13+$0x13250]  }
0x1e5: {  	v3 =	vld [tilespmem:s13+$0x10060];
	v2 =	vmov v8  }
0x1e6: {  	v9 =	vadd.f32 v5, v10;
	v4 =	vld [tilespmem:s13+$0x13260]  }
0x1e7: {  	s18 =	sadd.s32 $0x100, s18;
	v8 =	vadd.f32 v11, v10;
	v5 =	vld [tilespmem:s13+$0x10070]  }
0x1e8: {  	[tilespmem:s13+$0x10040] =	vst v9;
	v7 =	vadd.f32 v7, v1;
	v9 =	vld [tilespmem:s13+$0x13270]  }
0x1e9: {  	[tilespmem:s13+$0x13240] =	vst v8;
	v1 =	vadd.f32 v6, v1  }
0x1ea: {  	[tilespmem:s13+$0x10050] =	vst v7;
	v3 =	vadd.f32 v3, v0  }
0x1eb: {  	[tilespmem:s13+$0x13250] =	vst v1;
	v0 =	vadd.f32 v4, v0  }
0x1ec: {  	[tilespmem:s13+$0x10060] =	vst v3;
	v1 =	vadd.f32 v5, v2  }
0x1ed: {  	[tilespmem:s13+$0x13260] =	vst v0;
	v0 =	vadd.f32 v9, v2  }
0x1ee: {  	[tilespmem:s13+$0x10070] =	vst v1  }
0x1ef: {  	[tilespmem:s13+$0x13270] =	vst v0  }
0x1f0: {  	[hbm4b:s17+s4] =	stream.linear.scatter [tilespmem:s21], [sflag:$0x7], $0x6400, $0x38;
	[tilespmem:$0x1C840] =	vst v63  }
0x1f1: {  	s13 =	sadd.s32 @!p0 s8, s28;
	_ =	swait.ge [sflag:s0], $0x6400  }
0x1f2: {  	s18 =	simm.s32 @!p0 $0x36B0;
	s13 =	sshrl.u32 @!p0 s13, $0x3;
	[sflag:s0] =	ssyncset.done $0x0  }
0x1f3: {  	s17 =	simm.s32 @!p0 $0x0;
	s13 =	sadd.s32 @!p0 s11, s13;
	[sflag:s0] =	ssyncadd.s32 $0xFFFF9C00  }
0x1f4: {  	[tilespmem:s18], [sflag:$0xC] =	stream.linear.gather @!p0 [hbm4b:s13+s17], $0x190, $0x38;
	[tilespmem:$0x1C840] =	vst v63  }
0x1f5: {  	s13 =	simm.s32 $0x0  }
0x1f6: {  	v5 =	vld [tilespmem:s13+$0x0]  }
0x1f7: {  	v1 =	vld [tilespmem:s13+$0x10]  }
0x1f8: {  	v0 =	vld [tilespmem:s13+$0x20]  }
0x1f9: {  	v2 =	vld [tilespmem:s13+$0x30]  }
0x1fa: {  	v8 =	vld [tilespmem:s13+$0x16440]  }
0x1fb: {  	v10 =	vld [tilespmem:s13+$0x19640]  }
0x1fc: {  	s19 =	rddreg [dreg:$0x7];
	v7 =	vld [tilespmem:s13+$0x16450]  }
0x1fd: {  	s18 =	sadd.s32 s8, s19;
	v6 =	vld [tilespmem:s13+$0x19650]  }
0x1fe: {  	s8 =	sshll.u32 s18, $0x3;
	v3 =	vld [tilespmem:s13+$0x16460]  }
0x1ff: {  	s19 =	rddreg [dreg:$0x2];
	v4 =	vld [tilespmem:s13+$0x19660];
	s8 =	sand.u32 $0x1FFFFF80, s8;
	v9 =	vadd.f32 v8, v5  }
0x200: {  	s17 =	simm.s32 $0x100;
	s8 =	sadd.s32 s19, s8;
	v8 =	vadd.f32 v10, v5;
	v5 =	vld [tilespmem:s13+$0x16470]  }
.LBB2_20:
0x201: {  	s18 =	sshra.s32 s17, $0x2;
	p1 =	sne.s32 s17, $0xC700;
	[tilespmem:s13+$0x16440] =	vst v9;
	v7 =	vadd.f32 v7, v1;
	v9 =	vld [tilespmem:s13+$0x19670]  }
0x202: {  	v10 =	vld [tilespmem:s18+$0x0];
	[tilespmem:s13+$0x19640] =	vst v8;
	v6 =	vadd.f32 v6, v1  }
0x203: {  	v1 =	vld [tilespmem:s18+$0x10];
	[tilespmem:s13+$0x16450] =	vst v7;
	v3 =	vadd.f32 v3, v0  }
0x204: {  	[tilespmem:s13+$0x19650] =	vst v6;
	v4 =	vadd.f32 v4, v0;
	v0 =	vld [tilespmem:s18+$0x20]  }
0x205: {  	v8 =	vld [tilespmem:s18+$0x30];
	[tilespmem:s13+$0x16460] =	vst v3;
	v3 =	vadd.f32 v5, v2  }
0x206: {  	v5 =	vld [tilespmem:s18+$0x16440];
	[tilespmem:s13+$0x19660] =	vst v4;
	v2 =	vadd.f32 v9, v2  }
0x207: {  	v11 =	vld [tilespmem:s18+$0x19640];
	[tilespmem:s13+$0x16470] =	vst v3  }
.Ltmp11:
0x208: {  	v7 =	vld [tilespmem:s18+$0x16450];
	[tilespmem:s13+$0x19670] =	vst v2;
	s13 =	smov.u32 s18;
	(pc) =	sbr.rel @p1 .LBB2_20-.Ltmp11, $4  }
0x209: {  	v6 =	vld [tilespmem:s13+$0x19650]  }
0x20a: {  	v3 =	vld [tilespmem:s13+$0x16460];
	v2 =	vmov v8  }
0x20b: {  	v9 =	vadd.f32 v5, v10;
	v4 =	vld [tilespmem:s13+$0x19660]  }
0x20c: {  	s17 =	sadd.s32 $0x100, s17;
	v8 =	vadd.f32 v11, v10;
	v5 =	vld [tilespmem:s13+$0x16470]  }
0x20d: {  	[tilespmem:s13+$0x16440] =	vst v9;
	v7 =	vadd.f32 v7, v1;
	v59 =	vld [tilespmem:s13+$0x19670]  }
0x20e: {  	[tilespmem:s13+$0x19640] =	vst v8;
	v60 =	vadd.f32 v6, v1  }
0x20f: {  	[tilespmem:s13+$0x16450] =	vst v7;
	v3 =	vadd.f32 v3, v0  }
0x210: {  	[tilespmem:s13+$0x19650] =	vst v60;
	v61 =	vadd.f32 v4, v0  }
0x211: {  	[tilespmem:s13+$0x16460] =	vst v3;
	v62 =	vadd.f32 v5, v2  }
0x212: {  	[tilespmem:s13+$0x19660] =	vst v61;
	v63 =	vadd.f32 v59, v2  }
0x213: {  	[tilespmem:s13+$0x16470] =	vst v62  }
.Ltmp12:
0x214: {  	[tilespmem:s13+$0x19670] =	vst v63;
	(pc) =	sbr.rel @p0 .LBB2_23-.Ltmp12, $4  }
0x215: {  	[hbm4b:s8+s4] =	stream.linear.scatter [tilespmem:s15], [sflag:$0x8], $0x6400, $0x38;
	[tilespmem:$0x1C840] =	vst v63  }
0x216: {  	_ =	swait.ge [sflag:s24], $0x6400  }
0x217: {  	[sflag:s24] =	ssyncset.done $0x0  }
0x218: {  	[sflag:s24] =	ssyncadd.s32 $0xFFFF9C00  }
0x219: {  	_ =	swait.ge [sflag:s7], $0x190  }
0x21a: {  	[sflag:s7] =	ssyncset.done $0x0  }
0x21b: {  	s8 =	simm.s32 $0x3200;
	[sflag:s7] =	ssyncadd.s32 $0xFFFFFE70  }
0x21c: {  	[tilespmem:s12], [sflag:$0x1] =	stream.indirect.gather [hbm4b:s6+s9], $0x40, s8, s9, $0xb8;
	[tilespmem:$0x1C840] =	vst v63  }
0x21d: {  	s19 =	simm.s32 $0x3250;
	s13 =	simm.s32 $0x4C40  }
0x21e: {  	[tilespmem:s13], [sflag:$0x1] =	stream.indirect.gather [hbm4b:s6+s9], $0x40, s19, s9, $0xb8;
	[tilespmem:$0x1C840] =	vst v63  }
0x21f: {  	s17 =	simm.s32 $0x6040;
	s13 =	simm.s32 $0x32A0  }
0x220: {  	[tilespmem:s17], [sflag:$0x1] =	stream.indirect.gather [hbm4b:s6+s9], $0x40, s13, s9, $0xb8;
	[tilespmem:$0x1C840] =	vst v63  }
0x221: {  	s18 =	simm.s32 $0x32F0;
	s19 =	simm.s32 $0x7440  }
0x222: {  	[tilespmem:s19], [sflag:$0x1] =	stream.indirect.gather [hbm4b:s6+s9], $0x40, s18, s9, $0xb8;
	[tilespmem:$0x1C840] =	vst v63  }
0x223: {  	s17 =	simm.s32 $0x3340;
	s18 =	simm.s32 $0x8840  }
0x224: {  	[tilespmem:s18], [sflag:$0x1] =	stream.indirect.gather [hbm4b:s6+s9], $0x40, s17, s9, $0xb8;
	[tilespmem:$0x1C840] =	vst v63  }
0x225: {  	_ =	swait.ge [sflag:s2], $0x6400  }
0x226: {  	[sflag:s2] =	ssyncset.done $0x0  }
0x227: {  	[sflag:s2] =	ssyncadd.s32 $0xFFFF9C00  }
0x228: {  	_ =	swait.ge [sflag:s29], $0x190  }
0x229: {  	[sflag:s29] =	ssyncset.done $0x0  }
0x22a: {  	s19 =	simm.s32 $0x3390;
	[sflag:s29] =	ssyncadd.s32 $0xFFFFFE70  }
0x22b: {  	[tilespmem:s14], [sflag:$0x2] =	stream.indirect.gather [hbm4b:s6+s9], $0x40, s19, s9, $0xb8;
	[tilespmem:$0x1C840] =	vst v63  }
0x22c: {  	s13 =	simm.s32 $0x33E0;
	s17 =	simm.s32 $0xB040  }
0x22d: {  	[tilespmem:s17], [sflag:$0x2] =	stream.indirect.gather [hbm4b:s6+s9], $0x40, s13, s9, $0xb8;
	[tilespmem:$0x1C840] =	vst v63  }
0x22e: {  	s18 =	simm.s32 $0x3430;
	s19 =	simm.s32 $0xC440  }
0x22f: {  	[tilespmem:s19], [sflag:$0x2] =	stream.indirect.gather [hbm4b:s6+s9], $0x40, s18, s9, $0xb8;
	[tilespmem:$0x1C840] =	vst v63  }
0x230: {  	s13 =	simm.s32 $0x3480;
	s17 =	simm.s32 $0xD840  }
0x231: {  	[tilespmem:s17], [sflag:$0x2] =	stream.indirect.gather [hbm4b:s6+s9], $0x40, s13, s9, $0xb8;
	[tilespmem:$0x1C840] =	vst v63  }
0x232: {  	s18 =	simm.s32 $0x34D0;
	s19 =	simm.s32 $0xEC40  }
0x233: {  	[tilespmem:s19], [sflag:$0x2] =	stream.indirect.gather [hbm4b:s6+s9], $0x40, s18, s9, $0xb8;
	[tilespmem:$0x1C840] =	vst v63  }
0x234: {  	_ =	swait.ge [sflag:s30], $0x6400  }
0x235: {  	[sflag:s30] =	ssyncset.done $0x0  }
0x236: {  	[sflag:s30] =	ssyncadd.s32 $0xFFFF9C00  }
0x237: {  	_ =	swait.ge [sflag:s16], $0x190  }
0x238: {  	[sflag:s16] =	ssyncset.done $0x0  }
0x239: {  	s17 =	simm.s32 $0x3520;
	[sflag:s16] =	ssyncadd.s32 $0xFFFFFE70  }
0x23a: {  	[tilespmem:s21], [sflag:$0x3] =	stream.indirect.gather [hbm4b:s6+s9], $0x40, s17, s9, $0xb8;
	[tilespmem:$0x1C840] =	vst v63  }
0x23b: {  	s18 =	simm.s32 $0x3570;
	s19 =	simm.s32 $0x11440  }
0x23c: {  	[tilespmem:s19], [sflag:$0x3] =	stream.indirect.gather [hbm4b:s6+s9], $0x40, s18, s9, $0xb8;
	[tilespmem:$0x1C840] =	vst v63  }
0x23d: {  	s13 =	simm.s32 $0x35C0;
	s17 =	simm.s32 $0x12840  }
0x23e: {  	[tilespmem:s17], [sflag:$0x3] =	stream.indirect.gather [hbm4b:s6+s9], $0x40, s13, s9, $0xb8;
	[tilespmem:$0x1C840] =	vst v63  }
0x23f: {  	s18 =	simm.s32 $0x3610;
	s19 =	simm.s32 $0x13C40  }
0x240: {  	[tilespmem:s19], [sflag:$0x3] =	stream.indirect.gather [hbm4b:s6+s9], $0x40, s18, s9, $0xb8;
	[tilespmem:$0x1C840] =	vst v63  }
0x241: {  	s17 =	simm.s32 $0x3660;
	s18 =	simm.s32 $0x15040  }
0x242: {  	[tilespmem:s18], [sflag:$0x3] =	stream.indirect.gather [hbm4b:s6+s9], $0x40, s17, s9, $0xb8;
	[tilespmem:$0x1C840] =	vst v63  }
0x243: {  	_ =	swait.ge [sflag:s1], $0x6400  }
0x244: {  	[sflag:s1] =	ssyncset.done $0x0  }
0x245: {  	[sflag:s1] =	ssyncadd.s32 $0xFFFF9C00  }
0x246: {  	_ =	swait.ge [sflag:s25], $0x190  }
0x247: {  	[sflag:s25] =	ssyncset.done $0x0  }
0x248: {  	s19 =	simm.s32 $0x36B0;
	[sflag:s25] =	ssyncadd.s32 $0xFFFFFE70  }
0x249: {  	[tilespmem:s15], [sflag:$0x4] =	stream.indirect.gather [hbm4b:s6+s9], $0x40, s19, s9, $0xb8;
	[tilespmem:$0x1C840] =	vst v63  }
0x24a: {  	s13 =	simm.s32 $0x3700;
	s17 =	simm.s32 $0x17840  }
0x24b: {  	[tilespmem:s17], [sflag:$0x4] =	stream.indirect.gather [hbm4b:s6+s9], $0x40, s13, s9, $0xb8;
	[tilespmem:$0x1C840] =	vst v63  }
0x24c: {  	s18 =	simm.s32 $0x3750;
	s19 =	simm.s32 $0x18C40  }
0x24d: {  	[tilespmem:s19], [sflag:$0x4] =	stream.indirect.gather [hbm4b:s6+s9], $0x40, s18, s9, $0xb8;
	[tilespmem:$0x1C840] =	vst v63  }
.Ltmp13:
0x24e: {  	_ = 	snop;
	(pc) =	sbr.rel .LBB2_13-.Ltmp13, $4  }
0x24f: {  	s13 =	simm.s32 $0x37A0;
	s17 =	simm.s32 $0x1A040  }
0x250: {  	[tilespmem:s17], [sflag:$0x4] =	stream.indirect.gather [hbm4b:s6+s9], $0x40, s13, s9, $0xb8;
	[tilespmem:$0x1C840] =	vst v63  }
0x251: {  	s3 =	sadd.s32 $0x1, s3;
	s18 =	simm.s32 $0x37F0;
	s19 =	simm.s32 $0x1B440  }
0x252: {  	[tilespmem:s19], [sflag:$0x4] =	stream.indirect.gather [hbm4b:s6+s9], $0x40, s18, s9, $0xb8;
	[tilespmem:$0x1C840] =	vst v63  }
.LBB2_24:
0x253: {  	_ =	sfence.sel $0x180000  }
0x254: {  	[bflag:$0x0] =	sbarrier.arrive $0xFFFF  }
0x255: {  	_ =	strace $0x90000047  }
0x256: {  	s0 =	stileid.u32;
	[bflag:$0x2] =	sbarrier.arrive $0xFFFF  }
0x257: {  	p0 =	sne.s32 s0, $0x0;
	s0 =	rddreg [dreg:$0x3]  }
0x258: {  	s0 =	sadd.s32 @!p0 $0x100000, s0  }
0x259: {  	[sflag:s0] =	ssyncadd.tile.s32 @!p0 $0x1;
	_ =	shalt  }
.Lfunc_end2:
_tile_overlayer_lowered:
.L_overlay_start_2:
0x25a: {  	(tag) =	ssettag $0x2  }
0x25b: {  	s0 =	rddreg [dreg:$0x0];
	s2 =	stileid.u32  }
0x25c: {  	s1 =	rddreg [dreg:$0x1];
	p0 =	sne.s32 s2, $0x0  }
0x25d: {  	s3 =	rddreg [dreg:$0x2];
	[bflag:$0x3] =	sbarrier.arrive $0xFFFF;
	s2 =	simm.s32 @!p0 $0x1C0D  }
0x25e: {  	[timem:s3], [sflag:s2] =	dma.local @!p0 [hbm:s0], s1  }
0x25f: {  	s0 =	simm.s32 @!p0 $0xD  }
0x260: {  	_ =	swait.ge @!p0 [sflag:s0], s1  }
0x261: {  	s1 =	ssub.s32 @!p0 $0x0, s1;
	[sflag:s0] =	ssyncset.done @!p0 $0x0  }
0x262: {  	[sflag:s0] =	ssyncadd.s32 @!p0 s1  }
0x263: {  	[bflag:$0x3] =	sbarrier.arrive $0xFFFF  }
0x264: {  	_ =	shalt  }

// kernel: sparse-core-data-format-call.1.cloned.1.call-start
scs
called_computation.1_lowered:
.L_overlay_start_0:
0x0: {  	s2 =	sld [smem:$0x3FD9]  }
0x1: {  	s3 =	sld [smem:$0x3FFE];
	_ =	sdelay $0x1  }
0x2: {  	s1 =	srdreg.scid  }
0x3: {  	s0 =	sand.u32 $0x1, s1  }
0x4: {  	s15 =	sshll.u32 s0, $0xA;
	s2 =	sadd.s32 s3, s2  }
0x5: {  	s2 =	sadd.s32 s2, s15  }
0x6: {  	[smem:$0x3FC2] =	sst s2  }
0x7: {  	_ = 	snop  }
0x8: {  	s2 =	sld [smem:$0x3FD0];
	_ =	sdelay $0x2  }
0x9: {  	s16 =	simm.s32 $0xB;
	s4 =	simm.s32 $0x10  }
0xa: {  	[smem:s4], [sflag:s16] =	dma.local [hbm:s2], $0x1  }
0xb: {  	_ =	swait.eq [sflag:s16], $0x1  }
0xc: {  	[sflag:s16] =	ssyncset.done $0x0  }
0xd: {  	[sflag:s16] =	ssyncadd.s32 $0xFFFFFFFF  }
0xe: {  	s17 =	sld [smem:$0x10];
	(tm) =	ssettm $0x1  }
0xf: {  	s18 =	sld [smem:$0x3FFB];
	_ =	sdelay $0x3  }
0x10: {  	_ =	strace s18  }
0x11: {  	s3 =	sld [smem:$0x3FFC];
	_ =	sdelay $0x3  }
0x12: {  	_ =	strace s3  }
0x13: {  	s3 =	sld [smem:$0x3FFD];
	_ =	sdelay $0x3  }
0x14: {  	_ =	strace s3  }
0x15: {  	_ =	strace $0x8FFFFFFF  }
0x16: {  	s19 =	sld [smem:$0x3FDB];
	_ =	sdelay $0x1  }
0x17: {  	s20 =	simm.s32 $_scs_section_size  }
0x18: {  	s5 =	simm.s32 $_size__tile_overlayer_lowered;
	s6 =	simm.s32 $_tile_overlayer_lowered  }
0x19: {  	s23 =	simm.s32 $0x1BFF;
	s22 =	sshll.u32 s6, $0x1;
	s3 =	sadd.s32 s20, s19  }
0x1a: {  	s7 =	simm.s32 $0x0;
	s21 =	sshll.u32 s5, $0x1;
	s5 =	sadd.s32 s22, s3  }
0x1b: {  	[timem:s7], [sflag:s23] =	dma.local [hbm:s5], s21  }
0x1c: {  	_ =	swait.ge [sflag:s23], s21  }
0x1d: {  	s4 =	ssub.s32 $0x0, s21;
	[sflag:s23] =	ssyncset.done $0x0  }
0x1e: {  	[sflag:s23] =	ssyncadd.s32 s4;
	_ =	sdelay $0x1  }
0x1f: {  	s24 =	simm.s32 $0x1B8B  }
0x20: {  	_ =	swait.ge [sflag:s24], $0x1  }
0x21: {  	[sflag:s24] =	ssyncset.done $0x0  }
0x22: {  	s26 =	simm.s32 $0x1B8E;
	s25 =	sld [smem:$0x3FFE];
	[sflag:s24] =	ssyncadd.s32 $0xFFFFFFFF  }
0x23: {  	s27 =	simm.s32 $execute0_lowered;
	[smem:$0x3FD2] =	sst s26  }
0x24: {  	s5 =	sshll.u32 s27, $0x1;
	_ =	strace $0x80000049;
	[dreg:$0x1] =	wrdreg $0xFFFFFFFF  }
0x25: {  	s28 =	simm.s32 $_size_execute0_lowered;
	s3 =	sadd.s32 s3, s5;
	[dreg:$0x0] =	wrdreg $0x0  }
0x26: {  	s5 =	sshll.u32 s28, $0x1;
	[dreg:$0x2] =	wrdreg s3  }
0x27: {  	[dreg:$0x3] =	wrdreg s5  }
0x28: {  	[dreg:$0x4] =	wrdreg $0xC0  }
0x29: {  	_ =	task [dreg:s7], $0x5FFFF  }
0x2a: {  	[dreg:$0x1] =	wrdreg $0xFFFFFFFF  }
0x2b: {  	[dreg:$0x0] =	wrdreg $0x60  }
0x2c: {  	[dreg:$0x2] =	wrdreg s25  }
0x2d: {  	[dreg:$0x3] =	wrdreg s17  }
0x2e: {  	[dreg:$0x4] =	wrdreg $0xA  }
0x2f: {  	_ =	task.clear_ibuf [dreg:s7], $0x5FFFF;
	_ =	strace $0x90000049  }
0x30: {  	s29 =	simm.s32 $0xA;
	_ =	strace $0x8000004B  }
0x31: {  	_ =	swait.ge [sflag:s29], $0x1  }
0x32: {  	[sflag:s29] =	ssyncadd.s32 $0xFFFFFFFF  }
0x33: {  	_ =	strace $0x9000004B  }
0x34: {  	_ =	sfence  }
0x35: {  	s30 =	sld [smem:$0x0];
	_ =	sdelay $0x2  }
0x36: {  	s31 =	sshll.u32 s1, $0xD;
	s1 =	sshrl.u32 s1, $0x2  }
0x37: {  	s3 =	sand.u32 $0x4000, s31;
	s1 =	sadd.s32 s1, s30  }
0x38: {  	s0 =	sor.u32 s3, s0;
	s1 =	sshll.u32 s1, $0x11  }
0x39: {  	s0 =	sor.u32 s1, s0  }
0x3a: {  	s0 =	sadd.s32 $0x8F2B, s0  }
0x3b: {  	[sflag:s0] =	ssyncadd.remote.s32 $0x1  }
0x3c: {  	_ =	sfence.sel $0xFFFF  }
0x3d: {  	[dreg:$0x0] =	wrdreg $0xFFFFFFFF;
	(pc) =	sbr.abs _section_cstart, $3  }
0x3e: {  	[dreg:$0x1] =	wrdreg $0xFFFFFFFF  }
0x3f: {  	_ =	task.clear_ibuf [dreg:s7], $0x2FFFF;
	_ =	strace $0x9FFFFFFF  }
0x40: {  	(tm) =	ssettm $0x7FFFFFFF  }
0x41: {  	_ =	shalt  }
tec
execute0_lowered:
.L_overlay_start_1:
0x0: {  	(tag) =	ssettag $0x1  }
0x1: {  	s0 =	srdreg.scid  }
0x2: {  	s1 =	sshll.u32 s0, $0x4  }
0x3: {  	s0 =	stileid.u32;
	s1 =	sand.u32 $0x10, s1  }
0x4: {  	s1 =	sor.u32 s0, s1  }
0x5: {  	s6 =	rddreg [dreg:$0x0];
	s4 =	simm.s32 $0x1;
	s2 =	sshll.u32 s1, $0x7  }
0x6: {  	s7 =	simm.s32 $0x2;
	s12 =	simm.s32 $0x0;
	s1 =	ssub.s32 $0x1000, s2  }
0x7: {  	s8 =	simm.s32 $0x8000;
	s13 =	simm.s32 $0x0;
	s3 =	sand.u32 $0xF80, s1  }
0x8: {  	s9 =	simm.s32 $0x0;
	s5 =	sshrl.u32 s1, $0xC;
	p0 =	sne.s32 s3, $0x0  }
.Ltmp0:
0x9: {  	s1 =	rddreg [dreg:$0x2];
	s4 =	simm.s32 @!p0 $0x0;
	(pc) =	sbr.rel .LBB1_1-.Ltmp0, $4  }
0xa: {  	s11 =	simm.s32 $0x0;
	s3 =	rddreg [dreg:$0x1];
	s5 =	sadd.s32 s4, s5  }
0xb: {  	_ =	strace $0x8000004A;
	s4 =	simm.s32 $0x1;
	s5 =	smul.u32 $0xC8, s5  }
0xc: {  	s6 =	sadd.s32 $0x3400, s6;
	s10 =	smov.u32 s2;
	[sflag:s4] =	ssyncpa.u1 $0x0  }
0xd: {  	p0 =	por $0x0, $0x0;
	[sflag:s7] =	ssyncpa.u1 $0x0;
	s7 =	sor.u32 $0x1, s5  }
.LBB1_4:
0xe: {  	s16 =	sshll.u32 s13, $0x3;
	s17 =	sand.u32 $0x78, s13  }
0xf: {  	s30 =	sand.u32 $0x7E00, s13;
	s12 =	sshll.u32 s12, $0xF;
	s16 =	sand.u32 $0xC00, s16  }
0x10: {  	[tilespmem:s15+$0x810 ss:$0x81] =	vst.msk $0xffff, v2;
	s31 =	sand.u32 $0x7, s13;
	s16 =	sor.u32 s17, s16;
	s17 =	sadd.s32 s3, s30  }
0x11: {  	[tilespmem:s15+$0x1020 ss:$0x81] =	vst.msk $0xffff, v0;
	s13 =	sshll.u32 s31, $0x12;
	s12 =	sadd.s32 s12, s17;
	s16 =	sshrl.u32 s16, $0x3  }
0x12: {  	[tilespmem:s15+$0x0 ss:$0x81] =	vst.msk $0xffff, v1;
	s13 =	sor.u32 $0x400, s13;
	s12 =	sadd.s32 s16, s12  }
0x13: {  	[hbm4b:s12+s13] =	stream.strided.scatter [tilespmem:s14], [sflag:$0x2], $0x2000, s8, s13, $0x20;
	[tilespmem:$0x8080] =	vst v63  }
.LBB1_5:
0x14: {  	s14 =	sadd.s32 $0x1, s9  }
0x15: {  	s12 =	sadd.s32 $0x1000, s10;
	s16 =	smov.u32 s10;
	p2 =	sgt.s32 s14, $0xC7  }
0x16: {  	s16 =	smov.u32 @p2 s12  }
0x17: {  	s14 =	simm.s32 @p2 $0x0;
	p2 =	sgt.s32 s16, $0xFFF  }
0x18: {  	s16 =	smov.u32 @p2 s2;
	p2 =	sne.s32 s11, s7  }
.Ltmp1:
0x19: {  	p1 =	slt.u32 s11, $0x2;
	(pc) =	sbr.rel @!p2 .LBB1_6-.Ltmp1, $4  }
0x1a: {  	s15 =	simm.s32 @!p1 $0x2  }
0x1b: {  	s13 =	smov.u32 s10;
	p0 =	por !p0, !p0;
	_ =	swait.ge @!p1 [sflag:s15], $0x2000  }
0x1c: {  	s12 =	smov.u32 s9;
	[sflag:s15] =	ssyncset.done @!p1 $0x0;
	s9 =	smov.u32 s14  }
0x1d: {  	s11 =	sadd.s32 $0x1, s11;
	[sflag:s15] =	ssyncadd.s32 @!p1 $0xFFFFE000;
	s10 =	smov.u32 s16  }
.LBB1_1:
0x1e: {  	p1 =	sge.u32 s11, s5  }
0x1f: {  	s14 =	sand.u32 @!p1 $0x1FFFFFF, s9  }
0x20: {  	s15 =	smulhi.u32 @!p1 $0x147AE15, s14;
	_ =	sdelay $0x1  }
0x21: {  	s15 =	smul.u32 @!p1 $0xC8, s15  }
0x22: {  	s16 =	sxor.u32 @!p1 $0xFFFFFFFF, s11;
	s17 =	smul.u32 @!p1 $0xC80, s10  }
0x23: {  	s31 =	sadd.s32 $0xFFFFFFFF, s11;
	s16 =	sshll.u32 @!p1 s16, $0xD;
	s14 =	ssub.s32 @!p1 s14, s15  }
0x24: {  	s15 =	sand.u32 @!p1 $0x2000, s16;
	s16 =	sadd.s32 @!p1 s6, s17;
	s14 =	sshll.u32 @!p1 s14, $0x4  }
0x25: {  	s17 =	simm.s32 @!p1 $0x6400;
	s14 =	sadd.s32 @!p1 s14, s16;
	s16 =	simm.s32 @!p1 $0x40  }
0x26: {  	[tilespmem:s15], [sflag:$0x1] =	stream.strided.gather @!p1 [hbm4b:s14+s16], $0x2000, s17, s16, $0x38;
	[tilespmem:$0x8080] =	vst v63  }
0x27: {  	p1 =	sge.u32 s31, s5  }
.Ltmp2:
0x28: {  	_ = 	snop;
	(pc) =	sbr.rel @p1 .LBB1_5-.Ltmp2, $1  }
0x29: {  	_ =	sdelay $0x3  }
0x2a: {  	s14 =	simm.s32 $0x1  }
0x2b: {  	_ =	swait.ge [sflag:s4], $0x2000;
	s14 =	simm.s32 @!p0 $0x0  }
0x2c: {  	[sflag:s4] =	ssyncset.done $0x0;
	s15 =	sshll.u32 s14, $0xD  }
0x2d: {  	[sflag:s4] =	ssyncadd.s32 $0xFFFFE000;
	s18 =	sor.u32 $0x20, s15  }
0x2e: {  	s14 =	smul.u32 $0x8100, s14;
	v3 =	vld [tilespmem:s18+$0x10]  }
0x2f: {  	s30 =	sand.u32 $0x1, s11;
	v2 =	vld [tilespmem:s18+$0xFFFFFFF0]  }
0x30: {  	s15 =	smul.u32 $0x8100, s30;
	s14 =	sshrl.u32 s14, $0x2;
	v0 =	vld [tilespmem:s18+$0x0]  }
0x31: {  	v1 =	vld [tilespmem:s18+$0xFFFFFFE0];
	s16 =	sor.u32 $0x4000, s14  }
0x32: {  	s31 =	sshrl.u32 s15, $0x2;
	s15 =	sadd.s32 $0x0, s16  }
0x33: {  	s17 =	simm.s32 $0x4;
	s18 =	sadd.s32 $0x40, s18;
	s14 =	sor.u32 $0x4000, s31;
	[tilespmem:s15+$0x1830 ss:$0x81] =	vst.msk $0xffff, v3  }
.LBB1_3:
0x34: {  	v3 =	vld [tilespmem:s18+$0x10];
	p1 =	sne.s32 s17, $0x1FC;
	[tilespmem:s15+$0x810 ss:$0x81] =	vst.msk $0xffff, v2;
	s19 =	smov.u32 s17;
	s17 =	sadd.s32 $0x4, s17  }
.Ltmp3:
0x35: {  	v2 =	vld [tilespmem:s18+$0xFFFFFFF0];
	[tilespmem:s15+$0x1020 ss:$0x81] =	vst.msk $0xffff, v0;
	(pc) =	sbr.rel @p1 .LBB1_3-.Ltmp3, $4  }
0x36: {  	v0 =	vld [tilespmem:s18+$0x0];
	[tilespmem:s15+$0x0 ss:$0x81] =	vst.msk $0xffff, v1  }
0x37: {  	s15 =	sshra.s32 s19, $0x2;
	v1 =	vld [tilespmem:s18+$0xFFFFFFE0]  }
0x38: {  	s15 =	sadd.s32 s15, s16  }
0x39: {  	s18 =	sadd.s32 $0x40, s18;
	[tilespmem:s15+$0x1830 ss:$0x81] =	vst.msk $0xffff, v3  }
.Ltmp4:
0x3a: {  	_ = 	snop;
	(pc) =	sbr.rel .LBB1_4-.Ltmp4, $1  }
0x3b: {  	_ =	sdelay $0x3  }
.LBB1_6:
0x3c: {  	_ =	sfence.sel $0x180000  }
0x3d: {  	s2 =	simm.s32 $0x1;
	[bflag:$0x0] =	sbarrier.arrive $0xFFFF  }
0x3e: {  	s31 =	simm.s32 $0x2;
	[sflag:s2] =	ssyncpa.u1 $0x1  }
0x3f: {  	[sflag:s31] =	ssyncpa.u1 $0x1  }
0x40: {  	p0 =	sne.s32 s0, $0x0;
	_ =	strace $0x9000004A  }
0x41: {  	s0 =	sadd.s32 @!p0 $0x100000, s1;
	[bflag:$0x2] =	sbarrier.arrive $0xFFFF  }
0x42: {  	[sflag:s0] =	ssyncadd.tile.s32 @!p0 $0x1;
	_ =	shalt  }
.Lfunc_end1:
_tile_overlayer_lowered:
.L_overlay_start_2:
0x43: {  	(tag) =	ssettag $0x2  }
0x44: {  	s0 =	rddreg [dreg:$0x0];
	s2 =	stileid.u32  }
0x45: {  	s1 =	rddreg [dreg:$0x1];
	p0 =	sne.s32 s2, $0x0  }
0x46: {  	s3 =	rddreg [dreg:$0x2];
	[bflag:$0x3] =	sbarrier.arrive $0xFFFF;
	s2 =	simm.s32 @!p0 $0x1C01  }
0x47: {  	[timem:s3], [sflag:s2] =	dma.local @!p0 [hbm:s0], s1  }
0x48: {  	s0 =	simm.s32 @!p0 $0x1  }
0x49: {  	_ =	swait.ge @!p0 [sflag:s0], s1  }
0x4a: {  	s1 =	ssub.s32 @!p0 $0x0, s1;
	[sflag:s0] =	ssyncset.done @!p0 $0x0  }
0x4b: {  	[sflag:s0] =	ssyncadd.s32 @!p0 s1  }
0x4c: {  	[bflag:$0x3] =	sbarrier.arrive $0xFFFF  }
0x4d: {  	_ =	shalt  }

// kernel: sparse-core-data-format-call.cloned.1.call-start
scs
called_computation_lowered:
.L_overlay_start_0:
0x0: {  	s2 =	sld [smem:$0x3FD9]  }
0x1: {  	s3 =	sld [smem:$0x3FFE];
	_ =	sdelay $0x1  }
0x2: {  	s1 =	srdreg.scid  }
0x3: {  	s0 =	sand.u32 $0x1, s1  }
0x4: {  	s16 =	sshll.u32 s0, $0xA;
	s2 =	sadd.s32 s3, s2  }
0x5: {  	s2 =	sadd.s32 s2, s16  }
0x6: {  	[smem:$0x3FC2] =	sst s2  }
0x7: {  	_ = 	snop  }
0x8: {  	s2 =	sld [smem:$0x3FD0];
	_ =	sdelay $0x2  }
0x9: {  	s17 =	simm.s32 $0xB;
	s4 =	simm.s32 $0x10  }
0xa: {  	[smem:s4], [sflag:s17] =	dma.local [hbm:s2], $0x1  }
0xb: {  	_ =	swait.eq [sflag:s17], $0x1  }
0xc: {  	[sflag:s17] =	ssyncset.done $0x0  }
0xd: {  	[sflag:s17] =	ssyncadd.s32 $0xFFFFFFFF  }
0xe: {  	s18 =	sld [smem:$0x11];
	(tm) =	ssettm $0x1  }
0xf: {  	s19 =	sld [smem:$0x3FFB];
	_ =	sdelay $0x3  }
0x10: {  	_ =	strace s19  }
0x11: {  	s2 =	sld [smem:$0x3FFC];
	_ =	sdelay $0x3  }
0x12: {  	_ =	strace s2  }
0x13: {  	s2 =	sld [smem:$0x3FFD];
	_ =	sdelay $0x3  }
0x14: {  	_ =	strace s2  }
0x15: {  	_ =	strace $0x8FFFFFFF  }
0x16: {  	s20 =	sld [smem:$0x3FDB];
	_ =	sdelay $0x1  }
0x17: {  	s21 =	simm.s32 $_scs_section_size  }
0x18: {  	s5 =	simm.s32 $_size__tile_overlayer_lowered;
	s6 =	simm.s32 $_tile_overlayer_lowered  }
0x19: {  	s7 =	simm.s32 $0x1BFF;
	s22 =	sshll.u32 s6, $0x1;
	s4 =	sadd.s32 s21, s20  }
0x1a: {  	s23 =	simm.s32 $0x0;
	s5 =	sshll.u32 s5, $0x1;
	s6 =	sadd.s32 s22, s4  }
0x1b: {  	[timem:s23], [sflag:s7] =	dma.local [hbm:s6], s5  }
0x1c: {  	_ =	swait.ge [sflag:s7], s5  }
0x1d: {  	s5 =	ssub.s32 $0x0, s5;
	[sflag:s7] =	ssyncset.done $0x0  }
0x1e: {  	[sflag:s7] =	ssyncadd.s32 s5;
	_ =	sdelay $0x1  }
0x1f: {  	s24 =	simm.s32 $0x1B8B  }
0x20: {  	_ =	swait.ge [sflag:s24], $0x1  }
0x21: {  	[sflag:s24] =	ssyncset.done $0x0  }
0x22: {  	[sflag:s24] =	ssyncadd.s32 $0xFFFFFFFF  }
0x23: {  	s5 =	sld [smem:$0x0]  }
0x24: {  	s6 =	sand.u32 $0xFFFFFFFE, s1  }
0x25: {  	p0 =	sne.s32 s1, s6  }
0x26: {  	s6 =	sshll.u32 @p0 s6, $0xE  }
0x27: {  	s6 =	sadd.s32 @p0 $0x11B8D, s6;
	s7 =	sshll.u32 @p0 s5, $0x11  }
0x28: {  	s6 =	sor.u32 @p0 s7, s6  }
0x29: {  	[sflag:s6] =	ssyncadd.remote.s32 @p0 $0x1;
	_ =	sdelay $0x1  }
0x2a: {  	s6 =	simm.s32 @p0 $0x1B8D  }
0x2b: {  	_ =	swait.eq @p0 [sflag:s6], $0x1  }
0x2c: {  	[sflag:s6] =	ssyncadd.s32 @p0 $0xFFFFFFFF  }
0x2d: {  	s7 =	sshll.u32 @!p0 s1, $0xE  }
0x2e: {  	s7 =	sor.u32 @!p0 $0x4000, s7;
	s6 =	simm.s32 @!p0 $0x1B8D  }
0x2f: {  	s5 =	sshll.u32 @!p0 s5, $0x11;
	s7 =	sadd.s32 @!p0 $0x11B8D, s7;
	_ =	swait.eq @!p0 [sflag:s6], $0x1  }
0x30: {  	s5 =	sor.u32 @!p0 s5, s7;
	[sflag:s6] =	ssyncadd.s32 @!p0 $0xFFFFFFFF  }
0x31: {  	s26 =	simm.s32 $0x1B8E;
	s25 =	sld [smem:$0x3FFE];
	[sflag:s5] =	ssyncadd.remote.s32 @!p0 $0x1  }
0x32: {  	s27 =	simm.s32 $execute0_lowered;
	[smem:$0x3FD2] =	sst s26  }
0x33: {  	s6 =	sshll.u32 s27, $0x1;
	_ =	strace $0x8000004C;
	[dreg:$0x1] =	wrdreg $0xFFFFFFFF  }
0x34: {  	s28 =	simm.s32 $_size_execute0_lowered;
	s4 =	sadd.s32 s4, s6;
	[dreg:$0x0] =	wrdreg $0x0  }
0x35: {  	s6 =	sshll.u32 s28, $0x1;
	[dreg:$0x2] =	wrdreg s4  }
0x36: {  	[dreg:$0x3] =	wrdreg s6  }
0x37: {  	[dreg:$0x4] =	wrdreg $0xC0  }
0x38: {  	_ =	task [dreg:s23], $0x5FFFF  }
0x39: {  	[dreg:$0x1] =	wrdreg $0xFFFFFFFF  }
0x3a: {  	[dreg:$0x0] =	wrdreg $0x60  }
0x3b: {  	[dreg:$0x2] =	wrdreg s25  }
0x3c: {  	[dreg:$0x3] =	wrdreg s18  }
0x3d: {  	[dreg:$0x4] =	wrdreg $0x9  }
0x3e: {  	_ =	task.clear_ibuf [dreg:s23], $0x5FFFF;
	_ =	strace $0x9000004C  }
0x3f: {  	s29 =	simm.s32 $0x9;
	_ =	strace $0x8000004E  }
0x40: {  	_ =	swait.ge [sflag:s29], $0x1  }
0x41: {  	[sflag:s29] =	ssyncadd.s32 $0xFFFFFFFF  }
0x42: {  	_ =	strace $0x9000004E  }
0x43: {  	_ =	sfence  }
0x44: {  	s30 =	sld [smem:$0x0];
	_ =	sdelay $0x2  }
0x45: {  	s31 =	sshll.u32 s1, $0xD;
	s1 =	sshrl.u32 s1, $0x2  }
0x46: {  	s4 =	sand.u32 $0x4000, s31;
	s1 =	sadd.s32 s1, s30  }
0x47: {  	s0 =	sor.u32 s4, s0;
	s1 =	sshll.u32 s1, $0x11  }
0x48: {  	s0 =	sor.u32 s1, s0  }
0x49: {  	s0 =	sadd.s32 $0x8F2B, s0  }
0x4a: {  	[sflag:s0] =	ssyncadd.remote.s32 $0x1  }
0x4b: {  	_ =	sfence.sel $0xFFFF  }
0x4c: {  	[dreg:$0x0] =	wrdreg $0xFFFFFFFF;
	(pc) =	sbr.abs _section_cstart, $3  }
0x4d: {  	[dreg:$0x1] =	wrdreg $0xFFFFFFFF  }
0x4e: {  	_ =	task.clear_ibuf [dreg:s23], $0x2FFFF;
	_ =	strace $0x9FFFFFFF  }
0x4f: {  	(tm) =	ssettm $0x7FFFFFFF  }
tec
execute0_lowered:
.L_overlay_start_1:
0x0: {  	(tag) =	ssettag $0x1  }
0x1: {  	s0 =	srdreg.scid  }
0x2: {  	s1 =	sshll.u32 s0, $0x4  }
0x3: {  	s0 =	stileid.u32;
	s1 =	sand.u32 $0x10, s1  }
0x4: {  	s1 =	sor.u32 s0, s1  }
0x5: {  	s6 =	rddreg [dreg:$0x0];
	s4 =	simm.s32 $0x1;
	s2 =	sshll.u32 s1, $0x7  }
0x6: {  	s7 =	simm.s32 $0x2;
	s12 =	simm.s32 $0x0;
	s1 =	ssub.s32 $0x1000, s2  }
0x7: {  	s8 =	simm.s32 $0x8000;
	s13 =	simm.s32 $0x0;
	s3 =	sand.u32 $0xF80, s1  }
0x8: {  	s9 =	simm.s32 $0x0;
	s5 =	sshrl.u32 s1, $0xC;
	p0 =	sne.s32 s3, $0x0  }
.Ltmp0:
0x9: {  	s1 =	rddreg [dreg:$0x2];
	s4 =	simm.s32 @!p0 $0x0;
	(pc) =	sbr.rel .LBB1_1-.Ltmp0, $4  }
0xa: {  	s11 =	simm.s32 $0x0;
	s3 =	rddreg [dreg:$0x1];
	s5 =	sadd.s32 s4, s5  }
0xb: {  	_ =	strace $0x8000004D;
	s4 =	simm.s32 $0x1;
	s5 =	smul.u32 $0xC8, s5  }
0xc: {  	s6 =	sadd.s32 $0xC83400, s6;
	s10 =	smov.u32 s2;
	[sflag:s4] =	ssyncpa.u1 $0x0  }
0xd: {  	p0 =	por $0x0, $0x0;
	[sflag:s7] =	ssyncpa.u1 $0x0;
	s7 =	sor.u32 $0x1, s5  }
.LBB1_4:
0xe: {  	s16 =	sshll.u32 s13, $0x3;
	s17 =	sand.u32 $0x78, s13  }
0xf: {  	s30 =	sand.u32 $0x7E00, s13;
	s12 =	sshll.u32 s12, $0xF;
	s16 =	sand.u32 $0xC00, s16  }
0x10: {  	[tilespmem:s15+$0x810 ss:$0x81] =	vst.msk $0xffff, v2;
	s31 =	sand.u32 $0x7, s13;
	s16 =	sor.u32 s17, s16;
	s17 =	sadd.s32 s3, s30  }
0x11: {  	[tilespmem:s15+$0x1020 ss:$0x81] =	vst.msk $0xffff, v0;
	s13 =	sshll.u32 s31, $0x12;
	s12 =	sadd.s32 s12, s17;
	s16 =	sshrl.u32 s16, $0x3  }
0x12: {  	[tilespmem:s15+$0x0 ss:$0x81] =	vst.msk $0xffff, v1;
	s13 =	sor.u32 $0x400, s13;
	s12 =	sadd.s32 s16, s12  }
0x13: {  	[hbm4b:s12+s13] =	stream.strided.scatter [tilespmem:s14], [sflag:$0x2], $0x2000, s8, s13, $0x20;
	[tilespmem:$0x8080] =	vst v63  }
.LBB1_5:
0x14: {  	s14 =	sadd.s32 $0x1, s9  }
0x15: {  	s12 =	sadd.s32 $0x1000, s10;
	s16 =	smov.u32 s10;
	p2 =	sgt.s32 s14, $0xC7  }
0x16: {  	s16 =	smov.u32 @p2 s12  }
0x17: {  	s14 =	simm.s32 @p2 $0x0;
	p2 =	sgt.s32 s16, $0xFFF  }
0x18: {  	s16 =	smov.u32 @p2 s2;
	p2 =	sne.s32 s11, s7  }
.Ltmp1:
0x19: {  	p1 =	slt.u32 s11, $0x2;
	(pc) =	sbr.rel @!p2 .LBB1_6-.Ltmp1, $4  }
0x1a: {  	s15 =	simm.s32 @!p1 $0x2  }
0x1b: {  	s13 =	smov.u32 s10;
	p0 =	por !p0, !p0;
	_ =	swait.ge @!p1 [sflag:s15], $0x2000  }
0x1c: {  	s12 =	smov.u32 s9;
	[sflag:s15] =	ssyncset.done @!p1 $0x0;
	s9 =	smov.u32 s14  }
0x1d: {  	s11 =	sadd.s32 $0x1, s11;
	[sflag:s15] =	ssyncadd.s32 @!p1 $0xFFFFE000;
	s10 =	smov.u32 s16  }
.LBB1_1:
0x1e: {  	p1 =	sge.u32 s11, s5  }
0x1f: {  	s14 =	sand.u32 @!p1 $0x1FFFFFF, s9  }
0x20: {  	s15 =	smulhi.u32 @!p1 $0x147AE15, s14;
	_ =	sdelay $0x1  }
0x21: {  	s15 =	smul.u32 @!p1 $0xC8, s15  }
0x22: {  	s16 =	sxor.u32 @!p1 $0xFFFFFFFF, s11;
	s17 =	smul.u32 @!p1 $0xC80, s10  }
0x23: {  	s31 =	sadd.s32 $0xFFFFFFFF, s11;
	s16 =	sshll.u32 @!p1 s16, $0xD;
	s14 =	ssub.s32 @!p1 s14, s15  }
0x24: {  	s15 =	sand.u32 @!p1 $0x2000, s16;
	s16 =	sadd.s32 @!p1 s6, s17;
	s14 =	sshll.u32 @!p1 s14, $0x4  }
0x25: {  	s17 =	simm.s32 @!p1 $0x6400;
	s14 =	sadd.s32 @!p1 s14, s16;
	s16 =	simm.s32 @!p1 $0x40  }
0x26: {  	[tilespmem:s15], [sflag:$0x1] =	stream.strided.gather @!p1 [hbm4b:s14+s16], $0x2000, s17, s16, $0x38;
	[tilespmem:$0x8080] =	vst v63  }
0x27: {  	p1 =	sge.u32 s31, s5  }
.Ltmp2:
0x28: {  	_ = 	snop;
	(pc) =	sbr.rel @p1 .LBB1_5-.Ltmp2, $1  }
0x29: {  	_ =	sdelay $0x3  }
0x2a: {  	s14 =	simm.s32 $0x1  }
0x2b: {  	_ =	swait.ge [sflag:s4], $0x2000;
	s14 =	simm.s32 @!p0 $0x0  }
0x2c: {  	[sflag:s4] =	ssyncset.done $0x0;
	s15 =	sshll.u32 s14, $0xD  }
0x2d: {  	[sflag:s4] =	ssyncadd.s32 $0xFFFFE000;
	s18 =	sor.u32 $0x20, s15  }
0x2e: {  	s14 =	smul.u32 $0x8100, s14;
	v3 =	vld [tilespmem:s18+$0x10]  }
0x2f: {  	s30 =	sand.u32 $0x1, s11;
	v2 =	vld [tilespmem:s18+$0xFFFFFFF0]  }
0x30: {  	s15 =	smul.u32 $0x8100, s30;
	s14 =	sshrl.u32 s14, $0x2;
	v0 =	vld [tilespmem:s18+$0x0]  }
0x31: {  	v1 =	vld [tilespmem:s18+$0xFFFFFFE0];
	s16 =	sor.u32 $0x4000, s14  }
0x32: {  	s31 =	sshrl.u32 s15, $0x2;
	s15 =	sadd.s32 $0x0, s16  }
0x33: {  	s17 =	simm.s32 $0x4;
	s18 =	sadd.s32 $0x40, s18;
	s14 =	sor.u32 $0x4000, s31;
	[tilespmem:s15+$0x1830 ss:$0x81] =	vst.msk $0xffff, v3  }
.LBB1_3:
0x34: {  	v3 =	vld [tilespmem:s18+$0x10];
	p1 =	sne.s32 s17, $0x1FC;
	[tilespmem:s15+$0x810 ss:$0x81] =	vst.msk $0xffff, v2;
	s19 =	smov.u32 s17;
	s17 =	sadd.s32 $0x4, s17  }
.Ltmp3:
0x35: {  	v2 =	vld [tilespmem:s18+$0xFFFFFFF0];
	[tilespmem:s15+$0x1020 ss:$0x81] =	vst.msk $0xffff, v0;
	(pc) =	sbr.rel @p1 .LBB1_3-.Ltmp3, $4  }
0x36: {  	v0 =	vld [tilespmem:s18+$0x0];
	[tilespmem:s15+$0x0 ss:$0x81] =	vst.msk $0xffff, v1  }
0x37: {  	s15 =	sshra.s32 s19, $0x2;
	v1 =	vld [tilespmem:s18+$0xFFFFFFE0]  }
0x38: {  	s15 =	sadd.s32 s15, s16  }
0x39: {  	s18 =	sadd.s32 $0x40, s18;
	[tilespmem:s15+$0x1830 ss:$0x81] =	vst.msk $0xffff, v3  }
.Ltmp4:
0x3a: {  	_ = 	snop;
	(pc) =	sbr.rel .LBB1_4-.Ltmp4, $1  }
0x3b: {  	_ =	sdelay $0x3  }
.LBB1_6:
0x3c: {  	_ =	sfence.sel $0x180000  }
0x3d: {  	s2 =	simm.s32 $0x1;
	[bflag:$0x0] =	sbarrier.arrive $0xFFFF  }
0x3e: {  	s31 =	simm.s32 $0x2;
	[sflag:s2] =	ssyncpa.u1 $0x1  }
0x3f: {  	[sflag:s31] =	ssyncpa.u1 $0x1  }
0x40: {  	p0 =	sne.s32 s0, $0x0;
	_ =	strace $0x9000004D  }
0x41: {  	s0 =	sadd.s32 @!p0 $0x100000, s1;
	[bflag:$0x2] =	sbarrier.arrive $0xFFFF  }
0x42: {  	[sflag:s0] =	ssyncadd.tile.s32 @!p0 $0x1;
	_ =	shalt  }
.Lfunc_end1:
_tile_overlayer_lowered:
.L_overlay_start_2:
0x43: {  	(tag) =	ssettag $0x2  }
0x44: {  	s0 =	rddreg [dreg:$0x0];
	s2 =	stileid.u32  }
0x45: {  	s1 =	rddreg [dreg:$0x1];
	p0 =	sne.s32 s2, $0x0  }
0x46: {  	s3 =	rddreg [dreg:$0x2];
	[bflag:$0x3] =	sbarrier.arrive $0xFFFF;
	s2 =	simm.s32 @!p0 $0x1C01  }
0x47: {  	[timem:s3], [sflag:s2] =	dma.local @!p0 [hbm:s0], s1  }
0x48: {  	s0 =	simm.s32 @!p0 $0x1  }
0x49: {  	_ =	swait.ge @!p0 [sflag:s0], s1  }
0x4a: {  	s1 =	ssub.s32 @!p0 $0x0, s1;
	[sflag:s0] =	ssyncset.done @!p0 $0x0  }
0x4b: {  	[sflag:s0] =	ssyncadd.s32 @!p0 s1  }
0x4c: {  	[bflag:$0x3] =	sbarrier.arrive $0xFFFF  }
0x4d: {  	_ =	shalt  }

</sc_bundles>
